<compile_context>
chip_gen: v7x
topology: tpu7x:2x2x1
jax: 0.10.2.dev20260603
libtpu: 0.0.44.dev20260713+nightly
codegen_flags: <defaults>
</compile_context>

<pallas_src>
import functools

import jax
import jax.numpy as jnp
from jax import lax
from jax.experimental import pallas as pl
from jax.experimental.pallas import tpu as pltpu
from jax.experimental.pallas import tpu_sc as plsc

N_NODES = 10000
D = 128
NC = 2
NS = 16
NW = NC * NS
B = 128
NSPLIT = 4
BQ = B // NSPLIT
LANES = 8
STRIP = 624
TAIL = N_NODES - NS * STRIP
ZCHUNKS = (128, 128, 128, 128, 112)


def _matmul_body(x_ref, w_ref, o_ref):
    o_ref[...] = jnp.dot(x_ref[...], w_ref[...],
                         preferred_element_type=jnp.float32)


def _combine_body(p_ref, b_ref, o_ref):
    o_ref[...] = p_ref[0] + p_ref[1] + b_ref[...]


def _spmm_body(nb, sup_hbm, row_hbm, col_hbm, w_hbm, out_hbm,
               acc, rows0, rows1, col0, col1, row0, row1, w0, w1,
               sem0, sem1):
    c = lax.axis_index("c")
    s = lax.axis_index("s")
    wid = s * NC + c
    zero16 = jnp.zeros((16,), jnp.float32)
    rows = (rows0, rows1)
    cols = (col0, col1)
    rowsi = (row0, row1)
    ws = (w0, w1)
    sems = (sem0, sem1)

    def zrow(i, carry):
        for sl in range(LANES):
            rows0[i, pl.ds(sl * 16, 16)] = zero16
        return carry
    lax.fori_loop(0, B, zrow, 0)
    start = s * STRIP
    off = 0
    for sz in ZCHUNKS:
        pltpu.sync_copy(rows0.at[pl.ds(0, sz)],
                        acc.at[pl.ds(start + off, sz)])
        off += sz

    @pl.when(s == NS - 1)
    def _zero_tail():
        pltpu.sync_copy(rows0.at[pl.ds(0, TAIL)],
                        acc.at[pl.ds(NS * STRIP, TAIL)])
    plsc.subcore_barrier()

    def load_meta(g, b):
        base = (wid * nb + g) * B
        pltpu.sync_copy(col_hbm.at[pl.ds(base, B)], cols[b])
        pltpu.sync_copy(w_hbm.at[pl.ds(base, B)], ws[b])
        pltpu.sync_copy(row_hbm.at[pl.ds(base, B)], rowsi[b])

    def gather(b):
        for h in range(NSPLIT):
            pltpu.async_copy(sup_hbm.at[cols[b].at[pl.ds(h * BQ, BQ)]],
                             rows[b].at[pl.ds(h * BQ, BQ)], sems[b])

    def gather_wait(b):
        for h in range(NSPLIT):
            pltpu.make_async_copy(
                sup_hbm.at[cols[b].at[pl.ds(h * BQ, BQ)]],
                rows[b].at[pl.ds(h * BQ, BQ)], sems[b]).wait()

    def scale_grp(b):
        def body(q, carry):
            wvec = ws[b][pl.ds(q * 16, 16)]
            base_e = q * 16
            for j in range(16):
                wv = wvec[j]
                for sl in range(LANES):
                    sli = pl.ds(sl * 16, 16)
                    rows[b][base_e + j, sli] = rows[b][base_e + j, sli] * wv
            return carry
        return body

    load_meta(0, 0)
    gather(0)

    def pair_body(t, carry):
        for b in (0, 1):
            g = t * 2 + b
            nxt = 1 - b

            @pl.when(g + 1 < nb)
            def _prefetch():
                load_meta(g + 1, nxt)
                gather(nxt)

            gather_wait(b)
            lax.fori_loop(0, B // 16, scale_grp(b), 0)
            pltpu.sync_copy(rows[b], acc.at[rowsi[b]], add=True)
        return carry

    lax.fori_loop(0, nb // 2, pair_body, 0)
    plsc.subcore_barrier()
    pltpu.sync_copy(acc.at[pl.ds(start, STRIP)],
                    out_hbm.at[c, pl.ds(start, STRIP)])

    @pl.when(s == NS - 1)
    def _copy_tail():
        pltpu.sync_copy(acc.at[pl.ds(NS * STRIP, TAIL)],
                        out_hbm.at[c, pl.ds(NS * STRIP, TAIL)])


def kernel(input, edge_index, edge_weight, W, b):
    x = input.astype(jnp.float32)
    n, d_in = x.shape
    e = edge_weight.shape[0]

    bm = 1000
    support = pl.pallas_call(
        _matmul_body,
        grid=(n // bm,),
        in_specs=[pl.BlockSpec((bm, d_in), lambda i: (i, 0)),
                  pl.BlockSpec((d_in, D), lambda i: (0, 0))],
        out_specs=pl.BlockSpec((bm, D), lambda i: (i, 0)),
        out_shape=jax.ShapeDtypeStruct((n, D), jnp.float32),
    )(x, W)

    nb = -(-e // (NW * B))
    nb += nb % 2
    epad = NW * nb * B
    pad = epad - e
    row = jnp.pad(edge_index[0].astype(jnp.int32), (0, pad))
    col = jnp.pad(edge_index[1].astype(jnp.int32), (0, pad))
    w = jnp.pad(edge_weight.astype(jnp.float32), (0, pad))

    mesh = plsc.VectorSubcoreMesh(core_axis_name="c", subcore_axis_name="s",
                                  num_cores=NC, num_subcores=NS)
    partials = pl.kernel(
        functools.partial(_spmm_body, nb),
        out_type=jax.ShapeDtypeStruct((NC, n, D), jnp.float32),
        mesh=mesh,
        scratch_types=[
            pltpu.VMEM_SHARED((n, D), jnp.float32),
            pltpu.VMEM((B, D), jnp.float32),
            pltpu.VMEM((B, D), jnp.float32),
            pltpu.VMEM((B,), jnp.int32),
            pltpu.VMEM((B,), jnp.int32),
            pltpu.VMEM((B,), jnp.int32),
            pltpu.VMEM((B,), jnp.int32),
            pltpu.VMEM((B,), jnp.float32),
            pltpu.VMEM((B,), jnp.float32),
            pltpu.SemaphoreType.DMA,
            pltpu.SemaphoreType.DMA,
        ],
    )(support, row, col, w)

    out = pl.pallas_call(
        _combine_body,
        grid=(n // bm,),
        in_specs=[pl.BlockSpec((NC, bm, D), lambda i: (0, i, 0)),
                  pl.BlockSpec((1, D), lambda i: (0, 0))],
        out_specs=pl.BlockSpec((bm, D), lambda i: (i, 0)),
        out_shape=jax.ShapeDtypeStruct((n, D), jnp.float32),
    )(partials, b.reshape(1, D))
    return out

# --- scband reference (transcript-rebuilt; emitter-appended) ---
"""Pipeline reference for scband-graph-convolution-46033459479198 (READ-ONLY COPY).

The authoritative reference and input builder live on the scoring server;
editing this copy changes nothing except your own understanding.
"""

import jax, jax.numpy as jnp
import numpy as np
import math

N_NODES = 10000
N_EDGES = 320000
D_IN = 128
D_OUT = 128


def setup_inputs(seed: int = 0) -> dict:
    key = jax.random.key(seed)
    k_x, k_ei, k_ew, k_w, k_b = jax.random.split(key, 5)
    x = jax.random.normal(k_x, (N_NODES, D_IN), dtype=jnp.float32)
    # COO representation of the (normalized) sparse adjacency passed to __init__
    edge_index = jax.random.randint(k_ei, (2, N_EDGES), 0, N_NODES, dtype=jnp.int64)
    edge_weight = jax.random.uniform(k_ew, (N_EDGES,), dtype=jnp.float32)
    # Parameters, matching reset_parameters(): uniform(-stdv, stdv), stdv = 1/sqrt(out_features)
    stdv = 1.0 / math.sqrt(D_OUT)
    W = jax.random.uniform(k_w, (D_IN, D_OUT), dtype=jnp.float32, minval=-stdv, maxval=stdv)
    b = jax.random.uniform(k_b, (D_OUT,), dtype=jnp.float32, minval=-stdv, maxval=stdv)
    return {"input": x, "edge_index": edge_index, "edge_weight": edge_weight, "W": W, "b": b}


def reference(input, edge_index, edge_weight, W, b):
    # support = input @ W
    support = jnp.dot(input, W)
    # output = spmm(adj, support):
    # out[i] = sum over edges (i, j): adj[i, j] * support[j]
    row = edge_index[0]
    col = edge_index[1]
    messages = jnp.take(support, col, axis=0) * edge_weight[:, None]
    output = jax.ops.segment_sum(messages, row, num_segments=N_NODES)
    return output + b

if __name__ == "__main__":
    import jax
    _d = setup_inputs()
    print(jax.jit(kernel)(*tuple(_d.values())))

</pallas_src>

<mosaic_0001>
#map = affine_map<(d0, d1) -> (0, 0)>
#map1 = affine_map<(d0, d1) -> (0)>
#map2 = affine_map<(d0, d1) -> (0, 0, 0)>
module attributes {stable_mosaic.version = 14 : i64} {
  func.func @_spmm_body(%arg0: i32, %arg1: i32, %arg2: memref<10000x128xf32, #tpu.memory_space<hbm>>, %arg3: memref<327680xi32, #tpu.memory_space<hbm>>, %arg4: memref<327680xi32, #tpu.memory_space<hbm>>, %arg5: memref<327680xf32, #tpu.memory_space<hbm>>, %arg6: memref<2x10000x128xf32, #tpu.memory_space<hbm>>, %arg7: memref<10000x128xf32, #tpu.memory_space<vmem_shared>>, %arg8: memref<128x128xf32, #tpu.memory_space<vmem>>, %arg9: memref<128x128xf32, #tpu.memory_space<vmem>>, %arg10: memref<128xi32, #tpu.memory_space<vmem>>, %arg11: memref<128xi32, #tpu.memory_space<vmem>>, %arg12: memref<128xi32, #tpu.memory_space<vmem>>, %arg13: memref<128xi32, #tpu.memory_space<vmem>>, %arg14: memref<128xf32, #tpu.memory_space<vmem>>, %arg15: memref<128xf32, #tpu.memory_space<vmem>>, %arg16: memref<!tpu.dma_semaphore, #tpu.memory_space<semaphore_mem>>, %arg17: memref<!tpu.dma_semaphore, #tpu.memory_space<semaphore_mem>>) attributes {dimension_semantics = [#tpu.dimension_semantics<core_parallel>, #tpu.dimension_semantics<subcore_parallel>], iteration_bounds = array<i64: 2, 16>, scalar_prefetch = 0 : i64, scratch_operands = 11 : i64, tpu.core_type = #tpu.core_type<sc_vector_subcore>, window_params = [{transform_indices = #map}, {transform_indices = #map1}, {transform_indices = #map1}, {transform_indices = #map1}, {transform_indices = #map2}]} {
    %mul3A = arith.constant 2 : i32
    %mul3A_0 = arith.muli %arg1, %mul3A : i32
    %add3A = arith.addi %mul3A_0, %arg0 : i32
    %broadcast_in_dim3A = arith.constant 0.000000e+00 : f32
    %broadcast_in_dim3A_1 = vector.broadcast %broadcast_in_dim3A : f32 to vector<16xf32>
    %scan3A = arith.constant 0 : i32
    %scan3A_2 = arith.constant 0 : i32
    %scan3A_3 = arith.constant 128 : i32
    %scan3A_4 = arith.addi %scan3A_2, %scan3A_3 : i32
    %scan3A_5 = arith.constant 1 : i32
    scf.for %scan3A_70 = %scan3A_2 to %scan3A_4 step %scan3A_5  : i32 {
      %swap3A = arith.index_cast %scan3A_70 : i32 to index
      %swap3A_71 = arith.constant 0 : index
      %swap3A_72 = tpu.vector_load %arg8[%swap3A, %swap3A_71] {strides = array<i32>} : memref<128x128xf32, #tpu.memory_space<vmem>>, vector<1x16xf32>,
      %swap3A_73 = vector.shape_cast %swap3A_72 : vector<1x16xf32> to vector<16xf32>
      %swap3A_74 = vector.shape_cast %broadcast_in_dim3A_1 : vector<16xf32> to vector<1x16xf32>
      tpu.vector_store %arg8[%swap3A, %swap3A_71], %swap3A_74 {strides = array<i32>} : memref<128x128xf32, #tpu.memory_space<vmem>>, vector<1x16xf32>,
      %swap3A_75 = arith.index_cast %scan3A_70 : i32 to index
      %swap3A_76 = arith.constant 16 : index
      %swap3A_77 = tpu.vector_load %arg8[%swap3A_75, %swap3A_76] {strides = array<i32>} : memref<128x128xf32, #tpu.memory_space<vmem>>, vector<1x16xf32>,
      %swap3A_78 = vector.shape_cast %swap3A_77 : vector<1x16xf32> to vector<16xf32>
      %swap3A_79 = vector.shape_cast %broadcast_in_dim3A_1 : vector<16xf32> to vector<1x16xf32>
      tpu.vector_store %arg8[%swap3A_75, %swap3A_76], %swap3A_79 {strides = array<i32>} : memref<128x128xf32, #tpu.memory_space<vmem>>, vector<1x16xf32>,
      %swap3A_80 = arith.index_cast %scan3A_70 : i32 to index
      %swap3A_81 = arith.constant 32 : index
      %swap3A_82 = tpu.vector_load %arg8[%swap3A_80, %swap3A_81] {strides = array<i32>} : memref<128x128xf32, #tpu.memory_space<vmem>>, vector<1x16xf32>,
      %swap3A_83 = vector.shape_cast %swap3A_82 : vector<1x16xf32> to vector<16xf32>
      %swap3A_84 = vector.shape_cast %broadcast_in_dim3A_1 : vector<16xf32> to vector<1x16xf32>
      tpu.vector_store %arg8[%swap3A_80, %swap3A_81], %swap3A_84 {strides = array<i32>} : memref<128x128xf32, #tpu.memory_space<vmem>>, vector<1x16xf32>,
      %swap3A_85 = arith.index_cast %scan3A_70 : i32 to index
      %swap3A_86 = arith.constant 48 : index
      %swap3A_87 = tpu.vector_load %arg8[%swap3A_85, %swap3A_86] {strides = array<i32>} : memref<128x128xf32, #tpu.memory_space<vmem>>, vector<1x16xf32>,
      %swap3A_88 = vector.shape_cast %swap3A_87 : vector<1x16xf32> to vector<16xf32>
      %swap3A_89 = vector.shape_cast %broadcast_in_dim3A_1 : vector<16xf32> to vector<1x16xf32>
      tpu.vector_store %arg8[%swap3A_85, %swap3A_86], %swap3A_89 {strides = array<i32>} : memref<128x128xf32, #tpu.memory_space<vmem>>, vector<1x16xf32>,
      %swap3A_90 = arith.index_cast %scan3A_70 : i32 to index
      %swap3A_91 = arith.constant 64 : index
      %swap3A_92 = tpu.vector_load %arg8[%swap3A_90, %swap3A_91] {strides = array<i32>} : memref<128x128xf32, #tpu.memory_space<vmem>>, vector<1x16xf32>,
      %swap3A_93 = vector.shape_cast %swap3A_92 : vector<1x16xf32> to vector<16xf32>
      %swap3A_94 = vector.shape_cast %broadcast_in_dim3A_1 : vector<16xf32> to vector<1x16xf32>
      tpu.vector_store %arg8[%swap3A_90, %swap3A_91], %swap3A_94 {strides = array<i32>} : memref<128x128xf32, #tpu.memory_space<vmem>>, vector<1x16xf32>,
      %swap3A_95 = arith.index_cast %scan3A_70 : i32 to index
      %swap3A_96 = arith.constant 80 : index
      %swap3A_97 = tpu.vector_load %arg8[%swap3A_95, %swap3A_96] {strides = array<i32>} : memref<128x128xf32, #tpu.memory_space<vmem>>, vector<1x16xf32>,
      %swap3A_98 = vector.shape_cast %swap3A_97 : vector<1x16xf32> to vector<16xf32>
      %swap3A_99 = vector.shape_cast %broadcast_in_dim3A_1 : vector<16xf32> to vector<1x16xf32>
      tpu.vector_store %arg8[%swap3A_95, %swap3A_96], %swap3A_99 {strides = array<i32>} : memref<128x128xf32, #tpu.memory_space<vmem>>, vector<1x16xf32>,
      %swap3A_100 = arith.index_cast %scan3A_70 : i32 to index
      %swap3A_101 = arith.constant 96 : index
      %swap3A_102 = tpu.vector_load %arg8[%swap3A_100, %swap3A_101] {strides = array<i32>} : memref<128x128xf32, #tpu.memory_space<vmem>>, vector<1x16xf32>,
      %swap3A_103 = vector.shape_cast %swap3A_102 : vector<1x16xf32> to vector<16xf32>
      %swap3A_104 = vector.shape_cast %broadcast_in_dim3A_1 : vector<16xf32> to vector<1x16xf32>
      tpu.vector_store %arg8[%swap3A_100, %swap3A_101], %swap3A_104 {strides = array<i32>} : memref<128x128xf32, #tpu.memory_space<vmem>>, vector<1x16xf32>,
      %swap3A_105 = arith.index_cast %scan3A_70 : i32 to index
      %swap3A_106 = arith.constant 112 : index
      %swap3A_107 = tpu.vector_load %arg8[%swap3A_105, %swap3A_106] {strides = array<i32>} : memref<128x128xf32, #tpu.memory_space<vmem>>, vector<1x16xf32>,
      %swap3A_108 = vector.shape_cast %swap3A_107 : vector<1x16xf32> to vector<16xf32>
      %swap3A_109 = vector.shape_cast %broadcast_in_dim3A_1 : vector<16xf32> to vector<1x16xf32>
      tpu.vector_store %arg8[%swap3A_105, %swap3A_106], %swap3A_109 {strides = array<i32>} : memref<128x128xf32, #tpu.memory_space<vmem>>, vector<1x16xf32>,
    }
    %scan3A_6 = arith.constant 128 : i32
    %mul3A_7 = arith.constant 624 : i32
    %mul3A_8 = arith.muli %arg1, %mul3A_7 : i32
    %add3A_9 = arith.constant 0 : i32
    %add3A_10 = arith.addi %mul3A_8, %add3A_9 : i32
    "tpu.region"() ({
      %run_scoped3A = tpu.sem_alloc : memref<!tpu.dma_semaphore, #tpu.memory_space<semaphore_mem>>
      %dma_start3A_70 = arith.constant 0 : i32
      %dma_start3A_71 = arith.constant 0 : i32
      %dma_start3A_72 = tpu.memref_slice %arg8[%dma_start3A_70, %dma_start3A_71] : memref<128x128xf32, #tpu.memory_space<vmem>> -> memref<128x128xf32, #tpu.memory_space<vmem>>
      %dma_start3A_73 = arith.constant 0 : i32
      %dma_start3A_74 = tpu.memref_slice %arg7[%add3A_10, %dma_start3A_73] : memref<10000x128xf32, #tpu.memory_space<vmem_shared>> -> memref<128x128xf32, #tpu.memory_space<vmem_shared>>
      %dma_start3A_75 = arith.constant 0 : i32
      %dma_start3A_76 = tpu.memref_slice %arg7[%add3A_10, %dma_start3A_75] : memref<10000x128xf32, #tpu.memory_space<vmem_shared>> -> memref<128x128xf32, #tpu.memory_space<vmem_shared>>
      %dma_start3A_77 = arith.constant 0 : i32
      %dma_start3A_78 = arith.constant 0 : i32
      %dma_start3A_79 = tpu.memref_slice %arg8[%dma_start3A_77, %dma_start3A_78] : memref<128x128xf32, #tpu.memory_space<vmem>> -> memref<128x128xf32, #tpu.memory_space<vmem>>
      tpu.enqueue_dma source(%dma_start3A_79 : memref<128x128xf32, #tpu.memory_space<vmem>>) target(%dma_start3A_76 : memref<128x128xf32, #tpu.memory_space<vmem_shared>>) target_semaphore(%run_scoped3A : memref<!tpu.dma_semaphore, #tpu.memory_space<semaphore_mem>>)
      %dma_wait3A = arith.constant 0 : i32
      %dma_wait3A_80 = arith.constant 0 : i32
      %dma_wait3A_81 = tpu.memref_slice %arg8[%dma_wait3A, %dma_wait3A_80] : memref<128x128xf32, #tpu.memory_space<vmem>> -> memref<128x128xf32, #tpu.memory_space<vmem>>
      %dma_wait3A_82 = arith.constant 0 : i32
      %dma_wait3A_83 = tpu.memref_slice %arg7[%add3A_10, %dma_wait3A_82] : memref<10000x128xf32, #tpu.memory_space<vmem_shared>> -> memref<128x128xf32, #tpu.memory_space<vmem_shared>>
      %dma_wait3A_84 = arith.constant 0 : i32
      %dma_wait3A_85 = tpu.memref_slice %arg7[%add3A_10, %dma_wait3A_84] : memref<10000x128xf32, #tpu.memory_space<vmem_shared>> -> memref<128x128xf32, #tpu.memory_space<vmem_shared>>
      %dma_wait3A_86 = arith.constant 0 : i32
      %dma_wait3A_87 = arith.constant 0 : i32
      %dma_wait3A_88 = tpu.memref_slice %arg8[%dma_wait3A_86, %dma_wait3A_87] : memref<128x128xf32, #tpu.memory_space<vmem>> -> memref<128x128xf32, #tpu.memory_space<vmem>>
      tpu.wait_dma2 semaphore(%run_scoped3A : memref<!tpu.dma_semaphore, #tpu.memory_space<semaphore_mem>>) src(%dma_wait3A_88 : memref<128x128xf32, #tpu.memory_space<vmem>>) dst(%dma_wait3A_85 : memref<128x128xf32, #tpu.memory_space<vmem_shared>>)
      tpu.yield
    }) : () -> ()
    %add3A_11 = arith.constant 128 : i32
    %add3A_12 = arith.addi %mul3A_8, %add3A_11 : i32
    "tpu.region"() ({
      %run_scoped3A = tpu.sem_alloc : memref<!tpu.dma_semaphore, #tpu.memory_space<semaphore_mem>>
      %dma_start3A_70 = arith.constant 0 : i32
      %dma_start3A_71 = arith.constant 0 : i32
      %dma_start3A_72 = tpu.memref_slice %arg8[%dma_start3A_70, %dma_start3A_71] : memref<128x128xf32, #tpu.memory_space<vmem>> -> memref<128x128xf32, #tpu.memory_space<vmem>>
      %dma_start3A_73 = arith.constant 0 : i32
      %dma_start3A_74 = tpu.memref_slice %arg7[%add3A_12, %dma_start3A_73] : memref<10000x128xf32, #tpu.memory_space<vmem_shared>> -> memref<128x128xf32, #tpu.memory_space<vmem_shared>>
      %dma_start3A_75 = arith.constant 0 : i32
      %dma_start3A_76 = tpu.memref_slice %arg7[%add3A_12, %dma_start3A_75] : memref<10000x128xf32, #tpu.memory_space<vmem_shared>> -> memref<128x128xf32, #tpu.memory_space<vmem_shared>>
      %dma_start3A_77 = arith.constant 0 : i32
      %dma_start3A_78 = arith.constant 0 : i32
      %dma_start3A_79 = tpu.memref_slice %arg8[%dma_start3A_77, %dma_start3A_78] : memref<128x128xf32, #tpu.memory_space<vmem>> -> memref<128x128xf32, #tpu.memory_space<vmem>>
      tpu.enqueue_dma source(%dma_start3A_79 : memref<128x128xf32, #tpu.memory_space<vmem>>) target(%dma_start3A_76 : memref<128x128xf32, #tpu.memory_space<vmem_shared>>) target_semaphore(%run_scoped3A : memref<!tpu.dma_semaphore, #tpu.memory_space<semaphore_mem>>)
      %dma_wait3A = arith.constant 0 : i32
      %dma_wait3A_80 = arith.constant 0 : i32
      %dma_wait3A_81 = tpu.memref_slice %arg8[%dma_wait3A, %dma_wait3A_80] : memref<128x128xf32, #tpu.memory_space<vmem>> -> memref<128x128xf32, #tpu.memory_space<vmem>>
      %dma_wait3A_82 = arith.constant 0 : i32
      %dma_wait3A_83 = tpu.memref_slice %arg7[%add3A_12, %dma_wait3A_82] : memref<10000x128xf32, #tpu.memory_space<vmem_shared>> -> memref<128x128xf32, #tpu.memory_space<vmem_shared>>
      %dma_wait3A_84 = arith.constant 0 : i32
      %dma_wait3A_85 = tpu.memref_slice %arg7[%add3A_12, %dma_wait3A_84] : memref<10000x128xf32, #tpu.memory_space<vmem_shared>> -> memref<128x128xf32, #tpu.memory_space<vmem_shared>>
      %dma_wait3A_86 = arith.constant 0 : i32
      %dma_wait3A_87 = arith.constant 0 : i32
      %dma_wait3A_88 = tpu.memref_slice %arg8[%dma_wait3A_86, %dma_wait3A_87] : memref<128x128xf32, #tpu.memory_space<vmem>> -> memref<128x128xf32, #tpu.memory_space<vmem>>
      tpu.wait_dma2 semaphore(%run_scoped3A : memref<!tpu.dma_semaphore, #tpu.memory_space<semaphore_mem>>) src(%dma_wait3A_88 : memref<128x128xf32, #tpu.memory_space<vmem>>) dst(%dma_wait3A_85 : memref<128x128xf32, #tpu.memory_space<vmem_shared>>)
      tpu.yield
    }) : () -> ()
    %add3A_13 = arith.constant 256 : i32
    %add3A_14 = arith.addi %mul3A_8, %add3A_13 : i32
    "tpu.region"() ({
      %run_scoped3A = tpu.sem_alloc : memref<!tpu.dma_semaphore, #tpu.memory_space<semaphore_mem>>
      %dma_start3A_70 = arith.constant 0 : i32
      %dma_start3A_71 = arith.constant 0 : i32
      %dma_start3A_72 = tpu.memref_slice %arg8[%dma_start3A_70, %dma_start3A_71] : memref<128x128xf32, #tpu.memory_space<vmem>> -> memref<128x128xf32, #tpu.memory_space<vmem>>
      %dma_start3A_73 = arith.constant 0 : i32
      %dma_start3A_74 = tpu.memref_slice %arg7[%add3A_14, %dma_start3A_73] : memref<10000x128xf32, #tpu.memory_space<vmem_shared>> -> memref<128x128xf32, #tpu.memory_space<vmem_shared>>
      %dma_start3A_75 = arith.constant 0 : i32
      %dma_start3A_76 = tpu.memref_slice %arg7[%add3A_14, %dma_start3A_75] : memref<10000x128xf32, #tpu.memory_space<vmem_shared>> -> memref<128x128xf32, #tpu.memory_space<vmem_shared>>
      %dma_start3A_77 = arith.constant 0 : i32
      %dma_start3A_78 = arith.constant 0 : i32
      %dma_start3A_79 = tpu.memref_slice %arg8[%dma_start3A_77, %dma_start3A_78] : memref<128x128xf32, #tpu.memory_space<vmem>> -> memref<128x128xf32, #tpu.memory_space<vmem>>
      tpu.enqueue_dma source(%dma_start3A_79 : memref<128x128xf32, #tpu.memory_space<vmem>>) target(%dma_start3A_76 : memref<128x128xf32, #tpu.memory_space<vmem_shared>>) target_semaphore(%run_scoped3A : memref<!tpu.dma_semaphore, #tpu.memory_space<semaphore_mem>>)
      %dma_wait3A = arith.constant 0 : i32
      %dma_wait3A_80 = arith.constant 0 : i32
      %dma_wait3A_81 = tpu.memref_slice %arg8[%dma_wait3A, %dma_wait3A_80] : memref<128x128xf32, #tpu.memory_space<vmem>> -> memref<128x128xf32, #tpu.memory_space<vmem>>
      %dma_wait3A_82 = arith.constant 0 : i32
      %dma_wait3A_83 = tpu.memref_slice %arg7[%add3A_14, %dma_wait3A_82] : memref<10000x128xf32, #tpu.memory_space<vmem_shared>> -> memref<128x128xf32, #tpu.memory_space<vmem_shared>>
      %dma_wait3A_84 = arith.constant 0 : i32
      %dma_wait3A_85 = tpu.memref_slice %arg7[%add3A_14, %dma_wait3A_84] : memref<10000x128xf32, #tpu.memory_space<vmem_shared>> -> memref<128x128xf32, #tpu.memory_space<vmem_shared>>
      %dma_wait3A_86 = arith.constant 0 : i32
      %dma_wait3A_87 = arith.constant 0 : i32
      %dma_wait3A_88 = tpu.memref_slice %arg8[%dma_wait3A_86, %dma_wait3A_87] : memref<128x128xf32, #tpu.memory_space<vmem>> -> memref<128x128xf32, #tpu.memory_space<vmem>>
      tpu.wait_dma2 semaphore(%run_scoped3A : memref<!tpu.dma_semaphore, #tpu.memory_space<semaphore_mem>>) src(%dma_wait3A_88 : memref<128x128xf32, #tpu.memory_space<vmem>>) dst(%dma_wait3A_85 : memref<128x128xf32, #tpu.memory_space<vmem_shared>>)
      tpu.yield
    }) : () -> ()
    %add3A_15 = arith.constant 384 : i32
    %add3A_16 = arith.addi %mul3A_8, %add3A_15 : i32
    "tpu.region"() ({
      %run_scoped3A = tpu.sem_alloc : memref<!tpu.dma_semaphore, #tpu.memory_space<semaphore_mem>>
      %dma_start3A_70 = arith.constant 0 : i32
      %dma_start3A_71 = arith.constant 0 : i32
      %dma_start3A_72 = tpu.memref_slice %arg8[%dma_start3A_70, %dma_start3A_71] : memref<128x128xf32, #tpu.memory_space<vmem>> -> memref<128x128xf32, #tpu.memory_space<vmem>>
      %dma_start3A_73 = arith.constant 0 : i32
      %dma_start3A_74 = tpu.memref_slice %arg7[%add3A_16, %dma_start3A_73] : memref<10000x128xf32, #tpu.memory_space<vmem_shared>> -> memref<128x128xf32, #tpu.memory_space<vmem_shared>>
      %dma_start3A_75 = arith.constant 0 : i32
      %dma_start3A_76 = tpu.memref_slice %arg7[%add3A_16, %dma_start3A_75] : memref<10000x128xf32, #tpu.memory_space<vmem_shared>> -> memref<128x128xf32, #tpu.memory_space<vmem_shared>>
      %dma_start3A_77 = arith.constant 0 : i32
      %dma_start3A_78 = arith.constant 0 : i32
      %dma_start3A_79 = tpu.memref_slice %arg8[%dma_start3A_77, %dma_start3A_78] : memref<128x128xf32, #tpu.memory_space<vmem>> -> memref<128x128xf32, #tpu.memory_space<vmem>>
      tpu.enqueue_dma source(%dma_start3A_79 : memref<128x128xf32, #tpu.memory_space<vmem>>) target(%dma_start3A_76 : memref<128x128xf32, #tpu.memory_space<vmem_shared>>) target_semaphore(%run_scoped3A : memref<!tpu.dma_semaphore, #tpu.memory_space<semaphore_mem>>)
      %dma_wait3A = arith.constant 0 : i32
      %dma_wait3A_80 = arith.constant 0 : i32
      %dma_wait3A_81 = tpu.memref_slice %arg8[%dma_wait3A, %dma_wait3A_80] : memref<128x128xf32, #tpu.memory_space<vmem>> -> memref<128x128xf32, #tpu.memory_space<vmem>>
      %dma_wait3A_82 = arith.constant 0 : i32
      %dma_wait3A_83 = tpu.memref_slice %arg7[%add3A_16, %dma_wait3A_82] : memref<10000x128xf32, #tpu.memory_space<vmem_shared>> -> memref<128x128xf32, #tpu.memory_space<vmem_shared>>
      %dma_wait3A_84 = arith.constant 0 : i32
      %dma_wait3A_85 = tpu.memref_slice %arg7[%add3A_16, %dma_wait3A_84] : memref<10000x128xf32, #tpu.memory_space<vmem_shared>> -> memref<128x128xf32, #tpu.memory_space<vmem_shared>>
      %dma_wait3A_86 = arith.constant 0 : i32
      %dma_wait3A_87 = arith.constant 0 : i32
      %dma_wait3A_88 = tpu.memref_slice %arg8[%dma_wait3A_86, %dma_wait3A_87] : memref<128x128xf32, #tpu.memory_space<vmem>> -> memref<128x128xf32, #tpu.memory_space<vmem>>
      tpu.wait_dma2 semaphore(%run_scoped3A : memref<!tpu.dma_semaphore, #tpu.memory_space<semaphore_mem>>) src(%dma_wait3A_88 : memref<128x128xf32, #tpu.memory_space<vmem>>) dst(%dma_wait3A_85 : memref<128x128xf32, #tpu.memory_space<vmem_shared>>)
      tpu.yield
    }) : () -> ()
    %add3A_17 = arith.constant 512 : i32
    %add3A_18 = arith.addi %mul3A_8, %add3A_17 : i32
    "tpu.region"() ({
      %run_scoped3A = tpu.sem_alloc : memref<!tpu.dma_semaphore, #tpu.memory_space<semaphore_mem>>
      %dma_start3A_70 = arith.constant 0 : i32
      %dma_start3A_71 = arith.constant 0 : i32
      %dma_start3A_72 = tpu.memref_slice %arg8[%dma_start3A_70, %dma_start3A_71] : memref<128x128xf32, #tpu.memory_space<vmem>> -> memref<112x128xf32, #tpu.memory_space<vmem>>
      %dma_start3A_73 = arith.constant 0 : i32
      %dma_start3A_74 = tpu.memref_slice %arg7[%add3A_18, %dma_start3A_73] : memref<10000x128xf32, #tpu.memory_space<vmem_shared>> -> memref<112x128xf32, #tpu.memory_space<vmem_shared>>
      %dma_start3A_75 = arith.constant 0 : i32
      %dma_start3A_76 = tpu.memref_slice %arg7[%add3A_18, %dma_start3A_75] : memref<10000x128xf32, #tpu.memory_space<vmem_shared>> -> memref<112x128xf32, #tpu.memory_space<vmem_shared>>
      %dma_start3A_77 = arith.constant 0 : i32
      %dma_start3A_78 = arith.constant 0 : i32
      %dma_start3A_79 = tpu.memref_slice %arg8[%dma_start3A_77, %dma_start3A_78] : memref<128x128xf32, #tpu.memory_space<vmem>> -> memref<112x128xf32, #tpu.memory_space<vmem>>
      tpu.enqueue_dma source(%dma_start3A_79 : memref<112x128xf32, #tpu.memory_space<vmem>>) target(%dma_start3A_76 : memref<112x128xf32, #tpu.memory_space<vmem_shared>>) target_semaphore(%run_scoped3A : memref<!tpu.dma_semaphore, #tpu.memory_space<semaphore_mem>>)
      %dma_wait3A = arith.constant 0 : i32
      %dma_wait3A_80 = arith.constant 0 : i32
      %dma_wait3A_81 = tpu.memref_slice %arg8[%dma_wait3A, %dma_wait3A_80] : memref<128x128xf32, #tpu.memory_space<vmem>> -> memref<112x128xf32, #tpu.memory_space<vmem>>
      %dma_wait3A_82 = arith.constant 0 : i32
      %dma_wait3A_83 = tpu.memref_slice %arg7[%add3A_18, %dma_wait3A_82] : memref<10000x128xf32, #tpu.memory_space<vmem_shared>> -> memref<112x128xf32, #tpu.memory_space<vmem_shared>>
      %dma_wait3A_84 = arith.constant 0 : i32
      %dma_wait3A_85 = tpu.memref_slice %arg7[%add3A_18, %dma_wait3A_84] : memref<10000x128xf32, #tpu.memory_space<vmem_shared>> -> memref<112x128xf32, #tpu.memory_space<vmem_shared>>
      %dma_wait3A_86 = arith.constant 0 : i32
      %dma_wait3A_87 = arith.constant 0 : i32
      %dma_wait3A_88 = tpu.memref_slice %arg8[%dma_wait3A_86, %dma_wait3A_87] : memref<128x128xf32, #tpu.memory_space<vmem>> -> memref<112x128xf32, #tpu.memory_space<vmem>>
      tpu.wait_dma2 semaphore(%run_scoped3A : memref<!tpu.dma_semaphore, #tpu.memory_space<semaphore_mem>>) src(%dma_wait3A_88 : memref<112x128xf32, #tpu.memory_space<vmem>>) dst(%dma_wait3A_85 : memref<112x128xf32, #tpu.memory_space<vmem_shared>>)
      tpu.yield
    }) : () -> ()
    %eq3A = arith.constant 15 : i32
    %eq3A_19 = arith.cmpi eq, %arg1, %eq3A : i32
    %convert_element_type3A = arith.extui %eq3A_19 : i1 to i32
    %cond3A = arith.constant 0 : i32
    %cond3A_20 = arith.cmpi ne, %convert_element_type3A, %cond3A : i32
    scf.if %cond3A_20 {
      "tpu.region"() ({
        %run_scoped3A = tpu.sem_alloc : memref<!tpu.dma_semaphore, #tpu.memory_space<semaphore_mem>>
        %dma_start3A_70 = arith.constant 0 : i32
        %dma_start3A_71 = arith.constant 0 : i32
        %dma_start3A_72 = tpu.memref_slice %arg8[%dma_start3A_70, %dma_start3A_71] : memref<128x128xf32, #tpu.memory_space<vmem>> -> memref<16x128xf32, #tpu.memory_space<vmem>>
        %dma_start3A_73 = arith.constant 9984 : i32
        %dma_start3A_74 = arith.constant 0 : i32
        %dma_start3A_75 = tpu.memref_slice %arg7[%dma_start3A_73, %dma_start3A_74] : memref<10000x128xf32, #tpu.memory_space<vmem_shared>> -> memref<16x128xf32, #tpu.memory_space<vmem_shared>>
        %dma_start3A_76 = arith.constant 9984 : i32
        %dma_start3A_77 = arith.constant 0 : i32
        %dma_start3A_78 = tpu.memref_slice %arg7[%dma_start3A_76, %dma_start3A_77] : memref<10000x128xf32, #tpu.memory_space<vmem_shared>> -> memref<16x128xf32, #tpu.memory_space<vmem_shared>>
        %dma_start3A_79 = arith.constant 0 : i32
        %dma_start3A_80 = arith.constant 0 : i32
        %dma_start3A_81 = tpu.memref_slice %arg8[%dma_start3A_79, %dma_start3A_80] : memref<128x128xf32, #tpu.memory_space<vmem>> -> memref<16x128xf32, #tpu.memory_space<vmem>>
        tpu.enqueue_dma source(%dma_start3A_81 : memref<16x128xf32, #tpu.memory_space<vmem>>) target(%dma_start3A_78 : memref<16x128xf32, #tpu.memory_space<vmem_shared>>) target_semaphore(%run_scoped3A : memref<!tpu.dma_semaphore, #tpu.memory_space<semaphore_mem>>)
        %dma_wait3A = arith.constant 0 : i32
        %dma_wait3A_82 = arith.constant 0 : i32
        %dma_wait3A_83 = tpu.memref_slice %arg8[%dma_wait3A, %dma_wait3A_82] : memref<128x128xf32, #tpu.memory_space<vmem>> -> memref<16x128xf32, #tpu.memory_space<vmem>>
        %dma_wait3A_84 = arith.constant 9984 : i32
        %dma_wait3A_85 = arith.constant 0 : i32
        %dma_wait3A_86 = tpu.memref_slice %arg7[%dma_wait3A_84, %dma_wait3A_85] : memref<10000x128xf32, #tpu.memory_space<vmem_shared>> -> memref<16x128xf32, #tpu.memory_space<vmem_shared>>
        %dma_wait3A_87 = arith.constant 9984 : i32
        %dma_wait3A_88 = arith.constant 0 : i32
        %dma_wait3A_89 = tpu.memref_slice %arg7[%dma_wait3A_87, %dma_wait3A_88] : memref<10000x128xf32, #tpu.memory_space<vmem_shared>> -> memref<16x128xf32, #tpu.memory_space<vmem_shared>>
        %dma_wait3A_90 = arith.constant 0 : i32
        %dma_wait3A_91 = arith.constant 0 : i32
        %dma_wait3A_92 = tpu.memref_slice %arg8[%dma_wait3A_90, %dma_wait3A_91] : memref<128x128xf32, #tpu.memory_space<vmem>> -> memref<16x128xf32, #tpu.memory_space<vmem>>
        tpu.wait_dma2 semaphore(%run_scoped3A : memref<!tpu.dma_semaphore, #tpu.memory_space<semaphore_mem>>) src(%dma_wait3A_92 : memref<16x128xf32, #tpu.memory_space<vmem>>) dst(%dma_wait3A_89 : memref<16x128xf32, #tpu.memory_space<vmem_shared>>)
        tpu.yield
      }) : () -> ()
    } else {
    }
    %barrier3A = arith.constant 0 : index
    tpu.barrier barrier_id(%barrier3A)
    %mul3A_21 = arith.constant 80 : i32
    %mul3A_22 = arith.muli %add3A, %mul3A_21 : i32
    %add3A_23 = arith.constant 0 : i32
    %add3A_24 = arith.addi %mul3A_22, %add3A_23 : i32
    %mul3A_25 = arith.constant 128 : i32
    %mul3A_26 = arith.muli %add3A_24, %mul3A_25 : i32
    "tpu.region"() ({
      %run_scoped3A = tpu.sem_alloc : memref<!tpu.dma_semaphore, #tpu.memory_space<semaphore_mem>>
      %dma_start3A_70 = tpu.memref_slice %arg4[%mul3A_26] : memref<327680xi32, #tpu.memory_space<hbm>> -> memref<128xi32, #tpu.memory_space<hbm>>
      %dma_start3A_71 = tpu.memref_slice %arg4[%mul3A_26] : memref<327680xi32, #tpu.memory_space<hbm>> -> memref<128xi32, #tpu.memory_space<hbm>>
      tpu.enqueue_dma source(%dma_start3A_71 : memref<128xi32, #tpu.memory_space<hbm>>) target(%arg10 : memref<128xi32, #tpu.memory_space<vmem>>) target_semaphore(%run_scoped3A : memref<!tpu.dma_semaphore, #tpu.memory_space<semaphore_mem>>)
      %dma_wait3A = tpu.memref_slice %arg4[%mul3A_26] : memref<327680xi32, #tpu.memory_space<hbm>> -> memref<128xi32, #tpu.memory_space<hbm>>
      %dma_wait3A_72 = tpu.memref_slice %arg4[%mul3A_26] : memref<327680xi32, #tpu.memory_space<hbm>> -> memref<128xi32, #tpu.memory_space<hbm>>
      tpu.wait_dma2 semaphore(%run_scoped3A : memref<!tpu.dma_semaphore, #tpu.memory_space<semaphore_mem>>) src(%dma_wait3A_72 : memref<128xi32, #tpu.memory_space<hbm>>) dst(%arg10 : memref<128xi32, #tpu.memory_space<vmem>>)
      tpu.yield
    }) : () -> ()
    "tpu.region"() ({
      %run_scoped3A = tpu.sem_alloc : memref<!tpu.dma_semaphore, #tpu.memory_space<semaphore_mem>>
      %dma_start3A_70 = tpu.memref_slice %arg5[%mul3A_26] : memref<327680xf32, #tpu.memory_space<hbm>> -> memref<128xf32, #tpu.memory_space<hbm>>
      %dma_start3A_71 = tpu.memref_slice %arg5[%mul3A_26] : memref<327680xf32, #tpu.memory_space<hbm>> -> memref<128xf32, #tpu.memory_space<hbm>>
      tpu.enqueue_dma source(%dma_start3A_71 : memref<128xf32, #tpu.memory_space<hbm>>) target(%arg14 : memref<128xf32, #tpu.memory_space<vmem>>) target_semaphore(%run_scoped3A : memref<!tpu.dma_semaphore, #tpu.memory_space<semaphore_mem>>)
      %dma_wait3A = tpu.memref_slice %arg5[%mul3A_26] : memref<327680xf32, #tpu.memory_space<hbm>> -> memref<128xf32, #tpu.memory_space<hbm>>
      %dma_wait3A_72 = tpu.memref_slice %arg5[%mul3A_26] : memref<327680xf32, #tpu.memory_space<hbm>> -> memref<128xf32, #tpu.memory_space<hbm>>
      tpu.wait_dma2 semaphore(%run_scoped3A : memref<!tpu.dma_semaphore, #tpu.memory_space<semaphore_mem>>) src(%dma_wait3A_72 : memref<128xf32, #tpu.memory_space<hbm>>) dst(%arg14 : memref<128xf32, #tpu.memory_space<vmem>>)
      tpu.yield
    }) : () -> ()
    "tpu.region"() ({
      %run_scoped3A = tpu.sem_alloc : memref<!tpu.dma_semaphore, #tpu.memory_space<semaphore_mem>>
      %dma_start3A_70 = tpu.memref_slice %arg3[%mul3A_26] : memref<327680xi32, #tpu.memory_space<hbm>> -> memref<128xi32, #tpu.memory_space<hbm>>
      %dma_start3A_71 = tpu.memref_slice %arg3[%mul3A_26] : memref<327680xi32, #tpu.memory_space<hbm>> -> memref<128xi32, #tpu.memory_space<hbm>>
      tpu.enqueue_dma source(%dma_start3A_71 : memref<128xi32, #tpu.memory_space<hbm>>) target(%arg12 : memref<128xi32, #tpu.memory_space<vmem>>) target_semaphore(%run_scoped3A : memref<!tpu.dma_semaphore, #tpu.memory_space<semaphore_mem>>)
      %dma_wait3A = tpu.memref_slice %arg3[%mul3A_26] : memref<327680xi32, #tpu.memory_space<hbm>> -> memref<128xi32, #tpu.memory_space<hbm>>
      %dma_wait3A_72 = tpu.memref_slice %arg3[%mul3A_26] : memref<327680xi32, #tpu.memory_space<hbm>> -> memref<128xi32, #tpu.memory_space<hbm>>
      tpu.wait_dma2 semaphore(%run_scoped3A : memref<!tpu.dma_semaphore, #tpu.memory_space<semaphore_mem>>) src(%dma_wait3A_72 : memref<128xi32, #tpu.memory_space<hbm>>) dst(%arg12 : memref<128xi32, #tpu.memory_space<vmem>>)
      tpu.yield
    }) : () -> ()
    %dma_start3A = arith.constant 0 : i32
    %dma_start3A_27 = arith.constant 0 : i32
    %dma_start3A_28 = tpu.memref_slice %arg8[%dma_start3A, %dma_start3A_27] : memref<128x128xf32, #tpu.memory_space<vmem>> -> memref<32x128xf32, #tpu.memory_space<vmem>>
    %dma_start3A_29 = arith.constant 0 : i32
    %dma_start3A_30 = tpu.memref_slice %arg10[%dma_start3A_29] : memref<128xi32, #tpu.memory_space<vmem>> -> memref<32xi32, #tpu.memory_space<vmem>>
    %dma_start3A_31 = arith.constant 0 : i32
    %dma_start3A_32 = arith.constant 0 : i32
    %dma_start3A_33 = tpu.memref_slice %arg2[%dma_start3A_31, %dma_start3A_32] : memref<10000x128xf32, #tpu.memory_space<hbm>> -> memref<10000x128xf32, #tpu.memory_space<hbm>>
    tpu.enqueue_indirect_dma source(%dma_start3A_33 : memref<10000x128xf32, #tpu.memory_space<hbm>>) target(%dma_start3A_28 : memref<32x128xf32, #tpu.memory_space<vmem>>) offsets(%dma_start3A_30 : memref<32xi32, #tpu.memory_space<vmem>>) semaphore(%arg16 : memref<!tpu.dma_semaphore, #tpu.memory_space<semaphore_mem>>)
    %dma_start3A_34 = arith.constant 32 : i32
    %dma_start3A_35 = arith.constant 0 : i32
    %dma_start3A_36 = tpu.memref_slice %arg8[%dma_start3A_34, %dma_start3A_35] : memref<128x128xf32, #tpu.memory_space<vmem>> -> memref<32x128xf32, #tpu.memory_space<vmem>>
    %dma_start3A_37 = arith.constant 32 : i32
    %dma_start3A_38 = tpu.memref_slice %arg10[%dma_start3A_37] : memref<128xi32, #tpu.memory_space<vmem>> -> memref<32xi32, #tpu.memory_space<vmem>>
    %dma_start3A_39 = arith.constant 0 : i32
    %dma_start3A_40 = arith.constant 0 : i32
    %dma_start3A_41 = tpu.memref_slice %arg2[%dma_start3A_39, %dma_start3A_40] : memref<10000x128xf32, #tpu.memory_space<hbm>> -> memref<10000x128xf32, #tpu.memory_space<hbm>>
    tpu.enqueue_indirect_dma source(%dma_start3A_41 : memref<10000x128xf32, #tpu.memory_space<hbm>>) target(%dma_start3A_36 : memref<32x128xf32, #tpu.memory_space<vmem>>) offsets(%dma_start3A_38 : memref<32xi32, #tpu.memory_space<vmem>>) semaphore(%arg16 : memref<!tpu.dma_semaphore, #tpu.memory_space<semaphore_mem>>)
    %dma_start3A_42 = arith.constant 64 : i32
    %dma_start3A_43 = arith.constant 0 : i32
    %dma_start3A_44 = tpu.memref_slice %arg8[%dma_start3A_42, %dma_start3A_43] : memref<128x128xf32, #tpu.memory_space<vmem>> -> memref<32x128xf32, #tpu.memory_space<vmem>>
    %dma_start3A_45 = arith.constant 64 : i32
    %dma_start3A_46 = tpu.memref_slice %arg10[%dma_start3A_45] : memref<128xi32, #tpu.memory_space<vmem>> -> memref<32xi32, #tpu.memory_space<vmem>>
    %dma_start3A_47 = arith.constant 0 : i32
    %dma_start3A_48 = arith.constant 0 : i32
    %dma_start3A_49 = tpu.memref_slice %arg2[%dma_start3A_47, %dma_start3A_48] : memref<10000x128xf32, #tpu.memory_space<hbm>> -> memref<10000x128xf32, #tpu.memory_space<hbm>>
    tpu.enqueue_indirect_dma source(%dma_start3A_49 : memref<10000x128xf32, #tpu.memory_space<hbm>>) target(%dma_start3A_44 : memref<32x128xf32, #tpu.memory_space<vmem>>) offsets(%dma_start3A_46 : memref<32xi32, #tpu.memory_space<vmem>>) semaphore(%arg16 : memref<!tpu.dma_semaphore, #tpu.memory_space<semaphore_mem>>)
    %dma_start3A_50 = arith.constant 96 : i32
    %dma_start3A_51 = arith.constant 0 : i32
    %dma_start3A_52 = tpu.memref_slice %arg8[%dma_start3A_50, %dma_start3A_51] : memref<128x128xf32, #tpu.memory_space<vmem>> -> memref<32x128xf32, #tpu.memory_space<vmem>>
    %dma_start3A_53 = arith.constant 96 : i32
    %dma_start3A_54 = tpu.memref_slice %arg10[%dma_start3A_53] : memref<128xi32, #tpu.memory_space<vmem>> -> memref<32xi32, #tpu.memory_space<vmem>>
    %dma_start3A_55 = arith.constant 0 : i32
    %dma_start3A_56 = arith.constant 0 : i32
    %dma_start3A_57 = tpu.memref_slice %arg2[%dma_start3A_55, %dma_start3A_56] : memref<10000x128xf32, #tpu.memory_space<hbm>> -> memref<10000x128xf32, #tpu.memory_space<hbm>>
    tpu.enqueue_indirect_dma source(%dma_start3A_57 : memref<10000x128xf32, #tpu.memory_space<hbm>>) target(%dma_start3A_52 : memref<32x128xf32, #tpu.memory_space<vmem>>) offsets(%dma_start3A_54 : memref<32xi32, #tpu.memory_space<vmem>>) semaphore(%arg16 : memref<!tpu.dma_semaphore, #tpu.memory_space<semaphore_mem>>)
    %scan3A_58 = arith.constant 0 : i32
    %scan3A_59 = arith.constant 0 : i32
    %scan3A_60 = arith.constant 40 : i32
    %scan3A_61 = arith.addi %scan3A_59, %scan3A_60 : i32
    %scan3A_62 = arith.constant 1 : i32
    scf.for %scan3A_70 = %scan3A_59 to %scan3A_61 step %scan3A_62  : i32 {
      %mul3A_71 = arith.constant 2 : i32
      %mul3A_72 = arith.muli %scan3A_70, %mul3A_71 : i32
      %add3A_73 = arith.constant 0 : i32
      %add3A_74 = arith.addi %mul3A_72, %add3A_73 : i32
      %add3A_75 = arith.constant 1 : i32
      %add3A_76 = arith.addi %add3A_74, %add3A_75 : i32
      %lt3A = arith.constant 80 : i32
      %lt3A_77 = arith.cmpi slt, %add3A_76, %lt3A : i32
      %convert_element_type3A_78 = arith.extui %lt3A_77 : i1 to i32
      %cond3A_79 = arith.constant 0 : i32
      %cond3A_80 = arith.cmpi ne, %convert_element_type3A_78, %cond3A_79 : i32
      scf.if %cond3A_80 {
        %add3A_167 = arith.constant 1 : i32
        %add3A_168 = arith.addi %add3A_74, %add3A_167 : i32
        %mul3A_169 = arith.constant 80 : i32
        %mul3A_170 = arith.muli %add3A, %mul3A_169 : i32
        %add3A_171 = arith.addi %mul3A_170, %add3A_168 : i32
        %mul3A_172 = arith.constant 128 : i32
        %mul3A_173 = arith.muli %add3A_171, %mul3A_172 : i32
        "tpu.region"() ({
          %run_scoped3A = tpu.sem_alloc : memref<!tpu.dma_semaphore, #tpu.memory_space<semaphore_mem>>
          %dma_start3A_206 = tpu.memref_slice %arg4[%mul3A_173] : memref<327680xi32, #tpu.memory_space<hbm>> -> memref<128xi32, #tpu.memory_space<hbm>>
          %dma_start3A_207 = tpu.memref_slice %arg4[%mul3A_173] : memref<327680xi32, #tpu.memory_space<hbm>> -> memref<128xi32, #tpu.memory_space<hbm>>
          tpu.enqueue_dma source(%dma_start3A_207 : memref<128xi32, #tpu.memory_space<hbm>>) target(%arg11 : memref<128xi32, #tpu.memory_space<vmem>>) target_semaphore(%run_scoped3A : memref<!tpu.dma_semaphore, #tpu.memory_space<semaphore_mem>>)
          %dma_wait3A_208 = tpu.memref_slice %arg4[%mul3A_173] : memref<327680xi32, #tpu.memory_space<hbm>> -> memref<128xi32, #tpu.memory_space<hbm>>
          %dma_wait3A_209 = tpu.memref_slice %arg4[%mul3A_173] : memref<327680xi32, #tpu.memory_space<hbm>> -> memref<128xi32, #tpu.memory_space<hbm>>
          tpu.wait_dma2 semaphore(%run_scoped3A : memref<!tpu.dma_semaphore, #tpu.memory_space<semaphore_mem>>) src(%dma_wait3A_209 : memref<128xi32, #tpu.memory_space<hbm>>) dst(%arg11 : memref<128xi32, #tpu.memory_space<vmem>>)
          tpu.yield
        }) : () -> ()
        "tpu.region"() ({
          %run_scoped3A = tpu.sem_alloc : memref<!tpu.dma_semaphore, #tpu.memory_space<semaphore_mem>>
          %dma_start3A_206 = tpu.memref_slice %arg5[%mul3A_173] : memref<327680xf32, #tpu.memory_space<hbm>> -> memref<128xf32, #tpu.memory_space<hbm>>
          %dma_start3A_207 = tpu.memref_slice %arg5[%mul3A_173] : memref<327680xf32, #tpu.memory_space<hbm>> -> memref<128xf32, #tpu.memory_space<hbm>>
          tpu.enqueue_dma source(%dma_start3A_207 : memref<128xf32, #tpu.memory_space<hbm>>) target(%arg15 : memref<128xf32, #tpu.memory_space<vmem>>) target_semaphore(%run_scoped3A : memref<!tpu.dma_semaphore, #tpu.memory_space<semaphore_mem>>)
          %dma_wait3A_208 = tpu.memref_slice %arg5[%mul3A_173] : memref<327680xf32, #tpu.memory_space<hbm>> -> memref<128xf32, #tpu.memory_space<hbm>>
          %dma_wait3A_209 = tpu.memref_slice %arg5[%mul3A_173] : memref<327680xf32, #tpu.memory_space<hbm>> -> memref<128xf32, #tpu.memory_space<hbm>>
          tpu.wait_dma2 semaphore(%run_scoped3A : memref<!tpu.dma_semaphore, #tpu.memory_space<semaphore_mem>>) src(%dma_wait3A_209 : memref<128xf32, #tpu.memory_space<hbm>>) dst(%arg15 : memref<128xf32, #tpu.memory_space<vmem>>)
          tpu.yield
        }) : () -> ()
        "tpu.region"() ({
          %run_scoped3A = tpu.sem_alloc : memref<!tpu.dma_semaphore, #tpu.memory_space<semaphore_mem>>
          %dma_start3A_206 = tpu.memref_slice %arg3[%mul3A_173] : memref<327680xi32, #tpu.memory_space<hbm>> -> memref<128xi32, #tpu.memory_space<hbm>>
          %dma_start3A_207 = tpu.memref_slice %arg3[%mul3A_173] : memref<327680xi32, #tpu.memory_space<hbm>> -> memref<128xi32, #tpu.memory_space<hbm>>
          tpu.enqueue_dma source(%dma_start3A_207 : memref<128xi32, #tpu.memory_space<hbm>>) target(%arg13 : memref<128xi32, #tpu.memory_space<vmem>>) target_semaphore(%run_scoped3A : memref<!tpu.dma_semaphore, #tpu.memory_space<semaphore_mem>>)
          %dma_wait3A_208 = tpu.memref_slice %arg3[%mul3A_173] : memref<327680xi32, #tpu.memory_space<hbm>> -> memref<128xi32, #tpu.memory_space<hbm>>
          %dma_wait3A_209 = tpu.memref_slice %arg3[%mul3A_173] : memref<327680xi32, #tpu.memory_space<hbm>> -> memref<128xi32, #tpu.memory_space<hbm>>
          tpu.wait_dma2 semaphore(%run_scoped3A : memref<!tpu.dma_semaphore, #tpu.memory_space<semaphore_mem>>) src(%dma_wait3A_209 : memref<128xi32, #tpu.memory_space<hbm>>) dst(%arg13 : memref<128xi32, #tpu.memory_space<vmem>>)
          tpu.yield
        }) : () -> ()
        %dma_start3A_174 = arith.constant 0 : i32
        %dma_start3A_175 = arith.constant 0 : i32
        %dma_start3A_176 = tpu.memref_slice %arg9[%dma_start3A_174, %dma_start3A_175] : memref<128x128xf32, #tpu.memory_space<vmem>> -> memref<32x128xf32, #tpu.memory_space<vmem>>
        %dma_start3A_177 = arith.constant 0 : i32
        %dma_start3A_178 = tpu.memref_slice %arg11[%dma_start3A_177] : memref<128xi32, #tpu.memory_space<vmem>> -> memref<32xi32, #tpu.memory_space<vmem>>
        %dma_start3A_179 = arith.constant 0 : i32
        %dma_start3A_180 = arith.constant 0 : i32
        %dma_start3A_181 = tpu.memref_slice %arg2[%dma_start3A_179, %dma_start3A_180] : memref<10000x128xf32, #tpu.memory_space<hbm>> -> memref<10000x128xf32, #tpu.memory_space<hbm>>
        tpu.enqueue_indirect_dma source(%dma_start3A_181 : memref<10000x128xf32, #tpu.memory_space<hbm>>) target(%dma_start3A_176 : memref<32x128xf32, #tpu.memory_space<vmem>>) offsets(%dma_start3A_178 : memref<32xi32, #tpu.memory_space<vmem>>) semaphore(%arg17 : memref<!tpu.dma_semaphore, #tpu.memory_space<semaphore_mem>>)
        %dma_start3A_182 = arith.constant 32 : i32
        %dma_start3A_183 = arith.constant 0 : i32
        %dma_start3A_184 = tpu.memref_slice %arg9[%dma_start3A_182, %dma_start3A_183] : memref<128x128xf32, #tpu.memory_space<vmem>> -> memref<32x128xf32, #tpu.memory_space<vmem>>
        %dma_start3A_185 = arith.constant 32 : i32
        %dma_start3A_186 = tpu.memref_slice %arg11[%dma_start3A_185] : memref<128xi32, #tpu.memory_space<vmem>> -> memref<32xi32, #tpu.memory_space<vmem>>
        %dma_start3A_187 = arith.constant 0 : i32
        %dma_start3A_188 = arith.constant 0 : i32
        %dma_start3A_189 = tpu.memref_slice %arg2[%dma_start3A_187, %dma_start3A_188] : memref<10000x128xf32, #tpu.memory_space<hbm>> -> memref<10000x128xf32, #tpu.memory_space<hbm>>
        tpu.enqueue_indirect_dma source(%dma_start3A_189 : memref<10000x128xf32, #tpu.memory_space<hbm>>) target(%dma_start3A_184 : memref<32x128xf32, #tpu.memory_space<vmem>>) offsets(%dma_start3A_186 : memref<32xi32, #tpu.memory_space<vmem>>) semaphore(%arg17 : memref<!tpu.dma_semaphore, #tpu.memory_space<semaphore_mem>>)
        %dma_start3A_190 = arith.constant 64 : i32
        %dma_start3A_191 = arith.constant 0 : i32
        %dma_start3A_192 = tpu.memref_slice %arg9[%dma_start3A_190, %dma_start3A_191] : memref<128x128xf32, #tpu.memory_space<vmem>> -> memref<32x128xf32, #tpu.memory_space<vmem>>
        %dma_start3A_193 = arith.constant 64 : i32
        %dma_start3A_194 = tpu.memref_slice %arg11[%dma_start3A_193] : memref<128xi32, #tpu.memory_space<vmem>> -> memref<32xi32, #tpu.memory_space<vmem>>
        %dma_start3A_195 = arith.constant 0 : i32
        %dma_start3A_196 = arith.constant 0 : i32
        %dma_start3A_197 = tpu.memref_slice %arg2[%dma_start3A_195, %dma_start3A_196] : memref<10000x128xf32, #tpu.memory_space<hbm>> -> memref<10000x128xf32, #tpu.memory_space<hbm>>
        tpu.enqueue_indirect_dma source(%dma_start3A_197 : memref<10000x128xf32, #tpu.memory_space<hbm>>) target(%dma_start3A_192 : memref<32x128xf32, #tpu.memory_space<vmem>>) offsets(%dma_start3A_194 : memref<32xi32, #tpu.memory_space<vmem>>) semaphore(%arg17 : memref<!tpu.dma_semaphore, #tpu.memory_space<semaphore_mem>>)
        %dma_start3A_198 = arith.constant 96 : i32
        %dma_start3A_199 = arith.constant 0 : i32
        %dma_start3A_200 = tpu.memref_slice %arg9[%dma_start3A_198, %dma_start3A_199] : memref<128x128xf32, #tpu.memory_space<vmem>> -> memref<32x128xf32, #tpu.memory_space<vmem>>
        %dma_start3A_201 = arith.constant 96 : i32
        %dma_start3A_202 = tpu.memref_slice %arg11[%dma_start3A_201] : memref<128xi32, #tpu.memory_space<vmem>> -> memref<32xi32, #tpu.memory_space<vmem>>
        %dma_start3A_203 = arith.constant 0 : i32
        %dma_start3A_204 = arith.constant 0 : i32
        %dma_start3A_205 = tpu.memref_slice %arg2[%dma_start3A_203, %dma_start3A_204] : memref<10000x128xf32, #tpu.memory_space<hbm>> -> memref<10000x128xf32, #tpu.memory_space<hbm>>
        tpu.enqueue_indirect_dma source(%dma_start3A_205 : memref<10000x128xf32, #tpu.memory_space<hbm>>) target(%dma_start3A_200 : memref<32x128xf32, #tpu.memory_space<vmem>>) offsets(%dma_start3A_202 : memref<32xi32, #tpu.memory_space<vmem>>) semaphore(%arg17 : memref<!tpu.dma_semaphore, #tpu.memory_space<semaphore_mem>>)
      } else {
      }
      %dma_wait3A = arith.constant 0 : i32
      %dma_wait3A_81 = arith.constant 0 : i32
      %dma_wait3A_82 = tpu.memref_slice %arg8[%dma_wait3A, %dma_wait3A_81] : memref<128x128xf32, #tpu.memory_space<vmem>> -> memref<32x128xf32, #tpu.memory_space<vmem>>
      %dma_wait3A_83 = arith.constant 0 : i32
      %dma_wait3A_84 = tpu.memref_slice %arg10[%dma_wait3A_83] : memref<128xi32, #tpu.memory_space<vmem>> -> memref<32xi32, #tpu.memory_space<vmem>>
      %dma_wait3A_85 = arith.constant 0 : i32
      %dma_wait3A_86 = arith.constant 0 : i32
      %dma_wait3A_87 = tpu.memref_slice %arg2[%dma_wait3A_85, %dma_wait3A_86] : memref<10000x128xf32, #tpu.memory_space<hbm>> -> memref<10000x128xf32, #tpu.memory_space<hbm>>
      tpu.wait_indirect_dma semaphore(%arg16 : memref<!tpu.dma_semaphore, #tpu.memory_space<semaphore_mem>>) src(%dma_wait3A_87 : memref<10000x128xf32, #tpu.memory_space<hbm>>) dst(%dma_wait3A_82 : memref<32x128xf32, #tpu.memory_space<vmem>>)
      %dma_wait3A_88 = arith.constant 32 : i32
      %dma_wait3A_89 = arith.constant 0 : i32
      %dma_wait3A_90 = tpu.memref_slice %arg8[%dma_wait3A_88, %dma_wait3A_89] : memref<128x128xf32, #tpu.memory_space<vmem>> -> memref<32x128xf32, #tpu.memory_space<vmem>>
      %dma_wait3A_91 = arith.constant 32 : i32
      %dma_wait3A_92 = tpu.memref_slice %arg10[%dma_wait3A_91] : memref<128xi32, #tpu.memory_space<vmem>> -> memref<32xi32, #tpu.memory_space<vmem>>
      %dma_wait3A_93 = arith.constant 0 : i32
      %dma_wait3A_94 = arith.constant 0 : i32
      %dma_wait3A_95 = tpu.memref_slice %arg2[%dma_wait3A_93, %dma_wait3A_94] : memref<10000x128xf32, #tpu.memory_space<hbm>> -> memref<10000x128xf32, #tpu.memory_space<hbm>>
      tpu.wait_indirect_dma semaphore(%arg16 : memref<!tpu.dma_semaphore, #tpu.memory_space<semaphore_mem>>) src(%dma_wait3A_95 : memref<10000x128xf32, #tpu.memory_space<hbm>>) dst(%dma_wait3A_90 : memref<32x128xf32, #tpu.memory_space<vmem>>)
      %dma_wait3A_96 = arith.constant 64 : i32
      %dma_wait3A_97 = arith.constant 0 : i32
      %dma_wait3A_98 = tpu.memref_slice %arg8[%dma_wait3A_96, %dma_wait3A_97] : memref<128x128xf32, #tpu.memory_space<vmem>> -> memref<32x128xf32, #tpu.memory_space<vmem>>
      %dma_wait3A_99 = arith.constant 64 : i32
      %dma_wait3A_100 = tpu.memref_slice %arg10[%dma_wait3A_99] : memref<128xi32, #tpu.memory_space<vmem>> -> memref<32xi32, #tpu.memory_space<vmem>>
      %dma_wait3A_101 = arith.constant 0 : i32
      %dma_wait3A_102 = arith.constant 0 : i32
      %dma_wait3A_103 = tpu.memref_slice %arg2[%dma_wait3A_101, %dma_wait3A_102] : memref<10000x128xf32, #tpu.memory_space<hbm>> -> memref<10000x128xf32, #tpu.memory_space<hbm>>
      tpu.wait_indirect_dma semaphore(%arg16 : memref<!tpu.dma_semaphore, #tpu.memory_space<semaphore_mem>>) src(%dma_wait3A_103 : memref<10000x128xf32, #tpu.memory_space<hbm>>) dst(%dma_wait3A_98 : memref<32x128xf32, #tpu.memory_space<vmem>>)
      %dma_wait3A_104 = arith.constant 96 : i32
      %dma_wait3A_105 = arith.constant 0 : i32
      %dma_wait3A_106 = tpu.memref_slice %arg8[%dma_wait3A_104, %dma_wait3A_105] : memref<128x128xf32, #tpu.memory_space<vmem>> -> memref<32x128xf32, #tpu.memory_space<vmem>>
      %dma_wait3A_107 = arith.constant 96 : i32
      %dma_wait3A_108 = tpu.memref_slice %arg10[%dma_wait3A_107] : memref<128xi32, #tpu.memory_space<vmem>> -> memref<32xi32, #tpu.memory_space<vmem>>
      %dma_wait3A_109 = arith.constant 0 : i32
      %dma_wait3A_110 = arith.constant 0 : i32
      %dma_wait3A_111 = tpu.memref_slice %arg2[%dma_wait3A_109, %dma_wait3A_110] : memref<10000x128xf32, #tpu.memory_space<hbm>> -> memref<10000x128xf32, #tpu.memory_space<hbm>>
      tpu.wait_indirect_dma semaphore(%arg16 : memref<!tpu.dma_semaphore, #tpu.memory_space<semaphore_mem>>) src(%dma_wait3A_111 : memref<10000x128xf32, #tpu.memory_space<hbm>>) dst(%dma_wait3A_106 : memref<32x128xf32, #tpu.memory_space<vmem>>)
      %scan3A_112 = arith.constant 0 : i32
      %scan3A_113 = arith.constant 0 : i32
      %scan3A_114 = arith.constant 8 : i32
      %scan3A_115 = arith.addi %scan3A_113, %scan3A_114 : i32
      %scan3A_116 = arith.constant 1 : i32
      scf.for %scan3A_167 = %scan3A_113 to %scan3A_115 step %scan3A_116  : i32 {
        %mul3A_168 = arith.constant 16 : i32
        %mul3A_169 = arith.muli %scan3A_167, %mul3A_168 : i32
        %get3A = arith.index_cast %mul3A_169 : i32 to index
        %get3A_170 = tpu.vector_load %arg14[%get3A] {strides = array<i32>} : memref<128xf32, #tpu.memory_space<vmem>>, vector<16xf32>,
        %get3A_171 = vector.shape_cast %get3A_170 : vector<16xf32> to vector<16xf32>
        %mul3A_172 = arith.constant 16 : i32
        %mul3A_173 = arith.muli %scan3A_167, %mul3A_172 : i32
        %slice3A = vector.extract_strided_slice %get3A_171 {offsets = [0], sizes = [1], strides = [1]} : vector<16xf32> to vector<1xf32>
        %squeeze3A = vector.extract %slice3A[0] : f32 from vector<1xf32>
        %add3A_174 = arith.constant 0 : i32
        %add3A_175 = arith.addi %mul3A_173, %add3A_174 : i32
        %get3A_176 = arith.index_cast %add3A_175 : i32 to index
        %get3A_177 = arith.constant 0 : index
        %get3A_178 = tpu.vector_load %arg8[%get3A_176, %get3A_177] {strides = array<i32>} : memref<128x128xf32, #tpu.memory_space<vmem>>, vector<1x16xf32>,
        %get3A_179 = vector.shape_cast %get3A_178 : vector<1x16xf32> to vector<16xf32>
        %mul3A_180 = vector.broadcast %squeeze3A : f32 to vector<16xf32>
        %mul3A_181 = arith.mulf %get3A_179, %mul3A_180 : vector<16xf32>
        %add3A_182 = arith.constant 0 : i32
        %add3A_183 = arith.addi %mul3A_173, %add3A_182 : i32
        %swap3A = arith.index_cast %add3A_183 : i32 to index
        %swap3A_184 = arith.constant 0 : index
        %swap3A_185 = tpu.vector_load %arg8[%swap3A, %swap3A_184] {strides = array<i32>} : memref<128x128xf32, #tpu.memory_space<vmem>>, vector<1x16xf32>,
        %swap3A_186 = vector.shape_cast %swap3A_185 : vector<1x16xf32> to vector<16xf32>
        %swap3A_187 = vector.shape_cast %mul3A_181 : vector<16xf32> to vector<1x16xf32>
        tpu.vector_store %arg8[%swap3A, %swap3A_184], %swap3A_187 {strides = array<i32>} : memref<128x128xf32, #tpu.memory_space<vmem>>, vector<1x16xf32>,
        %add3A_188 = arith.constant 0 : i32
        %add3A_189 = arith.addi %mul3A_173, %add3A_188 : i32
        %get3A_190 = arith.index_cast %add3A_189 : i32 to index
        %get3A_191 = arith.constant 16 : index
        %get3A_192 = tpu.vector_load %arg8[%get3A_190, %get3A_191] {strides = array<i32>} : memref<128x128xf32, #tpu.memory_space<vmem>>, vector<1x16xf32>,
        %get3A_193 = vector.shape_cast %get3A_192 : vector<1x16xf32> to vector<16xf32>
        %mul3A_194 = vector.broadcast %squeeze3A : f32 to vector<16xf32>
        %mul3A_195 = arith.mulf %get3A_193, %mul3A_194 : vector<16xf32>
        %add3A_196 = arith.constant 0 : i32
        %add3A_197 = arith.addi %mul3A_173, %add3A_196 : i32
        %swap3A_198 = arith.index_cast %add3A_197 : i32 to index
        %swap3A_199 = arith.constant 16 : index
        %swap3A_200 = tpu.vector_load %arg8[%swap3A_198, %swap3A_199] {strides = array<i32>} : memref<128x128xf32, #tpu.memory_space<vmem>>, vector<1x16xf32>,
        %swap3A_201 = vector.shape_cast %swap3A_200 : vector<1x16xf32> to vector<16xf32>
        %swap3A_202 = vector.shape_cast %mul3A_195 : vector<16xf32> to vector<1x16xf32>
        tpu.vector_store %arg8[%swap3A_198, %swap3A_199], %swap3A_202 {strides = array<i32>} : memref<128x128xf32, #tpu.memory_space<vmem>>, vector<1x16xf32>,
        %add3A_203 = arith.constant 0 : i32
        %add3A_204 = arith.addi %mul3A_173, %add3A_203 : i32
        %get3A_205 = arith.index_cast %add3A_204 : i32 to index
        %get3A_206 = arith.constant 32 : index
        %get3A_207 = tpu.vector_load %arg8[%get3A_205, %get3A_206] {strides = array<i32>} : memref<128x128xf32, #tpu.memory_space<vmem>>, vector<1x16xf32>,
        %get3A_208 = vector.shape_cast %get3A_207 : vector<1x16xf32> to vector<16xf32>
        %mul3A_209 = vector.broadcast %squeeze3A : f32 to vector<16xf32>
        %mul3A_210 = arith.mulf %get3A_208, %mul3A_209 : vector<16xf32>
        %add3A_211 = arith.constant 0 : i32
        %add3A_212 = arith.addi %mul3A_173, %add3A_211 : i32
        %swap3A_213 = arith.index_cast %add3A_212 : i32 to index
        %swap3A_214 = arith.constant 32 : index
        %swap3A_215 = tpu.vector_load %arg8[%swap3A_213, %swap3A_214] {strides = array<i32>} : memref<128x128xf32, #tpu.memory_space<vmem>>, vector<1x16xf32>,
        %swap3A_216 = vector.shape_cast %swap3A_215 : vector<1x16xf32> to vector<16xf32>
        %swap3A_217 = vector.shape_cast %mul3A_210 : vector<16xf32> to vector<1x16xf32>
        tpu.vector_store %arg8[%swap3A_213, %swap3A_214], %swap3A_217 {strides = array<i32>} : memref<128x128xf32, #tpu.memory_space<vmem>>, vector<1x16xf32>,
        %add3A_218 = arith.constant 0 : i32
        %add3A_219 = arith.addi %mul3A_173, %add3A_218 : i32
        %get3A_220 = arith.index_cast %add3A_219 : i32 to index
        %get3A_221 = arith.constant 48 : index
        %get3A_222 = tpu.vector_load %arg8[%get3A_220, %get3A_221] {strides = array<i32>} : memref<128x128xf32, #tpu.memory_space<vmem>>, vector<1x16xf32>,
        %get3A_223 = vector.shape_cast %get3A_222 : vector<1x16xf32> to vector<16xf32>
        %mul3A_224 = vector.broadcast %squeeze3A : f32 to vector<16xf32>
        %mul3A_225 = arith.mulf %get3A_223, %mul3A_224 : vector<16xf32>
        %add3A_226 = arith.constant 0 : i32
        %add3A_227 = arith.addi %mul3A_173, %add3A_226 : i32
        %swap3A_228 = arith.index_cast %add3A_227 : i32 to index
        %swap3A_229 = arith.constant 48 : index
        %swap3A_230 = tpu.vector_load %arg8[%swap3A_228, %swap3A_229] {strides = array<i32>} : memref<128x128xf32, #tpu.memory_space<vmem>>, vector<1x16xf32>,
        %swap3A_231 = vector.shape_cast %swap3A_230 : vector<1x16xf32> to vector<16xf32>
        %swap3A_232 = vector.shape_cast %mul3A_225 : vector<16xf32> to vector<1x16xf32>
        tpu.vector_store %arg8[%swap3A_228, %swap3A_229], %swap3A_232 {strides = array<i32>} : memref<128x128xf32, #tpu.memory_space<vmem>>, vector<1x16xf32>,
        %add3A_233 = arith.constant 0 : i32
        %add3A_234 = arith.addi %mul3A_173, %add3A_233 : i32
        %get3A_235 = arith.index_cast %add3A_234 : i32 to index
        %get3A_236 = arith.constant 64 : index
        %get3A_237 = tpu.vector_load %arg8[%get3A_235, %get3A_236] {strides = array<i32>} : memref<128x128xf32, #tpu.memory_space<vmem>>, vector<1x16xf32>,
        %get3A_238 = vector.shape_cast %get3A_237 : vector<1x16xf32> to vector<16xf32>
        %mul3A_239 = vector.broadcast %squeeze3A : f32 to vector<16xf32>
        %mul3A_240 = arith.mulf %get3A_238, %mul3A_239 : vector<16xf32>
        %add3A_241 = arith.constant 0 : i32
        %add3A_242 = arith.addi %mul3A_173, %add3A_241 : i32
        %swap3A_243 = arith.index_cast %add3A_242 : i32 to index
        %swap3A_244 = arith.constant 64 : index
        %swap3A_245 = tpu.vector_load %arg8[%swap3A_243, %swap3A_244] {strides = array<i32>} : memref<128x128xf32, #tpu.memory_space<vmem>>, vector<1x16xf32>,
        %swap3A_246 = vector.shape_cast %swap3A_245 : vector<1x16xf32> to vector<16xf32>
        %swap3A_247 = vector.shape_cast %mul3A_240 : vector<16xf32> to vector<1x16xf32>
        tpu.vector_store %arg8[%swap3A_243, %swap3A_244], %swap3A_247 {strides = array<i32>} : memref<128x128xf32, #tpu.memory_space<vmem>>, vector<1x16xf32>,
        %add3A_248 = arith.constant 0 : i32
        %add3A_249 = arith.addi %mul3A_173, %add3A_248 : i32
        %get3A_250 = arith.index_cast %add3A_249 : i32 to index
        %get3A_251 = arith.constant 80 : index
        %get3A_252 = tpu.vector_load %arg8[%get3A_250, %get3A_251] {strides = array<i32>} : memref<128x128xf32, #tpu.memory_space<vmem>>, vector<1x16xf32>,
        %get3A_253 = vector.shape_cast %get3A_252 : vector<1x16xf32> to vector<16xf32>
        %mul3A_254 = vector.broadcast %squeeze3A : f32 to vector<16xf32>
        %mul3A_255 = arith.mulf %get3A_253, %mul3A_254 : vector<16xf32>
        %add3A_256 = arith.constant 0 : i32
        %add3A_257 = arith.addi %mul3A_173, %add3A_256 : i32
        %swap3A_258 = arith.index_cast %add3A_257 : i32 to index
        %swap3A_259 = arith.constant 80 : index
        %swap3A_260 = tpu.vector_load %arg8[%swap3A_258, %swap3A_259] {strides = array<i32>} : memref<128x128xf32, #tpu.memory_space<vmem>>, vector<1x16xf32>,
        %swap3A_261 = vector.shape_cast %swap3A_260 : vector<1x16xf32> to vector<16xf32>
        %swap3A_262 = vector.shape_cast %mul3A_255 : vector<16xf32> to vector<1x16xf32>
        tpu.vector_store %arg8[%swap3A_258, %swap3A_259], %swap3A_262 {strides = array<i32>} : memref<128x128xf32, #tpu.memory_space<vmem>>, vector<1x16xf32>,
        %add3A_263 = arith.constant 0 : i32
        %add3A_264 = arith.addi %mul3A_173, %add3A_263 : i32
        %get3A_265 = arith.index_cast %add3A_264 : i32 to index
        %get3A_266 = arith.constant 96 : index
        %get3A_267 = tpu.vector_load %arg8[%get3A_265, %get3A_266] {strides = array<i32>} : memref<128x128xf32, #tpu.memory_space<vmem>>, vector<1x16xf32>,
        %get3A_268 = vector.shape_cast %get3A_267 : vector<1x16xf32> to vector<16xf32>
        %mul3A_269 = vector.broadcast %squeeze3A : f32 to vector<16xf32>
        %mul3A_270 = arith.mulf %get3A_268, %mul3A_269 : vector<16xf32>
        %add3A_271 = arith.constant 0 : i32
        %add3A_272 = arith.addi %mul3A_173, %add3A_271 : i32
        %swap3A_273 = arith.index_cast %add3A_272 : i32 to index
        %swap3A_274 = arith.constant 96 : index
        %swap3A_275 = tpu.vector_load %arg8[%swap3A_273, %swap3A_274] {strides = array<i32>} : memref<128x128xf32, #tpu.memory_space<vmem>>, vector<1x16xf32>,
        %swap3A_276 = vector.shape_cast %swap3A_275 : vector<1x16xf32> to vector<16xf32>
        %swap3A_277 = vector.shape_cast %mul3A_270 : vector<16xf32> to vector<1x16xf32>
        tpu.vector_store %arg8[%swap3A_273, %swap3A_274], %swap3A_277 {strides = array<i32>} : memref<128x128xf32, #tpu.memory_space<vmem>>, vector<1x16xf32>,
        %add3A_278 = arith.constant 0 : i32
        %add3A_279 = arith.addi %mul3A_173, %add3A_278 : i32
        %get3A_280 = arith.index_cast %add3A_279 : i32 to index
        %get3A_281 = arith.constant 112 : index
        %get3A_282 = tpu.vector_load %arg8[%get3A_280, %get3A_281] {strides = array<i32>} : memref<128x128xf32, #tpu.memory_space<vmem>>, vector<1x16xf32>,
        %get3A_283 = vector.shape_cast %get3A_282 : vector<1x16xf32> to vector<16xf32>
        %mul3A_284 = vector.broadcast %squeeze3A : f32 to vector<16xf32>
        %mul3A_285 = arith.mulf %get3A_283, %mul3A_284 : vector<16xf32>
        %add3A_286 = arith.constant 0 : i32
        %add3A_287 = arith.addi %mul3A_173, %add3A_286 : i32
        %swap3A_288 = arith.index_cast %add3A_287 : i32 to index
        %swap3A_289 = arith.constant 112 : index
        %swap3A_290 = tpu.vector_load %arg8[%swap3A_288, %swap3A_289] {strides = array<i32>} : memref<128x128xf32, #tpu.memory_space<vmem>>, vector<1x16xf32>,
        %swap3A_291 = vector.shape_cast %swap3A_290 : vector<1x16xf32> to vector<16xf32>
        %swap3A_292 = vector.shape_cast %mul3A_285 : vector<16xf32> to vector<1x16xf32>
        tpu.vector_store %arg8[%swap3A_288, %swap3A_289], %swap3A_292 {strides = array<i32>} : memref<128x128xf32, #tpu.memory_space<vmem>>, vector<1x16xf32>,
        %slice3A_293 = vector.extract_strided_slice %get3A_171 {offsets = [1], sizes = [1], strides = [1]} : vector<16xf32> to vector<1xf32>
        %squeeze3A_294 = vector.extract %slice3A_293[0] : f32 from vector<1xf32>
        %add3A_295 = arith.constant 1 : i32
        %add3A_296 = arith.addi %mul3A_173, %add3A_295 : i32
        %get3A_297 = arith.index_cast %add3A_296 : i32 to index
        %get3A_298 = arith.constant 0 : index
        %get3A_299 = tpu.vector_load %arg8[%get3A_297, %get3A_298] {strides = array<i32>} : memref<128x128xf32, #tpu.memory_space<vmem>>, vector<1x16xf32>,
        %get3A_300 = vector.shape_cast %get3A_299 : vector<1x16xf32> to vector<16xf32>
        %mul3A_301 = vector.broadcast %squeeze3A_294 : f32 to vector<16xf32>
        %mul3A_302 = arith.mulf %get3A_300, %mul3A_301 : vector<16xf32>
        %add3A_303 = arith.constant 1 : i32
        %add3A_304 = arith.addi %mul3A_173, %add3A_303 : i32
        %swap3A_305 = arith.index_cast %add3A_304 : i32 to index
        %swap3A_306 = arith.constant 0 : index
        %swap3A_307 = tpu.vector_load %arg8[%swap3A_305, %swap3A_306] {strides = array<i32>} : memref<128x128xf32, #tpu.memory_space<vmem>>, vector<1x16xf32>,
        %swap3A_308 = vector.shape_cast %swap3A_307 : vector<1x16xf32> to vector<16xf32>
        %swap3A_309 = vector.shape_cast %mul3A_302 : vector<16xf32> to vector<1x16xf32>
        tpu.vector_store %arg8[%swap3A_305, %swap3A_306], %swap3A_309 {strides = array<i32>} : memref<128x128xf32, #tpu.memory_space<vmem>>, vector<1x16xf32>,
        %add3A_310 = arith.constant 1 : i32
        %add3A_311 = arith.addi %mul3A_173, %add3A_310 : i32
        %get3A_312 = arith.index_cast %add3A_311 : i32 to index
        %get3A_313 = arith.constant 16 : index
        %get3A_314 = tpu.vector_load %arg8[%get3A_312, %get3A_313] {strides = array<i32>} : memref<128x128xf32, #tpu.memory_space<vmem>>, vector<1x16xf32>,
        %get3A_315 = vector.shape_cast %get3A_314 : vector<1x16xf32> to vector<16xf32>
        %mul3A_316 = vector.broadcast %squeeze3A_294 : f32 to vector<16xf32>
        %mul3A_317 = arith.mulf %get3A_315, %mul3A_316 : vector<16xf32>
        %add3A_318 = arith.constant 1 : i32
        %add3A_319 = arith.addi %mul3A_173, %add3A_318 : i32
        %swap3A_320 = arith.index_cast %add3A_319 : i32 to index
        %swap3A_321 = arith.constant 16 : index
        %swap3A_322 = tpu.vector_load %arg8[%swap3A_320, %swap3A_321] {strides = array<i32>} : memref<128x128xf32, #tpu.memory_space<vmem>>, vector<1x16xf32>,
        %swap3A_323 = vector.shape_cast %swap3A_322 : vector<1x16xf32> to vector<16xf32>
        %swap3A_324 = vector.shape_cast %mul3A_317 : vector<16xf32> to vector<1x16xf32>
        tpu.vector_store %arg8[%swap3A_320, %swap3A_321], %swap3A_324 {strides = array<i32>} : memref<128x128xf32, #tpu.memory_space<vmem>>, vector<1x16xf32>,
        %add3A_325 = arith.constant 1 : i32
        %add3A_326 = arith.addi %mul3A_173, %add3A_325 : i32
        %get3A_327 = arith.index_cast %add3A_326 : i32 to index
        %get3A_328 = arith.constant 32 : index
        %get3A_329 = tpu.vector_load %arg8[%get3A_327, %get3A_328] {strides = array<i32>} : memref<128x128xf32, #tpu.memory_space<vmem>>, vector<1x16xf32>,
        %get3A_330 = vector.shape_cast %get3A_329 : vector<1x16xf32> to vector<16xf32>
        %mul3A_331 = vector.broadcast %squeeze3A_294 : f32 to vector<16xf32>
        %mul3A_332 = arith.mulf %get3A_330, %mul3A_331 : vector<16xf32>
        %add3A_333 = arith.constant 1 : i32
        %add3A_334 = arith.addi %mul3A_173, %add3A_333 : i32
        %swap3A_335 = arith.index_cast %add3A_334 : i32 to index
        %swap3A_336 = arith.constant 32 : index
        %swap3A_337 = tpu.vector_load %arg8[%swap3A_335, %swap3A_336] {strides = array<i32>} : memref<128x128xf32, #tpu.memory_space<vmem>>, vector<1x16xf32>,
        %swap3A_338 = vector.shape_cast %swap3A_337 : vector<1x16xf32> to vector<16xf32>
        %swap3A_339 = vector.shape_cast %mul3A_332 : vector<16xf32> to vector<1x16xf32>
        tpu.vector_store %arg8[%swap3A_335, %swap3A_336], %swap3A_339 {strides = array<i32>} : memref<128x128xf32, #tpu.memory_space<vmem>>, vector<1x16xf32>,
        %add3A_340 = arith.constant 1 : i32
        %add3A_341 = arith.addi %mul3A_173, %add3A_340 : i32
        %get3A_342 = arith.index_cast %add3A_341 : i32 to index
        %get3A_343 = arith.constant 48 : index
        %get3A_344 = tpu.vector_load %arg8[%get3A_342, %get3A_343] {strides = array<i32>} : memref<128x128xf32, #tpu.memory_space<vmem>>, vector<1x16xf32>,
        %get3A_345 = vector.shape_cast %get3A_344 : vector<1x16xf32> to vector<16xf32>
        %mul3A_346 = vector.broadcast %squeeze3A_294 : f32 to vector<16xf32>
        %mul3A_347 = arith.mulf %get3A_345, %mul3A_346 : vector<16xf32>
        %add3A_348 = arith.constant 1 : i32
        %add3A_349 = arith.addi %mul3A_173, %add3A_348 : i32
        %swap3A_350 = arith.index_cast %add3A_349 : i32 to index
        %swap3A_351 = arith.constant 48 : index
        %swap3A_352 = tpu.vector_load %arg8[%swap3A_350, %swap3A_351] {strides = array<i32>} : memref<128x128xf32, #tpu.memory_space<vmem>>, vector<1x16xf32>,
        %swap3A_353 = vector.shape_cast %swap3A_352 : vector<1x16xf32> to vector<16xf32>
        %swap3A_354 = vector.shape_cast %mul3A_347 : vector<16xf32> to vector<1x16xf32>
        tpu.vector_store %arg8[%swap3A_350, %swap3A_351], %swap3A_354 {strides = array<i32>} : memref<128x128xf32, #tpu.memory_space<vmem>>, vector<1x16xf32>,
        %add3A_355 = arith.constant 1 : i32
        %add3A_356 = arith.addi %mul3A_173, %add3A_355 : i32
        %get3A_357 = arith.index_cast %add3A_356 : i32 to index
        %get3A_358 = arith.constant 64 : index
        %get3A_359 = tpu.vector_load %arg8[%get3A_357, %get3A_358] {strides = array<i32>} : memref<128x128xf32, #tpu.memory_space<vmem>>, vector<1x16xf32>,
        %get3A_360 = vector.shape_cast %get3A_359 : vector<1x16xf32> to vector<16xf32>
        %mul3A_361 = vector.broadcast %squeeze3A_294 : f32 to vector<16xf32>
        %mul3A_362 = arith.mulf %get3A_360, %mul3A_361 : vector<16xf32>
        %add3A_363 = arith.constant 1 : i32
        %add3A_364 = arith.addi %mul3A_173, %add3A_363 : i32
        %swap3A_365 = arith.index_cast %add3A_364 : i32 to index
        %swap3A_366 = arith.constant 64 : index
        %swap3A_367 = tpu.vector_load %arg8[%swap3A_365, %swap3A_366] {strides = array<i32>} : memref<128x128xf32, #tpu.memory_space<vmem>>, vector<1x16xf32>,
        %swap3A_368 = vector.shape_cast %swap3A_367 : vector<1x16xf32> to vector<16xf32>
        %swap3A_369 = vector.shape_cast %mul3A_362 : vector<16xf32> to vector<1x16xf32>
        tpu.vector_store %arg8[%swap3A_365, %swap3A_366], %swap3A_369 {strides = array<i32>} : memref<128x128xf32, #tpu.memory_space<vmem>>, vector<1x16xf32>,
        %add3A_370 = arith.constant 1 : i32
        %add3A_371 = arith.addi %mul3A_173, %add3A_370 : i32
        %get3A_372 = arith.index_cast %add3A_371 : i32 to index
        %get3A_373 = arith.constant 80 : index
        %get3A_374 = tpu.vector_load %arg8[%get3A_372, %get3A_373] {strides = array<i32>} : memref<128x128xf32, #tpu.memory_space<vmem>>, vector<1x16xf32>,
        %get3A_375 = vector.shape_cast %get3A_374 : vector<1x16xf32> to vector<16xf32>
        %mul3A_376 = vector.broadcast %squeeze3A_294 : f32 to vector<16xf32>
        %mul3A_377 = arith.mulf %get3A_375, %mul3A_376 : vector<16xf32>
        %add3A_378 = arith.constant 1 : i32
        %add3A_379 = arith.addi %mul3A_173, %add3A_378 : i32
        %swap3A_380 = arith.index_cast %add3A_379 : i32 to index
        %swap3A_381 = arith.constant 80 : index
        %swap3A_382 = tpu.vector_load %arg8[%swap3A_380, %swap3A_381] {strides = array<i32>} : memref<128x128xf32, #tpu.memory_space<vmem>>, vector<1x16xf32>,
        %swap3A_383 = vector.shape_cast %swap3A_382 : vector<1x16xf32> to vector<16xf32>
        %swap3A_384 = vector.shape_cast %mul3A_377 : vector<16xf32> to vector<1x16xf32>
        tpu.vector_store %arg8[%swap3A_380, %swap3A_381], %swap3A_384 {strides = array<i32>} : memref<128x128xf32, #tpu.memory_space<vmem>>, vector<1x16xf32>,
        %add3A_385 = arith.constant 1 : i32
        %add3A_386 = arith.addi %mul3A_173, %add3A_385 : i32
        %get3A_387 = arith.index_cast %add3A_386 : i32 to index
        %get3A_388 = arith.constant 96 : index
        %get3A_389 = tpu.vector_load %arg8[%get3A_387, %get3A_388] {strides = array<i32>} : memref<128x128xf32, #tpu.memory_space<vmem>>, vector<1x16xf32>,
        %get3A_390 = vector.shape_cast %get3A_389 : vector<1x16xf32> to vector<16xf32>
        %mul3A_391 = vector.broadcast %squeeze3A_294 : f32 to vector<16xf32>
        %mul3A_392 = arith.mulf %get3A_390, %mul3A_391 : vector<16xf32>
        %add3A_393 = arith.constant 1 : i32
        %add3A_394 = arith.addi %mul3A_173, %add3A_393 : i32
        %swap3A_395 = arith.index_cast %add3A_394 : i32 to index
        %swap3A_396 = arith.constant 96 : index
        %swap3A_397 = tpu.vector_load %arg8[%swap3A_395, %swap3A_396] {strides = array<i32>} : memref<128x128xf32, #tpu.memory_space<vmem>>, vector<1x16xf32>,
        %swap3A_398 = vector.shape_cast %swap3A_397 : vector<1x16xf32> to vector<16xf32>
        %swap3A_399 = vector.shape_cast %mul3A_392 : vector<16xf32> to vector<1x16xf32>
        tpu.vector_store %arg8[%swap3A_395, %swap3A_396], %swap3A_399 {strides = array<i32>} : memref<128x128xf32, #tpu.memory_space<vmem>>, vector<1x16xf32>,
        %add3A_400 = arith.constant 1 : i32
        %add3A_401 = arith.addi %mul3A_173, %add3A_400 : i32
        %get3A_402 = arith.index_cast %add3A_401 : i32 to index
        %get3A_403 = arith.constant 112 : index
        %get3A_404 = tpu.vector_load %arg8[%get3A_402, %get3A_403] {strides = array<i32>} : memref<128x128xf32, #tpu.memory_space<vmem>>, vector<1x16xf32>,
        %get3A_405 = vector.shape_cast %get3A_404 : vector<1x16xf32> to vector<16xf32>
        %mul3A_406 = vector.broadcast %squeeze3A_294 : f32 to vector<16xf32>
        %mul3A_407 = arith.mulf %get3A_405, %mul3A_406 : vector<16xf32>
        %add3A_408 = arith.constant 1 : i32
        %add3A_409 = arith.addi %mul3A_173, %add3A_408 : i32
        %swap3A_410 = arith.index_cast %add3A_409 : i32 to index
        %swap3A_411 = arith.constant 112 : index
        %swap3A_412 = tpu.vector_load %arg8[%swap3A_410, %swap3A_411] {strides = array<i32>} : memref<128x128xf32, #tpu.memory_space<vmem>>, vector<1x16xf32>,
        %swap3A_413 = vector.shape_cast %swap3A_412 : vector<1x16xf32> to vector<16xf32>
        %swap3A_414 = vector.shape_cast %mul3A_407 : vector<16xf32> to vector<1x16xf32>
        tpu.vector_store %arg8[%swap3A_410, %swap3A_411], %swap3A_414 {strides = array<i32>} : memref<128x128xf32, #tpu.memory_space<vmem>>, vector<1x16xf32>,
        %slice3A_415 = vector.extract_strided_slice %get3A_171 {offsets = [2], sizes = [1], strides = [1]} : vector<16xf32> to vector<1xf32>
        %squeeze3A_416 = vector.extract %slice3A_415[0] : f32 from vector<1xf32>
        %add3A_417 = arith.constant 2 : i32
        %add3A_418 = arith.addi %mul3A_173, %add3A_417 : i32
        %get3A_419 = arith.index_cast %add3A_418 : i32 to index
        %get3A_420 = arith.constant 0 : index
        %get3A_421 = tpu.vector_load %arg8[%get3A_419, %get3A_420] {strides = array<i32>} : memref<128x128xf32, #tpu.memory_space<vmem>>, vector<1x16xf32>,
        %get3A_422 = vector.shape_cast %get3A_421 : vector<1x16xf32> to vector<16xf32>
        %mul3A_423 = vector.broadcast %squeeze3A_416 : f32 to vector<16xf32>
        %mul3A_424 = arith.mulf %get3A_422, %mul3A_423 : vector<16xf32>
        %add3A_425 = arith.constant 2 : i32
        %add3A_426 = arith.addi %mul3A_173, %add3A_425 : i32
        %swap3A_427 = arith.index_cast %add3A_426 : i32 to index
        %swap3A_428 = arith.constant 0 : index
        %swap3A_429 = tpu.vector_load %arg8[%swap3A_427, %swap3A_428] {strides = array<i32>} : memref<128x128xf32, #tpu.memory_space<vmem>>, vector<1x16xf32>,
        %swap3A_430 = vector.shape_cast %swap3A_429 : vector<1x16xf32> to vector<16xf32>
        %swap3A_431 = vector.shape_cast %mul3A_424 : vector<16xf32> to vector<1x16xf32>
        tpu.vector_store %arg8[%swap3A_427, %swap3A_428], %swap3A_431 {strides = array<i32>} : memref<128x128xf32, #tpu.memory_space<vmem>>, vector<1x16xf32>,
        %add3A_432 = arith.constant 2 : i32
        %add3A_433 = arith.addi %mul3A_173, %add3A_432 : i32
        %get3A_434 = arith.index_cast %add3A_433 : i32 to index
        %get3A_435 = arith.constant 16 : index
        %get3A_436 = tpu.vector_load %arg8[%get3A_434, %get3A_435] {strides = array<i32>} : memref<128x128xf32, #tpu.memory_space<vmem>>, vector<1x16xf32>,
        %get3A_437 = vector.shape_cast %get3A_436 : vector<1x16xf32> to vector<16xf32>
        %mul3A_438 = vector.broadcast %squeeze3A_416 : f32 to vector<16xf32>
        %mul3A_439 = arith.mulf %get3A_437, %mul3A_438 : vector<16xf32>
        %add3A_440 = arith.constant 2 : i32
        %add3A_441 = arith.addi %mul3A_173, %add3A_440 : i32
        %swap3A_442 = arith.index_cast %add3A_441 : i32 to index
        %swap3A_443 = arith.constant 16 : index
        %swap3A_444 = tpu.vector_load %arg8[%swap3A_442, %swap3A_443] {strides = array<i32>} : memref<128x128xf32, #tpu.memory_space<vmem>>, vector<1x16xf32>,
        %swap3A_445 = vector.shape_cast %swap3A_444 : vector<1x16xf32> to vector<16xf32>
        %swap3A_446 = vector.shape_cast %mul3A_439 : vector<16xf32> to vector<1x16xf32>
        tpu.vector_store %arg8[%swap3A_442, %swap3A_443], %swap3A_446 {strides = array<i32>} : memref<128x128xf32, #tpu.memory_space<vmem>>, vector<1x16xf32>,
        %add3A_447 = arith.constant 2 : i32
        %add3A_448 = arith.addi %mul3A_173, %add3A_447 : i32
        %get3A_449 = arith.index_cast %add3A_448 : i32 to index
        %get3A_450 = arith.constant 32 : index
        %get3A_451 = tpu.vector_load %arg8[%get3A_449, %get3A_450] {strides = array<i32>} : memref<128x128xf32, #tpu.memory_space<vmem>>, vector<1x16xf32>,
        %get3A_452 = vector.shape_cast %get3A_451 : vector<1x16xf32> to vector<16xf32>
        %mul3A_453 = vector.broadcast %squeeze3A_416 : f32 to vector<16xf32>
        %mul3A_454 = arith.mulf %get3A_452, %mul3A_453 : vector<16xf32>
        %add3A_455 = arith.constant 2 : i32
        %add3A_456 = arith.addi %mul3A_173, %add3A_455 : i32
        %swap3A_457 = arith.index_cast %add3A_456 : i32 to index
        %swap3A_458 = arith.constant 32 : index
        %swap3A_459 = tpu.vector_load %arg8[%swap3A_457, %swap3A_458] {strides = array<i32>} : memref<128x128xf32, #tpu.memory_space<vmem>>, vector<1x16xf32>,
        %swap3A_460 = vector.shape_cast %swap3A_459 : vector<1x16xf32> to vector<16xf32>
        %swap3A_461 = vector.shape_cast %mul3A_454 : vector<16xf32> to vector<1x16xf32>
        tpu.vector_store %arg8[%swap3A_457, %swap3A_458], %swap3A_461 {strides = array<i32>} : memref<128x128xf32, #tpu.memory_space<vmem>>, vector<1x16xf32>,
        %add3A_462 = arith.constant 2 : i32
        %add3A_463 = arith.addi %mul3A_173, %add3A_462 : i32
        %get3A_464 = arith.index_cast %add3A_463 : i32 to index
        %get3A_465 = arith.constant 48 : index
        %get3A_466 = tpu.vector_load %arg8[%get3A_464, %get3A_465] {strides = array<i32>} : memref<128x128xf32, #tpu.memory_space<vmem>>, vector<1x16xf32>,
        %get3A_467 = vector.shape_cast %get3A_466 : vector<1x16xf32> to vector<16xf32>
        %mul3A_468 = vector.broadcast %squeeze3A_416 : f32 to vector<16xf32>
        %mul3A_469 = arith.mulf %get3A_467, %mul3A_468 : vector<16xf32>
        %add3A_470 = arith.constant 2 : i32
        %add3A_471 = arith.addi %mul3A_173, %add3A_470 : i32
        %swap3A_472 = arith.index_cast %add3A_471 : i32 to index
        %swap3A_473 = arith.constant 48 : index
        %swap3A_474 = tpu.vector_load %arg8[%swap3A_472, %swap3A_473] {strides = array<i32>} : memref<128x128xf32, #tpu.memory_space<vmem>>, vector<1x16xf32>,
        %swap3A_475 = vector.shape_cast %swap3A_474 : vector<1x16xf32> to vector<16xf32>
        %swap3A_476 = vector.shape_cast %mul3A_469 : vector<16xf32> to vector<1x16xf32>
        tpu.vector_store %arg8[%swap3A_472, %swap3A_473], %swap3A_476 {strides = array<i32>} : memref<128x128xf32, #tpu.memory_space<vmem>>, vector<1x16xf32>,
        %add3A_477 = arith.constant 2 : i32
        %add3A_478 = arith.addi %mul3A_173, %add3A_477 : i32
        %get3A_479 = arith.index_cast %add3A_478 : i32 to index
        %get3A_480 = arith.constant 64 : index
        %get3A_481 = tpu.vector_load %arg8[%get3A_479, %get3A_480] {strides = array<i32>} : memref<128x128xf32, #tpu.memory_space<vmem>>, vector<1x16xf32>,
        %get3A_482 = vector.shape_cast %get3A_481 : vector<1x16xf32> to vector<16xf32>
        %mul3A_483 = vector.broadcast %squeeze3A_416 : f32 to vector<16xf32>
        %mul3A_484 = arith.mulf %get3A_482, %mul3A_483 : vector<16xf32>
        %add3A_485 = arith.constant 2 : i32
        %add3A_486 = arith.addi %mul3A_173, %add3A_485 : i32
        %swap3A_487 = arith.index_cast %add3A_486 : i32 to index
        %swap3A_488 = arith.constant 64 : index
        %swap3A_489 = tpu.vector_load %arg8[%swap3A_487, %swap3A_488] {strides = array<i32>} : memref<128x128xf32, #tpu.memory_space<vmem>>, vector<1x16xf32>,
        %swap3A_490 = vector.shape_cast %swap3A_489 : vector<1x16xf32> to vector<16xf32>
        %swap3A_491 = vector.shape_cast %mul3A_484 : vector<16xf32> to vector<1x16xf32>
        tpu.vector_store %arg8[%swap3A_487, %swap3A_488], %swap3A_491 {strides = array<i32>} : memref<128x128xf32, #tpu.memory_space<vmem>>, vector<1x16xf32>,
        %add3A_492 = arith.constant 2 : i32
        %add3A_493 = arith.addi %mul3A_173, %add3A_492 : i32
        %get3A_494 = arith.index_cast %add3A_493 : i32 to index
        %get3A_495 = arith.constant 80 : index
        %get3A_496 = tpu.vector_load %arg8[%get3A_494, %get3A_495] {strides = array<i32>} : memref<128x128xf32, #tpu.memory_space<vmem>>, vector<1x16xf32>,
        %get3A_497 = vector.shape_cast %get3A_496 : vector<1x16xf32> to vector<16xf32>
        %mul3A_498 = vector.broadcast %squeeze3A_416 : f32 to vector<16xf32>
        %mul3A_499 = arith.mulf %get3A_497, %mul3A_498 : vector<16xf32>
        %add3A_500 = arith.constant 2 : i32
        %add3A_501 = arith.addi %mul3A_173, %add3A_500 : i32
        %swap3A_502 = arith.index_cast %add3A_501 : i32 to index
        %swap3A_503 = arith.constant 80 : index
        %swap3A_504 = tpu.vector_load %arg8[%swap3A_502, %swap3A_503] {strides = array<i32>} : memref<128x128xf32, #tpu.memory_space<vmem>>, vector<1x16xf32>,
        %swap3A_505 = vector.shape_cast %swap3A_504 : vector<1x16xf32> to vector<16xf32>
        %swap3A_506 = vector.shape_cast %mul3A_499 : vector<16xf32> to vector<1x16xf32>
        tpu.vector_store %arg8[%swap3A_502, %swap3A_503], %swap3A_506 {strides = array<i32>} : memref<128x128xf32, #tpu.memory_space<vmem>>, vector<1x16xf32>,
        %add3A_507 = arith.constant 2 : i32
        %add3A_508 = arith.addi %mul3A_173, %add3A_507 : i32
        %get3A_509 = arith.index_cast %add3A_508 : i32 to index
        %get3A_510 = arith.constant 96 : index
        %get3A_511 = tpu.vector_load %arg8[%get3A_509, %get3A_510] {strides = array<i32>} : memref<128x128xf32, #tpu.memory_space<vmem>>, vector<1x16xf32>,
        %get3A_512 = vector.shape_cast %get3A_511 : vector<1x16xf32> to vector<16xf32>
        %mul3A_513 = vector.broadcast %squeeze3A_416 : f32 to vector<16xf32>
        %mul3A_514 = arith.mulf %get3A_512, %mul3A_513 : vector<16xf32>
        %add3A_515 = arith.constant 2 : i32
        %add3A_516 = arith.addi %mul3A_173, %add3A_515 : i32
        %swap3A_517 = arith.index_cast %add3A_516 : i32 to index
        %swap3A_518 = arith.constant 96 : index
        %swap3A_519 = tpu.vector_load %arg8[%swap3A_517, %swap3A_518] {strides = array<i32>} : memref<128x128xf32, #tpu.memory_space<vmem>>, vector<1x16xf32>,
        %swap3A_520 = vector.shape_cast %swap3A_519 : vector<1x16xf32> to vector<16xf32>
        %swap3A_521 = vector.shape_cast %mul3A_514 : vector<16xf32> to vector<1x16xf32>
        tpu.vector_store %arg8[%swap3A_517, %swap3A_518], %swap3A_521 {strides = array<i32>} : memref<128x128xf32, #tpu.memory_space<vmem>>, vector<1x16xf32>,
        %add3A_522 = arith.constant 2 : i32
        %add3A_523 = arith.addi %mul3A_173, %add3A_522 : i32
        %get3A_524 = arith.index_cast %add3A_523 : i32 to index
        %get3A_525 = arith.constant 112 : index
        %get3A_526 = tpu.vector_load %arg8[%get3A_524, %get3A_525] {strides = array<i32>} : memref<128x128xf32, #tpu.memory_space<vmem>>, vector<1x16xf32>,
        %get3A_527 = vector.shape_cast %get3A_526 : vector<1x16xf32> to vector<16xf32>
        %mul3A_528 = vector.broadcast %squeeze3A_416 : f32 to vector<16xf32>
        %mul3A_529 = arith.mulf %get3A_527, %mul3A_528 : vector<16xf32>
        %add3A_530 = arith.constant 2 : i32
        %add3A_531 = arith.addi %mul3A_173, %add3A_530 : i32
        %swap3A_532 = arith.index_cast %add3A_531 : i32 to index
        %swap3A_533 = arith.constant 112 : index
        %swap3A_534 = tpu.vector_load %arg8[%swap3A_532, %swap3A_533] {strides = array<i32>} : memref<128x128xf32, #tpu.memory_space<vmem>>, vector<1x16xf32>,
        %swap3A_535 = vector.shape_cast %swap3A_534 : vector<1x16xf32> to vector<16xf32>
        %swap3A_536 = vector.shape_cast %mul3A_529 : vector<16xf32> to vector<1x16xf32>
        tpu.vector_store %arg8[%swap3A_532, %swap3A_533], %swap3A_536 {strides = array<i32>} : memref<128x128xf32, #tpu.memory_space<vmem>>, vector<1x16xf32>,
        %slice3A_537 = vector.extract_strided_slice %get3A_171 {offsets = [3], sizes = [1], strides = [1]} : vector<16xf32> to vector<1xf32>
        %squeeze3A_538 = vector.extract %slice3A_537[0] : f32 from vector<1xf32>
        %add3A_539 = arith.constant 3 : i32
        %add3A_540 = arith.addi %mul3A_173, %add3A_539 : i32
        %get3A_541 = arith.index_cast %add3A_540 : i32 to index
        %get3A_542 = arith.constant 0 : index
        %get3A_543 = tpu.vector_load %arg8[%get3A_541, %get3A_542] {strides = array<i32>} : memref<128x128xf32, #tpu.memory_space<vmem>>, vector<1x16xf32>,
        %get3A_544 = vector.shape_cast %get3A_543 : vector<1x16xf32> to vector<16xf32>
        %mul3A_545 = vector.broadcast %squeeze3A_538 : f32 to vector<16xf32>
        %mul3A_546 = arith.mulf %get3A_544, %mul3A_545 : vector<16xf32>
        %add3A_547 = arith.constant 3 : i32
        %add3A_548 = arith.addi %mul3A_173, %add3A_547 : i32
        %swap3A_549 = arith.index_cast %add3A_548 : i32 to index
        %swap3A_550 = arith.constant 0 : index
        %swap3A_551 = tpu.vector_load %arg8[%swap3A_549, %swap3A_550] {strides = array<i32>} : memref<128x128xf32, #tpu.memory_space<vmem>>, vector<1x16xf32>,
        %swap3A_552 = vector.shape_cast %swap3A_551 : vector<1x16xf32> to vector<16xf32>
        %swap3A_553 = vector.shape_cast %mul3A_546 : vector<16xf32> to vector<1x16xf32>
        tpu.vector_store %arg8[%swap3A_549, %swap3A_550], %swap3A_553 {strides = array<i32>} : memref<128x128xf32, #tpu.memory_space<vmem>>, vector<1x16xf32>,
        %add3A_554 = arith.constant 3 : i32
        %add3A_555 = arith.addi %mul3A_173, %add3A_554 : i32
        %get3A_556 = arith.index_cast %add3A_555 : i32 to index
        %get3A_557 = arith.constant 16 : index
        %get3A_558 = tpu.vector_load %arg8[%get3A_556, %get3A_557] {strides = array<i32>} : memref<128x128xf32, #tpu.memory_space<vmem>>, vector<1x16xf32>,
        %get3A_559 = vector.shape_cast %get3A_558 : vector<1x16xf32> to vector<16xf32>
        %mul3A_560 = vector.broadcast %squeeze3A_538 : f32 to vector<16xf32>
        %mul3A_561 = arith.mulf %get3A_559, %mul3A_560 : vector<16xf32>
        %add3A_562 = arith.constant 3 : i32
        %add3A_563 = arith.addi %mul3A_173, %add3A_562 : i32
        %swap3A_564 = arith.index_cast %add3A_563 : i32 to index
        %swap3A_565 = arith.constant 16 : index
        %swap3A_566 = tpu.vector_load %arg8[%swap3A_564, %swap3A_565] {strides = array<i32>} : memref<128x128xf32, #tpu.memory_space<vmem>>, vector<1x16xf32>,
        %swap3A_567 = vector.shape_cast %swap3A_566 : vector<1x16xf32> to vector<16xf32>
        %swap3A_568 = vector.shape_cast %mul3A_561 : vector<16xf32> to vector<1x16xf32>
        tpu.vector_store %arg8[%swap3A_564, %swap3A_565], %swap3A_568 {strides = array<i32>} : memref<128x128xf32, #tpu.memory_space<vmem>>, vector<1x16xf32>,
        %add3A_569 = arith.constant 3 : i32
        %add3A_570 = arith.addi %mul3A_173, %add3A_569 : i32
        %get3A_571 = arith.index_cast %add3A_570 : i32 to index
        %get3A_572 = arith.constant 32 : index
        %get3A_573 = tpu.vector_load %arg8[%get3A_571, %get3A_572] {strides = array<i32>} : memref<128x128xf32, #tpu.memory_space<vmem>>, vector<1x16xf32>,
        %get3A_574 = vector.shape_cast %get3A_573 : vector<1x16xf32> to vector<16xf32>
        %mul3A_575 = vector.broadcast %squeeze3A_538 : f32 to vector<16xf32>
        %mul3A_576 = arith.mulf %get3A_574, %mul3A_575 : vector<16xf32>
        %add3A_577 = arith.constant 3 : i32
        %add3A_578 = arith.addi %mul3A_173, %add3A_577 : i32
        %swap3A_579 = arith.index_cast %add3A_578 : i32 to index
        %swap3A_580 = arith.constant 32 : index
        %swap3A_581 = tpu.vector_load %arg8[%swap3A_579, %swap3A_580] {strides = array<i32>} : memref<128x128xf32, #tpu.memory_space<vmem>>, vector<1x16xf32>,
        %swap3A_582 = vector.shape_cast %swap3A_581 : vector<1x16xf32> to vector<16xf32>
        %swap3A_583 = vector.shape_cast %mul3A_576 : vector<16xf32> to vector<1x16xf32>
        tpu.vector_store %arg8[%swap3A_579, %swap3A_580], %swap3A_583 {strides = array<i32>} : memref<128x128xf32, #tpu.memory_space<vmem>>, vector<1x16xf32>,
        %add3A_584 = arith.constant 3 : i32
        %add3A_585 = arith.addi %mul3A_173, %add3A_584 : i32
        %get3A_586 = arith.index_cast %add3A_585 : i32 to index
        %get3A_587 = arith.constant 48 : index
        %get3A_588 = tpu.vector_load %arg8[%get3A_586, %get3A_587] {strides = array<i32>} : memref<128x128xf32, #tpu.memory_space<vmem>>, vector<1x16xf32>,
        %get3A_589 = vector.shape_cast %get3A_588 : vector<1x16xf32> to vector<16xf32>
        %mul3A_590 = vector.broadcast %squeeze3A_538 : f32 to vector<16xf32>
        %mul3A_591 = arith.mulf %get3A_589, %mul3A_590 : vector<16xf32>
        %add3A_592 = arith.constant 3 : i32
        %add3A_593 = arith.addi %mul3A_173, %add3A_592 : i32
        %swap3A_594 = arith.index_cast %add3A_593 : i32 to index
        %swap3A_595 = arith.constant 48 : index
        %swap3A_596 = tpu.vector_load %arg8[%swap3A_594, %swap3A_595] {strides = array<i32>} : memref<128x128xf32, #tpu.memory_space<vmem>>, vector<1x16xf32>,
        %swap3A_597 = vector.shape_cast %swap3A_596 : vector<1x16xf32> to vector<16xf32>
        %swap3A_598 = vector.shape_cast %mul3A_591 : vector<16xf32> to vector<1x16xf32>
        tpu.vector_store %arg8[%swap3A_594, %swap3A_595], %swap3A_598 {strides = array<i32>} : memref<128x128xf32, #tpu.memory_space<vmem>>, vector<1x16xf32>,
        %add3A_599 = arith.constant 3 : i32
        %add3A_600 = arith.addi %mul3A_173, %add3A_599 : i32
        %get3A_601 = arith.index_cast %add3A_600 : i32 to index
        %get3A_602 = arith.constant 64 : index
        %get3A_603 = tpu.vector_load %arg8[%get3A_601, %get3A_602] {strides = array<i32>} : memref<128x128xf32, #tpu.memory_space<vmem>>, vector<1x16xf32>,
        %get3A_604 = vector.shape_cast %get3A_603 : vector<1x16xf32> to vector<16xf32>
        %mul3A_605 = vector.broadcast %squeeze3A_538 : f32 to vector<16xf32>
        %mul3A_606 = arith.mulf %get3A_604, %mul3A_605 : vector<16xf32>
        %add3A_607 = arith.constant 3 : i32
        %add3A_608 = arith.addi %mul3A_173, %add3A_607 : i32
        %swap3A_609 = arith.index_cast %add3A_608 : i32 to index
        %swap3A_610 = arith.constant 64 : index
        %swap3A_611 = tpu.vector_load %arg8[%swap3A_609, %swap3A_610] {strides = array<i32>} : memref<128x128xf32, #tpu.memory_space<vmem>>, vector<1x16xf32>,
        %swap3A_612 = vector.shape_cast %swap3A_611 : vector<1x16xf32> to vector<16xf32>
        %swap3A_613 = vector.shape_cast %mul3A_606 : vector<16xf32> to vector<1x16xf32>
        tpu.vector_store %arg8[%swap3A_609, %swap3A_610], %swap3A_613 {strides = array<i32>} : memref<128x128xf32, #tpu.memory_space<vmem>>, vector<1x16xf32>,
        %add3A_614 = arith.constant 3 : i32
        %add3A_615 = arith.addi %mul3A_173, %add3A_614 : i32
        %get3A_616 = arith.index_cast %add3A_615 : i32 to index
        %get3A_617 = arith.constant 80 : index
        %get3A_618 = tpu.vector_load %arg8[%get3A_616, %get3A_617] {strides = array<i32>} : memref<128x128xf32, #tpu.memory_space<vmem>>, vector<1x16xf32>,
        %get3A_619 = vector.shape_cast %get3A_618 : vector<1x16xf32> to vector<16xf32>
        %mul3A_620 = vector.broadcast %squeeze3A_538 : f32 to vector<16xf32>
        %mul3A_621 = arith.mulf %get3A_619, %mul3A_620 : vector<16xf32>
        %add3A_622 = arith.constant 3 : i32
        %add3A_623 = arith.addi %mul3A_173, %add3A_622 : i32
        %swap3A_624 = arith.index_cast %add3A_623 : i32 to index
        %swap3A_625 = arith.constant 80 : index
        %swap3A_626 = tpu.vector_load %arg8[%swap3A_624, %swap3A_625] {strides = array<i32>} : memref<128x128xf32, #tpu.memory_space<vmem>>, vector<1x16xf32>,
        %swap3A_627 = vector.shape_cast %swap3A_626 : vector<1x16xf32> to vector<16xf32>
        %swap3A_628 = vector.shape_cast %mul3A_621 : vector<16xf32> to vector<1x16xf32>
        tpu.vector_store %arg8[%swap3A_624, %swap3A_625], %swap3A_628 {strides = array<i32>} : memref<128x128xf32, #tpu.memory_space<vmem>>, vector<1x16xf32>,
        %add3A_629 = arith.constant 3 : i32
        %add3A_630 = arith.addi %mul3A_173, %add3A_629 : i32
        %get3A_631 = arith.index_cast %add3A_630 : i32 to index
        %get3A_632 = arith.constant 96 : index
        %get3A_633 = tpu.vector_load %arg8[%get3A_631, %get3A_632] {strides = array<i32>} : memref<128x128xf32, #tpu.memory_space<vmem>>, vector<1x16xf32>,
        %get3A_634 = vector.shape_cast %get3A_633 : vector<1x16xf32> to vector<16xf32>
        %mul3A_635 = vector.broadcast %squeeze3A_538 : f32 to vector<16xf32>
        %mul3A_636 = arith.mulf %get3A_634, %mul3A_635 : vector<16xf32>
        %add3A_637 = arith.constant 3 : i32
        %add3A_638 = arith.addi %mul3A_173, %add3A_637 : i32
        %swap3A_639 = arith.index_cast %add3A_638 : i32 to index
        %swap3A_640 = arith.constant 96 : index
        %swap3A_641 = tpu.vector_load %arg8[%swap3A_639, %swap3A_640] {strides = array<i32>} : memref<128x128xf32, #tpu.memory_space<vmem>>, vector<1x16xf32>,
        %swap3A_642 = vector.shape_cast %swap3A_641 : vector<1x16xf32> to vector<16xf32>
        %swap3A_643 = vector.shape_cast %mul3A_636 : vector<16xf32> to vector<1x16xf32>
        tpu.vector_store %arg8[%swap3A_639, %swap3A_640], %swap3A_643 {strides = array<i32>} : memref<128x128xf32, #tpu.memory_space<vmem>>, vector<1x16xf32>,
        %add3A_644 = arith.constant 3 : i32
        %add3A_645 = arith.addi %mul3A_173, %add3A_644 : i32
        %get3A_646 = arith.index_cast %add3A_645 : i32 to index
        %get3A_647 = arith.constant 112 : index
        %get3A_648 = tpu.vector_load %arg8[%get3A_646, %get3A_647] {strides = array<i32>} : memref<128x128xf32, #tpu.memory_space<vmem>>, vector<1x16xf32>,
        %get3A_649 = vector.shape_cast %get3A_648 : vector<1x16xf32> to vector<16xf32>
        %mul3A_650 = vector.broadcast %squeeze3A_538 : f32 to vector<16xf32>
        %mul3A_651 = arith.mulf %get3A_649, %mul3A_650 : vector<16xf32>
        %add3A_652 = arith.constant 3 : i32
        %add3A_653 = arith.addi %mul3A_173, %add3A_652 : i32
        %swap3A_654 = arith.index_cast %add3A_653 : i32 to index
        %swap3A_655 = arith.constant 112 : index
        %swap3A_656 = tpu.vector_load %arg8[%swap3A_654, %swap3A_655] {strides = array<i32>} : memref<128x128xf32, #tpu.memory_space<vmem>>, vector<1x16xf32>,
        %swap3A_657 = vector.shape_cast %swap3A_656 : vector<1x16xf32> to vector<16xf32>
        %swap3A_658 = vector.shape_cast %mul3A_651 : vector<16xf32> to vector<1x16xf32>
        tpu.vector_store %arg8[%swap3A_654, %swap3A_655], %swap3A_658 {strides = array<i32>} : memref<128x128xf32, #tpu.memory_space<vmem>>, vector<1x16xf32>,
        %slice3A_659 = vector.extract_strided_slice %get3A_171 {offsets = [4], sizes = [1], strides = [1]} : vector<16xf32> to vector<1xf32>
        %squeeze3A_660 = vector.extract %slice3A_659[0] : f32 from vector<1xf32>
        %add3A_661 = arith.constant 4 : i32
        %add3A_662 = arith.addi %mul3A_173, %add3A_661 : i32
        %get3A_663 = arith.index_cast %add3A_662 : i32 to index
        %get3A_664 = arith.constant 0 : index
        %get3A_665 = tpu.vector_load %arg8[%get3A_663, %get3A_664] {strides = array<i32>} : memref<128x128xf32, #tpu.memory_space<vmem>>, vector<1x16xf32>,
        %get3A_666 = vector.shape_cast %get3A_665 : vector<1x16xf32> to vector<16xf32>
        %mul3A_667 = vector.broadcast %squeeze3A_660 : f32 to vector<16xf32>
        %mul3A_668 = arith.mulf %get3A_666, %mul3A_667 : vector<16xf32>
        %add3A_669 = arith.constant 4 : i32
        %add3A_670 = arith.addi %mul3A_173, %add3A_669 : i32
        %swap3A_671 = arith.index_cast %add3A_670 : i32 to index
        %swap3A_672 = arith.constant 0 : index
        %swap3A_673 = tpu.vector_load %arg8[%swap3A_671, %swap3A_672] {strides = array<i32>} : memref<128x128xf32, #tpu.memory_space<vmem>>, vector<1x16xf32>,
        %swap3A_674 = vector.shape_cast %swap3A_673 : vector<1x16xf32> to vector<16xf32>
        %swap3A_675 = vector.shape_cast %mul3A_668 : vector<16xf32> to vector<1x16xf32>
        tpu.vector_store %arg8[%swap3A_671, %swap3A_672], %swap3A_675 {strides = array<i32>} : memref<128x128xf32, #tpu.memory_space<vmem>>, vector<1x16xf32>,
        %add3A_676 = arith.constant 4 : i32
        %add3A_677 = arith.addi %mul3A_173, %add3A_676 : i32
        %get3A_678 = arith.index_cast %add3A_677 : i32 to index
        %get3A_679 = arith.constant 16 : index
        %get3A_680 = tpu.vector_load %arg8[%get3A_678, %get3A_679] {strides = array<i32>} : memref<128x128xf32, #tpu.memory_space<vmem>>, vector<1x16xf32>,
        %get3A_681 = vector.shape_cast %get3A_680 : vector<1x16xf32> to vector<16xf32>
        %mul3A_682 = vector.broadcast %squeeze3A_660 : f32 to vector<16xf32>
        %mul3A_683 = arith.mulf %get3A_681, %mul3A_682 : vector<16xf32>
        %add3A_684 = arith.constant 4 : i32
        %add3A_685 = arith.addi %mul3A_173, %add3A_684 : i32
        %swap3A_686 = arith.index_cast %add3A_685 : i32 to index
        %swap3A_687 = arith.constant 16 : index
        %swap3A_688 = tpu.vector_load %arg8[%swap3A_686, %swap3A_687] {strides = array<i32>} : memref<128x128xf32, #tpu.memory_space<vmem>>, vector<1x16xf32>,
        %swap3A_689 = vector.shape_cast %swap3A_688 : vector<1x16xf32> to vector<16xf32>
        %swap3A_690 = vector.shape_cast %mul3A_683 : vector<16xf32> to vector<1x16xf32>
        tpu.vector_store %arg8[%swap3A_686, %swap3A_687], %swap3A_690 {strides = array<i32>} : memref<128x128xf32, #tpu.memory_space<vmem>>, vector<1x16xf32>,
        %add3A_691 = arith.constant 4 : i32
        %add3A_692 = arith.addi %mul3A_173, %add3A_691 : i32
        %get3A_693 = arith.index_cast %add3A_692 : i32 to index
        %get3A_694 = arith.constant 32 : index
        %get3A_695 = tpu.vector_load %arg8[%get3A_693, %get3A_694] {strides = array<i32>} : memref<128x128xf32, #tpu.memory_space<vmem>>, vector<1x16xf32>,
        %get3A_696 = vector.shape_cast %get3A_695 : vector<1x16xf32> to vector<16xf32>
        %mul3A_697 = vector.broadcast %squeeze3A_660 : f32 to vector<16xf32>
        %mul3A_698 = arith.mulf %get3A_696, %mul3A_697 : vector<16xf32>
        %add3A_699 = arith.constant 4 : i32
        %add3A_700 = arith.addi %mul3A_173, %add3A_699 : i32
        %swap3A_701 = arith.index_cast %add3A_700 : i32 to index
        %swap3A_702 = arith.constant 32 : index
        %swap3A_703 = tpu.vector_load %arg8[%swap3A_701, %swap3A_702] {strides = array<i32>} : memref<128x128xf32, #tpu.memory_space<vmem>>, vector<1x16xf32>,
        %swap3A_704 = vector.shape_cast %swap3A_703 : vector<1x16xf32> to vector<16xf32>
        %swap3A_705 = vector.shape_cast %mul3A_698 : vector<16xf32> to vector<1x16xf32>
        tpu.vector_store %arg8[%swap3A_701, %swap3A_702], %swap3A_705 {strides = array<i32>} : memref<128x128xf32, #tpu.memory_space<vmem>>, vector<1x16xf32>,
        %add3A_706 = arith.constant 4 : i32
        %add3A_707 = arith.addi %mul3A_173, %add3A_706 : i32
        %get3A_708 = arith.index_cast %add3A_707 : i32 to index
        %get3A_709 = arith.constant 48 : index
        %get3A_710 = tpu.vector_load %arg8[%get3A_708, %get3A_709] {strides = array<i32>} : memref<128x128xf32, #tpu.memory_space<vmem>>, vector<1x16xf32>,
        %get3A_711 = vector.shape_cast %get3A_710 : vector<1x16xf32> to vector<16xf32>
        %mul3A_712 = vector.broadcast %squeeze3A_660 : f32 to vector<16xf32>
        %mul3A_713 = arith.mulf %get3A_711, %mul3A_712 : vector<16xf32>
        %add3A_714 = arith.constant 4 : i32
        %add3A_715 = arith.addi %mul3A_173, %add3A_714 : i32
        %swap3A_716 = arith.index_cast %add3A_715 : i32 to index
        %swap3A_717 = arith.constant 48 : index
        %swap3A_718 = tpu.vector_load %arg8[%swap3A_716, %swap3A_717] {strides = array<i32>} : memref<128x128xf32, #tpu.memory_space<vmem>>, vector<1x16xf32>,
        %swap3A_719 = vector.shape_cast %swap3A_718 : vector<1x16xf32> to vector<16xf32>
        %swap3A_720 = vector.shape_cast %mul3A_713 : vector<16xf32> to vector<1x16xf32>
        tpu.vector_store %arg8[%swap3A_716, %swap3A_717], %swap3A_720 {strides = array<i32>} : memref<128x128xf32, #tpu.memory_space<vmem>>, vector<1x16xf32>,
        %add3A_721 = arith.constant 4 : i32
        %add3A_722 = arith.addi %mul3A_173, %add3A_721 : i32
        %get3A_723 = arith.index_cast %add3A_722 : i32 to index
        %get3A_724 = arith.constant 64 : index
        %get3A_725 = tpu.vector_load %arg8[%get3A_723, %get3A_724] {strides = array<i32>} : memref<128x128xf32, #tpu.memory_space<vmem>>, vector<1x16xf32>,
        %get3A_726 = vector.shape_cast %get3A_725 : vector<1x16xf32> to vector<16xf32>
        %mul3A_727 = vector.broadcast %squeeze3A_660 : f32 to vector<16xf32>
        %mul3A_728 = arith.mulf %get3A_726, %mul3A_727 : vector<16xf32>
        %add3A_729 = arith.constant 4 : i32
        %add3A_730 = arith.addi %mul3A_173, %add3A_729 : i32
        %swap3A_731 = arith.index_cast %add3A_730 : i32 to index
        %swap3A_732 = arith.constant 64 : index
        %swap3A_733 = tpu.vector_load %arg8[%swap3A_731, %swap3A_732] {strides = array<i32>} : memref<128x128xf32, #tpu.memory_space<vmem>>, vector<1x16xf32>,
        %swap3A_734 = vector.shape_cast %swap3A_733 : vector<1x16xf32> to vector<16xf32>
        %swap3A_735 = vector.shape_cast %mul3A_728 : vector<16xf32> to vector<1x16xf32>
        tpu.vector_store %arg8[%swap3A_731, %swap3A_732], %swap3A_735 {strides = array<i32>} : memref<128x128xf32, #tpu.memory_space<vmem>>, vector<1x16xf32>,
        %add3A_736 = arith.constant 4 : i32
        %add3A_737 = arith.addi %mul3A_173, %add3A_736 : i32
        %get3A_738 = arith.index_cast %add3A_737 : i32 to index
        %get3A_739 = arith.constant 80 : index
        %get3A_740 = tpu.vector_load %arg8[%get3A_738, %get3A_739] {strides = array<i32>} : memref<128x128xf32, #tpu.memory_space<vmem>>, vector<1x16xf32>,
        %get3A_741 = vector.shape_cast %get3A_740 : vector<1x16xf32> to vector<16xf32>
        %mul3A_742 = vector.broadcast %squeeze3A_660 : f32 to vector<16xf32>
        %mul3A_743 = arith.mulf %get3A_741, %mul3A_742 : vector<16xf32>
        %add3A_744 = arith.constant 4 : i32
        %add3A_745 = arith.addi %mul3A_173, %add3A_744 : i32
        %swap3A_746 = arith.index_cast %add3A_745 : i32 to index
        %swap3A_747 = arith.constant 80 : index
        %swap3A_748 = tpu.vector_load %arg8[%swap3A_746, %swap3A_747] {strides = array<i32>} : memref<128x128xf32, #tpu.memory_space<vmem>>, vector<1x16xf32>,
        %swap3A_749 = vector.shape_cast %swap3A_748 : vector<1x16xf32> to vector<16xf32>
        %swap3A_750 = vector.shape_cast %mul3A_743 : vector<16xf32> to vector<1x16xf32>
        tpu.vector_store %arg8[%swap3A_746, %swap3A_747], %swap3A_750 {strides = array<i32>} : memref<128x128xf32, #tpu.memory_space<vmem>>, vector<1x16xf32>,
        %add3A_751 = arith.constant 4 : i32
        %add3A_752 = arith.addi %mul3A_173, %add3A_751 : i32
        %get3A_753 = arith.index_cast %add3A_752 : i32 to index
        %get3A_754 = arith.constant 96 : index
        %get3A_755 = tpu.vector_load %arg8[%get3A_753, %get3A_754] {strides = array<i32>} : memref<128x128xf32, #tpu.memory_space<vmem>>, vector<1x16xf32>,
        %get3A_756 = vector.shape_cast %get3A_755 : vector<1x16xf32> to vector<16xf32>
        %mul3A_757 = vector.broadcast %squeeze3A_660 : f32 to vector<16xf32>
        %mul3A_758 = arith.mulf %get3A_756, %mul3A_757 : vector<16xf32>
        %add3A_759 = arith.constant 4 : i32
        %add3A_760 = arith.addi %mul3A_173, %add3A_759 : i32
        %swap3A_761 = arith.index_cast %add3A_760 : i32 to index
        %swap3A_762 = arith.constant 96 : index
        %swap3A_763 = tpu.vector_load %arg8[%swap3A_761, %swap3A_762] {strides = array<i32>} : memref<128x128xf32, #tpu.memory_space<vmem>>, vector<1x16xf32>,
        %swap3A_764 = vector.shape_cast %swap3A_763 : vector<1x16xf32> to vector<16xf32>
        %swap3A_765 = vector.shape_cast %mul3A_758 : vector<16xf32> to vector<1x16xf32>
        tpu.vector_store %arg8[%swap3A_761, %swap3A_762], %swap3A_765 {strides = array<i32>} : memref<128x128xf32, #tpu.memory_space<vmem>>, vector<1x16xf32>,
        %add3A_766 = arith.constant 4 : i32
        %add3A_767 = arith.addi %mul3A_173, %add3A_766 : i32
        %get3A_768 = arith.index_cast %add3A_767 : i32 to index
        %get3A_769 = arith.constant 112 : index
        %get3A_770 = tpu.vector_load %arg8[%get3A_768, %get3A_769] {strides = array<i32>} : memref<128x128xf32, #tpu.memory_space<vmem>>, vector<1x16xf32>,
        %get3A_771 = vector.shape_cast %get3A_770 : vector<1x16xf32> to vector<16xf32>
        %mul3A_772 = vector.broadcast %squeeze3A_660 : f32 to vector<16xf32>
        %mul3A_773 = arith.mulf %get3A_771, %mul3A_772 : vector<16xf32>
        %add3A_774 = arith.constant 4 : i32
        %add3A_775 = arith.addi %mul3A_173, %add3A_774 : i32
        %swap3A_776 = arith.index_cast %add3A_775 : i32 to index
        %swap3A_777 = arith.constant 112 : index
        %swap3A_778 = tpu.vector_load %arg8[%swap3A_776, %swap3A_777] {strides = array<i32>} : memref<128x128xf32, #tpu.memory_space<vmem>>, vector<1x16xf32>,
        %swap3A_779 = vector.shape_cast %swap3A_778 : vector<1x16xf32> to vector<16xf32>
        %swap3A_780 = vector.shape_cast %mul3A_773 : vector<16xf32> to vector<1x16xf32>
        tpu.vector_store %arg8[%swap3A_776, %swap3A_777], %swap3A_780 {strides = array<i32>} : memref<128x128xf32, #tpu.memory_space<vmem>>, vector<1x16xf32>,
        %slice3A_781 = vector.extract_strided_slice %get3A_171 {offsets = [5], sizes = [1], strides = [1]} : vector<16xf32> to vector<1xf32>
        %squeeze3A_782 = vector.extract %slice3A_781[0] : f32 from vector<1xf32>
        %add3A_783 = arith.constant 5 : i32
        %add3A_784 = arith.addi %mul3A_173, %add3A_783 : i32
        %get3A_785 = arith.index_cast %add3A_784 : i32 to index
        %get3A_786 = arith.constant 0 : index
        %get3A_787 = tpu.vector_load %arg8[%get3A_785, %get3A_786] {strides = array<i32>} : memref<128x128xf32, #tpu.memory_space<vmem>>, vector<1x16xf32>,
        %get3A_788 = vector.shape_cast %get3A_787 : vector<1x16xf32> to vector<16xf32>
        %mul3A_789 = vector.broadcast %squeeze3A_782 : f32 to vector<16xf32>
        %mul3A_790 = arith.mulf %get3A_788, %mul3A_789 : vector<16xf32>
        %add3A_791 = arith.constant 5 : i32
        %add3A_792 = arith.addi %mul3A_173, %add3A_791 : i32
        %swap3A_793 = arith.index_cast %add3A_792 : i32 to index
        %swap3A_794 = arith.constant 0 : index
        %swap3A_795 = tpu.vector_load %arg8[%swap3A_793, %swap3A_794] {strides = array<i32>} : memref<128x128xf32, #tpu.memory_space<vmem>>, vector<1x16xf32>,
        %swap3A_796 = vector.shape_cast %swap3A_795 : vector<1x16xf32> to vector<16xf32>
        %swap3A_797 = vector.shape_cast %mul3A_790 : vector<16xf32> to vector<1x16xf32>
        tpu.vector_store %arg8[%swap3A_793, %swap3A_794], %swap3A_797 {strides = array<i32>} : memref<128x128xf32, #tpu.memory_space<vmem>>, vector<1x16xf32>,
        %add3A_798 = arith.constant 5 : i32
        %add3A_799 = arith.addi %mul3A_173, %add3A_798 : i32
        %get3A_800 = arith.index_cast %add3A_799 : i32 to index
        %get3A_801 = arith.constant 16 : index
        %get3A_802 = tpu.vector_load %arg8[%get3A_800, %get3A_801] {strides = array<i32>} : memref<128x128xf32, #tpu.memory_space<vmem>>, vector<1x16xf32>,
        %get3A_803 = vector.shape_cast %get3A_802 : vector<1x16xf32> to vector<16xf32>
        %mul3A_804 = vector.broadcast %squeeze3A_782 : f32 to vector<16xf32>
        %mul3A_805 = arith.mulf %get3A_803, %mul3A_804 : vector<16xf32>
        %add3A_806 = arith.constant 5 : i32
        %add3A_807 = arith.addi %mul3A_173, %add3A_806 : i32
        %swap3A_808 = arith.index_cast %add3A_807 : i32 to index
        %swap3A_809 = arith.constant 16 : index
        %swap3A_810 = tpu.vector_load %arg8[%swap3A_808, %swap3A_809] {strides = array<i32>} : memref<128x128xf32, #tpu.memory_space<vmem>>, vector<1x16xf32>,
        %swap3A_811 = vector.shape_cast %swap3A_810 : vector<1x16xf32> to vector<16xf32>
        %swap3A_812 = vector.shape_cast %mul3A_805 : vector<16xf32> to vector<1x16xf32>
        tpu.vector_store %arg8[%swap3A_808, %swap3A_809], %swap3A_812 {strides = array<i32>} : memref<128x128xf32, #tpu.memory_space<vmem>>, vector<1x16xf32>,
        %add3A_813 = arith.constant 5 : i32
        %add3A_814 = arith.addi %mul3A_173, %add3A_813 : i32
        %get3A_815 = arith.index_cast %add3A_814 : i32 to index
        %get3A_816 = arith.constant 32 : index
        %get3A_817 = tpu.vector_load %arg8[%get3A_815, %get3A_816] {strides = array<i32>} : memref<128x128xf32, #tpu.memory_space<vmem>>, vector<1x16xf32>,
        %get3A_818 = vector.shape_cast %get3A_817 : vector<1x16xf32> to vector<16xf32>
        %mul3A_819 = vector.broadcast %squeeze3A_782 : f32 to vector<16xf32>
        %mul3A_820 = arith.mulf %get3A_818, %mul3A_819 : vector<16xf32>
        %add3A_821 = arith.constant 5 : i32
        %add3A_822 = arith.addi %mul3A_173, %add3A_821 : i32
        %swap3A_823 = arith.index_cast %add3A_822 : i32 to index
        %swap3A_824 = arith.constant 32 : index
        %swap3A_825 = tpu.vector_load %arg8[%swap3A_823, %swap3A_824] {strides = array<i32>} : memref<128x128xf32, #tpu.memory_space<vmem>>, vector<1x16xf32>,
        %swap3A_826 = vector.shape_cast %swap3A_825 : vector<1x16xf32> to vector<16xf32>
        %swap3A_827 = vector.shape_cast %mul3A_820 : vector<16xf32> to vector<1x16xf32>
        tpu.vector_store %arg8[%swap3A_823, %swap3A_824], %swap3A_827 {strides = array<i32>} : memref<128x128xf32, #tpu.memory_space<vmem>>, vector<1x16xf32>,
        %add3A_828 = arith.constant 5 : i32
        %add3A_829 = arith.addi %mul3A_173, %add3A_828 : i32
        %get3A_830 = arith.index_cast %add3A_829 : i32 to index
        %get3A_831 = arith.constant 48 : index
        %get3A_832 = tpu.vector_load %arg8[%get3A_830, %get3A_831] {strides = array<i32>} : memref<128x128xf32, #tpu.memory_space<vmem>>, vector<1x16xf32>,
        %get3A_833 = vector.shape_cast %get3A_832 : vector<1x16xf32> to vector<16xf32>
        %mul3A_834 = vector.broadcast %squeeze3A_782 : f32 to vector<16xf32>
        %mul3A_835 = arith.mulf %get3A_833, %mul3A_834 : vector<16xf32>
        %add3A_836 = arith.constant 5 : i32
        %add3A_837 = arith.addi %mul3A_173, %add3A_836 : i32
        %swap3A_838 = arith.index_cast %add3A_837 : i32 to index
        %swap3A_839 = arith.constant 48 : index
        %swap3A_840 = tpu.vector_load %arg8[%swap3A_838, %swap3A_839] {strides = array<i32>} : memref<128x128xf32, #tpu.memory_space<vmem>>, vector<1x16xf32>,
        %swap3A_841 = vector.shape_cast %swap3A_840 : vector<1x16xf32> to vector<16xf32>
        %swap3A_842 = vector.shape_cast %mul3A_835 : vector<16xf32> to vector<1x16xf32>
        tpu.vector_store %arg8[%swap3A_838, %swap3A_839], %swap3A_842 {strides = array<i32>} : memref<128x128xf32, #tpu.memory_space<vmem>>, vector<1x16xf32>,
        %add3A_843 = arith.constant 5 : i32
        %add3A_844 = arith.addi %mul3A_173, %add3A_843 : i32
        %get3A_845 = arith.index_cast %add3A_844 : i32 to index
        %get3A_846 = arith.constant 64 : index
        %get3A_847 = tpu.vector_load %arg8[%get3A_845, %get3A_846] {strides = array<i32>} : memref<128x128xf32, #tpu.memory_space<vmem>>, vector<1x16xf32>,
        %get3A_848 = vector.shape_cast %get3A_847 : vector<1x16xf32> to vector<16xf32>
        %mul3A_849 = vector.broadcast %squeeze3A_782 : f32 to vector<16xf32>
        %mul3A_850 = arith.mulf %get3A_848, %mul3A_849 : vector<16xf32>
        %add3A_851 = arith.constant 5 : i32
        %add3A_852 = arith.addi %mul3A_173, %add3A_851 : i32
        %swap3A_853 = arith.index_cast %add3A_852 : i32 to index
        %swap3A_854 = arith.constant 64 : index
        %swap3A_855 = tpu.vector_load %arg8[%swap3A_853, %swap3A_854] {strides = array<i32>} : memref<128x128xf32, #tpu.memory_space<vmem>>, vector<1x16xf32>,
        %swap3A_856 = vector.shape_cast %swap3A_855 : vector<1x16xf32> to vector<16xf32>
        %swap3A_857 = vector.shape_cast %mul3A_850 : vector<16xf32> to vector<1x16xf32>
        tpu.vector_store %arg8[%swap3A_853, %swap3A_854], %swap3A_857 {strides = array<i32>} : memref<128x128xf32, #tpu.memory_space<vmem>>, vector<1x16xf32>,
        %add3A_858 = arith.constant 5 : i32
        %add3A_859 = arith.addi %mul3A_173, %add3A_858 : i32
        %get3A_860 = arith.index_cast %add3A_859 : i32 to index
        %get3A_861 = arith.constant 80 : index
        %get3A_862 = tpu.vector_load %arg8[%get3A_860, %get3A_861] {strides = array<i32>} : memref<128x128xf32, #tpu.memory_space<vmem>>, vector<1x16xf32>,
        %get3A_863 = vector.shape_cast %get3A_862 : vector<1x16xf32> to vector<16xf32>
        %mul3A_864 = vector.broadcast %squeeze3A_782 : f32 to vector<16xf32>
        %mul3A_865 = arith.mulf %get3A_863, %mul3A_864 : vector<16xf32>
        %add3A_866 = arith.constant 5 : i32
        %add3A_867 = arith.addi %mul3A_173, %add3A_866 : i32
        %swap3A_868 = arith.index_cast %add3A_867 : i32 to index
        %swap3A_869 = arith.constant 80 : index
        %swap3A_870 = tpu.vector_load %arg8[%swap3A_868, %swap3A_869] {strides = array<i32>} : memref<128x128xf32, #tpu.memory_space<vmem>>, vector<1x16xf32>,
        %swap3A_871 = vector.shape_cast %swap3A_870 : vector<1x16xf32> to vector<16xf32>
        %swap3A_872 = vector.shape_cast %mul3A_865 : vector<16xf32> to vector<1x16xf32>
        tpu.vector_store %arg8[%swap3A_868, %swap3A_869], %swap3A_872 {strides = array<i32>} : memref<128x128xf32, #tpu.memory_space<vmem>>, vector<1x16xf32>,
        %add3A_873 = arith.constant 5 : i32
        %add3A_874 = arith.addi %mul3A_173, %add3A_873 : i32
        %get3A_875 = arith.index_cast %add3A_874 : i32 to index
        %get3A_876 = arith.constant 96 : index
        %get3A_877 = tpu.vector_load %arg8[%get3A_875, %get3A_876] {strides = array<i32>} : memref<128x128xf32, #tpu.memory_space<vmem>>, vector<1x16xf32>,
        %get3A_878 = vector.shape_cast %get3A_877 : vector<1x16xf32> to vector<16xf32>
        %mul3A_879 = vector.broadcast %squeeze3A_782 : f32 to vector<16xf32>
        %mul3A_880 = arith.mulf %get3A_878, %mul3A_879 : vector<16xf32>
        %add3A_881 = arith.constant 5 : i32
        %add3A_882 = arith.addi %mul3A_173, %add3A_881 : i32
        %swap3A_883 = arith.index_cast %add3A_882 : i32 to index
        %swap3A_884 = arith.constant 96 : index
        %swap3A_885 = tpu.vector_load %arg8[%swap3A_883, %swap3A_884] {strides = array<i32>} : memref<128x128xf32, #tpu.memory_space<vmem>>, vector<1x16xf32>,
        %swap3A_886 = vector.shape_cast %swap3A_885 : vector<1x16xf32> to vector<16xf32>
        %swap3A_887 = vector.shape_cast %mul3A_880 : vector<16xf32> to vector<1x16xf32>
        tpu.vector_store %arg8[%swap3A_883, %swap3A_884], %swap3A_887 {strides = array<i32>} : memref<128x128xf32, #tpu.memory_space<vmem>>, vector<1x16xf32>,
        %add3A_888 = arith.constant 5 : i32
        %add3A_889 = arith.addi %mul3A_173, %add3A_888 : i32
        %get3A_890 = arith.index_cast %add3A_889 : i32 to index
        %get3A_891 = arith.constant 112 : index
        %get3A_892 = tpu.vector_load %arg8[%get3A_890, %get3A_891] {strides = array<i32>} : memref<128x128xf32, #tpu.memory_space<vmem>>, vector<1x16xf32>,
        %get3A_893 = vector.shape_cast %get3A_892 : vector<1x16xf32> to vector<16xf32>
        %mul3A_894 = vector.broadcast %squeeze3A_782 : f32 to vector<16xf32>
        %mul3A_895 = arith.mulf %get3A_893, %mul3A_894 : vector<16xf32>
        %add3A_896 = arith.constant 5 : i32
        %add3A_897 = arith.addi %mul3A_173, %add3A_896 : i32
        %swap3A_898 = arith.index_cast %add3A_897 : i32 to index
        %swap3A_899 = arith.constant 112 : index
        %swap3A_900 = tpu.vector_load %arg8[%swap3A_898, %swap3A_899] {strides = array<i32>} : memref<128x128xf32, #tpu.memory_space<vmem>>, vector<1x16xf32>,
        %swap3A_901 = vector.shape_cast %swap3A_900 : vector<1x16xf32> to vector<16xf32>
        %swap3A_902 = vector.shape_cast %mul3A_895 : vector<16xf32> to vector<1x16xf32>
        tpu.vector_store %arg8[%swap3A_898, %swap3A_899], %swap3A_902 {strides = array<i32>} : memref<128x128xf32, #tpu.memory_space<vmem>>, vector<1x16xf32>,
        %slice3A_903 = vector.extract_strided_slice %get3A_171 {offsets = [6], sizes = [1], strides = [1]} : vector<16xf32> to vector<1xf32>
        %squeeze3A_904 = vector.extract %slice3A_903[0] : f32 from vector<1xf32>
        %add3A_905 = arith.constant 6 : i32
        %add3A_906 = arith.addi %mul3A_173, %add3A_905 : i32
        %get3A_907 = arith.index_cast %add3A_906 : i32 to index
        %get3A_908 = arith.constant 0 : index
        %get3A_909 = tpu.vector_load %arg8[%get3A_907, %get3A_908] {strides = array<i32>} : memref<128x128xf32, #tpu.memory_space<vmem>>, vector<1x16xf32>,
        %get3A_910 = vector.shape_cast %get3A_909 : vector<1x16xf32> to vector<16xf32>
        %mul3A_911 = vector.broadcast %squeeze3A_904 : f32 to vector<16xf32>
        %mul3A_912 = arith.mulf %get3A_910, %mul3A_911 : vector<16xf32>
        %add3A_913 = arith.constant 6 : i32
        %add3A_914 = arith.addi %mul3A_173, %add3A_913 : i32
        %swap3A_915 = arith.index_cast %add3A_914 : i32 to index
        %swap3A_916 = arith.constant 0 : index
        %swap3A_917 = tpu.vector_load %arg8[%swap3A_915, %swap3A_916] {strides = array<i32>} : memref<128x128xf32, #tpu.memory_space<vmem>>, vector<1x16xf32>,
        %swap3A_918 = vector.shape_cast %swap3A_917 : vector<1x16xf32> to vector<16xf32>
        %swap3A_919 = vector.shape_cast %mul3A_912 : vector<16xf32> to vector<1x16xf32>
        tpu.vector_store %arg8[%swap3A_915, %swap3A_916], %swap3A_919 {strides = array<i32>} : memref<128x128xf32, #tpu.memory_space<vmem>>, vector<1x16xf32>,
        %add3A_920 = arith.constant 6 : i32
        %add3A_921 = arith.addi %mul3A_173, %add3A_920 : i32
        %get3A_922 = arith.index_cast %add3A_921 : i32 to index
        %get3A_923 = arith.constant 16 : index
        %get3A_924 = tpu.vector_load %arg8[%get3A_922, %get3A_923] {strides = array<i32>} : memref<128x128xf32, #tpu.memory_space<vmem>>, vector<1x16xf32>,
        %get3A_925 = vector.shape_cast %get3A_924 : vector<1x16xf32> to vector<16xf32>
        %mul3A_926 = vector.broadcast %squeeze3A_904 : f32 to vector<16xf32>
        %mul3A_927 = arith.mulf %get3A_925, %mul3A_926 : vector<16xf32>
        %add3A_928 = arith.constant 6 : i32
        %add3A_929 = arith.addi %mul3A_173, %add3A_928 : i32
        %swap3A_930 = arith.index_cast %add3A_929 : i32 to index
        %swap3A_931 = arith.constant 16 : index
        %swap3A_932 = tpu.vector_load %arg8[%swap3A_930, %swap3A_931] {strides = array<i32>} : memref<128x128xf32, #tpu.memory_space<vmem>>, vector<1x16xf32>,
        %swap3A_933 = vector.shape_cast %swap3A_932 : vector<1x16xf32> to vector<16xf32>
        %swap3A_934 = vector.shape_cast %mul3A_927 : vector<16xf32> to vector<1x16xf32>
        tpu.vector_store %arg8[%swap3A_930, %swap3A_931], %swap3A_934 {strides = array<i32>} : memref<128x128xf32, #tpu.memory_space<vmem>>, vector<1x16xf32>,
        %add3A_935 = arith.constant 6 : i32
        %add3A_936 = arith.addi %mul3A_173, %add3A_935 : i32
        %get3A_937 = arith.index_cast %add3A_936 : i32 to index
        %get3A_938 = arith.constant 32 : index
        %get3A_939 = tpu.vector_load %arg8[%get3A_937, %get3A_938] {strides = array<i32>} : memref<128x128xf32, #tpu.memory_space<vmem>>, vector<1x16xf32>,
        %get3A_940 = vector.shape_cast %get3A_939 : vector<1x16xf32> to vector<16xf32>
        %mul3A_941 = vector.broadcast %squeeze3A_904 : f32 to vector<16xf32>
        %mul3A_942 = arith.mulf %get3A_940, %mul3A_941 : vector<16xf32>
        %add3A_943 = arith.constant 6 : i32
        %add3A_944 = arith.addi %mul3A_173, %add3A_943 : i32
        %swap3A_945 = arith.index_cast %add3A_944 : i32 to index
        %swap3A_946 = arith.constant 32 : index
        %swap3A_947 = tpu.vector_load %arg8[%swap3A_945, %swap3A_946] {strides = array<i32>} : memref<128x128xf32, #tpu.memory_space<vmem>>, vector<1x16xf32>,
        %swap3A_948 = vector.shape_cast %swap3A_947 : vector<1x16xf32> to vector<16xf32>
        %swap3A_949 = vector.shape_cast %mul3A_942 : vector<16xf32> to vector<1x16xf32>
        tpu.vector_store %arg8[%swap3A_945, %swap3A_946], %swap3A_949 {strides = array<i32>} : memref<128x128xf32, #tpu.memory_space<vmem>>, vector<1x16xf32>,
        %add3A_950 = arith.constant 6 : i32
        %add3A_951 = arith.addi %mul3A_173, %add3A_950 : i32
        %get3A_952 = arith.index_cast %add3A_951 : i32 to index
        %get3A_953 = arith.constant 48 : index
        %get3A_954 = tpu.vector_load %arg8[%get3A_952, %get3A_953] {strides = array<i32>} : memref<128x128xf32, #tpu.memory_space<vmem>>, vector<1x16xf32>,
        %get3A_955 = vector.shape_cast %get3A_954 : vector<1x16xf32> to vector<16xf32>
        %mul3A_956 = vector.broadcast %squeeze3A_904 : f32 to vector<16xf32>
        %mul3A_957 = arith.mulf %get3A_955, %mul3A_956 : vector<16xf32>
        %add3A_958 = arith.constant 6 : i32
        %add3A_959 = arith.addi %mul3A_173, %add3A_958 : i32
        %swap3A_960 = arith.index_cast %add3A_959 : i32 to index
        %swap3A_961 = arith.constant 48 : index
        %swap3A_962 = tpu.vector_load %arg8[%swap3A_960, %swap3A_961] {strides = array<i32>} : memref<128x128xf32, #tpu.memory_space<vmem>>, vector<1x16xf32>,
        %swap3A_963 = vector.shape_cast %swap3A_962 : vector<1x16xf32> to vector<16xf32>
        %swap3A_964 = vector.shape_cast %mul3A_957 : vector<16xf32> to vector<1x16xf32>
        tpu.vector_store %arg8[%swap3A_960, %swap3A_961], %swap3A_964 {strides = array<i32>} : memref<128x128xf32, #tpu.memory_space<vmem>>, vector<1x16xf32>,
        %add3A_965 = arith.constant 6 : i32
        %add3A_966 = arith.addi %mul3A_173, %add3A_965 : i32
        %get3A_967 = arith.index_cast %add3A_966 : i32 to index
        %get3A_968 = arith.constant 64 : index
        %get3A_969 = tpu.vector_load %arg8[%get3A_967, %get3A_968] {strides = array<i32>} : memref<128x128xf32, #tpu.memory_space<vmem>>, vector<1x16xf32>,
        %get3A_970 = vector.shape_cast %get3A_969 : vector<1x16xf32> to vector<16xf32>
        %mul3A_971 = vector.broadcast %squeeze3A_904 : f32 to vector<16xf32>
        %mul3A_972 = arith.mulf %get3A_970, %mul3A_971 : vector<16xf32>
        %add3A_973 = arith.constant 6 : i32
        %add3A_974 = arith.addi %mul3A_173, %add3A_973 : i32
        %swap3A_975 = arith.index_cast %add3A_974 : i32 to index
        %swap3A_976 = arith.constant 64 : index
        %swap3A_977 = tpu.vector_load %arg8[%swap3A_975, %swap3A_976] {strides = array<i32>} : memref<128x128xf32, #tpu.memory_space<vmem>>, vector<1x16xf32>,
        %swap3A_978 = vector.shape_cast %swap3A_977 : vector<1x16xf32> to vector<16xf32>
        %swap3A_979 = vector.shape_cast %mul3A_972 : vector<16xf32> to vector<1x16xf32>
        tpu.vector_store %arg8[%swap3A_975, %swap3A_976], %swap3A_979 {strides = array<i32>} : memref<128x128xf32, #tpu.memory_space<vmem>>, vector<1x16xf32>,
        %add3A_980 = arith.constant 6 : i32
        %add3A_981 = arith.addi %mul3A_173, %add3A_980 : i32
        %get3A_982 = arith.index_cast %add3A_981 : i32 to index
        %get3A_983 = arith.constant 80 : index
        %get3A_984 = tpu.vector_load %arg8[%get3A_982, %get3A_983] {strides = array<i32>} : memref<128x128xf32, #tpu.memory_space<vmem>>, vector<1x16xf32>,
        %get3A_985 = vector.shape_cast %get3A_984 : vector<1x16xf32> to vector<16xf32>
        %mul3A_986 = vector.broadcast %squeeze3A_904 : f32 to vector<16xf32>
        %mul3A_987 = arith.mulf %get3A_985, %mul3A_986 : vector<16xf32>
        %add3A_988 = arith.constant 6 : i32
        %add3A_989 = arith.addi %mul3A_173, %add3A_988 : i32
        %swap3A_990 = arith.index_cast %add3A_989 : i32 to index
        %swap3A_991 = arith.constant 80 : index
        %swap3A_992 = tpu.vector_load %arg8[%swap3A_990, %swap3A_991] {strides = array<i32>} : memref<128x128xf32, #tpu.memory_space<vmem>>, vector<1x16xf32>,
        %swap3A_993 = vector.shape_cast %swap3A_992 : vector<1x16xf32> to vector<16xf32>
        %swap3A_994 = vector.shape_cast %mul3A_987 : vector<16xf32> to vector<1x16xf32>
        tpu.vector_store %arg8[%swap3A_990, %swap3A_991], %swap3A_994 {strides = array<i32>} : memref<128x128xf32, #tpu.memory_space<vmem>>, vector<1x16xf32>,
        %add3A_995 = arith.constant 6 : i32
        %add3A_996 = arith.addi %mul3A_173, %add3A_995 : i32
        %get3A_997 = arith.index_cast %add3A_996 : i32 to index
        %get3A_998 = arith.constant 96 : index
        %get3A_999 = tpu.vector_load %arg8[%get3A_997, %get3A_998] {strides = array<i32>} : memref<128x128xf32, #tpu.memory_space<vmem>>, vector<1x16xf32>,
        %get3A_1000 = vector.shape_cast %get3A_999 : vector<1x16xf32> to vector<16xf32>
        %mul3A_1001 = vector.broadcast %squeeze3A_904 : f32 to vector<16xf32>
        %mul3A_1002 = arith.mulf %get3A_1000, %mul3A_1001 : vector<16xf32>
        %add3A_1003 = arith.constant 6 : i32
        %add3A_1004 = arith.addi %mul3A_173, %add3A_1003 : i32
        %swap3A_1005 = arith.index_cast %add3A_1004 : i32 to index
        %swap3A_1006 = arith.constant 96 : index
        %swap3A_1007 = tpu.vector_load %arg8[%swap3A_1005, %swap3A_1006] {strides = array<i32>} : memref<128x128xf32, #tpu.memory_space<vmem>>, vector<1x16xf32>,
        %swap3A_1008 = vector.shape_cast %swap3A_1007 : vector<1x16xf32> to vector<16xf32>
        %swap3A_1009 = vector.shape_cast %mul3A_1002 : vector<16xf32> to vector<1x16xf32>
        tpu.vector_store %arg8[%swap3A_1005, %swap3A_1006], %swap3A_1009 {strides = array<i32>} : memref<128x128xf32, #tpu.memory_space<vmem>>, vector<1x16xf32>,
        %add3A_1010 = arith.constant 6 : i32
        %add3A_1011 = arith.addi %mul3A_173, %add3A_1010 : i32
        %get3A_1012 = arith.index_cast %add3A_1011 : i32 to index
        %get3A_1013 = arith.constant 112 : index
        %get3A_1014 = tpu.vector_load %arg8[%get3A_1012, %get3A_1013] {strides = array<i32>} : memref<128x128xf32, #tpu.memory_space<vmem>>, vector<1x16xf32>,
        %get3A_1015 = vector.shape_cast %get3A_1014 : vector<1x16xf32> to vector<16xf32>
        %mul3A_1016 = vector.broadcast %squeeze3A_904 : f32 to vector<16xf32>
        %mul3A_1017 = arith.mulf %get3A_1015, %mul3A_1016 : vector<16xf32>
        %add3A_1018 = arith.constant 6 : i32
        %add3A_1019 = arith.addi %mul3A_173, %add3A_1018 : i32
        %swap3A_1020 = arith.index_cast %add3A_1019 : i32 to index
        %swap3A_1021 = arith.constant 112 : index
        %swap3A_1022 = tpu.vector_load %arg8[%swap3A_1020, %swap3A_1021] {strides = array<i32>} : memref<128x128xf32, #tpu.memory_space<vmem>>, vector<1x16xf32>,
        %swap3A_1023 = vector.shape_cast %swap3A_1022 : vector<1x16xf32> to vector<16xf32>
        %swap3A_1024 = vector.shape_cast %mul3A_1017 : vector<16xf32> to vector<1x16xf32>
        tpu.vector_store %arg8[%swap3A_1020, %swap3A_1021], %swap3A_1024 {strides = array<i32>} : memref<128x128xf32, #tpu.memory_space<vmem>>, vector<1x16xf32>,
        %slice3A_1025 = vector.extract_strided_slice %get3A_171 {offsets = [7], sizes = [1], strides = [1]} : vector<16xf32> to vector<1xf32>
        %squeeze3A_1026 = vector.extract %slice3A_1025[0] : f32 from vector<1xf32>
        %add3A_1027 = arith.constant 7 : i32
        %add3A_1028 = arith.addi %mul3A_173, %add3A_1027 : i32
        %get3A_1029 = arith.index_cast %add3A_1028 : i32 to index
        %get3A_1030 = arith.constant 0 : index
        %get3A_1031 = tpu.vector_load %arg8[%get3A_1029, %get3A_1030] {strides = array<i32>} : memref<128x128xf32, #tpu.memory_space<vmem>>, vector<1x16xf32>,
        %get3A_1032 = vector.shape_cast %get3A_1031 : vector<1x16xf32> to vector<16xf32>
        %mul3A_1033 = vector.broadcast %squeeze3A_1026 : f32 to vector<16xf32>
        %mul3A_1034 = arith.mulf %get3A_1032, %mul3A_1033 : vector<16xf32>
        %add3A_1035 = arith.constant 7 : i32
        %add3A_1036 = arith.addi %mul3A_173, %add3A_1035 : i32
        %swap3A_1037 = arith.index_cast %add3A_1036 : i32 to index
        %swap3A_1038 = arith.constant 0 : index
        %swap3A_1039 = tpu.vector_load %arg8[%swap3A_1037, %swap3A_1038] {strides = array<i32>} : memref<128x128xf32, #tpu.memory_space<vmem>>, vector<1x16xf32>,
        %swap3A_1040 = vector.shape_cast %swap3A_1039 : vector<1x16xf32> to vector<16xf32>
        %swap3A_1041 = vector.shape_cast %mul3A_1034 : vector<16xf32> to vector<1x16xf32>
        tpu.vector_store %arg8[%swap3A_1037, %swap3A_1038], %swap3A_1041 {strides = array<i32>} : memref<128x128xf32, #tpu.memory_space<vmem>>, vector<1x16xf32>,
        %add3A_1042 = arith.constant 7 : i32
        %add3A_1043 = arith.addi %mul3A_173, %add3A_1042 : i32
        %get3A_1044 = arith.index_cast %add3A_1043 : i32 to index
        %get3A_1045 = arith.constant 16 : index
        %get3A_1046 = tpu.vector_load %arg8[%get3A_1044, %get3A_1045] {strides = array<i32>} : memref<128x128xf32, #tpu.memory_space<vmem>>, vector<1x16xf32>,
        %get3A_1047 = vector.shape_cast %get3A_1046 : vector<1x16xf32> to vector<16xf32>
        %mul3A_1048 = vector.broadcast %squeeze3A_1026 : f32 to vector<16xf32>
        %mul3A_1049 = arith.mulf %get3A_1047, %mul3A_1048 : vector<16xf32>
        %add3A_1050 = arith.constant 7 : i32
        %add3A_1051 = arith.addi %mul3A_173, %add3A_1050 : i32
        %swap3A_1052 = arith.index_cast %add3A_1051 : i32 to index
        %swap3A_1053 = arith.constant 16 : index
        %swap3A_1054 = tpu.vector_load %arg8[%swap3A_1052, %swap3A_1053] {strides = array<i32>} : memref<128x128xf32, #tpu.memory_space<vmem>>, vector<1x16xf32>,
        %swap3A_1055 = vector.shape_cast %swap3A_1054 : vector<1x16xf32> to vector<16xf32>
        %swap3A_1056 = vector.shape_cast %mul3A_1049 : vector<16xf32> to vector<1x16xf32>
        tpu.vector_store %arg8[%swap3A_1052, %swap3A_1053], %swap3A_1056 {strides = array<i32>} : memref<128x128xf32, #tpu.memory_space<vmem>>, vector<1x16xf32>,
        %add3A_1057 = arith.constant 7 : i32
        %add3A_1058 = arith.addi %mul3A_173, %add3A_1057 : i32
        %get3A_1059 = arith.index_cast %add3A_1058 : i32 to index
        %get3A_1060 = arith.constant 32 : index
        %get3A_1061 = tpu.vector_load %arg8[%get3A_1059, %get3A_1060] {strides = array<i32>} : memref<128x128xf32, #tpu.memory_space<vmem>>, vector<1x16xf32>,
        %get3A_1062 = vector.shape_cast %get3A_1061 : vector<1x16xf32> to vector<16xf32>
        %mul3A_1063 = vector.broadcast %squeeze3A_1026 : f32 to vector<16xf32>
        %mul3A_1064 = arith.mulf %get3A_1062, %mul3A_1063 : vector<16xf32>
        %add3A_1065 = arith.constant 7 : i32
        %add3A_1066 = arith.addi %mul3A_173, %add3A_1065 : i32
        %swap3A_1067 = arith.index_cast %add3A_1066 : i32 to index
        %swap3A_1068 = arith.constant 32 : index
        %swap3A_1069 = tpu.vector_load %arg8[%swap3A_1067, %swap3A_1068] {strides = array<i32>} : memref<128x128xf32, #tpu.memory_space<vmem>>, vector<1x16xf32>,
        %swap3A_1070 = vector.shape_cast %swap3A_1069 : vector<1x16xf32> to vector<16xf32>
        %swap3A_1071 = vector.shape_cast %mul3A_1064 : vector<16xf32> to vector<1x16xf32>
        tpu.vector_store %arg8[%swap3A_1067, %swap3A_1068], %swap3A_1071 {strides = array<i32>} : memref<128x128xf32, #tpu.memory_space<vmem>>, vector<1x16xf32>,
        %add3A_1072 = arith.constant 7 : i32
        %add3A_1073 = arith.addi %mul3A_173, %add3A_1072 : i32
        %get3A_1074 = arith.index_cast %add3A_1073 : i32 to index
        %get3A_1075 = arith.constant 48 : index
        %get3A_1076 = tpu.vector_load %arg8[%get3A_1074, %get3A_1075] {strides = array<i32>} : memref<128x128xf32, #tpu.memory_space<vmem>>, vector<1x16xf32>,
        %get3A_1077 = vector.shape_cast %get3A_1076 : vector<1x16xf32> to vector<16xf32>
        %mul3A_1078 = vector.broadcast %squeeze3A_1026 : f32 to vector<16xf32>
        %mul3A_1079 = arith.mulf %get3A_1077, %mul3A_1078 : vector<16xf32>
        %add3A_1080 = arith.constant 7 : i32
        %add3A_1081 = arith.addi %mul3A_173, %add3A_1080 : i32
        %swap3A_1082 = arith.index_cast %add3A_1081 : i32 to index
        %swap3A_1083 = arith.constant 48 : index
        %swap3A_1084 = tpu.vector_load %arg8[%swap3A_1082, %swap3A_1083] {strides = array<i32>} : memref<128x128xf32, #tpu.memory_space<vmem>>, vector<1x16xf32>,
        %swap3A_1085 = vector.shape_cast %swap3A_1084 : vector<1x16xf32> to vector<16xf32>
        %swap3A_1086 = vector.shape_cast %mul3A_1079 : vector<16xf32> to vector<1x16xf32>
        tpu.vector_store %arg8[%swap3A_1082, %swap3A_1083], %swap3A_1086 {strides = array<i32>} : memref<128x128xf32, #tpu.memory_space<vmem>>, vector<1x16xf32>,
        %add3A_1087 = arith.constant 7 : i32
        %add3A_1088 = arith.addi %mul3A_173, %add3A_1087 : i32
        %get3A_1089 = arith.index_cast %add3A_1088 : i32 to index
        %get3A_1090 = arith.constant 64 : index
        %get3A_1091 = tpu.vector_load %arg8[%get3A_1089, %get3A_1090] {strides = array<i32>} : memref<128x128xf32, #tpu.memory_space<vmem>>, vector<1x16xf32>,
        %get3A_1092 = vector.shape_cast %get3A_1091 : vector<1x16xf32> to vector<16xf32>
        %mul3A_1093 = vector.broadcast %squeeze3A_1026 : f32 to vector<16xf32>
        %mul3A_1094 = arith.mulf %get3A_1092, %mul3A_1093 : vector<16xf32>
        %add3A_1095 = arith.constant 7 : i32
        %add3A_1096 = arith.addi %mul3A_173, %add3A_1095 : i32
        %swap3A_1097 = arith.index_cast %add3A_1096 : i32 to index
        %swap3A_1098 = arith.constant 64 : index
        %swap3A_1099 = tpu.vector_load %arg8[%swap3A_1097, %swap3A_1098] {strides = array<i32>} : memref<128x128xf32, #tpu.memory_space<vmem>>, vector<1x16xf32>,
        %swap3A_1100 = vector.shape_cast %swap3A_1099 : vector<1x16xf32> to vector<16xf32>
        %swap3A_1101 = vector.shape_cast %mul3A_1094 : vector<16xf32> to vector<1x16xf32>
        tpu.vector_store %arg8[%swap3A_1097, %swap3A_1098], %swap3A_1101 {strides = array<i32>} : memref<128x128xf32, #tpu.memory_space<vmem>>, vector<1x16xf32>,
        %add3A_1102 = arith.constant 7 : i32
        %add3A_1103 = arith.addi %mul3A_173, %add3A_1102 : i32
        %get3A_1104 = arith.index_cast %add3A_1103 : i32 to index
        %get3A_1105 = arith.constant 80 : index
        %get3A_1106 = tpu.vector_load %arg8[%get3A_1104, %get3A_1105] {strides = array<i32>} : memref<128x128xf32, #tpu.memory_space<vmem>>, vector<1x16xf32>,
        %get3A_1107 = vector.shape_cast %get3A_1106 : vector<1x16xf32> to vector<16xf32>
        %mul3A_1108 = vector.broadcast %squeeze3A_1026 : f32 to vector<16xf32>
        %mul3A_1109 = arith.mulf %get3A_1107, %mul3A_1108 : vector<16xf32>
        %add3A_1110 = arith.constant 7 : i32
        %add3A_1111 = arith.addi %mul3A_173, %add3A_1110 : i32
        %swap3A_1112 = arith.index_cast %add3A_1111 : i32 to index
        %swap3A_1113 = arith.constant 80 : index
        %swap3A_1114 = tpu.vector_load %arg8[%swap3A_1112, %swap3A_1113] {strides = array<i32>} : memref<128x128xf32, #tpu.memory_space<vmem>>, vector<1x16xf32>,
        %swap3A_1115 = vector.shape_cast %swap3A_1114 : vector<1x16xf32> to vector<16xf32>
        %swap3A_1116 = vector.shape_cast %mul3A_1109 : vector<16xf32> to vector<1x16xf32>
        tpu.vector_store %arg8[%swap3A_1112, %swap3A_1113], %swap3A_1116 {strides = array<i32>} : memref<128x128xf32, #tpu.memory_space<vmem>>, vector<1x16xf32>,
        %add3A_1117 = arith.constant 7 : i32
        %add3A_1118 = arith.addi %mul3A_173, %add3A_1117 : i32
        %get3A_1119 = arith.index_cast %add3A_1118 : i32 to index
        %get3A_1120 = arith.constant 96 : index
        %get3A_1121 = tpu.vector_load %arg8[%get3A_1119, %get3A_1120] {strides = array<i32>} : memref<128x128xf32, #tpu.memory_space<vmem>>, vector<1x16xf32>,
        %get3A_1122 = vector.shape_cast %get3A_1121 : vector<1x16xf32> to vector<16xf32>
        %mul3A_1123 = vector.broadcast %squeeze3A_1026 : f32 to vector<16xf32>
        %mul3A_1124 = arith.mulf %get3A_1122, %mul3A_1123 : vector<16xf32>
        %add3A_1125 = arith.constant 7 : i32
        %add3A_1126 = arith.addi %mul3A_173, %add3A_1125 : i32
        %swap3A_1127 = arith.index_cast %add3A_1126 : i32 to index
        %swap3A_1128 = arith.constant 96 : index
        %swap3A_1129 = tpu.vector_load %arg8[%swap3A_1127, %swap3A_1128] {strides = array<i32>} : memref<128x128xf32, #tpu.memory_space<vmem>>, vector<1x16xf32>,
        %swap3A_1130 = vector.shape_cast %swap3A_1129 : vector<1x16xf32> to vector<16xf32>
        %swap3A_1131 = vector.shape_cast %mul3A_1124 : vector<16xf32> to vector<1x16xf32>
        tpu.vector_store %arg8[%swap3A_1127, %swap3A_1128], %swap3A_1131 {strides = array<i32>} : memref<128x128xf32, #tpu.memory_space<vmem>>, vector<1x16xf32>,
        %add3A_1132 = arith.constant 7 : i32
        %add3A_1133 = arith.addi %mul3A_173, %add3A_1132 : i32
        %get3A_1134 = arith.index_cast %add3A_1133 : i32 to index
        %get3A_1135 = arith.constant 112 : index
        %get3A_1136 = tpu.vector_load %arg8[%get3A_1134, %get3A_1135] {strides = array<i32>} : memref<128x128xf32, #tpu.memory_space<vmem>>, vector<1x16xf32>,
        %get3A_1137 = vector.shape_cast %get3A_1136 : vector<1x16xf32> to vector<16xf32>
        %mul3A_1138 = vector.broadcast %squeeze3A_1026 : f32 to vector<16xf32>
        %mul3A_1139 = arith.mulf %get3A_1137, %mul3A_1138 : vector<16xf32>
        %add3A_1140 = arith.constant 7 : i32
        %add3A_1141 = arith.addi %mul3A_173, %add3A_1140 : i32
        %swap3A_1142 = arith.index_cast %add3A_1141 : i32 to index
        %swap3A_1143 = arith.constant 112 : index
        %swap3A_1144 = tpu.vector_load %arg8[%swap3A_1142, %swap3A_1143] {strides = array<i32>} : memref<128x128xf32, #tpu.memory_space<vmem>>, vector<1x16xf32>,
        %swap3A_1145 = vector.shape_cast %swap3A_1144 : vector<1x16xf32> to vector<16xf32>
        %swap3A_1146 = vector.shape_cast %mul3A_1139 : vector<16xf32> to vector<1x16xf32>
        tpu.vector_store %arg8[%swap3A_1142, %swap3A_1143], %swap3A_1146 {strides = array<i32>} : memref<128x128xf32, #tpu.memory_space<vmem>>, vector<1x16xf32>,
        %slice3A_1147 = vector.extract_strided_slice %get3A_171 {offsets = [8], sizes = [1], strides = [1]} : vector<16xf32> to vector<1xf32>
        %squeeze3A_1148 = vector.extract %slice3A_1147[0] : f32 from vector<1xf32>
        %add3A_1149 = arith.constant 8 : i32
        %add3A_1150 = arith.addi %mul3A_173, %add3A_1149 : i32
        %get3A_1151 = arith.index_cast %add3A_1150 : i32 to index
        %get3A_1152 = arith.constant 0 : index
        %get3A_1153 = tpu.vector_load %arg8[%get3A_1151, %get3A_1152] {strides = array<i32>} : memref<128x128xf32, #tpu.memory_space<vmem>>, vector<1x16xf32>,
        %get3A_1154 = vector.shape_cast %get3A_1153 : vector<1x16xf32> to vector<16xf32>
        %mul3A_1155 = vector.broadcast %squeeze3A_1148 : f32 to vector<16xf32>
        %mul3A_1156 = arith.mulf %get3A_1154, %mul3A_1155 : vector<16xf32>
        %add3A_1157 = arith.constant 8 : i32
        %add3A_1158 = arith.addi %mul3A_173, %add3A_1157 : i32
        %swap3A_1159 = arith.index_cast %add3A_1158 : i32 to index
        %swap3A_1160 = arith.constant 0 : index
        %swap3A_1161 = tpu.vector_load %arg8[%swap3A_1159, %swap3A_1160] {strides = array<i32>} : memref<128x128xf32, #tpu.memory_space<vmem>>, vector<1x16xf32>,
        %swap3A_1162 = vector.shape_cast %swap3A_1161 : vector<1x16xf32> to vector<16xf32>
        %swap3A_1163 = vector.shape_cast %mul3A_1156 : vector<16xf32> to vector<1x16xf32>
        tpu.vector_store %arg8[%swap3A_1159, %swap3A_1160], %swap3A_1163 {strides = array<i32>} : memref<128x128xf32, #tpu.memory_space<vmem>>, vector<1x16xf32>,
        %add3A_1164 = arith.constant 8 : i32
        %add3A_1165 = arith.addi %mul3A_173, %add3A_1164 : i32
        %get3A_1166 = arith.index_cast %add3A_1165 : i32 to index
        %get3A_1167 = arith.constant 16 : index
        %get3A_1168 = tpu.vector_load %arg8[%get3A_1166, %get3A_1167] {strides = array<i32>} : memref<128x128xf32, #tpu.memory_space<vmem>>, vector<1x16xf32>,
        %get3A_1169 = vector.shape_cast %get3A_1168 : vector<1x16xf32> to vector<16xf32>
        %mul3A_1170 = vector.broadcast %squeeze3A_1148 : f32 to vector<16xf32>
        %mul3A_1171 = arith.mulf %get3A_1169, %mul3A_1170 : vector<16xf32>
        %add3A_1172 = arith.constant 8 : i32
        %add3A_1173 = arith.addi %mul3A_173, %add3A_1172 : i32
        %swap3A_1174 = arith.index_cast %add3A_1173 : i32 to index
        %swap3A_1175 = arith.constant 16 : index
        %swap3A_1176 = tpu.vector_load %arg8[%swap3A_1174, %swap3A_1175] {strides = array<i32>} : memref<128x128xf32, #tpu.memory_space<vmem>>, vector<1x16xf32>,
        %swap3A_1177 = vector.shape_cast %swap3A_1176 : vector<1x16xf32> to vector<16xf32>
        %swap3A_1178 = vector.shape_cast %mul3A_1171 : vector<16xf32> to vector<1x16xf32>
        tpu.vector_store %arg8[%swap3A_1174, %swap3A_1175], %swap3A_1178 {strides = array<i32>} : memref<128x128xf32, #tpu.memory_space<vmem>>, vector<1x16xf32>,
        %add3A_1179 = arith.constant 8 : i32
        %add3A_1180 = arith.addi %mul3A_173, %add3A_1179 : i32
        %get3A_1181 = arith.index_cast %add3A_1180 : i32 to index
        %get3A_1182 = arith.constant 32 : index
        %get3A_1183 = tpu.vector_load %arg8[%get3A_1181, %get3A_1182] {strides = array<i32>} : memref<128x128xf32, #tpu.memory_space<vmem>>, vector<1x16xf32>,
        %get3A_1184 = vector.shape_cast %get3A_1183 : vector<1x16xf32> to vector<16xf32>
        %mul3A_1185 = vector.broadcast %squeeze3A_1148 : f32 to vector<16xf32>
        %mul3A_1186 = arith.mulf %get3A_1184, %mul3A_1185 : vector<16xf32>
        %add3A_1187 = arith.constant 8 : i32
        %add3A_1188 = arith.addi %mul3A_173, %add3A_1187 : i32
        %swap3A_1189 = arith.index_cast %add3A_1188 : i32 to index
        %swap3A_1190 = arith.constant 32 : index
        %swap3A_1191 = tpu.vector_load %arg8[%swap3A_1189, %swap3A_1190] {strides = array<i32>} : memref<128x128xf32, #tpu.memory_space<vmem>>, vector<1x16xf32>,
        %swap3A_1192 = vector.shape_cast %swap3A_1191 : vector<1x16xf32> to vector<16xf32>
        %swap3A_1193 = vector.shape_cast %mul3A_1186 : vector<16xf32> to vector<1x16xf32>
        tpu.vector_store %arg8[%swap3A_1189, %swap3A_1190], %swap3A_1193 {strides = array<i32>} : memref<128x128xf32, #tpu.memory_space<vmem>>, vector<1x16xf32>,
        %add3A_1194 = arith.constant 8 : i32
        %add3A_1195 = arith.addi %mul3A_173, %add3A_1194 : i32
        %get3A_1196 = arith.index_cast %add3A_1195 : i32 to index
        %get3A_1197 = arith.constant 48 : index
        %get3A_1198 = tpu.vector_load %arg8[%get3A_1196, %get3A_1197] {strides = array<i32>} : memref<128x128xf32, #tpu.memory_space<vmem>>, vector<1x16xf32>,
        %get3A_1199 = vector.shape_cast %get3A_1198 : vector<1x16xf32> to vector<16xf32>
        %mul3A_1200 = vector.broadcast %squeeze3A_1148 : f32 to vector<16xf32>
        %mul3A_1201 = arith.mulf %get3A_1199, %mul3A_1200 : vector<16xf32>
        %add3A_1202 = arith.constant 8 : i32
        %add3A_1203 = arith.addi %mul3A_173, %add3A_1202 : i32
        %swap3A_1204 = arith.index_cast %add3A_1203 : i32 to index
        %swap3A_1205 = arith.constant 48 : index
        %swap3A_1206 = tpu.vector_load %arg8[%swap3A_1204, %swap3A_1205] {strides = array<i32>} : memref<128x128xf32, #tpu.memory_space<vmem>>, vector<1x16xf32>,
        %swap3A_1207 = vector.shape_cast %swap3A_1206 : vector<1x16xf32> to vector<16xf32>
        %swap3A_1208 = vector.shape_cast %mul3A_1201 : vector<16xf32> to vector<1x16xf32>
        tpu.vector_store %arg8[%swap3A_1204, %swap3A_1205], %swap3A_1208 {strides = array<i32>} : memref<128x128xf32, #tpu.memory_space<vmem>>, vector<1x16xf32>,
        %add3A_1209 = arith.constant 8 : i32
        %add3A_1210 = arith.addi %mul3A_173, %add3A_1209 : i32
        %get3A_1211 = arith.index_cast %add3A_1210 : i32 to index
        %get3A_1212 = arith.constant 64 : index
        %get3A_1213 = tpu.vector_load %arg8[%get3A_1211, %get3A_1212] {strides = array<i32>} : memref<128x128xf32, #tpu.memory_space<vmem>>, vector<1x16xf32>,
        %get3A_1214 = vector.shape_cast %get3A_1213 : vector<1x16xf32> to vector<16xf32>
        %mul3A_1215 = vector.broadcast %squeeze3A_1148 : f32 to vector<16xf32>
        %mul3A_1216 = arith.mulf %get3A_1214, %mul3A_1215 : vector<16xf32>
        %add3A_1217 = arith.constant 8 : i32
        %add3A_1218 = arith.addi %mul3A_173, %add3A_1217 : i32
        %swap3A_1219 = arith.index_cast %add3A_1218 : i32 to index
        %swap3A_1220 = arith.constant 64 : index
        %swap3A_1221 = tpu.vector_load %arg8[%swap3A_1219, %swap3A_1220] {strides = array<i32>} : memref<128x128xf32, #tpu.memory_space<vmem>>, vector<1x16xf32>,
        %swap3A_1222 = vector.shape_cast %swap3A_1221 : vector<1x16xf32> to vector<16xf32>
        %swap3A_1223 = vector.shape_cast %mul3A_1216 : vector<16xf32> to vector<1x16xf32>
        tpu.vector_store %arg8[%swap3A_1219, %swap3A_1220], %swap3A_1223 {strides = array<i32>} : memref<128x128xf32, #tpu.memory_space<vmem>>, vector<1x16xf32>,
        %add3A_1224 = arith.constant 8 : i32
        %add3A_1225 = arith.addi %mul3A_173, %add3A_1224 : i32
        %get3A_1226 = arith.index_cast %add3A_1225 : i32 to index
        %get3A_1227 = arith.constant 80 : index
        %get3A_1228 = tpu.vector_load %arg8[%get3A_1226, %get3A_1227] {strides = array<i32>} : memref<128x128xf32, #tpu.memory_space<vmem>>, vector<1x16xf32>,
        %get3A_1229 = vector.shape_cast %get3A_1228 : vector<1x16xf32> to vector<16xf32>
        %mul3A_1230 = vector.broadcast %squeeze3A_1148 : f32 to vector<16xf32>
        %mul3A_1231 = arith.mulf %get3A_1229, %mul3A_1230 : vector<16xf32>
        %add3A_1232 = arith.constant 8 : i32
        %add3A_1233 = arith.addi %mul3A_173, %add3A_1232 : i32
        %swap3A_1234 = arith.index_cast %add3A_1233 : i32 to index
        %swap3A_1235 = arith.constant 80 : index
        %swap3A_1236 = tpu.vector_load %arg8[%swap3A_1234, %swap3A_1235] {strides = array<i32>} : memref<128x128xf32, #tpu.memory_space<vmem>>, vector<1x16xf32>,
        %swap3A_1237 = vector.shape_cast %swap3A_1236 : vector<1x16xf32> to vector<16xf32>
        %swap3A_1238 = vector.shape_cast %mul3A_1231 : vector<16xf32> to vector<1x16xf32>
        tpu.vector_store %arg8[%swap3A_1234, %swap3A_1235], %swap3A_1238 {strides = array<i32>} : memref<128x128xf32, #tpu.memory_space<vmem>>, vector<1x16xf32>,
        %add3A_1239 = arith.constant 8 : i32
        %add3A_1240 = arith.addi %mul3A_173, %add3A_1239 : i32
        %get3A_1241 = arith.index_cast %add3A_1240 : i32 to index
        %get3A_1242 = arith.constant 96 : index
        %get3A_1243 = tpu.vector_load %arg8[%get3A_1241, %get3A_1242] {strides = array<i32>} : memref<128x128xf32, #tpu.memory_space<vmem>>, vector<1x16xf32>,
        %get3A_1244 = vector.shape_cast %get3A_1243 : vector<1x16xf32> to vector<16xf32>
        %mul3A_1245 = vector.broadcast %squeeze3A_1148 : f32 to vector<16xf32>
        %mul3A_1246 = arith.mulf %get3A_1244, %mul3A_1245 : vector<16xf32>
        %add3A_1247 = arith.constant 8 : i32
        %add3A_1248 = arith.addi %mul3A_173, %add3A_1247 : i32
        %swap3A_1249 = arith.index_cast %add3A_1248 : i32 to index
        %swap3A_1250 = arith.constant 96 : index
        %swap3A_1251 = tpu.vector_load %arg8[%swap3A_1249, %swap3A_1250] {strides = array<i32>} : memref<128x128xf32, #tpu.memory_space<vmem>>, vector<1x16xf32>,
        %swap3A_1252 = vector.shape_cast %swap3A_1251 : vector<1x16xf32> to vector<16xf32>
        %swap3A_1253 = vector.shape_cast %mul3A_1246 : vector<16xf32> to vector<1x16xf32>
        tpu.vector_store %arg8[%swap3A_1249, %swap3A_1250], %swap3A_1253 {strides = array<i32>} : memref<128x128xf32, #tpu.memory_space<vmem>>, vector<1x16xf32>,
        %add3A_1254 = arith.constant 8 : i32
        %add3A_1255 = arith.addi %mul3A_173, %add3A_1254 : i32
        %get3A_1256 = arith.index_cast %add3A_1255 : i32 to index
        %get3A_1257 = arith.constant 112 : index
        %get3A_1258 = tpu.vector_load %arg8[%get3A_1256, %get3A_1257] {strides = array<i32>} : memref<128x128xf32, #tpu.memory_space<vmem>>, vector<1x16xf32>,
        %get3A_1259 = vector.shape_cast %get3A_1258 : vector<1x16xf32> to vector<16xf32>
        %mul3A_1260 = vector.broadcast %squeeze3A_1148 : f32 to vector<16xf32>
        %mul3A_1261 = arith.mulf %get3A_1259, %mul3A_1260 : vector<16xf32>
        %add3A_1262 = arith.constant 8 : i32
        %add3A_1263 = arith.addi %mul3A_173, %add3A_1262 : i32
        %swap3A_1264 = arith.index_cast %add3A_1263 : i32 to index
        %swap3A_1265 = arith.constant 112 : index
        %swap3A_1266 = tpu.vector_load %arg8[%swap3A_1264, %swap3A_1265] {strides = array<i32>} : memref<128x128xf32, #tpu.memory_space<vmem>>, vector<1x16xf32>,
        %swap3A_1267 = vector.shape_cast %swap3A_1266 : vector<1x16xf32> to vector<16xf32>
        %swap3A_1268 = vector.shape_cast %mul3A_1261 : vector<16xf32> to vector<1x16xf32>
        tpu.vector_store %arg8[%swap3A_1264, %swap3A_1265], %swap3A_1268 {strides = array<i32>} : memref<128x128xf32, #tpu.memory_space<vmem>>, vector<1x16xf32>,
        %slice3A_1269 = vector.extract_strided_slice %get3A_171 {offsets = [9], sizes = [1], strides = [1]} : vector<16xf32> to vector<1xf32>
        %squeeze3A_1270 = vector.extract %slice3A_1269[0] : f32 from vector<1xf32>
        %add3A_1271 = arith.constant 9 : i32
        %add3A_1272 = arith.addi %mul3A_173, %add3A_1271 : i32
        %get3A_1273 = arith.index_cast %add3A_1272 : i32 to index
        %get3A_1274 = arith.constant 0 : index
        %get3A_1275 = tpu.vector_load %arg8[%get3A_1273, %get3A_1274] {strides = array<i32>} : memref<128x128xf32, #tpu.memory_space<vmem>>, vector<1x16xf32>,
        %get3A_1276 = vector.shape_cast %get3A_1275 : vector<1x16xf32> to vector<16xf32>
        %mul3A_1277 = vector.broadcast %squeeze3A_1270 : f32 to vector<16xf32>
        %mul3A_1278 = arith.mulf %get3A_1276, %mul3A_1277 : vector<16xf32>
        %add3A_1279 = arith.constant 9 : i32
        %add3A_1280 = arith.addi %mul3A_173, %add3A_1279 : i32
        %swap3A_1281 = arith.index_cast %add3A_1280 : i32 to index
        %swap3A_1282 = arith.constant 0 : index
        %swap3A_1283 = tpu.vector_load %arg8[%swap3A_1281, %swap3A_1282] {strides = array<i32>} : memref<128x128xf32, #tpu.memory_space<vmem>>, vector<1x16xf32>,
        %swap3A_1284 = vector.shape_cast %swap3A_1283 : vector<1x16xf32> to vector<16xf32>
        %swap3A_1285 = vector.shape_cast %mul3A_1278 : vector<16xf32> to vector<1x16xf32>
        tpu.vector_store %arg8[%swap3A_1281, %swap3A_1282], %swap3A_1285 {strides = array<i32>} : memref<128x128xf32, #tpu.memory_space<vmem>>, vector<1x16xf32>,
        %add3A_1286 = arith.constant 9 : i32
        %add3A_1287 = arith.addi %mul3A_173, %add3A_1286 : i32
        %get3A_1288 = arith.index_cast %add3A_1287 : i32 to index
        %get3A_1289 = arith.constant 16 : index
        %get3A_1290 = tpu.vector_load %arg8[%get3A_1288, %get3A_1289] {strides = array<i32>} : memref<128x128xf32, #tpu.memory_space<vmem>>, vector<1x16xf32>,
        %get3A_1291 = vector.shape_cast %get3A_1290 : vector<1x16xf32> to vector<16xf32>
        %mul3A_1292 = vector.broadcast %squeeze3A_1270 : f32 to vector<16xf32>
        %mul3A_1293 = arith.mulf %get3A_1291, %mul3A_1292 : vector<16xf32>
        %add3A_1294 = arith.constant 9 : i32
        %add3A_1295 = arith.addi %mul3A_173, %add3A_1294 : i32
        %swap3A_1296 = arith.index_cast %add3A_1295 : i32 to index
        %swap3A_1297 = arith.constant 16 : index
        %swap3A_1298 = tpu.vector_load %arg8[%swap3A_1296, %swap3A_1297] {strides = array<i32>} : memref<128x128xf32, #tpu.memory_space<vmem>>, vector<1x16xf32>,
        %swap3A_1299 = vector.shape_cast %swap3A_1298 : vector<1x16xf32> to vector<16xf32>
        %swap3A_1300 = vector.shape_cast %mul3A_1293 : vector<16xf32> to vector<1x16xf32>
        tpu.vector_store %arg8[%swap3A_1296, %swap3A_1297], %swap3A_1300 {strides = array<i32>} : memref<128x128xf32, #tpu.memory_space<vmem>>, vector<1x16xf32>,
        %add3A_1301 = arith.constant 9 : i32
        %add3A_1302 = arith.addi %mul3A_173, %add3A_1301 : i32
        %get3A_1303 = arith.index_cast %add3A_1302 : i32 to index
        %get3A_1304 = arith.constant 32 : index
        %get3A_1305 = tpu.vector_load %arg8[%get3A_1303, %get3A_1304] {strides = array<i32>} : memref<128x128xf32, #tpu.memory_space<vmem>>, vector<1x16xf32>,
        %get3A_1306 = vector.shape_cast %get3A_1305 : vector<1x16xf32> to vector<16xf32>
        %mul3A_1307 = vector.broadcast %squeeze3A_1270 : f32 to vector<16xf32>
        %mul3A_1308 = arith.mulf %get3A_1306, %mul3A_1307 : vector<16xf32>
        %add3A_1309 = arith.constant 9 : i32
        %add3A_1310 = arith.addi %mul3A_173, %add3A_1309 : i32
        %swap3A_1311 = arith.index_cast %add3A_1310 : i32 to index
        %swap3A_1312 = arith.constant 32 : index
        %swap3A_1313 = tpu.vector_load %arg8[%swap3A_1311, %swap3A_1312] {strides = array<i32>} : memref<128x128xf32, #tpu.memory_space<vmem>>, vector<1x16xf32>,
        %swap3A_1314 = vector.shape_cast %swap3A_1313 : vector<1x16xf32> to vector<16xf32>
        %swap3A_1315 = vector.shape_cast %mul3A_1308 : vector<16xf32> to vector<1x16xf32>
        tpu.vector_store %arg8[%swap3A_1311, %swap3A_1312], %swap3A_1315 {strides = array<i32>} : memref<128x128xf32, #tpu.memory_space<vmem>>, vector<1x16xf32>,
        %add3A_1316 = arith.constant 9 : i32
        %add3A_1317 = arith.addi %mul3A_173, %add3A_1316 : i32
        %get3A_1318 = arith.index_cast %add3A_1317 : i32 to index
        %get3A_1319 = arith.constant 48 : index
        %get3A_1320 = tpu.vector_load %arg8[%get3A_1318, %get3A_1319] {strides = array<i32>} : memref<128x128xf32, #tpu.memory_space<vmem>>, vector<1x16xf32>,
        %get3A_1321 = vector.shape_cast %get3A_1320 : vector<1x16xf32> to vector<16xf32>
        %mul3A_1322 = vector.broadcast %squeeze3A_1270 : f32 to vector<16xf32>
        %mul3A_1323 = arith.mulf %get3A_1321, %mul3A_1322 : vector<16xf32>
        %add3A_1324 = arith.constant 9 : i32
        %add3A_1325 = arith.addi %mul3A_173, %add3A_1324 : i32
        %swap3A_1326 = arith.index_cast %add3A_1325 : i32 to index
        %swap3A_1327 = arith.constant 48 : index
        %swap3A_1328 = tpu.vector_load %arg8[%swap3A_1326, %swap3A_1327] {strides = array<i32>} : memref<128x128xf32, #tpu.memory_space<vmem>>, vector<1x16xf32>,
        %swap3A_1329 = vector.shape_cast %swap3A_1328 : vector<1x16xf32> to vector<16xf32>
        %swap3A_1330 = vector.shape_cast %mul3A_1323 : vector<16xf32> to vector<1x16xf32>
        tpu.vector_store %arg8[%swap3A_1326, %swap3A_1327], %swap3A_1330 {strides = array<i32>} : memref<128x128xf32, #tpu.memory_space<vmem>>, vector<1x16xf32>,
        %add3A_1331 = arith.constant 9 : i32
        %add3A_1332 = arith.addi %mul3A_173, %add3A_1331 : i32
        %get3A_1333 = arith.index_cast %add3A_1332 : i32 to index
        %get3A_1334 = arith.constant 64 : index
        %get3A_1335 = tpu.vector_load %arg8[%get3A_1333, %get3A_1334] {strides = array<i32>} : memref<128x128xf32, #tpu.memory_space<vmem>>, vector<1x16xf32>,
        %get3A_1336 = vector.shape_cast %get3A_1335 : vector<1x16xf32> to vector<16xf32>
        %mul3A_1337 = vector.broadcast %squeeze3A_1270 : f32 to vector<16xf32>
        %mul3A_1338 = arith.mulf %get3A_1336, %mul3A_1337 : vector<16xf32>
        %add3A_1339 = arith.constant 9 : i32
        %add3A_1340 = arith.addi %mul3A_173, %add3A_1339 : i32
        %swap3A_1341 = arith.index_cast %add3A_1340 : i32 to index
        %swap3A_1342 = arith.constant 64 : index
        %swap3A_1343 = tpu.vector_load %arg8[%swap3A_1341, %swap3A_1342] {strides = array<i32>} : memref<128x128xf32, #tpu.memory_space<vmem>>, vector<1x16xf32>,
        %swap3A_1344 = vector.shape_cast %swap3A_1343 : vector<1x16xf32> to vector<16xf32>
        %swap3A_1345 = vector.shape_cast %mul3A_1338 : vector<16xf32> to vector<1x16xf32>
        tpu.vector_store %arg8[%swap3A_1341, %swap3A_1342], %swap3A_1345 {strides = array<i32>} : memref<128x128xf32, #tpu.memory_space<vmem>>, vector<1x16xf32>,
        %add3A_1346 = arith.constant 9 : i32
        %add3A_1347 = arith.addi %mul3A_173, %add3A_1346 : i32
        %get3A_1348 = arith.index_cast %add3A_1347 : i32 to index
        %get3A_1349 = arith.constant 80 : index
        %get3A_1350 = tpu.vector_load %arg8[%get3A_1348, %get3A_1349] {strides = array<i32>} : memref<128x128xf32, #tpu.memory_space<vmem>>, vector<1x16xf32>,
        %get3A_1351 = vector.shape_cast %get3A_1350 : vector<1x16xf32> to vector<16xf32>
        %mul3A_1352 = vector.broadcast %squeeze3A_1270 : f32 to vector<16xf32>
        %mul3A_1353 = arith.mulf %get3A_1351, %mul3A_1352 : vector<16xf32>
        %add3A_1354 = arith.constant 9 : i32
        %add3A_1355 = arith.addi %mul3A_173, %add3A_1354 : i32
        %swap3A_1356 = arith.index_cast %add3A_1355 : i32 to index
        %swap3A_1357 = arith.constant 80 : index
        %swap3A_1358 = tpu.vector_load %arg8[%swap3A_1356, %swap3A_1357] {strides = array<i32>} : memref<128x128xf32, #tpu.memory_space<vmem>>, vector<1x16xf32>,
        %swap3A_1359 = vector.shape_cast %swap3A_1358 : vector<1x16xf32> to vector<16xf32>
        %swap3A_1360 = vector.shape_cast %mul3A_1353 : vector<16xf32> to vector<1x16xf32>
        tpu.vector_store %arg8[%swap3A_1356, %swap3A_1357], %swap3A_1360 {strides = array<i32>} : memref<128x128xf32, #tpu.memory_space<vmem>>, vector<1x16xf32>,
        %add3A_1361 = arith.constant 9 : i32
        %add3A_1362 = arith.addi %mul3A_173, %add3A_1361 : i32
        %get3A_1363 = arith.index_cast %add3A_1362 : i32 to index
        %get3A_1364 = arith.constant 96 : index
        %get3A_1365 = tpu.vector_load %arg8[%get3A_1363, %get3A_1364] {strides = array<i32>} : memref<128x128xf32, #tpu.memory_space<vmem>>, vector<1x16xf32>,
        %get3A_1366 = vector.shape_cast %get3A_1365 : vector<1x16xf32> to vector<16xf32>
        %mul3A_1367 = vector.broadcast %squeeze3A_1270 : f32 to vector<16xf32>
        %mul3A_1368 = arith.mulf %get3A_1366, %mul3A_1367 : vector<16xf32>
        %add3A_1369 = arith.constant 9 : i32
        %add3A_1370 = arith.addi %mul3A_173, %add3A_1369 : i32
        %swap3A_1371 = arith.index_cast %add3A_1370 : i32 to index
        %swap3A_1372 = arith.constant 96 : index
        %swap3A_1373 = tpu.vector_load %arg8[%swap3A_1371, %swap3A_1372] {strides = array<i32>} : memref<128x128xf32, #tpu.memory_space<vmem>>, vector<1x16xf32>,
        %swap3A_1374 = vector.shape_cast %swap3A_1373 : vector<1x16xf32> to vector<16xf32>
        %swap3A_1375 = vector.shape_cast %mul3A_1368 : vector<16xf32> to vector<1x16xf32>
        tpu.vector_store %arg8[%swap3A_1371, %swap3A_1372], %swap3A_1375 {strides = array<i32>} : memref<128x128xf32, #tpu.memory_space<vmem>>, vector<1x16xf32>,
        %add3A_1376 = arith.constant 9 : i32
        %add3A_1377 = arith.addi %mul3A_173, %add3A_1376 : i32
        %get3A_1378 = arith.index_cast %add3A_1377 : i32 to index
        %get3A_1379 = arith.constant 112 : index
        %get3A_1380 = tpu.vector_load %arg8[%get3A_1378, %get3A_1379] {strides = array<i32>} : memref<128x128xf32, #tpu.memory_space<vmem>>, vector<1x16xf32>,
        %get3A_1381 = vector.shape_cast %get3A_1380 : vector<1x16xf32> to vector<16xf32>
        %mul3A_1382 = vector.broadcast %squeeze3A_1270 : f32 to vector<16xf32>
        %mul3A_1383 = arith.mulf %get3A_1381, %mul3A_1382 : vector<16xf32>
        %add3A_1384 = arith.constant 9 : i32
        %add3A_1385 = arith.addi %mul3A_173, %add3A_1384 : i32
        %swap3A_1386 = arith.index_cast %add3A_1385 : i32 to index
        %swap3A_1387 = arith.constant 112 : index
        %swap3A_1388 = tpu.vector_load %arg8[%swap3A_1386, %swap3A_1387] {strides = array<i32>} : memref<128x128xf32, #tpu.memory_space<vmem>>, vector<1x16xf32>,
        %swap3A_1389 = vector.shape_cast %swap3A_1388 : vector<1x16xf32> to vector<16xf32>
        %swap3A_1390 = vector.shape_cast %mul3A_1383 : vector<16xf32> to vector<1x16xf32>
        tpu.vector_store %arg8[%swap3A_1386, %swap3A_1387], %swap3A_1390 {strides = array<i32>} : memref<128x128xf32, #tpu.memory_space<vmem>>, vector<1x16xf32>,
        %slice3A_1391 = vector.extract_strided_slice %get3A_171 {offsets = [10], sizes = [1], strides = [1]} : vector<16xf32> to vector<1xf32>
        %squeeze3A_1392 = vector.extract %slice3A_1391[0] : f32 from vector<1xf32>
        %add3A_1393 = arith.constant 10 : i32
        %add3A_1394 = arith.addi %mul3A_173, %add3A_1393 : i32
        %get3A_1395 = arith.index_cast %add3A_1394 : i32 to index
        %get3A_1396 = arith.constant 0 : index
        %get3A_1397 = tpu.vector_load %arg8[%get3A_1395, %get3A_1396] {strides = array<i32>} : memref<128x128xf32, #tpu.memory_space<vmem>>, vector<1x16xf32>,
        %get3A_1398 = vector.shape_cast %get3A_1397 : vector<1x16xf32> to vector<16xf32>
        %mul3A_1399 = vector.broadcast %squeeze3A_1392 : f32 to vector<16xf32>
        %mul3A_1400 = arith.mulf %get3A_1398, %mul3A_1399 : vector<16xf32>
        %add3A_1401 = arith.constant 10 : i32
        %add3A_1402 = arith.addi %mul3A_173, %add3A_1401 : i32
        %swap3A_1403 = arith.index_cast %add3A_1402 : i32 to index
        %swap3A_1404 = arith.constant 0 : index
        %swap3A_1405 = tpu.vector_load %arg8[%swap3A_1403, %swap3A_1404] {strides = array<i32>} : memref<128x128xf32, #tpu.memory_space<vmem>>, vector<1x16xf32>,
        %swap3A_1406 = vector.shape_cast %swap3A_1405 : vector<1x16xf32> to vector<16xf32>
        %swap3A_1407 = vector.shape_cast %mul3A_1400 : vector<16xf32> to vector<1x16xf32>
        tpu.vector_store %arg8[%swap3A_1403, %swap3A_1404], %swap3A_1407 {strides = array<i32>} : memref<128x128xf32, #tpu.memory_space<vmem>>, vector<1x16xf32>,
        %add3A_1408 = arith.constant 10 : i32
        %add3A_1409 = arith.addi %mul3A_173, %add3A_1408 : i32
        %get3A_1410 = arith.index_cast %add3A_1409 : i32 to index
        %get3A_1411 = arith.constant 16 : index
        %get3A_1412 = tpu.vector_load %arg8[%get3A_1410, %get3A_1411] {strides = array<i32>} : memref<128x128xf32, #tpu.memory_space<vmem>>, vector<1x16xf32>,
        %get3A_1413 = vector.shape_cast %get3A_1412 : vector<1x16xf32> to vector<16xf32>
        %mul3A_1414 = vector.broadcast %squeeze3A_1392 : f32 to vector<16xf32>
        %mul3A_1415 = arith.mulf %get3A_1413, %mul3A_1414 : vector<16xf32>
        %add3A_1416 = arith.constant 10 : i32
        %add3A_1417 = arith.addi %mul3A_173, %add3A_1416 : i32
        %swap3A_1418 = arith.index_cast %add3A_1417 : i32 to index
        %swap3A_1419 = arith.constant 16 : index
        %swap3A_1420 = tpu.vector_load %arg8[%swap3A_1418, %swap3A_1419] {strides = array<i32>} : memref<128x128xf32, #tpu.memory_space<vmem>>, vector<1x16xf32>,
        %swap3A_1421 = vector.shape_cast %swap3A_1420 : vector<1x16xf32> to vector<16xf32>
        %swap3A_1422 = vector.shape_cast %mul3A_1415 : vector<16xf32> to vector<1x16xf32>
        tpu.vector_store %arg8[%swap3A_1418, %swap3A_1419], %swap3A_1422 {strides = array<i32>} : memref<128x128xf32, #tpu.memory_space<vmem>>, vector<1x16xf32>,
        %add3A_1423 = arith.constant 10 : i32
        %add3A_1424 = arith.addi %mul3A_173, %add3A_1423 : i32
        %get3A_1425 = arith.index_cast %add3A_1424 : i32 to index
        %get3A_1426 = arith.constant 32 : index
        %get3A_1427 = tpu.vector_load %arg8[%get3A_1425, %get3A_1426] {strides = array<i32>} : memref<128x128xf32, #tpu.memory_space<vmem>>, vector<1x16xf32>,
        %get3A_1428 = vector.shape_cast %get3A_1427 : vector<1x16xf32> to vector<16xf32>
        %mul3A_1429 = vector.broadcast %squeeze3A_1392 : f32 to vector<16xf32>
        %mul3A_1430 = arith.mulf %get3A_1428, %mul3A_1429 : vector<16xf32>
        %add3A_1431 = arith.constant 10 : i32
        %add3A_1432 = arith.addi %mul3A_173, %add3A_1431 : i32
        %swap3A_1433 = arith.index_cast %add3A_1432 : i32 to index
        %swap3A_1434 = arith.constant 32 : index
        %swap3A_1435 = tpu.vector_load %arg8[%swap3A_1433, %swap3A_1434] {strides = array<i32>} : memref<128x128xf32, #tpu.memory_space<vmem>>, vector<1x16xf32>,
        %swap3A_1436 = vector.shape_cast %swap3A_1435 : vector<1x16xf32> to vector<16xf32>
        %swap3A_1437 = vector.shape_cast %mul3A_1430 : vector<16xf32> to vector<1x16xf32>
        tpu.vector_store %arg8[%swap3A_1433, %swap3A_1434], %swap3A_1437 {strides = array<i32>} : memref<128x128xf32, #tpu.memory_space<vmem>>, vector<1x16xf32>,
        %add3A_1438 = arith.constant 10 : i32
        %add3A_1439 = arith.addi %mul3A_173, %add3A_1438 : i32
        %get3A_1440 = arith.index_cast %add3A_1439 : i32 to index
        %get3A_1441 = arith.constant 48 : index
        %get3A_1442 = tpu.vector_load %arg8[%get3A_1440, %get3A_1441] {strides = array<i32>} : memref<128x128xf32, #tpu.memory_space<vmem>>, vector<1x16xf32>,
        %get3A_1443 = vector.shape_cast %get3A_1442 : vector<1x16xf32> to vector<16xf32>
        %mul3A_1444 = vector.broadcast %squeeze3A_1392 : f32 to vector<16xf32>
        %mul3A_1445 = arith.mulf %get3A_1443, %mul3A_1444 : vector<16xf32>
        %add3A_1446 = arith.constant 10 : i32
        %add3A_1447 = arith.addi %mul3A_173, %add3A_1446 : i32
        %swap3A_1448 = arith.index_cast %add3A_1447 : i32 to index
        %swap3A_1449 = arith.constant 48 : index
        %swap3A_1450 = tpu.vector_load %arg8[%swap3A_1448, %swap3A_1449] {strides = array<i32>} : memref<128x128xf32, #tpu.memory_space<vmem>>, vector<1x16xf32>,
        %swap3A_1451 = vector.shape_cast %swap3A_1450 : vector<1x16xf32> to vector<16xf32>
        %swap3A_1452 = vector.shape_cast %mul3A_1445 : vector<16xf32> to vector<1x16xf32>
        tpu.vector_store %arg8[%swap3A_1448, %swap3A_1449], %swap3A_1452 {strides = array<i32>} : memref<128x128xf32, #tpu.memory_space<vmem>>, vector<1x16xf32>,
        %add3A_1453 = arith.constant 10 : i32
        %add3A_1454 = arith.addi %mul3A_173, %add3A_1453 : i32
        %get3A_1455 = arith.index_cast %add3A_1454 : i32 to index
        %get3A_1456 = arith.constant 64 : index
        %get3A_1457 = tpu.vector_load %arg8[%get3A_1455, %get3A_1456] {strides = array<i32>} : memref<128x128xf32, #tpu.memory_space<vmem>>, vector<1x16xf32>,
        %get3A_1458 = vector.shape_cast %get3A_1457 : vector<1x16xf32> to vector<16xf32>
        %mul3A_1459 = vector.broadcast %squeeze3A_1392 : f32 to vector<16xf32>
        %mul3A_1460 = arith.mulf %get3A_1458, %mul3A_1459 : vector<16xf32>
        %add3A_1461 = arith.constant 10 : i32
        %add3A_1462 = arith.addi %mul3A_173, %add3A_1461 : i32
        %swap3A_1463 = arith.index_cast %add3A_1462 : i32 to index
        %swap3A_1464 = arith.constant 64 : index
        %swap3A_1465 = tpu.vector_load %arg8[%swap3A_1463, %swap3A_1464] {strides = array<i32>} : memref<128x128xf32, #tpu.memory_space<vmem>>, vector<1x16xf32>,
        %swap3A_1466 = vector.shape_cast %swap3A_1465 : vector<1x16xf32> to vector<16xf32>
        %swap3A_1467 = vector.shape_cast %mul3A_1460 : vector<16xf32> to vector<1x16xf32>
        tpu.vector_store %arg8[%swap3A_1463, %swap3A_1464], %swap3A_1467 {strides = array<i32>} : memref<128x128xf32, #tpu.memory_space<vmem>>, vector<1x16xf32>,
        %add3A_1468 = arith.constant 10 : i32
        %add3A_1469 = arith.addi %mul3A_173, %add3A_1468 : i32
        %get3A_1470 = arith.index_cast %add3A_1469 : i32 to index
        %get3A_1471 = arith.constant 80 : index
        %get3A_1472 = tpu.vector_load %arg8[%get3A_1470, %get3A_1471] {strides = array<i32>} : memref<128x128xf32, #tpu.memory_space<vmem>>, vector<1x16xf32>,
        %get3A_1473 = vector.shape_cast %get3A_1472 : vector<1x16xf32> to vector<16xf32>
        %mul3A_1474 = vector.broadcast %squeeze3A_1392 : f32 to vector<16xf32>
        %mul3A_1475 = arith.mulf %get3A_1473, %mul3A_1474 : vector<16xf32>
        %add3A_1476 = arith.constant 10 : i32
        %add3A_1477 = arith.addi %mul3A_173, %add3A_1476 : i32
        %swap3A_1478 = arith.index_cast %add3A_1477 : i32 to index
        %swap3A_1479 = arith.constant 80 : index
        %swap3A_1480 = tpu.vector_load %arg8[%swap3A_1478, %swap3A_1479] {strides = array<i32>} : memref<128x128xf32, #tpu.memory_space<vmem>>, vector<1x16xf32>,
        %swap3A_1481 = vector.shape_cast %swap3A_1480 : vector<1x16xf32> to vector<16xf32>
        %swap3A_1482 = vector.shape_cast %mul3A_1475 : vector<16xf32> to vector<1x16xf32>
        tpu.vector_store %arg8[%swap3A_1478, %swap3A_1479], %swap3A_1482 {strides = array<i32>} : memref<128x128xf32, #tpu.memory_space<vmem>>, vector<1x16xf32>,
        %add3A_1483 = arith.constant 10 : i32
        %add3A_1484 = arith.addi %mul3A_173, %add3A_1483 : i32
        %get3A_1485 = arith.index_cast %add3A_1484 : i32 to index
        %get3A_1486 = arith.constant 96 : index
        %get3A_1487 = tpu.vector_load %arg8[%get3A_1485, %get3A_1486] {strides = array<i32>} : memref<128x128xf32, #tpu.memory_space<vmem>>, vector<1x16xf32>,
        %get3A_1488 = vector.shape_cast %get3A_1487 : vector<1x16xf32> to vector<16xf32>
        %mul3A_1489 = vector.broadcast %squeeze3A_1392 : f32 to vector<16xf32>
        %mul3A_1490 = arith.mulf %get3A_1488, %mul3A_1489 : vector<16xf32>
        %add3A_1491 = arith.constant 10 : i32
        %add3A_1492 = arith.addi %mul3A_173, %add3A_1491 : i32
        %swap3A_1493 = arith.index_cast %add3A_1492 : i32 to index
        %swap3A_1494 = arith.constant 96 : index
        %swap3A_1495 = tpu.vector_load %arg8[%swap3A_1493, %swap3A_1494] {strides = array<i32>} : memref<128x128xf32, #tpu.memory_space<vmem>>, vector<1x16xf32>,
        %swap3A_1496 = vector.shape_cast %swap3A_1495 : vector<1x16xf32> to vector<16xf32>
        %swap3A_1497 = vector.shape_cast %mul3A_1490 : vector<16xf32> to vector<1x16xf32>
        tpu.vector_store %arg8[%swap3A_1493, %swap3A_1494], %swap3A_1497 {strides = array<i32>} : memref<128x128xf32, #tpu.memory_space<vmem>>, vector<1x16xf32>,
        %add3A_1498 = arith.constant 10 : i32
        %add3A_1499 = arith.addi %mul3A_173, %add3A_1498 : i32
        %get3A_1500 = arith.index_cast %add3A_1499 : i32 to index
        %get3A_1501 = arith.constant 112 : index
        %get3A_1502 = tpu.vector_load %arg8[%get3A_1500, %get3A_1501] {strides = array<i32>} : memref<128x128xf32, #tpu.memory_space<vmem>>, vector<1x16xf32>,
        %get3A_1503 = vector.shape_cast %get3A_1502 : vector<1x16xf32> to vector<16xf32>
        %mul3A_1504 = vector.broadcast %squeeze3A_1392 : f32 to vector<16xf32>
        %mul3A_1505 = arith.mulf %get3A_1503, %mul3A_1504 : vector<16xf32>
        %add3A_1506 = arith.constant 10 : i32
        %add3A_1507 = arith.addi %mul3A_173, %add3A_1506 : i32
        %swap3A_1508 = arith.index_cast %add3A_1507 : i32 to index
        %swap3A_1509 = arith.constant 112 : index
        %swap3A_1510 = tpu.vector_load %arg8[%swap3A_1508, %swap3A_1509] {strides = array<i32>} : memref<128x128xf32, #tpu.memory_space<vmem>>, vector<1x16xf32>,
        %swap3A_1511 = vector.shape_cast %swap3A_1510 : vector<1x16xf32> to vector<16xf32>
        %swap3A_1512 = vector.shape_cast %mul3A_1505 : vector<16xf32> to vector<1x16xf32>
        tpu.vector_store %arg8[%swap3A_1508, %swap3A_1509], %swap3A_1512 {strides = array<i32>} : memref<128x128xf32, #tpu.memory_space<vmem>>, vector<1x16xf32>,
        %slice3A_1513 = vector.extract_strided_slice %get3A_171 {offsets = [11], sizes = [1], strides = [1]} : vector<16xf32> to vector<1xf32>
        %squeeze3A_1514 = vector.extract %slice3A_1513[0] : f32 from vector<1xf32>
        %add3A_1515 = arith.constant 11 : i32
        %add3A_1516 = arith.addi %mul3A_173, %add3A_1515 : i32
        %get3A_1517 = arith.index_cast %add3A_1516 : i32 to index
        %get3A_1518 = arith.constant 0 : index
        %get3A_1519 = tpu.vector_load %arg8[%get3A_1517, %get3A_1518] {strides = array<i32>} : memref<128x128xf32, #tpu.memory_space<vmem>>, vector<1x16xf32>,
        %get3A_1520 = vector.shape_cast %get3A_1519 : vector<1x16xf32> to vector<16xf32>
        %mul3A_1521 = vector.broadcast %squeeze3A_1514 : f32 to vector<16xf32>
        %mul3A_1522 = arith.mulf %get3A_1520, %mul3A_1521 : vector<16xf32>
        %add3A_1523 = arith.constant 11 : i32
        %add3A_1524 = arith.addi %mul3A_173, %add3A_1523 : i32
        %swap3A_1525 = arith.index_cast %add3A_1524 : i32 to index
        %swap3A_1526 = arith.constant 0 : index
        %swap3A_1527 = tpu.vector_load %arg8[%swap3A_1525, %swap3A_1526] {strides = array<i32>} : memref<128x128xf32, #tpu.memory_space<vmem>>, vector<1x16xf32>,
        %swap3A_1528 = vector.shape_cast %swap3A_1527 : vector<1x16xf32> to vector<16xf32>
        %swap3A_1529 = vector.shape_cast %mul3A_1522 : vector<16xf32> to vector<1x16xf32>
        tpu.vector_store %arg8[%swap3A_1525, %swap3A_1526], %swap3A_1529 {strides = array<i32>} : memref<128x128xf32, #tpu.memory_space<vmem>>, vector<1x16xf32>,
        %add3A_1530 = arith.constant 11 : i32
        %add3A_1531 = arith.addi %mul3A_173, %add3A_1530 : i32
        %get3A_1532 = arith.index_cast %add3A_1531 : i32 to index
        %get3A_1533 = arith.constant 16 : index
        %get3A_1534 = tpu.vector_load %arg8[%get3A_1532, %get3A_1533] {strides = array<i32>} : memref<128x128xf32, #tpu.memory_space<vmem>>, vector<1x16xf32>,
        %get3A_1535 = vector.shape_cast %get3A_1534 : vector<1x16xf32> to vector<16xf32>
        %mul3A_1536 = vector.broadcast %squeeze3A_1514 : f32 to vector<16xf32>
        %mul3A_1537 = arith.mulf %get3A_1535, %mul3A_1536 : vector<16xf32>
        %add3A_1538 = arith.constant 11 : i32
        %add3A_1539 = arith.addi %mul3A_173, %add3A_1538 : i32
        %swap3A_1540 = arith.index_cast %add3A_1539 : i32 to index
        %swap3A_1541 = arith.constant 16 : index
        %swap3A_1542 = tpu.vector_load %arg8[%swap3A_1540, %swap3A_1541] {strides = array<i32>} : memref<128x128xf32, #tpu.memory_space<vmem>>, vector<1x16xf32>,
        %swap3A_1543 = vector.shape_cast %swap3A_1542 : vector<1x16xf32> to vector<16xf32>
        %swap3A_1544 = vector.shape_cast %mul3A_1537 : vector<16xf32> to vector<1x16xf32>
        tpu.vector_store %arg8[%swap3A_1540, %swap3A_1541], %swap3A_1544 {strides = array<i32>} : memref<128x128xf32, #tpu.memory_space<vmem>>, vector<1x16xf32>,
        %add3A_1545 = arith.constant 11 : i32
        %add3A_1546 = arith.addi %mul3A_173, %add3A_1545 : i32
        %get3A_1547 = arith.index_cast %add3A_1546 : i32 to index
        %get3A_1548 = arith.constant 32 : index
        %get3A_1549 = tpu.vector_load %arg8[%get3A_1547, %get3A_1548] {strides = array<i32>} : memref<128x128xf32, #tpu.memory_space<vmem>>, vector<1x16xf32>,
        %get3A_1550 = vector.shape_cast %get3A_1549 : vector<1x16xf32> to vector<16xf32>
        %mul3A_1551 = vector.broadcast %squeeze3A_1514 : f32 to vector<16xf32>
        %mul3A_1552 = arith.mulf %get3A_1550, %mul3A_1551 : vector<16xf32>
        %add3A_1553 = arith.constant 11 : i32
        %add3A_1554 = arith.addi %mul3A_173, %add3A_1553 : i32
        %swap3A_1555 = arith.index_cast %add3A_1554 : i32 to index
        %swap3A_1556 = arith.constant 32 : index
        %swap3A_1557 = tpu.vector_load %arg8[%swap3A_1555, %swap3A_1556] {strides = array<i32>} : memref<128x128xf32, #tpu.memory_space<vmem>>, vector<1x16xf32>,
        %swap3A_1558 = vector.shape_cast %swap3A_1557 : vector<1x16xf32> to vector<16xf32>
        %swap3A_1559 = vector.shape_cast %mul3A_1552 : vector<16xf32> to vector<1x16xf32>
        tpu.vector_store %arg8[%swap3A_1555, %swap3A_1556], %swap3A_1559 {strides = array<i32>} : memref<128x128xf32, #tpu.memory_space<vmem>>, vector<1x16xf32>,
        %add3A_1560 = arith.constant 11 : i32
        %add3A_1561 = arith.addi %mul3A_173, %add3A_1560 : i32
        %get3A_1562 = arith.index_cast %add3A_1561 : i32 to index
        %get3A_1563 = arith.constant 48 : index
        %get3A_1564 = tpu.vector_load %arg8[%get3A_1562, %get3A_1563] {strides = array<i32>} : memref<128x128xf32, #tpu.memory_space<vmem>>, vector<1x16xf32>,
        %get3A_1565 = vector.shape_cast %get3A_1564 : vector<1x16xf32> to vector<16xf32>
        %mul3A_1566 = vector.broadcast %squeeze3A_1514 : f32 to vector<16xf32>
        %mul3A_1567 = arith.mulf %get3A_1565, %mul3A_1566 : vector<16xf32>
        %add3A_1568 = arith.constant 11 : i32
        %add3A_1569 = arith.addi %mul3A_173, %add3A_1568 : i32
        %swap3A_1570 = arith.index_cast %add3A_1569 : i32 to index
        %swap3A_1571 = arith.constant 48 : index
        %swap3A_1572 = tpu.vector_load %arg8[%swap3A_1570, %swap3A_1571] {strides = array<i32>} : memref<128x128xf32, #tpu.memory_space<vmem>>, vector<1x16xf32>,
        %swap3A_1573 = vector.shape_cast %swap3A_1572 : vector<1x16xf32> to vector<16xf32>
        %swap3A_1574 = vector.shape_cast %mul3A_1567 : vector<16xf32> to vector<1x16xf32>
        tpu.vector_store %arg8[%swap3A_1570, %swap3A_1571], %swap3A_1574 {strides = array<i32>} : memref<128x128xf32, #tpu.memory_space<vmem>>, vector<1x16xf32>,
        %add3A_1575 = arith.constant 11 : i32
        %add3A_1576 = arith.addi %mul3A_173, %add3A_1575 : i32
        %get3A_1577 = arith.index_cast %add3A_1576 : i32 to index
        %get3A_1578 = arith.constant 64 : index
        %get3A_1579 = tpu.vector_load %arg8[%get3A_1577, %get3A_1578] {strides = array<i32>} : memref<128x128xf32, #tpu.memory_space<vmem>>, vector<1x16xf32>,
        %get3A_1580 = vector.shape_cast %get3A_1579 : vector<1x16xf32> to vector<16xf32>
        %mul3A_1581 = vector.broadcast %squeeze3A_1514 : f32 to vector<16xf32>
        %mul3A_1582 = arith.mulf %get3A_1580, %mul3A_1581 : vector<16xf32>
        %add3A_1583 = arith.constant 11 : i32
        %add3A_1584 = arith.addi %mul3A_173, %add3A_1583 : i32
        %swap3A_1585 = arith.index_cast %add3A_1584 : i32 to index
        %swap3A_1586 = arith.constant 64 : index
        %swap3A_1587 = tpu.vector_load %arg8[%swap3A_1585, %swap3A_1586] {strides = array<i32>} : memref<128x128xf32, #tpu.memory_space<vmem>>, vector<1x16xf32>,
        %swap3A_1588 = vector.shape_cast %swap3A_1587 : vector<1x16xf32> to vector<16xf32>
        %swap3A_1589 = vector.shape_cast %mul3A_1582 : vector<16xf32> to vector<1x16xf32>
        tpu.vector_store %arg8[%swap3A_1585, %swap3A_1586], %swap3A_1589 {strides = array<i32>} : memref<128x128xf32, #tpu.memory_space<vmem>>, vector<1x16xf32>,
        %add3A_1590 = arith.constant 11 : i32
        %add3A_1591 = arith.addi %mul3A_173, %add3A_1590 : i32
        %get3A_1592 = arith.index_cast %add3A_1591 : i32 to index
        %get3A_1593 = arith.constant 80 : index
        %get3A_1594 = tpu.vector_load %arg8[%get3A_1592, %get3A_1593] {strides = array<i32>} : memref<128x128xf32, #tpu.memory_space<vmem>>, vector<1x16xf32>,
        %get3A_1595 = vector.shape_cast %get3A_1594 : vector<1x16xf32> to vector<16xf32>
        %mul3A_1596 = vector.broadcast %squeeze3A_1514 : f32 to vector<16xf32>
        %mul3A_1597 = arith.mulf %get3A_1595, %mul3A_1596 : vector<16xf32>
        %add3A_1598 = arith.constant 11 : i32
        %add3A_1599 = arith.addi %mul3A_173, %add3A_1598 : i32
        %swap3A_1600 = arith.index_cast %add3A_1599 : i32 to index
        %swap3A_1601 = arith.constant 80 : index
        %swap3A_1602 = tpu.vector_load %arg8[%swap3A_1600, %swap3A_1601] {strides = array<i32>} : memref<128x128xf32, #tpu.memory_space<vmem>>, vector<1x16xf32>,
        %swap3A_1603 = vector.shape_cast %swap3A_1602 : vector<1x16xf32> to vector<16xf32>
        %swap3A_1604 = vector.shape_cast %mul3A_1597 : vector<16xf32> to vector<1x16xf32>
        tpu.vector_store %arg8[%swap3A_1600, %swap3A_1601], %swap3A_1604 {strides = array<i32>} : memref<128x128xf32, #tpu.memory_space<vmem>>, vector<1x16xf32>,
        %add3A_1605 = arith.constant 11 : i32
        %add3A_1606 = arith.addi %mul3A_173, %add3A_1605 : i32
        %get3A_1607 = arith.index_cast %add3A_1606 : i32 to index
        %get3A_1608 = arith.constant 96 : index
        %get3A_1609 = tpu.vector_load %arg8[%get3A_1607, %get3A_1608] {strides = array<i32>} : memref<128x128xf32, #tpu.memory_space<vmem>>, vector<1x16xf32>,
        %get3A_1610 = vector.shape_cast %get3A_1609 : vector<1x16xf32> to vector<16xf32>
        %mul3A_1611 = vector.broadcast %squeeze3A_1514 : f32 to vector<16xf32>
        %mul3A_1612 = arith.mulf %get3A_1610, %mul3A_1611 : vector<16xf32>
        %add3A_1613 = arith.constant 11 : i32
        %add3A_1614 = arith.addi %mul3A_173, %add3A_1613 : i32
        %swap3A_1615 = arith.index_cast %add3A_1614 : i32 to index
        %swap3A_1616 = arith.constant 96 : index
        %swap3A_1617 = tpu.vector_load %arg8[%swap3A_1615, %swap3A_1616] {strides = array<i32>} : memref<128x128xf32, #tpu.memory_space<vmem>>, vector<1x16xf32>,
        %swap3A_1618 = vector.shape_cast %swap3A_1617 : vector<1x16xf32> to vector<16xf32>
        %swap3A_1619 = vector.shape_cast %mul3A_1612 : vector<16xf32> to vector<1x16xf32>
        tpu.vector_store %arg8[%swap3A_1615, %swap3A_1616], %swap3A_1619 {strides = array<i32>} : memref<128x128xf32, #tpu.memory_space<vmem>>, vector<1x16xf32>,
        %add3A_1620 = arith.constant 11 : i32
        %add3A_1621 = arith.addi %mul3A_173, %add3A_1620 : i32
        %get3A_1622 = arith.index_cast %add3A_1621 : i32 to index
        %get3A_1623 = arith.constant 112 : index
        %get3A_1624 = tpu.vector_load %arg8[%get3A_1622, %get3A_1623] {strides = array<i32>} : memref<128x128xf32, #tpu.memory_space<vmem>>, vector<1x16xf32>,
        %get3A_1625 = vector.shape_cast %get3A_1624 : vector<1x16xf32> to vector<16xf32>
        %mul3A_1626 = vector.broadcast %squeeze3A_1514 : f32 to vector<16xf32>
        %mul3A_1627 = arith.mulf %get3A_1625, %mul3A_1626 : vector<16xf32>
        %add3A_1628 = arith.constant 11 : i32
        %add3A_1629 = arith.addi %mul3A_173, %add3A_1628 : i32
        %swap3A_1630 = arith.index_cast %add3A_1629 : i32 to index
        %swap3A_1631 = arith.constant 112 : index
        %swap3A_1632 = tpu.vector_load %arg8[%swap3A_1630, %swap3A_1631] {strides = array<i32>} : memref<128x128xf32, #tpu.memory_space<vmem>>, vector<1x16xf32>,
        %swap3A_1633 = vector.shape_cast %swap3A_1632 : vector<1x16xf32> to vector<16xf32>
        %swap3A_1634 = vector.shape_cast %mul3A_1627 : vector<16xf32> to vector<1x16xf32>
        tpu.vector_store %arg8[%swap3A_1630, %swap3A_1631], %swap3A_1634 {strides = array<i32>} : memref<128x128xf32, #tpu.memory_space<vmem>>, vector<1x16xf32>,
        %slice3A_1635 = vector.extract_strided_slice %get3A_171 {offsets = [12], sizes = [1], strides = [1]} : vector<16xf32> to vector<1xf32>
        %squeeze3A_1636 = vector.extract %slice3A_1635[0] : f32 from vector<1xf32>
        %add3A_1637 = arith.constant 12 : i32
        %add3A_1638 = arith.addi %mul3A_173, %add3A_1637 : i32
        %get3A_1639 = arith.index_cast %add3A_1638 : i32 to index
        %get3A_1640 = arith.constant 0 : index
        %get3A_1641 = tpu.vector_load %arg8[%get3A_1639, %get3A_1640] {strides = array<i32>} : memref<128x128xf32, #tpu.memory_space<vmem>>, vector<1x16xf32>,
        %get3A_1642 = vector.shape_cast %get3A_1641 : vector<1x16xf32> to vector<16xf32>
        %mul3A_1643 = vector.broadcast %squeeze3A_1636 : f32 to vector<16xf32>
        %mul3A_1644 = arith.mulf %get3A_1642, %mul3A_1643 : vector<16xf32>
        %add3A_1645 = arith.constant 12 : i32
        %add3A_1646 = arith.addi %mul3A_173, %add3A_1645 : i32
        %swap3A_1647 = arith.index_cast %add3A_1646 : i32 to index
        %swap3A_1648 = arith.constant 0 : index
        %swap3A_1649 = tpu.vector_load %arg8[%swap3A_1647, %swap3A_1648] {strides = array<i32>} : memref<128x128xf32, #tpu.memory_space<vmem>>, vector<1x16xf32>,
        %swap3A_1650 = vector.shape_cast %swap3A_1649 : vector<1x16xf32> to vector<16xf32>
        %swap3A_1651 = vector.shape_cast %mul3A_1644 : vector<16xf32> to vector<1x16xf32>
        tpu.vector_store %arg8[%swap3A_1647, %swap3A_1648], %swap3A_1651 {strides = array<i32>} : memref<128x128xf32, #tpu.memory_space<vmem>>, vector<1x16xf32>,
        %add3A_1652 = arith.constant 12 : i32
        %add3A_1653 = arith.addi %mul3A_173, %add3A_1652 : i32
        %get3A_1654 = arith.index_cast %add3A_1653 : i32 to index
        %get3A_1655 = arith.constant 16 : index
        %get3A_1656 = tpu.vector_load %arg8[%get3A_1654, %get3A_1655] {strides = array<i32>} : memref<128x128xf32, #tpu.memory_space<vmem>>, vector<1x16xf32>,
        %get3A_1657 = vector.shape_cast %get3A_1656 : vector<1x16xf32> to vector<16xf32>
        %mul3A_1658 = vector.broadcast %squeeze3A_1636 : f32 to vector<16xf32>
        %mul3A_1659 = arith.mulf %get3A_1657, %mul3A_1658 : vector<16xf32>
        %add3A_1660 = arith.constant 12 : i32
        %add3A_1661 = arith.addi %mul3A_173, %add3A_1660 : i32
        %swap3A_1662 = arith.index_cast %add3A_1661 : i32 to index
        %swap3A_1663 = arith.constant 16 : index
        %swap3A_1664 = tpu.vector_load %arg8[%swap3A_1662, %swap3A_1663] {strides = array<i32>} : memref<128x128xf32, #tpu.memory_space<vmem>>, vector<1x16xf32>,
        %swap3A_1665 = vector.shape_cast %swap3A_1664 : vector<1x16xf32> to vector<16xf32>
        %swap3A_1666 = vector.shape_cast %mul3A_1659 : vector<16xf32> to vector<1x16xf32>
        tpu.vector_store %arg8[%swap3A_1662, %swap3A_1663], %swap3A_1666 {strides = array<i32>} : memref<128x128xf32, #tpu.memory_space<vmem>>, vector<1x16xf32>,
        %add3A_1667 = arith.constant 12 : i32
        %add3A_1668 = arith.addi %mul3A_173, %add3A_1667 : i32
        %get3A_1669 = arith.index_cast %add3A_1668 : i32 to index
        %get3A_1670 = arith.constant 32 : index
        %get3A_1671 = tpu.vector_load %arg8[%get3A_1669, %get3A_1670] {strides = array<i32>} : memref<128x128xf32, #tpu.memory_space<vmem>>, vector<1x16xf32>,
        %get3A_1672 = vector.shape_cast %get3A_1671 : vector<1x16xf32> to vector<16xf32>
        %mul3A_1673 = vector.broadcast %squeeze3A_1636 : f32 to vector<16xf32>
        %mul3A_1674 = arith.mulf %get3A_1672, %mul3A_1673 : vector<16xf32>
        %add3A_1675 = arith.constant 12 : i32
        %add3A_1676 = arith.addi %mul3A_173, %add3A_1675 : i32
        %swap3A_1677 = arith.index_cast %add3A_1676 : i32 to index
        %swap3A_1678 = arith.constant 32 : index
        %swap3A_1679 = tpu.vector_load %arg8[%swap3A_1677, %swap3A_1678] {strides = array<i32>} : memref<128x128xf32, #tpu.memory_space<vmem>>, vector<1x16xf32>,
        %swap3A_1680 = vector.shape_cast %swap3A_1679 : vector<1x16xf32> to vector<16xf32>
        %swap3A_1681 = vector.shape_cast %mul3A_1674 : vector<16xf32> to vector<1x16xf32>
        tpu.vector_store %arg8[%swap3A_1677, %swap3A_1678], %swap3A_1681 {strides = array<i32>} : memref<128x128xf32, #tpu.memory_space<vmem>>, vector<1x16xf32>,
        %add3A_1682 = arith.constant 12 : i32
        %add3A_1683 = arith.addi %mul3A_173, %add3A_1682 : i32
        %get3A_1684 = arith.index_cast %add3A_1683 : i32 to index
        %get3A_1685 = arith.constant 48 : index
        %get3A_1686 = tpu.vector_load %arg8[%get3A_1684, %get3A_1685] {strides = array<i32>} : memref<128x128xf32, #tpu.memory_space<vmem>>, vector<1x16xf32>,
        %get3A_1687 = vector.shape_cast %get3A_1686 : vector<1x16xf32> to vector<16xf32>
        %mul3A_1688 = vector.broadcast %squeeze3A_1636 : f32 to vector<16xf32>
        %mul3A_1689 = arith.mulf %get3A_1687, %mul3A_1688 : vector<16xf32>
        %add3A_1690 = arith.constant 12 : i32
        %add3A_1691 = arith.addi %mul3A_173, %add3A_1690 : i32
        %swap3A_1692 = arith.index_cast %add3A_1691 : i32 to index
        %swap3A_1693 = arith.constant 48 : index
        %swap3A_1694 = tpu.vector_load %arg8[%swap3A_1692, %swap3A_1693] {strides = array<i32>} : memref<128x128xf32, #tpu.memory_space<vmem>>, vector<1x16xf32>,
        %swap3A_1695 = vector.shape_cast %swap3A_1694 : vector<1x16xf32> to vector<16xf32>
        %swap3A_1696 = vector.shape_cast %mul3A_1689 : vector<16xf32> to vector<1x16xf32>
        tpu.vector_store %arg8[%swap3A_1692, %swap3A_1693], %swap3A_1696 {strides = array<i32>} : memref<128x128xf32, #tpu.memory_space<vmem>>, vector<1x16xf32>,
        %add3A_1697 = arith.constant 12 : i32
        %add3A_1698 = arith.addi %mul3A_173, %add3A_1697 : i32
        %get3A_1699 = arith.index_cast %add3A_1698 : i32 to index
        %get3A_1700 = arith.constant 64 : index
        %get3A_1701 = tpu.vector_load %arg8[%get3A_1699, %get3A_1700] {strides = array<i32>} : memref<128x128xf32, #tpu.memory_space<vmem>>, vector<1x16xf32>,
        %get3A_1702 = vector.shape_cast %get3A_1701 : vector<1x16xf32> to vector<16xf32>
        %mul3A_1703 = vector.broadcast %squeeze3A_1636 : f32 to vector<16xf32>
        %mul3A_1704 = arith.mulf %get3A_1702, %mul3A_1703 : vector<16xf32>
        %add3A_1705 = arith.constant 12 : i32
        %add3A_1706 = arith.addi %mul3A_173, %add3A_1705 : i32
        %swap3A_1707 = arith.index_cast %add3A_1706 : i32 to index
        %swap3A_1708 = arith.constant 64 : index
        %swap3A_1709 = tpu.vector_load %arg8[%swap3A_1707, %swap3A_1708] {strides = array<i32>} : memref<128x128xf32, #tpu.memory_space<vmem>>, vector<1x16xf32>,
        %swap3A_1710 = vector.shape_cast %swap3A_1709 : vector<1x16xf32> to vector<16xf32>
        %swap3A_1711 = vector.shape_cast %mul3A_1704 : vector<16xf32> to vector<1x16xf32>
        tpu.vector_store %arg8[%swap3A_1707, %swap3A_1708], %swap3A_1711 {strides = array<i32>} : memref<128x128xf32, #tpu.memory_space<vmem>>, vector<1x16xf32>,
        %add3A_1712 = arith.constant 12 : i32
        %add3A_1713 = arith.addi %mul3A_173, %add3A_1712 : i32
        %get3A_1714 = arith.index_cast %add3A_1713 : i32 to index
        %get3A_1715 = arith.constant 80 : index
        %get3A_1716 = tpu.vector_load %arg8[%get3A_1714, %get3A_1715] {strides = array<i32>} : memref<128x128xf32, #tpu.memory_space<vmem>>, vector<1x16xf32>,
        %get3A_1717 = vector.shape_cast %get3A_1716 : vector<1x16xf32> to vector<16xf32>
        %mul3A_1718 = vector.broadcast %squeeze3A_1636 : f32 to vector<16xf32>
        %mul3A_1719 = arith.mulf %get3A_1717, %mul3A_1718 : vector<16xf32>
        %add3A_1720 = arith.constant 12 : i32
        %add3A_1721 = arith.addi %mul3A_173, %add3A_1720 : i32
        %swap3A_1722 = arith.index_cast %add3A_1721 : i32 to index
        %swap3A_1723 = arith.constant 80 : index
        %swap3A_1724 = tpu.vector_load %arg8[%swap3A_1722, %swap3A_1723] {strides = array<i32>} : memref<128x128xf32, #tpu.memory_space<vmem>>, vector<1x16xf32>,
        %swap3A_1725 = vector.shape_cast %swap3A_1724 : vector<1x16xf32> to vector<16xf32>
        %swap3A_1726 = vector.shape_cast %mul3A_1719 : vector<16xf32> to vector<1x16xf32>
        tpu.vector_store %arg8[%swap3A_1722, %swap3A_1723], %swap3A_1726 {strides = array<i32>} : memref<128x128xf32, #tpu.memory_space<vmem>>, vector<1x16xf32>,
        %add3A_1727 = arith.constant 12 : i32
        %add3A_1728 = arith.addi %mul3A_173, %add3A_1727 : i32
        %get3A_1729 = arith.index_cast %add3A_1728 : i32 to index
        %get3A_1730 = arith.constant 96 : index
        %get3A_1731 = tpu.vector_load %arg8[%get3A_1729, %get3A_1730] {strides = array<i32>} : memref<128x128xf32, #tpu.memory_space<vmem>>, vector<1x16xf32>,
        %get3A_1732 = vector.shape_cast %get3A_1731 : vector<1x16xf32> to vector<16xf32>
        %mul3A_1733 = vector.broadcast %squeeze3A_1636 : f32 to vector<16xf32>
        %mul3A_1734 = arith.mulf %get3A_1732, %mul3A_1733 : vector<16xf32>
        %add3A_1735 = arith.constant 12 : i32
        %add3A_1736 = arith.addi %mul3A_173, %add3A_1735 : i32
        %swap3A_1737 = arith.index_cast %add3A_1736 : i32 to index
        %swap3A_1738 = arith.constant 96 : index
        %swap3A_1739 = tpu.vector_load %arg8[%swap3A_1737, %swap3A_1738] {strides = array<i32>} : memref<128x128xf32, #tpu.memory_space<vmem>>, vector<1x16xf32>,
        %swap3A_1740 = vector.shape_cast %swap3A_1739 : vector<1x16xf32> to vector<16xf32>
        %swap3A_1741 = vector.shape_cast %mul3A_1734 : vector<16xf32> to vector<1x16xf32>
        tpu.vector_store %arg8[%swap3A_1737, %swap3A_1738], %swap3A_1741 {strides = array<i32>} : memref<128x128xf32, #tpu.memory_space<vmem>>, vector<1x16xf32>,
        %add3A_1742 = arith.constant 12 : i32
        %add3A_1743 = arith.addi %mul3A_173, %add3A_1742 : i32
        %get3A_1744 = arith.index_cast %add3A_1743 : i32 to index
        %get3A_1745 = arith.constant 112 : index
        %get3A_1746 = tpu.vector_load %arg8[%get3A_1744, %get3A_1745] {strides = array<i32>} : memref<128x128xf32, #tpu.memory_space<vmem>>, vector<1x16xf32>,
        %get3A_1747 = vector.shape_cast %get3A_1746 : vector<1x16xf32> to vector<16xf32>
        %mul3A_1748 = vector.broadcast %squeeze3A_1636 : f32 to vector<16xf32>
        %mul3A_1749 = arith.mulf %get3A_1747, %mul3A_1748 : vector<16xf32>
        %add3A_1750 = arith.constant 12 : i32
        %add3A_1751 = arith.addi %mul3A_173, %add3A_1750 : i32
        %swap3A_1752 = arith.index_cast %add3A_1751 : i32 to index
        %swap3A_1753 = arith.constant 112 : index
        %swap3A_1754 = tpu.vector_load %arg8[%swap3A_1752, %swap3A_1753] {strides = array<i32>} : memref<128x128xf32, #tpu.memory_space<vmem>>, vector<1x16xf32>,
        %swap3A_1755 = vector.shape_cast %swap3A_1754 : vector<1x16xf32> to vector<16xf32>
        %swap3A_1756 = vector.shape_cast %mul3A_1749 : vector<16xf32> to vector<1x16xf32>
        tpu.vector_store %arg8[%swap3A_1752, %swap3A_1753], %swap3A_1756 {strides = array<i32>} : memref<128x128xf32, #tpu.memory_space<vmem>>, vector<1x16xf32>,
        %slice3A_1757 = vector.extract_strided_slice %get3A_171 {offsets = [13], sizes = [1], strides = [1]} : vector<16xf32> to vector<1xf32>
        %squeeze3A_1758 = vector.extract %slice3A_1757[0] : f32 from vector<1xf32>
        %add3A_1759 = arith.constant 13 : i32
        %add3A_1760 = arith.addi %mul3A_173, %add3A_1759 : i32
        %get3A_1761 = arith.index_cast %add3A_1760 : i32 to index
        %get3A_1762 = arith.constant 0 : index
        %get3A_1763 = tpu.vector_load %arg8[%get3A_1761, %get3A_1762] {strides = array<i32>} : memref<128x128xf32, #tpu.memory_space<vmem>>, vector<1x16xf32>,
        %get3A_1764 = vector.shape_cast %get3A_1763 : vector<1x16xf32> to vector<16xf32>
        %mul3A_1765 = vector.broadcast %squeeze3A_1758 : f32 to vector<16xf32>
        %mul3A_1766 = arith.mulf %get3A_1764, %mul3A_1765 : vector<16xf32>
        %add3A_1767 = arith.constant 13 : i32
        %add3A_1768 = arith.addi %mul3A_173, %add3A_1767 : i32
        %swap3A_1769 = arith.index_cast %add3A_1768 : i32 to index
        %swap3A_1770 = arith.constant 0 : index
        %swap3A_1771 = tpu.vector_load %arg8[%swap3A_1769, %swap3A_1770] {strides = array<i32>} : memref<128x128xf32, #tpu.memory_space<vmem>>, vector<1x16xf32>,
        %swap3A_1772 = vector.shape_cast %swap3A_1771 : vector<1x16xf32> to vector<16xf32>
        %swap3A_1773 = vector.shape_cast %mul3A_1766 : vector<16xf32> to vector<1x16xf32>
        tpu.vector_store %arg8[%swap3A_1769, %swap3A_1770], %swap3A_1773 {strides = array<i32>} : memref<128x128xf32, #tpu.memory_space<vmem>>, vector<1x16xf32>,
        %add3A_1774 = arith.constant 13 : i32
        %add3A_1775 = arith.addi %mul3A_173, %add3A_1774 : i32
        %get3A_1776 = arith.index_cast %add3A_1775 : i32 to index
        %get3A_1777 = arith.constant 16 : index
        %get3A_1778 = tpu.vector_load %arg8[%get3A_1776, %get3A_1777] {strides = array<i32>} : memref<128x128xf32, #tpu.memory_space<vmem>>, vector<1x16xf32>,
        %get3A_1779 = vector.shape_cast %get3A_1778 : vector<1x16xf32> to vector<16xf32>
        %mul3A_1780 = vector.broadcast %squeeze3A_1758 : f32 to vector<16xf32>
        %mul3A_1781 = arith.mulf %get3A_1779, %mul3A_1780 : vector<16xf32>
        %add3A_1782 = arith.constant 13 : i32
        %add3A_1783 = arith.addi %mul3A_173, %add3A_1782 : i32
        %swap3A_1784 = arith.index_cast %add3A_1783 : i32 to index
        %swap3A_1785 = arith.constant 16 : index
        %swap3A_1786 = tpu.vector_load %arg8[%swap3A_1784, %swap3A_1785] {strides = array<i32>} : memref<128x128xf32, #tpu.memory_space<vmem>>, vector<1x16xf32>,
        %swap3A_1787 = vector.shape_cast %swap3A_1786 : vector<1x16xf32> to vector<16xf32>
        %swap3A_1788 = vector.shape_cast %mul3A_1781 : vector<16xf32> to vector<1x16xf32>
        tpu.vector_store %arg8[%swap3A_1784, %swap3A_1785], %swap3A_1788 {strides = array<i32>} : memref<128x128xf32, #tpu.memory_space<vmem>>, vector<1x16xf32>,
        %add3A_1789 = arith.constant 13 : i32
        %add3A_1790 = arith.addi %mul3A_173, %add3A_1789 : i32
        %get3A_1791 = arith.index_cast %add3A_1790 : i32 to index
        %get3A_1792 = arith.constant 32 : index
        %get3A_1793 = tpu.vector_load %arg8[%get3A_1791, %get3A_1792] {strides = array<i32>} : memref<128x128xf32, #tpu.memory_space<vmem>>, vector<1x16xf32>,
        %get3A_1794 = vector.shape_cast %get3A_1793 : vector<1x16xf32> to vector<16xf32>
        %mul3A_1795 = vector.broadcast %squeeze3A_1758 : f32 to vector<16xf32>
        %mul3A_1796 = arith.mulf %get3A_1794, %mul3A_1795 : vector<16xf32>
        %add3A_1797 = arith.constant 13 : i32
        %add3A_1798 = arith.addi %mul3A_173, %add3A_1797 : i32
        %swap3A_1799 = arith.index_cast %add3A_1798 : i32 to index
        %swap3A_1800 = arith.constant 32 : index
        %swap3A_1801 = tpu.vector_load %arg8[%swap3A_1799, %swap3A_1800] {strides = array<i32>} : memref<128x128xf32, #tpu.memory_space<vmem>>, vector<1x16xf32>,
        %swap3A_1802 = vector.shape_cast %swap3A_1801 : vector<1x16xf32> to vector<16xf32>
        %swap3A_1803 = vector.shape_cast %mul3A_1796 : vector<16xf32> to vector<1x16xf32>
        tpu.vector_store %arg8[%swap3A_1799, %swap3A_1800], %swap3A_1803 {strides = array<i32>} : memref<128x128xf32, #tpu.memory_space<vmem>>, vector<1x16xf32>,
        %add3A_1804 = arith.constant 13 : i32
        %add3A_1805 = arith.addi %mul3A_173, %add3A_1804 : i32
        %get3A_1806 = arith.index_cast %add3A_1805 : i32 to index
        %get3A_1807 = arith.constant 48 : index
        %get3A_1808 = tpu.vector_load %arg8[%get3A_1806, %get3A_1807] {strides = array<i32>} : memref<128x128xf32, #tpu.memory_space<vmem>>, vector<1x16xf32>,
        %get3A_1809 = vector.shape_cast %get3A_1808 : vector<1x16xf32> to vector<16xf32>
        %mul3A_1810 = vector.broadcast %squeeze3A_1758 : f32 to vector<16xf32>
        %mul3A_1811 = arith.mulf %get3A_1809, %mul3A_1810 : vector<16xf32>
        %add3A_1812 = arith.constant 13 : i32
        %add3A_1813 = arith.addi %mul3A_173, %add3A_1812 : i32
        %swap3A_1814 = arith.index_cast %add3A_1813 : i32 to index
        %swap3A_1815 = arith.constant 48 : index
        %swap3A_1816 = tpu.vector_load %arg8[%swap3A_1814, %swap3A_1815] {strides = array<i32>} : memref<128x128xf32, #tpu.memory_space<vmem>>, vector<1x16xf32>,
        %swap3A_1817 = vector.shape_cast %swap3A_1816 : vector<1x16xf32> to vector<16xf32>
        %swap3A_1818 = vector.shape_cast %mul3A_1811 : vector<16xf32> to vector<1x16xf32>
        tpu.vector_store %arg8[%swap3A_1814, %swap3A_1815], %swap3A_1818 {strides = array<i32>} : memref<128x128xf32, #tpu.memory_space<vmem>>, vector<1x16xf32>,
        %add3A_1819 = arith.constant 13 : i32
        %add3A_1820 = arith.addi %mul3A_173, %add3A_1819 : i32
        %get3A_1821 = arith.index_cast %add3A_1820 : i32 to index
        %get3A_1822 = arith.constant 64 : index
        %get3A_1823 = tpu.vector_load %arg8[%get3A_1821, %get3A_1822] {strides = array<i32>} : memref<128x128xf32, #tpu.memory_space<vmem>>, vector<1x16xf32>,
        %get3A_1824 = vector.shape_cast %get3A_1823 : vector<1x16xf32> to vector<16xf32>
        %mul3A_1825 = vector.broadcast %squeeze3A_1758 : f32 to vector<16xf32>
        %mul3A_1826 = arith.mulf %get3A_1824, %mul3A_1825 : vector<16xf32>
        %add3A_1827 = arith.constant 13 : i32
        %add3A_1828 = arith.addi %mul3A_173, %add3A_1827 : i32
        %swap3A_1829 = arith.index_cast %add3A_1828 : i32 to index
        %swap3A_1830 = arith.constant 64 : index
        %swap3A_1831 = tpu.vector_load %arg8[%swap3A_1829, %swap3A_1830] {strides = array<i32>} : memref<128x128xf32, #tpu.memory_space<vmem>>, vector<1x16xf32>,
        %swap3A_1832 = vector.shape_cast %swap3A_1831 : vector<1x16xf32> to vector<16xf32>
        %swap3A_1833 = vector.shape_cast %mul3A_1826 : vector<16xf32> to vector<1x16xf32>
        tpu.vector_store %arg8[%swap3A_1829, %swap3A_1830], %swap3A_1833 {strides = array<i32>} : memref<128x128xf32, #tpu.memory_space<vmem>>, vector<1x16xf32>,
        %add3A_1834 = arith.constant 13 : i32
        %add3A_1835 = arith.addi %mul3A_173, %add3A_1834 : i32
        %get3A_1836 = arith.index_cast %add3A_1835 : i32 to index
        %get3A_1837 = arith.constant 80 : index
        %get3A_1838 = tpu.vector_load %arg8[%get3A_1836, %get3A_1837] {strides = array<i32>} : memref<128x128xf32, #tpu.memory_space<vmem>>, vector<1x16xf32>,
        %get3A_1839 = vector.shape_cast %get3A_1838 : vector<1x16xf32> to vector<16xf32>
        %mul3A_1840 = vector.broadcast %squeeze3A_1758 : f32 to vector<16xf32>
        %mul3A_1841 = arith.mulf %get3A_1839, %mul3A_1840 : vector<16xf32>
        %add3A_1842 = arith.constant 13 : i32
        %add3A_1843 = arith.addi %mul3A_173, %add3A_1842 : i32
        %swap3A_1844 = arith.index_cast %add3A_1843 : i32 to index
        %swap3A_1845 = arith.constant 80 : index
        %swap3A_1846 = tpu.vector_load %arg8[%swap3A_1844, %swap3A_1845] {strides = array<i32>} : memref<128x128xf32, #tpu.memory_space<vmem>>, vector<1x16xf32>,
        %swap3A_1847 = vector.shape_cast %swap3A_1846 : vector<1x16xf32> to vector<16xf32>
        %swap3A_1848 = vector.shape_cast %mul3A_1841 : vector<16xf32> to vector<1x16xf32>
        tpu.vector_store %arg8[%swap3A_1844, %swap3A_1845], %swap3A_1848 {strides = array<i32>} : memref<128x128xf32, #tpu.memory_space<vmem>>, vector<1x16xf32>,
        %add3A_1849 = arith.constant 13 : i32
        %add3A_1850 = arith.addi %mul3A_173, %add3A_1849 : i32
        %get3A_1851 = arith.index_cast %add3A_1850 : i32 to index
        %get3A_1852 = arith.constant 96 : index
        %get3A_1853 = tpu.vector_load %arg8[%get3A_1851, %get3A_1852] {strides = array<i32>} : memref<128x128xf32, #tpu.memory_space<vmem>>, vector<1x16xf32>,
        %get3A_1854 = vector.shape_cast %get3A_1853 : vector<1x16xf32> to vector<16xf32>
        %mul3A_1855 = vector.broadcast %squeeze3A_1758 : f32 to vector<16xf32>
        %mul3A_1856 = arith.mulf %get3A_1854, %mul3A_1855 : vector<16xf32>
        %add3A_1857 = arith.constant 13 : i32
        %add3A_1858 = arith.addi %mul3A_173, %add3A_1857 : i32
        %swap3A_1859 = arith.index_cast %add3A_1858 : i32 to index
        %swap3A_1860 = arith.constant 96 : index
        %swap3A_1861 = tpu.vector_load %arg8[%swap3A_1859, %swap3A_1860] {strides = array<i32>} : memref<128x128xf32, #tpu.memory_space<vmem>>, vector<1x16xf32>,
        %swap3A_1862 = vector.shape_cast %swap3A_1861 : vector<1x16xf32> to vector<16xf32>
        %swap3A_1863 = vector.shape_cast %mul3A_1856 : vector<16xf32> to vector<1x16xf32>
        tpu.vector_store %arg8[%swap3A_1859, %swap3A_1860], %swap3A_1863 {strides = array<i32>} : memref<128x128xf32, #tpu.memory_space<vmem>>, vector<1x16xf32>,
        %add3A_1864 = arith.constant 13 : i32
        %add3A_1865 = arith.addi %mul3A_173, %add3A_1864 : i32
        %get3A_1866 = arith.index_cast %add3A_1865 : i32 to index
        %get3A_1867 = arith.constant 112 : index
        %get3A_1868 = tpu.vector_load %arg8[%get3A_1866, %get3A_1867] {strides = array<i32>} : memref<128x128xf32, #tpu.memory_space<vmem>>, vector<1x16xf32>,
        %get3A_1869 = vector.shape_cast %get3A_1868 : vector<1x16xf32> to vector<16xf32>
        %mul3A_1870 = vector.broadcast %squeeze3A_1758 : f32 to vector<16xf32>
        %mul3A_1871 = arith.mulf %get3A_1869, %mul3A_1870 : vector<16xf32>
        %add3A_1872 = arith.constant 13 : i32
        %add3A_1873 = arith.addi %mul3A_173, %add3A_1872 : i32
        %swap3A_1874 = arith.index_cast %add3A_1873 : i32 to index
        %swap3A_1875 = arith.constant 112 : index
        %swap3A_1876 = tpu.vector_load %arg8[%swap3A_1874, %swap3A_1875] {strides = array<i32>} : memref<128x128xf32, #tpu.memory_space<vmem>>, vector<1x16xf32>,
        %swap3A_1877 = vector.shape_cast %swap3A_1876 : vector<1x16xf32> to vector<16xf32>
        %swap3A_1878 = vector.shape_cast %mul3A_1871 : vector<16xf32> to vector<1x16xf32>
        tpu.vector_store %arg8[%swap3A_1874, %swap3A_1875], %swap3A_1878 {strides = array<i32>} : memref<128x128xf32, #tpu.memory_space<vmem>>, vector<1x16xf32>,
        %slice3A_1879 = vector.extract_strided_slice %get3A_171 {offsets = [14], sizes = [1], strides = [1]} : vector<16xf32> to vector<1xf32>
        %squeeze3A_1880 = vector.extract %slice3A_1879[0] : f32 from vector<1xf32>
        %add3A_1881 = arith.constant 14 : i32
        %add3A_1882 = arith.addi %mul3A_173, %add3A_1881 : i32
        %get3A_1883 = arith.index_cast %add3A_1882 : i32 to index
        %get3A_1884 = arith.constant 0 : index
        %get3A_1885 = tpu.vector_load %arg8[%get3A_1883, %get3A_1884] {strides = array<i32>} : memref<128x128xf32, #tpu.memory_space<vmem>>, vector<1x16xf32>,
        %get3A_1886 = vector.shape_cast %get3A_1885 : vector<1x16xf32> to vector<16xf32>
        %mul3A_1887 = vector.broadcast %squeeze3A_1880 : f32 to vector<16xf32>
        %mul3A_1888 = arith.mulf %get3A_1886, %mul3A_1887 : vector<16xf32>
        %add3A_1889 = arith.constant 14 : i32
        %add3A_1890 = arith.addi %mul3A_173, %add3A_1889 : i32
        %swap3A_1891 = arith.index_cast %add3A_1890 : i32 to index
        %swap3A_1892 = arith.constant 0 : index
        %swap3A_1893 = tpu.vector_load %arg8[%swap3A_1891, %swap3A_1892] {strides = array<i32>} : memref<128x128xf32, #tpu.memory_space<vmem>>, vector<1x16xf32>,
        %swap3A_1894 = vector.shape_cast %swap3A_1893 : vector<1x16xf32> to vector<16xf32>
        %swap3A_1895 = vector.shape_cast %mul3A_1888 : vector<16xf32> to vector<1x16xf32>
        tpu.vector_store %arg8[%swap3A_1891, %swap3A_1892], %swap3A_1895 {strides = array<i32>} : memref<128x128xf32, #tpu.memory_space<vmem>>, vector<1x16xf32>,
        %add3A_1896 = arith.constant 14 : i32
        %add3A_1897 = arith.addi %mul3A_173, %add3A_1896 : i32
        %get3A_1898 = arith.index_cast %add3A_1897 : i32 to index
        %get3A_1899 = arith.constant 16 : index
        %get3A_1900 = tpu.vector_load %arg8[%get3A_1898, %get3A_1899] {strides = array<i32>} : memref<128x128xf32, #tpu.memory_space<vmem>>, vector<1x16xf32>,
        %get3A_1901 = vector.shape_cast %get3A_1900 : vector<1x16xf32> to vector<16xf32>
        %mul3A_1902 = vector.broadcast %squeeze3A_1880 : f32 to vector<16xf32>
        %mul3A_1903 = arith.mulf %get3A_1901, %mul3A_1902 : vector<16xf32>
        %add3A_1904 = arith.constant 14 : i32
        %add3A_1905 = arith.addi %mul3A_173, %add3A_1904 : i32
        %swap3A_1906 = arith.index_cast %add3A_1905 : i32 to index
        %swap3A_1907 = arith.constant 16 : index
        %swap3A_1908 = tpu.vector_load %arg8[%swap3A_1906, %swap3A_1907] {strides = array<i32>} : memref<128x128xf32, #tpu.memory_space<vmem>>, vector<1x16xf32>,
        %swap3A_1909 = vector.shape_cast %swap3A_1908 : vector<1x16xf32> to vector<16xf32>
        %swap3A_1910 = vector.shape_cast %mul3A_1903 : vector<16xf32> to vector<1x16xf32>
        tpu.vector_store %arg8[%swap3A_1906, %swap3A_1907], %swap3A_1910 {strides = array<i32>} : memref<128x128xf32, #tpu.memory_space<vmem>>, vector<1x16xf32>,
        %add3A_1911 = arith.constant 14 : i32
        %add3A_1912 = arith.addi %mul3A_173, %add3A_1911 : i32
        %get3A_1913 = arith.index_cast %add3A_1912 : i32 to index
        %get3A_1914 = arith.constant 32 : index
        %get3A_1915 = tpu.vector_load %arg8[%get3A_1913, %get3A_1914] {strides = array<i32>} : memref<128x128xf32, #tpu.memory_space<vmem>>, vector<1x16xf32>,
        %get3A_1916 = vector.shape_cast %get3A_1915 : vector<1x16xf32> to vector<16xf32>
        %mul3A_1917 = vector.broadcast %squeeze3A_1880 : f32 to vector<16xf32>
        %mul3A_1918 = arith.mulf %get3A_1916, %mul3A_1917 : vector<16xf32>
        %add3A_1919 = arith.constant 14 : i32
        %add3A_1920 = arith.addi %mul3A_173, %add3A_1919 : i32
        %swap3A_1921 = arith.index_cast %add3A_1920 : i32 to index
        %swap3A_1922 = arith.constant 32 : index
        %swap3A_1923 = tpu.vector_load %arg8[%swap3A_1921, %swap3A_1922] {strides = array<i32>} : memref<128x128xf32, #tpu.memory_space<vmem>>, vector<1x16xf32>,
        %swap3A_1924 = vector.shape_cast %swap3A_1923 : vector<1x16xf32> to vector<16xf32>
        %swap3A_1925 = vector.shape_cast %mul3A_1918 : vector<16xf32> to vector<1x16xf32>
        tpu.vector_store %arg8[%swap3A_1921, %swap3A_1922], %swap3A_1925 {strides = array<i32>} : memref<128x128xf32, #tpu.memory_space<vmem>>, vector<1x16xf32>,
        %add3A_1926 = arith.constant 14 : i32
        %add3A_1927 = arith.addi %mul3A_173, %add3A_1926 : i32
        %get3A_1928 = arith.index_cast %add3A_1927 : i32 to index
        %get3A_1929 = arith.constant 48 : index
        %get3A_1930 = tpu.vector_load %arg8[%get3A_1928, %get3A_1929] {strides = array<i32>} : memref<128x128xf32, #tpu.memory_space<vmem>>, vector<1x16xf32>,
        %get3A_1931 = vector.shape_cast %get3A_1930 : vector<1x16xf32> to vector<16xf32>
        %mul3A_1932 = vector.broadcast %squeeze3A_1880 : f32 to vector<16xf32>
        %mul3A_1933 = arith.mulf %get3A_1931, %mul3A_1932 : vector<16xf32>
        %add3A_1934 = arith.constant 14 : i32
        %add3A_1935 = arith.addi %mul3A_173, %add3A_1934 : i32
        %swap3A_1936 = arith.index_cast %add3A_1935 : i32 to index
        %swap3A_1937 = arith.constant 48 : index
        %swap3A_1938 = tpu.vector_load %arg8[%swap3A_1936, %swap3A_1937] {strides = array<i32>} : memref<128x128xf32, #tpu.memory_space<vmem>>, vector<1x16xf32>,
        %swap3A_1939 = vector.shape_cast %swap3A_1938 : vector<1x16xf32> to vector<16xf32>
        %swap3A_1940 = vector.shape_cast %mul3A_1933 : vector<16xf32> to vector<1x16xf32>
        tpu.vector_store %arg8[%swap3A_1936, %swap3A_1937], %swap3A_1940 {strides = array<i32>} : memref<128x128xf32, #tpu.memory_space<vmem>>, vector<1x16xf32>,
        %add3A_1941 = arith.constant 14 : i32
        %add3A_1942 = arith.addi %mul3A_173, %add3A_1941 : i32
        %get3A_1943 = arith.index_cast %add3A_1942 : i32 to index
        %get3A_1944 = arith.constant 64 : index
        %get3A_1945 = tpu.vector_load %arg8[%get3A_1943, %get3A_1944] {strides = array<i32>} : memref<128x128xf32, #tpu.memory_space<vmem>>, vector<1x16xf32>,
        %get3A_1946 = vector.shape_cast %get3A_1945 : vector<1x16xf32> to vector<16xf32>
        %mul3A_1947 = vector.broadcast %squeeze3A_1880 : f32 to vector<16xf32>
        %mul3A_1948 = arith.mulf %get3A_1946, %mul3A_1947 : vector<16xf32>
        %add3A_1949 = arith.constant 14 : i32
        %add3A_1950 = arith.addi %mul3A_173, %add3A_1949 : i32
        %swap3A_1951 = arith.index_cast %add3A_1950 : i32 to index
        %swap3A_1952 = arith.constant 64 : index
        %swap3A_1953 = tpu.vector_load %arg8[%swap3A_1951, %swap3A_1952] {strides = array<i32>} : memref<128x128xf32, #tpu.memory_space<vmem>>, vector<1x16xf32>,
        %swap3A_1954 = vector.shape_cast %swap3A_1953 : vector<1x16xf32> to vector<16xf32>
        %swap3A_1955 = vector.shape_cast %mul3A_1948 : vector<16xf32> to vector<1x16xf32>
        tpu.vector_store %arg8[%swap3A_1951, %swap3A_1952], %swap3A_1955 {strides = array<i32>} : memref<128x128xf32, #tpu.memory_space<vmem>>, vector<1x16xf32>,
        %add3A_1956 = arith.constant 14 : i32
        %add3A_1957 = arith.addi %mul3A_173, %add3A_1956 : i32
        %get3A_1958 = arith.index_cast %add3A_1957 : i32 to index
        %get3A_1959 = arith.constant 80 : index
        %get3A_1960 = tpu.vector_load %arg8[%get3A_1958, %get3A_1959] {strides = array<i32>} : memref<128x128xf32, #tpu.memory_space<vmem>>, vector<1x16xf32>,
        %get3A_1961 = vector.shape_cast %get3A_1960 : vector<1x16xf32> to vector<16xf32>
        %mul3A_1962 = vector.broadcast %squeeze3A_1880 : f32 to vector<16xf32>
        %mul3A_1963 = arith.mulf %get3A_1961, %mul3A_1962 : vector<16xf32>
        %add3A_1964 = arith.constant 14 : i32
        %add3A_1965 = arith.addi %mul3A_173, %add3A_1964 : i32
        %swap3A_1966 = arith.index_cast %add3A_1965 : i32 to index
        %swap3A_1967 = arith.constant 80 : index
        %swap3A_1968 = tpu.vector_load %arg8[%swap3A_1966, %swap3A_1967] {strides = array<i32>} : memref<128x128xf32, #tpu.memory_space<vmem>>, vector<1x16xf32>,
        %swap3A_1969 = vector.shape_cast %swap3A_1968 : vector<1x16xf32> to vector<16xf32>
        %swap3A_1970 = vector.shape_cast %mul3A_1963 : vector<16xf32> to vector<1x16xf32>
        tpu.vector_store %arg8[%swap3A_1966, %swap3A_1967], %swap3A_1970 {strides = array<i32>} : memref<128x128xf32, #tpu.memory_space<vmem>>, vector<1x16xf32>,
        %add3A_1971 = arith.constant 14 : i32
        %add3A_1972 = arith.addi %mul3A_173, %add3A_1971 : i32
        %get3A_1973 = arith.index_cast %add3A_1972 : i32 to index
        %get3A_1974 = arith.constant 96 : index
        %get3A_1975 = tpu.vector_load %arg8[%get3A_1973, %get3A_1974] {strides = array<i32>} : memref<128x128xf32, #tpu.memory_space<vmem>>, vector<1x16xf32>,
        %get3A_1976 = vector.shape_cast %get3A_1975 : vector<1x16xf32> to vector<16xf32>
        %mul3A_1977 = vector.broadcast %squeeze3A_1880 : f32 to vector<16xf32>
        %mul3A_1978 = arith.mulf %get3A_1976, %mul3A_1977 : vector<16xf32>
        %add3A_1979 = arith.constant 14 : i32
        %add3A_1980 = arith.addi %mul3A_173, %add3A_1979 : i32
        %swap3A_1981 = arith.index_cast %add3A_1980 : i32 to index
        %swap3A_1982 = arith.constant 96 : index
        %swap3A_1983 = tpu.vector_load %arg8[%swap3A_1981, %swap3A_1982] {strides = array<i32>} : memref<128x128xf32, #tpu.memory_space<vmem>>, vector<1x16xf32>,
        %swap3A_1984 = vector.shape_cast %swap3A_1983 : vector<1x16xf32> to vector<16xf32>
        %swap3A_1985 = vector.shape_cast %mul3A_1978 : vector<16xf32> to vector<1x16xf32>
        tpu.vector_store %arg8[%swap3A_1981, %swap3A_1982], %swap3A_1985 {strides = array<i32>} : memref<128x128xf32, #tpu.memory_space<vmem>>, vector<1x16xf32>,
        %add3A_1986 = arith.constant 14 : i32
        %add3A_1987 = arith.addi %mul3A_173, %add3A_1986 : i32
        %get3A_1988 = arith.index_cast %add3A_1987 : i32 to index
        %get3A_1989 = arith.constant 112 : index
        %get3A_1990 = tpu.vector_load %arg8[%get3A_1988, %get3A_1989] {strides = array<i32>} : memref<128x128xf32, #tpu.memory_space<vmem>>, vector<1x16xf32>,
        %get3A_1991 = vector.shape_cast %get3A_1990 : vector<1x16xf32> to vector<16xf32>
        %mul3A_1992 = vector.broadcast %squeeze3A_1880 : f32 to vector<16xf32>
        %mul3A_1993 = arith.mulf %get3A_1991, %mul3A_1992 : vector<16xf32>
        %add3A_1994 = arith.constant 14 : i32
        %add3A_1995 = arith.addi %mul3A_173, %add3A_1994 : i32
        %swap3A_1996 = arith.index_cast %add3A_1995 : i32 to index
        %swap3A_1997 = arith.constant 112 : index
        %swap3A_1998 = tpu.vector_load %arg8[%swap3A_1996, %swap3A_1997] {strides = array<i32>} : memref<128x128xf32, #tpu.memory_space<vmem>>, vector<1x16xf32>,
        %swap3A_1999 = vector.shape_cast %swap3A_1998 : vector<1x16xf32> to vector<16xf32>
        %swap3A_2000 = vector.shape_cast %mul3A_1993 : vector<16xf32> to vector<1x16xf32>
        tpu.vector_store %arg8[%swap3A_1996, %swap3A_1997], %swap3A_2000 {strides = array<i32>} : memref<128x128xf32, #tpu.memory_space<vmem>>, vector<1x16xf32>,
        %slice3A_2001 = vector.extract_strided_slice %get3A_171 {offsets = [15], sizes = [1], strides = [1]} : vector<16xf32> to vector<1xf32>
        %squeeze3A_2002 = vector.extract %slice3A_2001[0] : f32 from vector<1xf32>
        %add3A_2003 = arith.constant 15 : i32
        %add3A_2004 = arith.addi %mul3A_173, %add3A_2003 : i32
        %get3A_2005 = arith.index_cast %add3A_2004 : i32 to index
        %get3A_2006 = arith.constant 0 : index
        %get3A_2007 = tpu.vector_load %arg8[%get3A_2005, %get3A_2006] {strides = array<i32>} : memref<128x128xf32, #tpu.memory_space<vmem>>, vector<1x16xf32>,
        %get3A_2008 = vector.shape_cast %get3A_2007 : vector<1x16xf32> to vector<16xf32>
        %mul3A_2009 = vector.broadcast %squeeze3A_2002 : f32 to vector<16xf32>
        %mul3A_2010 = arith.mulf %get3A_2008, %mul3A_2009 : vector<16xf32>
        %add3A_2011 = arith.constant 15 : i32
        %add3A_2012 = arith.addi %mul3A_173, %add3A_2011 : i32
        %swap3A_2013 = arith.index_cast %add3A_2012 : i32 to index
        %swap3A_2014 = arith.constant 0 : index
        %swap3A_2015 = tpu.vector_load %arg8[%swap3A_2013, %swap3A_2014] {strides = array<i32>} : memref<128x128xf32, #tpu.memory_space<vmem>>, vector<1x16xf32>,
        %swap3A_2016 = vector.shape_cast %swap3A_2015 : vector<1x16xf32> to vector<16xf32>
        %swap3A_2017 = vector.shape_cast %mul3A_2010 : vector<16xf32> to vector<1x16xf32>
        tpu.vector_store %arg8[%swap3A_2013, %swap3A_2014], %swap3A_2017 {strides = array<i32>} : memref<128x128xf32, #tpu.memory_space<vmem>>, vector<1x16xf32>,
        %add3A_2018 = arith.constant 15 : i32
        %add3A_2019 = arith.addi %mul3A_173, %add3A_2018 : i32
        %get3A_2020 = arith.index_cast %add3A_2019 : i32 to index
        %get3A_2021 = arith.constant 16 : index
        %get3A_2022 = tpu.vector_load %arg8[%get3A_2020, %get3A_2021] {strides = array<i32>} : memref<128x128xf32, #tpu.memory_space<vmem>>, vector<1x16xf32>,
        %get3A_2023 = vector.shape_cast %get3A_2022 : vector<1x16xf32> to vector<16xf32>
        %mul3A_2024 = vector.broadcast %squeeze3A_2002 : f32 to vector<16xf32>
        %mul3A_2025 = arith.mulf %get3A_2023, %mul3A_2024 : vector<16xf32>
        %add3A_2026 = arith.constant 15 : i32
        %add3A_2027 = arith.addi %mul3A_173, %add3A_2026 : i32
        %swap3A_2028 = arith.index_cast %add3A_2027 : i32 to index
        %swap3A_2029 = arith.constant 16 : index
        %swap3A_2030 = tpu.vector_load %arg8[%swap3A_2028, %swap3A_2029] {strides = array<i32>} : memref<128x128xf32, #tpu.memory_space<vmem>>, vector<1x16xf32>,
        %swap3A_2031 = vector.shape_cast %swap3A_2030 : vector<1x16xf32> to vector<16xf32>
        %swap3A_2032 = vector.shape_cast %mul3A_2025 : vector<16xf32> to vector<1x16xf32>
        tpu.vector_store %arg8[%swap3A_2028, %swap3A_2029], %swap3A_2032 {strides = array<i32>} : memref<128x128xf32, #tpu.memory_space<vmem>>, vector<1x16xf32>,
        %add3A_2033 = arith.constant 15 : i32
        %add3A_2034 = arith.addi %mul3A_173, %add3A_2033 : i32
        %get3A_2035 = arith.index_cast %add3A_2034 : i32 to index
        %get3A_2036 = arith.constant 32 : index
        %get3A_2037 = tpu.vector_load %arg8[%get3A_2035, %get3A_2036] {strides = array<i32>} : memref<128x128xf32, #tpu.memory_space<vmem>>, vector<1x16xf32>,
        %get3A_2038 = vector.shape_cast %get3A_2037 : vector<1x16xf32> to vector<16xf32>
        %mul3A_2039 = vector.broadcast %squeeze3A_2002 : f32 to vector<16xf32>
        %mul3A_2040 = arith.mulf %get3A_2038, %mul3A_2039 : vector<16xf32>
        %add3A_2041 = arith.constant 15 : i32
        %add3A_2042 = arith.addi %mul3A_173, %add3A_2041 : i32
        %swap3A_2043 = arith.index_cast %add3A_2042 : i32 to index
        %swap3A_2044 = arith.constant 32 : index
        %swap3A_2045 = tpu.vector_load %arg8[%swap3A_2043, %swap3A_2044] {strides = array<i32>} : memref<128x128xf32, #tpu.memory_space<vmem>>, vector<1x16xf32>,
        %swap3A_2046 = vector.shape_cast %swap3A_2045 : vector<1x16xf32> to vector<16xf32>
        %swap3A_2047 = vector.shape_cast %mul3A_2040 : vector<16xf32> to vector<1x16xf32>
        tpu.vector_store %arg8[%swap3A_2043, %swap3A_2044], %swap3A_2047 {strides = array<i32>} : memref<128x128xf32, #tpu.memory_space<vmem>>, vector<1x16xf32>,
        %add3A_2048 = arith.constant 15 : i32
        %add3A_2049 = arith.addi %mul3A_173, %add3A_2048 : i32
        %get3A_2050 = arith.index_cast %add3A_2049 : i32 to index
        %get3A_2051 = arith.constant 48 : index
        %get3A_2052 = tpu.vector_load %arg8[%get3A_2050, %get3A_2051] {strides = array<i32>} : memref<128x128xf32, #tpu.memory_space<vmem>>, vector<1x16xf32>,
        %get3A_2053 = vector.shape_cast %get3A_2052 : vector<1x16xf32> to vector<16xf32>
        %mul3A_2054 = vector.broadcast %squeeze3A_2002 : f32 to vector<16xf32>
        %mul3A_2055 = arith.mulf %get3A_2053, %mul3A_2054 : vector<16xf32>
        %add3A_2056 = arith.constant 15 : i32
        %add3A_2057 = arith.addi %mul3A_173, %add3A_2056 : i32
        %swap3A_2058 = arith.index_cast %add3A_2057 : i32 to index
        %swap3A_2059 = arith.constant 48 : index
        %swap3A_2060 = tpu.vector_load %arg8[%swap3A_2058, %swap3A_2059] {strides = array<i32>} : memref<128x128xf32, #tpu.memory_space<vmem>>, vector<1x16xf32>,
        %swap3A_2061 = vector.shape_cast %swap3A_2060 : vector<1x16xf32> to vector<16xf32>
        %swap3A_2062 = vector.shape_cast %mul3A_2055 : vector<16xf32> to vector<1x16xf32>
        tpu.vector_store %arg8[%swap3A_2058, %swap3A_2059], %swap3A_2062 {strides = array<i32>} : memref<128x128xf32, #tpu.memory_space<vmem>>, vector<1x16xf32>,
        %add3A_2063 = arith.constant 15 : i32
        %add3A_2064 = arith.addi %mul3A_173, %add3A_2063 : i32
        %get3A_2065 = arith.index_cast %add3A_2064 : i32 to index
        %get3A_2066 = arith.constant 64 : index
        %get3A_2067 = tpu.vector_load %arg8[%get3A_2065, %get3A_2066] {strides = array<i32>} : memref<128x128xf32, #tpu.memory_space<vmem>>, vector<1x16xf32>,
        %get3A_2068 = vector.shape_cast %get3A_2067 : vector<1x16xf32> to vector<16xf32>
        %mul3A_2069 = vector.broadcast %squeeze3A_2002 : f32 to vector<16xf32>
        %mul3A_2070 = arith.mulf %get3A_2068, %mul3A_2069 : vector<16xf32>
        %add3A_2071 = arith.constant 15 : i32
        %add3A_2072 = arith.addi %mul3A_173, %add3A_2071 : i32
        %swap3A_2073 = arith.index_cast %add3A_2072 : i32 to index
        %swap3A_2074 = arith.constant 64 : index
        %swap3A_2075 = tpu.vector_load %arg8[%swap3A_2073, %swap3A_2074] {strides = array<i32>} : memref<128x128xf32, #tpu.memory_space<vmem>>, vector<1x16xf32>,
        %swap3A_2076 = vector.shape_cast %swap3A_2075 : vector<1x16xf32> to vector<16xf32>
        %swap3A_2077 = vector.shape_cast %mul3A_2070 : vector<16xf32> to vector<1x16xf32>
        tpu.vector_store %arg8[%swap3A_2073, %swap3A_2074], %swap3A_2077 {strides = array<i32>} : memref<128x128xf32, #tpu.memory_space<vmem>>, vector<1x16xf32>,
        %add3A_2078 = arith.constant 15 : i32
        %add3A_2079 = arith.addi %mul3A_173, %add3A_2078 : i32
        %get3A_2080 = arith.index_cast %add3A_2079 : i32 to index
        %get3A_2081 = arith.constant 80 : index
        %get3A_2082 = tpu.vector_load %arg8[%get3A_2080, %get3A_2081] {strides = array<i32>} : memref<128x128xf32, #tpu.memory_space<vmem>>, vector<1x16xf32>,
        %get3A_2083 = vector.shape_cast %get3A_2082 : vector<1x16xf32> to vector<16xf32>
        %mul3A_2084 = vector.broadcast %squeeze3A_2002 : f32 to vector<16xf32>
        %mul3A_2085 = arith.mulf %get3A_2083, %mul3A_2084 : vector<16xf32>
        %add3A_2086 = arith.constant 15 : i32
        %add3A_2087 = arith.addi %mul3A_173, %add3A_2086 : i32
        %swap3A_2088 = arith.index_cast %add3A_2087 : i32 to index
        %swap3A_2089 = arith.constant 80 : index
        %swap3A_2090 = tpu.vector_load %arg8[%swap3A_2088, %swap3A_2089] {strides = array<i32>} : memref<128x128xf32, #tpu.memory_space<vmem>>, vector<1x16xf32>,
        %swap3A_2091 = vector.shape_cast %swap3A_2090 : vector<1x16xf32> to vector<16xf32>
        %swap3A_2092 = vector.shape_cast %mul3A_2085 : vector<16xf32> to vector<1x16xf32>
        tpu.vector_store %arg8[%swap3A_2088, %swap3A_2089], %swap3A_2092 {strides = array<i32>} : memref<128x128xf32, #tpu.memory_space<vmem>>, vector<1x16xf32>,
        %add3A_2093 = arith.constant 15 : i32
        %add3A_2094 = arith.addi %mul3A_173, %add3A_2093 : i32
        %get3A_2095 = arith.index_cast %add3A_2094 : i32 to index
        %get3A_2096 = arith.constant 96 : index
        %get3A_2097 = tpu.vector_load %arg8[%get3A_2095, %get3A_2096] {strides = array<i32>} : memref<128x128xf32, #tpu.memory_space<vmem>>, vector<1x16xf32>,
        %get3A_2098 = vector.shape_cast %get3A_2097 : vector<1x16xf32> to vector<16xf32>
        %mul3A_2099 = vector.broadcast %squeeze3A_2002 : f32 to vector<16xf32>
        %mul3A_2100 = arith.mulf %get3A_2098, %mul3A_2099 : vector<16xf32>
        %add3A_2101 = arith.constant 15 : i32
        %add3A_2102 = arith.addi %mul3A_173, %add3A_2101 : i32
        %swap3A_2103 = arith.index_cast %add3A_2102 : i32 to index
        %swap3A_2104 = arith.constant 96 : index
        %swap3A_2105 = tpu.vector_load %arg8[%swap3A_2103, %swap3A_2104] {strides = array<i32>} : memref<128x128xf32, #tpu.memory_space<vmem>>, vector<1x16xf32>,
        %swap3A_2106 = vector.shape_cast %swap3A_2105 : vector<1x16xf32> to vector<16xf32>
        %swap3A_2107 = vector.shape_cast %mul3A_2100 : vector<16xf32> to vector<1x16xf32>
        tpu.vector_store %arg8[%swap3A_2103, %swap3A_2104], %swap3A_2107 {strides = array<i32>} : memref<128x128xf32, #tpu.memory_space<vmem>>, vector<1x16xf32>,
        %add3A_2108 = arith.constant 15 : i32
        %add3A_2109 = arith.addi %mul3A_173, %add3A_2108 : i32
        %get3A_2110 = arith.index_cast %add3A_2109 : i32 to index
        %get3A_2111 = arith.constant 112 : index
        %get3A_2112 = tpu.vector_load %arg8[%get3A_2110, %get3A_2111] {strides = array<i32>} : memref<128x128xf32, #tpu.memory_space<vmem>>, vector<1x16xf32>,
        %get3A_2113 = vector.shape_cast %get3A_2112 : vector<1x16xf32> to vector<16xf32>
        %mul3A_2114 = vector.broadcast %squeeze3A_2002 : f32 to vector<16xf32>
        %mul3A_2115 = arith.mulf %get3A_2113, %mul3A_2114 : vector<16xf32>
        %add3A_2116 = arith.constant 15 : i32
        %add3A_2117 = arith.addi %mul3A_173, %add3A_2116 : i32
        %swap3A_2118 = arith.index_cast %add3A_2117 : i32 to index
        %swap3A_2119 = arith.constant 112 : index
        %swap3A_2120 = tpu.vector_load %arg8[%swap3A_2118, %swap3A_2119] {strides = array<i32>} : memref<128x128xf32, #tpu.memory_space<vmem>>, vector<1x16xf32>,
        %swap3A_2121 = vector.shape_cast %swap3A_2120 : vector<1x16xf32> to vector<16xf32>
        %swap3A_2122 = vector.shape_cast %mul3A_2115 : vector<16xf32> to vector<1x16xf32>
        tpu.vector_store %arg8[%swap3A_2118, %swap3A_2119], %swap3A_2122 {strides = array<i32>} : memref<128x128xf32, #tpu.memory_space<vmem>>, vector<1x16xf32>,
      }
      %scan3A_117 = arith.constant 8 : i32
      "tpu.region"() ({
        %run_scoped3A = tpu.sem_alloc : memref<!tpu.dma_semaphore, #tpu.memory_space<semaphore_mem>>
        %dma_start3A_167 = arith.constant 0 : i32
        %dma_start3A_168 = arith.constant 0 : i32
        %dma_start3A_169 = tpu.memref_slice %arg7[%dma_start3A_167, %dma_start3A_168] : memref<10000x128xf32, #tpu.memory_space<vmem_shared>> -> memref<10000x128xf32, #tpu.memory_space<vmem_shared>>
        tpu.enqueue_indirect_dma source(%arg8 : memref<128x128xf32, #tpu.memory_space<vmem>>) target(%dma_start3A_169 : memref<10000x128xf32, #tpu.memory_space<vmem_shared>>) offsets(%arg12 : memref<128xi32, #tpu.memory_space<vmem>>) semaphore(%run_scoped3A : memref<!tpu.dma_semaphore, #tpu.memory_space<semaphore_mem>>) {add = true}
        %dma_wait3A_170 = arith.constant 0 : i32
        %dma_wait3A_171 = arith.constant 0 : i32
        %dma_wait3A_172 = tpu.memref_slice %arg7[%dma_wait3A_170, %dma_wait3A_171] : memref<10000x128xf32, #tpu.memory_space<vmem_shared>> -> memref<10000x128xf32, #tpu.memory_space<vmem_shared>>
        tpu.wait_indirect_dma semaphore(%run_scoped3A : memref<!tpu.dma_semaphore, #tpu.memory_space<semaphore_mem>>) src(%arg8 : memref<128x128xf32, #tpu.memory_space<vmem>>) dst(%dma_wait3A_172 : memref<10000x128xf32, #tpu.memory_space<vmem_shared>>)
        tpu.yield
      }) : () -> ()
      %mul3A_118 = arith.constant 2 : i32
      %mul3A_119 = arith.muli %scan3A_70, %mul3A_118 : i32
      %add3A_120 = arith.constant 1 : i32
      %add3A_121 = arith.addi %mul3A_119, %add3A_120 : i32
      %add3A_122 = arith.constant 1 : i32
      %add3A_123 = arith.addi %add3A_121, %add3A_122 : i32
      %lt3A_124 = arith.constant 80 : i32
      %lt3A_125 = arith.cmpi slt, %add3A_123, %lt3A_124 : i32
      %convert_element_type3A_126 = arith.extui %lt3A_125 : i1 to i32
      %cond3A_127 = arith.constant 0 : i32
      %cond3A_128 = arith.cmpi ne, %convert_element_type3A_126, %cond3A_127 : i32
      scf.if %cond3A_128 {
        %add3A_167 = arith.constant 1 : i32
        %add3A_168 = arith.addi %add3A_121, %add3A_167 : i32
        %mul3A_169 = arith.constant 80 : i32
        %mul3A_170 = arith.muli %add3A, %mul3A_169 : i32
        %add3A_171 = arith.addi %mul3A_170, %add3A_168 : i32
        %mul3A_172 = arith.constant 128 : i32
        %mul3A_173 = arith.muli %add3A_171, %mul3A_172 : i32
        "tpu.region"() ({
          %run_scoped3A = tpu.sem_alloc : memref<!tpu.dma_semaphore, #tpu.memory_space<semaphore_mem>>
          %dma_start3A_206 = tpu.memref_slice %arg4[%mul3A_173] : memref<327680xi32, #tpu.memory_space<hbm>> -> memref<128xi32, #tpu.memory_space<hbm>>
          %dma_start3A_207 = tpu.memref_slice %arg4[%mul3A_173] : memref<327680xi32, #tpu.memory_space<hbm>> -> memref<128xi32, #tpu.memory_space<hbm>>
          tpu.enqueue_dma source(%dma_start3A_207 : memref<128xi32, #tpu.memory_space<hbm>>) target(%arg10 : memref<128xi32, #tpu.memory_space<vmem>>) target_semaphore(%run_scoped3A : memref<!tpu.dma_semaphore, #tpu.memory_space<semaphore_mem>>)
          %dma_wait3A_208 = tpu.memref_slice %arg4[%mul3A_173] : memref<327680xi32, #tpu.memory_space<hbm>> -> memref<128xi32, #tpu.memory_space<hbm>>
          %dma_wait3A_209 = tpu.memref_slice %arg4[%mul3A_173] : memref<327680xi32, #tpu.memory_space<hbm>> -> memref<128xi32, #tpu.memory_space<hbm>>
          tpu.wait_dma2 semaphore(%run_scoped3A : memref<!tpu.dma_semaphore, #tpu.memory_space<semaphore_mem>>) src(%dma_wait3A_209 : memref<128xi32, #tpu.memory_space<hbm>>) dst(%arg10 : memref<128xi32, #tpu.memory_space<vmem>>)
          tpu.yield
        }) : () -> ()
        "tpu.region"() ({
          %run_scoped3A = tpu.sem_alloc : memref<!tpu.dma_semaphore, #tpu.memory_space<semaphore_mem>>
          %dma_start3A_206 = tpu.memref_slice %arg5[%mul3A_173] : memref<327680xf32, #tpu.memory_space<hbm>> -> memref<128xf32, #tpu.memory_space<hbm>>
          %dma_start3A_207 = tpu.memref_slice %arg5[%mul3A_173] : memref<327680xf32, #tpu.memory_space<hbm>> -> memref<128xf32, #tpu.memory_space<hbm>>
          tpu.enqueue_dma source(%dma_start3A_207 : memref<128xf32, #tpu.memory_space<hbm>>) target(%arg14 : memref<128xf32, #tpu.memory_space<vmem>>) target_semaphore(%run_scoped3A : memref<!tpu.dma_semaphore, #tpu.memory_space<semaphore_mem>>)
          %dma_wait3A_208 = tpu.memref_slice %arg5[%mul3A_173] : memref<327680xf32, #tpu.memory_space<hbm>> -> memref<128xf32, #tpu.memory_space<hbm>>
          %dma_wait3A_209 = tpu.memref_slice %arg5[%mul3A_173] : memref<327680xf32, #tpu.memory_space<hbm>> -> memref<128xf32, #tpu.memory_space<hbm>>
          tpu.wait_dma2 semaphore(%run_scoped3A : memref<!tpu.dma_semaphore, #tpu.memory_space<semaphore_mem>>) src(%dma_wait3A_209 : memref<128xf32, #tpu.memory_space<hbm>>) dst(%arg14 : memref<128xf32, #tpu.memory_space<vmem>>)
          tpu.yield
        }) : () -> ()
        "tpu.region"() ({
          %run_scoped3A = tpu.sem_alloc : memref<!tpu.dma_semaphore, #tpu.memory_space<semaphore_mem>>
          %dma_start3A_206 = tpu.memref_slice %arg3[%mul3A_173] : memref<327680xi32, #tpu.memory_space<hbm>> -> memref<128xi32, #tpu.memory_space<hbm>>
          %dma_start3A_207 = tpu.memref_slice %arg3[%mul3A_173] : memref<327680xi32, #tpu.memory_space<hbm>> -> memref<128xi32, #tpu.memory_space<hbm>>
          tpu.enqueue_dma source(%dma_start3A_207 : memref<128xi32, #tpu.memory_space<hbm>>) target(%arg12 : memref<128xi32, #tpu.memory_space<vmem>>) target_semaphore(%run_scoped3A : memref<!tpu.dma_semaphore, #tpu.memory_space<semaphore_mem>>)
          %dma_wait3A_208 = tpu.memref_slice %arg3[%mul3A_173] : memref<327680xi32, #tpu.memory_space<hbm>> -> memref<128xi32, #tpu.memory_space<hbm>>
          %dma_wait3A_209 = tpu.memref_slice %arg3[%mul3A_173] : memref<327680xi32, #tpu.memory_space<hbm>> -> memref<128xi32, #tpu.memory_space<hbm>>
          tpu.wait_dma2 semaphore(%run_scoped3A : memref<!tpu.dma_semaphore, #tpu.memory_space<semaphore_mem>>) src(%dma_wait3A_209 : memref<128xi32, #tpu.memory_space<hbm>>) dst(%arg12 : memref<128xi32, #tpu.memory_space<vmem>>)
          tpu.yield
        }) : () -> ()
        %dma_start3A_174 = arith.constant 0 : i32
        %dma_start3A_175 = arith.constant 0 : i32
        %dma_start3A_176 = tpu.memref_slice %arg8[%dma_start3A_174, %dma_start3A_175] : memref<128x128xf32, #tpu.memory_space<vmem>> -> memref<32x128xf32, #tpu.memory_space<vmem>>
        %dma_start3A_177 = arith.constant 0 : i32
        %dma_start3A_178 = tpu.memref_slice %arg10[%dma_start3A_177] : memref<128xi32, #tpu.memory_space<vmem>> -> memref<32xi32, #tpu.memory_space<vmem>>
        %dma_start3A_179 = arith.constant 0 : i32
        %dma_start3A_180 = arith.constant 0 : i32
        %dma_start3A_181 = tpu.memref_slice %arg2[%dma_start3A_179, %dma_start3A_180] : memref<10000x128xf32, #tpu.memory_space<hbm>> -> memref<10000x128xf32, #tpu.memory_space<hbm>>
        tpu.enqueue_indirect_dma source(%dma_start3A_181 : memref<10000x128xf32, #tpu.memory_space<hbm>>) target(%dma_start3A_176 : memref<32x128xf32, #tpu.memory_space<vmem>>) offsets(%dma_start3A_178 : memref<32xi32, #tpu.memory_space<vmem>>) semaphore(%arg16 : memref<!tpu.dma_semaphore, #tpu.memory_space<semaphore_mem>>)
        %dma_start3A_182 = arith.constant 32 : i32
        %dma_start3A_183 = arith.constant 0 : i32
        %dma_start3A_184 = tpu.memref_slice %arg8[%dma_start3A_182, %dma_start3A_183] : memref<128x128xf32, #tpu.memory_space<vmem>> -> memref<32x128xf32, #tpu.memory_space<vmem>>
        %dma_start3A_185 = arith.constant 32 : i32
        %dma_start3A_186 = tpu.memref_slice %arg10[%dma_start3A_185] : memref<128xi32, #tpu.memory_space<vmem>> -> memref<32xi32, #tpu.memory_space<vmem>>
        %dma_start3A_187 = arith.constant 0 : i32
        %dma_start3A_188 = arith.constant 0 : i32
        %dma_start3A_189 = tpu.memref_slice %arg2[%dma_start3A_187, %dma_start3A_188] : memref<10000x128xf32, #tpu.memory_space<hbm>> -> memref<10000x128xf32, #tpu.memory_space<hbm>>
        tpu.enqueue_indirect_dma source(%dma_start3A_189 : memref<10000x128xf32, #tpu.memory_space<hbm>>) target(%dma_start3A_184 : memref<32x128xf32, #tpu.memory_space<vmem>>) offsets(%dma_start3A_186 : memref<32xi32, #tpu.memory_space<vmem>>) semaphore(%arg16 : memref<!tpu.dma_semaphore, #tpu.memory_space<semaphore_mem>>)
        %dma_start3A_190 = arith.constant 64 : i32
        %dma_start3A_191 = arith.constant 0 : i32
        %dma_start3A_192 = tpu.memref_slice %arg8[%dma_start3A_190, %dma_start3A_191] : memref<128x128xf32, #tpu.memory_space<vmem>> -> memref<32x128xf32, #tpu.memory_space<vmem>>
        %dma_start3A_193 = arith.constant 64 : i32
        %dma_start3A_194 = tpu.memref_slice %arg10[%dma_start3A_193] : memref<128xi32, #tpu.memory_space<vmem>> -> memref<32xi32, #tpu.memory_space<vmem>>
        %dma_start3A_195 = arith.constant 0 : i32
        %dma_start3A_196 = arith.constant 0 : i32
        %dma_start3A_197 = tpu.memref_slice %arg2[%dma_start3A_195, %dma_start3A_196] : memref<10000x128xf32, #tpu.memory_space<hbm>> -> memref<10000x128xf32, #tpu.memory_space<hbm>>
        tpu.enqueue_indirect_dma source(%dma_start3A_197 : memref<10000x128xf32, #tpu.memory_space<hbm>>) target(%dma_start3A_192 : memref<32x128xf32, #tpu.memory_space<vmem>>) offsets(%dma_start3A_194 : memref<32xi32, #tpu.memory_space<vmem>>) semaphore(%arg16 : memref<!tpu.dma_semaphore, #tpu.memory_space<semaphore_mem>>)
        %dma_start3A_198 = arith.constant 96 : i32
        %dma_start3A_199 = arith.constant 0 : i32
        %dma_start3A_200 = tpu.memref_slice %arg8[%dma_start3A_198, %dma_start3A_199] : memref<128x128xf32, #tpu.memory_space<vmem>> -> memref<32x128xf32, #tpu.memory_space<vmem>>
        %dma_start3A_201 = arith.constant 96 : i32
        %dma_start3A_202 = tpu.memref_slice %arg10[%dma_start3A_201] : memref<128xi32, #tpu.memory_space<vmem>> -> memref<32xi32, #tpu.memory_space<vmem>>
        %dma_start3A_203 = arith.constant 0 : i32
        %dma_start3A_204 = arith.constant 0 : i32
        %dma_start3A_205 = tpu.memref_slice %arg2[%dma_start3A_203, %dma_start3A_204] : memref<10000x128xf32, #tpu.memory_space<hbm>> -> memref<10000x128xf32, #tpu.memory_space<hbm>>
        tpu.enqueue_indirect_dma source(%dma_start3A_205 : memref<10000x128xf32, #tpu.memory_space<hbm>>) target(%dma_start3A_200 : memref<32x128xf32, #tpu.memory_space<vmem>>) offsets(%dma_start3A_202 : memref<32xi32, #tpu.memory_space<vmem>>) semaphore(%arg16 : memref<!tpu.dma_semaphore, #tpu.memory_space<semaphore_mem>>)
      } else {
      }
      %dma_wait3A_129 = arith.constant 0 : i32
      %dma_wait3A_130 = arith.constant 0 : i32
      %dma_wait3A_131 = tpu.memref_slice %arg9[%dma_wait3A_129, %dma_wait3A_130] : memref<128x128xf32, #tpu.memory_space<vmem>> -> memref<32x128xf32, #tpu.memory_space<vmem>>
      %dma_wait3A_132 = arith.constant 0 : i32
      %dma_wait3A_133 = tpu.memref_slice %arg11[%dma_wait3A_132] : memref<128xi32, #tpu.memory_space<vmem>> -> memref<32xi32, #tpu.memory_space<vmem>>
      %dma_wait3A_134 = arith.constant 0 : i32
      %dma_wait3A_135 = arith.constant 0 : i32
      %dma_wait3A_136 = tpu.memref_slice %arg2[%dma_wait3A_134, %dma_wait3A_135] : memref<10000x128xf32, #tpu.memory_space<hbm>> -> memref<10000x128xf32, #tpu.memory_space<hbm>>
      tpu.wait_indirect_dma semaphore(%arg17 : memref<!tpu.dma_semaphore, #tpu.memory_space<semaphore_mem>>) src(%dma_wait3A_136 : memref<10000x128xf32, #tpu.memory_space<hbm>>) dst(%dma_wait3A_131 : memref<32x128xf32, #tpu.memory_space<vmem>>)
      %dma_wait3A_137 = arith.constant 32 : i32
      %dma_wait3A_138 = arith.constant 0 : i32
      %dma_wait3A_139 = tpu.memref_slice %arg9[%dma_wait3A_137, %dma_wait3A_138] : memref<128x128xf32, #tpu.memory_space<vmem>> -> memref<32x128xf32, #tpu.memory_space<vmem>>
      %dma_wait3A_140 = arith.constant 32 : i32
      %dma_wait3A_141 = tpu.memref_slice %arg11[%dma_wait3A_140] : memref<128xi32, #tpu.memory_space<vmem>> -> memref<32xi32, #tpu.memory_space<vmem>>
      %dma_wait3A_142 = arith.constant 0 : i32
      %dma_wait3A_143 = arith.constant 0 : i32
      %dma_wait3A_144 = tpu.memref_slice %arg2[%dma_wait3A_142, %dma_wait3A_143] : memref<10000x128xf32, #tpu.memory_space<hbm>> -> memref<10000x128xf32, #tpu.memory_space<hbm>>
      tpu.wait_indirect_dma semaphore(%arg17 : memref<!tpu.dma_semaphore, #tpu.memory_space<semaphore_mem>>) src(%dma_wait3A_144 : memref<10000x128xf32, #tpu.memory_space<hbm>>) dst(%dma_wait3A_139 : memref<32x128xf32, #tpu.memory_space<vmem>>)
      %dma_wait3A_145 = arith.constant 64 : i32
      %dma_wait3A_146 = arith.constant 0 : i32
      %dma_wait3A_147 = tpu.memref_slice %arg9[%dma_wait3A_145, %dma_wait3A_146] : memref<128x128xf32, #tpu.memory_space<vmem>> -> memref<32x128xf32, #tpu.memory_space<vmem>>
      %dma_wait3A_148 = arith.constant 64 : i32
      %dma_wait3A_149 = tpu.memref_slice %arg11[%dma_wait3A_148] : memref<128xi32, #tpu.memory_space<vmem>> -> memref<32xi32, #tpu.memory_space<vmem>>
      %dma_wait3A_150 = arith.constant 0 : i32
      %dma_wait3A_151 = arith.constant 0 : i32
      %dma_wait3A_152 = tpu.memref_slice %arg2[%dma_wait3A_150, %dma_wait3A_151] : memref<10000x128xf32, #tpu.memory_space<hbm>> -> memref<10000x128xf32, #tpu.memory_space<hbm>>
      tpu.wait_indirect_dma semaphore(%arg17 : memref<!tpu.dma_semaphore, #tpu.memory_space<semaphore_mem>>) src(%dma_wait3A_152 : memref<10000x128xf32, #tpu.memory_space<hbm>>) dst(%dma_wait3A_147 : memref<32x128xf32, #tpu.memory_space<vmem>>)
      %dma_wait3A_153 = arith.constant 96 : i32
      %dma_wait3A_154 = arith.constant 0 : i32
      %dma_wait3A_155 = tpu.memref_slice %arg9[%dma_wait3A_153, %dma_wait3A_154] : memref<128x128xf32, #tpu.memory_space<vmem>> -> memref<32x128xf32, #tpu.memory_space<vmem>>
      %dma_wait3A_156 = arith.constant 96 : i32
      %dma_wait3A_157 = tpu.memref_slice %arg11[%dma_wait3A_156] : memref<128xi32, #tpu.memory_space<vmem>> -> memref<32xi32, #tpu.memory_space<vmem>>
      %dma_wait3A_158 = arith.constant 0 : i32
      %dma_wait3A_159 = arith.constant 0 : i32
      %dma_wait3A_160 = tpu.memref_slice %arg2[%dma_wait3A_158, %dma_wait3A_159] : memref<10000x128xf32, #tpu.memory_space<hbm>> -> memref<10000x128xf32, #tpu.memory_space<hbm>>
      tpu.wait_indirect_dma semaphore(%arg17 : memref<!tpu.dma_semaphore, #tpu.memory_space<semaphore_mem>>) src(%dma_wait3A_160 : memref<10000x128xf32, #tpu.memory_space<hbm>>) dst(%dma_wait3A_155 : memref<32x128xf32, #tpu.memory_space<vmem>>)
      %scan3A_161 = arith.constant 0 : i32
      %scan3A_162 = arith.constant 0 : i32
      %scan3A_163 = arith.constant 8 : i32
      %scan3A_164 = arith.addi %scan3A_162, %scan3A_163 : i32
      %scan3A_165 = arith.constant 1 : i32
      scf.for %scan3A_167 = %scan3A_162 to %scan3A_164 step %scan3A_165  : i32 {
        %mul3A_168 = arith.constant 16 : i32
        %mul3A_169 = arith.muli %scan3A_167, %mul3A_168 : i32
        %get3A = arith.index_cast %mul3A_169 : i32 to index
        %get3A_170 = tpu.vector_load %arg15[%get3A] {strides = array<i32>} : memref<128xf32, #tpu.memory_space<vmem>>, vector<16xf32>,
        %get3A_171 = vector.shape_cast %get3A_170 : vector<16xf32> to vector<16xf32>
        %mul3A_172 = arith.constant 16 : i32
        %mul3A_173 = arith.muli %scan3A_167, %mul3A_172 : i32
        %slice3A = vector.extract_strided_slice %get3A_171 {offsets = [0], sizes = [1], strides = [1]} : vector<16xf32> to vector<1xf32>
        %squeeze3A = vector.extract %slice3A[0] : f32 from vector<1xf32>
        %add3A_174 = arith.constant 0 : i32
        %add3A_175 = arith.addi %mul3A_173, %add3A_174 : i32
        %get3A_176 = arith.index_cast %add3A_175 : i32 to index
        %get3A_177 = arith.constant 0 : index
        %get3A_178 = tpu.vector_load %arg9[%get3A_176, %get3A_177] {strides = array<i32>} : memref<128x128xf32, #tpu.memory_space<vmem>>, vector<1x16xf32>,
        %get3A_179 = vector.shape_cast %get3A_178 : vector<1x16xf32> to vector<16xf32>
        %mul3A_180 = vector.broadcast %squeeze3A : f32 to vector<16xf32>
        %mul3A_181 = arith.mulf %get3A_179, %mul3A_180 : vector<16xf32>
        %add3A_182 = arith.constant 0 : i32
        %add3A_183 = arith.addi %mul3A_173, %add3A_182 : i32
        %swap3A = arith.index_cast %add3A_183 : i32 to index
        %swap3A_184 = arith.constant 0 : index
        %swap3A_185 = tpu.vector_load %arg9[%swap3A, %swap3A_184] {strides = array<i32>} : memref<128x128xf32, #tpu.memory_space<vmem>>, vector<1x16xf32>,
        %swap3A_186 = vector.shape_cast %swap3A_185 : vector<1x16xf32> to vector<16xf32>
        %swap3A_187 = vector.shape_cast %mul3A_181 : vector<16xf32> to vector<1x16xf32>
        tpu.vector_store %arg9[%swap3A, %swap3A_184], %swap3A_187 {strides = array<i32>} : memref<128x128xf32, #tpu.memory_space<vmem>>, vector<1x16xf32>,
        %add3A_188 = arith.constant 0 : i32
        %add3A_189 = arith.addi %mul3A_173, %add3A_188 : i32
        %get3A_190 = arith.index_cast %add3A_189 : i32 to index
        %get3A_191 = arith.constant 16 : index
        %get3A_192 = tpu.vector_load %arg9[%get3A_190, %get3A_191] {strides = array<i32>} : memref<128x128xf32, #tpu.memory_space<vmem>>, vector<1x16xf32>,
        %get3A_193 = vector.shape_cast %get3A_192 : vector<1x16xf32> to vector<16xf32>
        %mul3A_194 = vector.broadcast %squeeze3A : f32 to vector<16xf32>
        %mul3A_195 = arith.mulf %get3A_193, %mul3A_194 : vector<16xf32>
        %add3A_196 = arith.constant 0 : i32
        %add3A_197 = arith.addi %mul3A_173, %add3A_196 : i32
        %swap3A_198 = arith.index_cast %add3A_197 : i32 to index
        %swap3A_199 = arith.constant 16 : index
        %swap3A_200 = tpu.vector_load %arg9[%swap3A_198, %swap3A_199] {strides = array<i32>} : memref<128x128xf32, #tpu.memory_space<vmem>>, vector<1x16xf32>,
        %swap3A_201 = vector.shape_cast %swap3A_200 : vector<1x16xf32> to vector<16xf32>
        %swap3A_202 = vector.shape_cast %mul3A_195 : vector<16xf32> to vector<1x16xf32>
        tpu.vector_store %arg9[%swap3A_198, %swap3A_199], %swap3A_202 {strides = array<i32>} : memref<128x128xf32, #tpu.memory_space<vmem>>, vector<1x16xf32>,
        %add3A_203 = arith.constant 0 : i32
        %add3A_204 = arith.addi %mul3A_173, %add3A_203 : i32
        %get3A_205 = arith.index_cast %add3A_204 : i32 to index
        %get3A_206 = arith.constant 32 : index
        %get3A_207 = tpu.vector_load %arg9[%get3A_205, %get3A_206] {strides = array<i32>} : memref<128x128xf32, #tpu.memory_space<vmem>>, vector<1x16xf32>,
        %get3A_208 = vector.shape_cast %get3A_207 : vector<1x16xf32> to vector<16xf32>
        %mul3A_209 = vector.broadcast %squeeze3A : f32 to vector<16xf32>
        %mul3A_210 = arith.mulf %get3A_208, %mul3A_209 : vector<16xf32>
        %add3A_211 = arith.constant 0 : i32
        %add3A_212 = arith.addi %mul3A_173, %add3A_211 : i32
        %swap3A_213 = arith.index_cast %add3A_212 : i32 to index
        %swap3A_214 = arith.constant 32 : index
        %swap3A_215 = tpu.vector_load %arg9[%swap3A_213, %swap3A_214] {strides = array<i32>} : memref<128x128xf32, #tpu.memory_space<vmem>>, vector<1x16xf32>,
        %swap3A_216 = vector.shape_cast %swap3A_215 : vector<1x16xf32> to vector<16xf32>
        %swap3A_217 = vector.shape_cast %mul3A_210 : vector<16xf32> to vector<1x16xf32>
        tpu.vector_store %arg9[%swap3A_213, %swap3A_214], %swap3A_217 {strides = array<i32>} : memref<128x128xf32, #tpu.memory_space<vmem>>, vector<1x16xf32>,
        %add3A_218 = arith.constant 0 : i32
        %add3A_219 = arith.addi %mul3A_173, %add3A_218 : i32
        %get3A_220 = arith.index_cast %add3A_219 : i32 to index
        %get3A_221 = arith.constant 48 : index
        %get3A_222 = tpu.vector_load %arg9[%get3A_220, %get3A_221] {strides = array<i32>} : memref<128x128xf32, #tpu.memory_space<vmem>>, vector<1x16xf32>,
        %get3A_223 = vector.shape_cast %get3A_222 : vector<1x16xf32> to vector<16xf32>
        %mul3A_224 = vector.broadcast %squeeze3A : f32 to vector<16xf32>
        %mul3A_225 = arith.mulf %get3A_223, %mul3A_224 : vector<16xf32>
        %add3A_226 = arith.constant 0 : i32
        %add3A_227 = arith.addi %mul3A_173, %add3A_226 : i32
        %swap3A_228 = arith.index_cast %add3A_227 : i32 to index
        %swap3A_229 = arith.constant 48 : index
        %swap3A_230 = tpu.vector_load %arg9[%swap3A_228, %swap3A_229] {strides = array<i32>} : memref<128x128xf32, #tpu.memory_space<vmem>>, vector<1x16xf32>,
        %swap3A_231 = vector.shape_cast %swap3A_230 : vector<1x16xf32> to vector<16xf32>
        %swap3A_232 = vector.shape_cast %mul3A_225 : vector<16xf32> to vector<1x16xf32>
        tpu.vector_store %arg9[%swap3A_228, %swap3A_229], %swap3A_232 {strides = array<i32>} : memref<128x128xf32, #tpu.memory_space<vmem>>, vector<1x16xf32>,
        %add3A_233 = arith.constant 0 : i32
        %add3A_234 = arith.addi %mul3A_173, %add3A_233 : i32
        %get3A_235 = arith.index_cast %add3A_234 : i32 to index
        %get3A_236 = arith.constant 64 : index
        %get3A_237 = tpu.vector_load %arg9[%get3A_235, %get3A_236] {strides = array<i32>} : memref<128x128xf32, #tpu.memory_space<vmem>>, vector<1x16xf32>,
        %get3A_238 = vector.shape_cast %get3A_237 : vector<1x16xf32> to vector<16xf32>
        %mul3A_239 = vector.broadcast %squeeze3A : f32 to vector<16xf32>
        %mul3A_240 = arith.mulf %get3A_238, %mul3A_239 : vector<16xf32>
        %add3A_241 = arith.constant 0 : i32
        %add3A_242 = arith.addi %mul3A_173, %add3A_241 : i32
        %swap3A_243 = arith.index_cast %add3A_242 : i32 to index
        %swap3A_244 = arith.constant 64 : index
        %swap3A_245 = tpu.vector_load %arg9[%swap3A_243, %swap3A_244] {strides = array<i32>} : memref<128x128xf32, #tpu.memory_space<vmem>>, vector<1x16xf32>,
        %swap3A_246 = vector.shape_cast %swap3A_245 : vector<1x16xf32> to vector<16xf32>
        %swap3A_247 = vector.shape_cast %mul3A_240 : vector<16xf32> to vector<1x16xf32>
        tpu.vector_store %arg9[%swap3A_243, %swap3A_244], %swap3A_247 {strides = array<i32>} : memref<128x128xf32, #tpu.memory_space<vmem>>, vector<1x16xf32>,
        %add3A_248 = arith.constant 0 : i32
        %add3A_249 = arith.addi %mul3A_173, %add3A_248 : i32
        %get3A_250 = arith.index_cast %add3A_249 : i32 to index
        %get3A_251 = arith.constant 80 : index
        %get3A_252 = tpu.vector_load %arg9[%get3A_250, %get3A_251] {strides = array<i32>} : memref<128x128xf32, #tpu.memory_space<vmem>>, vector<1x16xf32>,
        %get3A_253 = vector.shape_cast %get3A_252 : vector<1x16xf32> to vector<16xf32>
        %mul3A_254 = vector.broadcast %squeeze3A : f32 to vector<16xf32>
        %mul3A_255 = arith.mulf %get3A_253, %mul3A_254 : vector<16xf32>
        %add3A_256 = arith.constant 0 : i32
        %add3A_257 = arith.addi %mul3A_173, %add3A_256 : i32
        %swap3A_258 = arith.index_cast %add3A_257 : i32 to index
        %swap3A_259 = arith.constant 80 : index
        %swap3A_260 = tpu.vector_load %arg9[%swap3A_258, %swap3A_259] {strides = array<i32>} : memref<128x128xf32, #tpu.memory_space<vmem>>, vector<1x16xf32>,
        %swap3A_261 = vector.shape_cast %swap3A_260 : vector<1x16xf32> to vector<16xf32>
        %swap3A_262 = vector.shape_cast %mul3A_255 : vector<16xf32> to vector<1x16xf32>
        tpu.vector_store %arg9[%swap3A_258, %swap3A_259], %swap3A_262 {strides = array<i32>} : memref<128x128xf32, #tpu.memory_space<vmem>>, vector<1x16xf32>,
        %add3A_263 = arith.constant 0 : i32
        %add3A_264 = arith.addi %mul3A_173, %add3A_263 : i32
        %get3A_265 = arith.index_cast %add3A_264 : i32 to index
        %get3A_266 = arith.constant 96 : index
        %get3A_267 = tpu.vector_load %arg9[%get3A_265, %get3A_266] {strides = array<i32>} : memref<128x128xf32, #tpu.memory_space<vmem>>, vector<1x16xf32>,
        %get3A_268 = vector.shape_cast %get3A_267 : vector<1x16xf32> to vector<16xf32>
        %mul3A_269 = vector.broadcast %squeeze3A : f32 to vector<16xf32>
        %mul3A_270 = arith.mulf %get3A_268, %mul3A_269 : vector<16xf32>
        %add3A_271 = arith.constant 0 : i32
        %add3A_272 = arith.addi %mul3A_173, %add3A_271 : i32
        %swap3A_273 = arith.index_cast %add3A_272 : i32 to index
        %swap3A_274 = arith.constant 96 : index
        %swap3A_275 = tpu.vector_load %arg9[%swap3A_273, %swap3A_274] {strides = array<i32>} : memref<128x128xf32, #tpu.memory_space<vmem>>, vector<1x16xf32>,
        %swap3A_276 = vector.shape_cast %swap3A_275 : vector<1x16xf32> to vector<16xf32>
        %swap3A_277 = vector.shape_cast %mul3A_270 : vector<16xf32> to vector<1x16xf32>
        tpu.vector_store %arg9[%swap3A_273, %swap3A_274], %swap3A_277 {strides = array<i32>} : memref<128x128xf32, #tpu.memory_space<vmem>>, vector<1x16xf32>,
        %add3A_278 = arith.constant 0 : i32
        %add3A_279 = arith.addi %mul3A_173, %add3A_278 : i32
        %get3A_280 = arith.index_cast %add3A_279 : i32 to index
        %get3A_281 = arith.constant 112 : index
        %get3A_282 = tpu.vector_load %arg9[%get3A_280, %get3A_281] {strides = array<i32>} : memref<128x128xf32, #tpu.memory_space<vmem>>, vector<1x16xf32>,
        %get3A_283 = vector.shape_cast %get3A_282 : vector<1x16xf32> to vector<16xf32>
        %mul3A_284 = vector.broadcast %squeeze3A : f32 to vector<16xf32>
        %mul3A_285 = arith.mulf %get3A_283, %mul3A_284 : vector<16xf32>
        %add3A_286 = arith.constant 0 : i32
        %add3A_287 = arith.addi %mul3A_173, %add3A_286 : i32
        %swap3A_288 = arith.index_cast %add3A_287 : i32 to index
        %swap3A_289 = arith.constant 112 : index
        %swap3A_290 = tpu.vector_load %arg9[%swap3A_288, %swap3A_289] {strides = array<i32>} : memref<128x128xf32, #tpu.memory_space<vmem>>, vector<1x16xf32>,
        %swap3A_291 = vector.shape_cast %swap3A_290 : vector<1x16xf32> to vector<16xf32>
        %swap3A_292 = vector.shape_cast %mul3A_285 : vector<16xf32> to vector<1x16xf32>
        tpu.vector_store %arg9[%swap3A_288, %swap3A_289], %swap3A_292 {strides = array<i32>} : memref<128x128xf32, #tpu.memory_space<vmem>>, vector<1x16xf32>,
        %slice3A_293 = vector.extract_strided_slice %get3A_171 {offsets = [1], sizes = [1], strides = [1]} : vector<16xf32> to vector<1xf32>
        %squeeze3A_294 = vector.extract %slice3A_293[0] : f32 from vector<1xf32>
        %add3A_295 = arith.constant 1 : i32
        %add3A_296 = arith.addi %mul3A_173, %add3A_295 : i32
        %get3A_297 = arith.index_cast %add3A_296 : i32 to index
        %get3A_298 = arith.constant 0 : index
        %get3A_299 = tpu.vector_load %arg9[%get3A_297, %get3A_298] {strides = array<i32>} : memref<128x128xf32, #tpu.memory_space<vmem>>, vector<1x16xf32>,
        %get3A_300 = vector.shape_cast %get3A_299 : vector<1x16xf32> to vector<16xf32>
        %mul3A_301 = vector.broadcast %squeeze3A_294 : f32 to vector<16xf32>
        %mul3A_302 = arith.mulf %get3A_300, %mul3A_301 : vector<16xf32>
        %add3A_303 = arith.constant 1 : i32
        %add3A_304 = arith.addi %mul3A_173, %add3A_303 : i32
        %swap3A_305 = arith.index_cast %add3A_304 : i32 to index
        %swap3A_306 = arith.constant 0 : index
        %swap3A_307 = tpu.vector_load %arg9[%swap3A_305, %swap3A_306] {strides = array<i32>} : memref<128x128xf32, #tpu.memory_space<vmem>>, vector<1x16xf32>,
        %swap3A_308 = vector.shape_cast %swap3A_307 : vector<1x16xf32> to vector<16xf32>
        %swap3A_309 = vector.shape_cast %mul3A_302 : vector<16xf32> to vector<1x16xf32>
        tpu.vector_store %arg9[%swap3A_305, %swap3A_306], %swap3A_309 {strides = array<i32>} : memref<128x128xf32, #tpu.memory_space<vmem>>, vector<1x16xf32>,
        %add3A_310 = arith.constant 1 : i32
        %add3A_311 = arith.addi %mul3A_173, %add3A_310 : i32
        %get3A_312 = arith.index_cast %add3A_311 : i32 to index
        %get3A_313 = arith.constant 16 : index
        %get3A_314 = tpu.vector_load %arg9[%get3A_312, %get3A_313] {strides = array<i32>} : memref<128x128xf32, #tpu.memory_space<vmem>>, vector<1x16xf32>,
        %get3A_315 = vector.shape_cast %get3A_314 : vector<1x16xf32> to vector<16xf32>
        %mul3A_316 = vector.broadcast %squeeze3A_294 : f32 to vector<16xf32>
        %mul3A_317 = arith.mulf %get3A_315, %mul3A_316 : vector<16xf32>
        %add3A_318 = arith.constant 1 : i32
        %add3A_319 = arith.addi %mul3A_173, %add3A_318 : i32
        %swap3A_320 = arith.index_cast %add3A_319 : i32 to index
        %swap3A_321 = arith.constant 16 : index
        %swap3A_322 = tpu.vector_load %arg9[%swap3A_320, %swap3A_321] {strides = array<i32>} : memref<128x128xf32, #tpu.memory_space<vmem>>, vector<1x16xf32>,
        %swap3A_323 = vector.shape_cast %swap3A_322 : vector<1x16xf32> to vector<16xf32>
        %swap3A_324 = vector.shape_cast %mul3A_317 : vector<16xf32> to vector<1x16xf32>
        tpu.vector_store %arg9[%swap3A_320, %swap3A_321], %swap3A_324 {strides = array<i32>} : memref<128x128xf32, #tpu.memory_space<vmem>>, vector<1x16xf32>,
        %add3A_325 = arith.constant 1 : i32
        %add3A_326 = arith.addi %mul3A_173, %add3A_325 : i32
        %get3A_327 = arith.index_cast %add3A_326 : i32 to index
        %get3A_328 = arith.constant 32 : index
        %get3A_329 = tpu.vector_load %arg9[%get3A_327, %get3A_328] {strides = array<i32>} : memref<128x128xf32, #tpu.memory_space<vmem>>, vector<1x16xf32>,
        %get3A_330 = vector.shape_cast %get3A_329 : vector<1x16xf32> to vector<16xf32>
        %mul3A_331 = vector.broadcast %squeeze3A_294 : f32 to vector<16xf32>
        %mul3A_332 = arith.mulf %get3A_330, %mul3A_331 : vector<16xf32>
        %add3A_333 = arith.constant 1 : i32
        %add3A_334 = arith.addi %mul3A_173, %add3A_333 : i32
        %swap3A_335 = arith.index_cast %add3A_334 : i32 to index
        %swap3A_336 = arith.constant 32 : index
        %swap3A_337 = tpu.vector_load %arg9[%swap3A_335, %swap3A_336] {strides = array<i32>} : memref<128x128xf32, #tpu.memory_space<vmem>>, vector<1x16xf32>,
        %swap3A_338 = vector.shape_cast %swap3A_337 : vector<1x16xf32> to vector<16xf32>
        %swap3A_339 = vector.shape_cast %mul3A_332 : vector<16xf32> to vector<1x16xf32>
        tpu.vector_store %arg9[%swap3A_335, %swap3A_336], %swap3A_339 {strides = array<i32>} : memref<128x128xf32, #tpu.memory_space<vmem>>, vector<1x16xf32>,
        %add3A_340 = arith.constant 1 : i32
        %add3A_341 = arith.addi %mul3A_173, %add3A_340 : i32
        %get3A_342 = arith.index_cast %add3A_341 : i32 to index
        %get3A_343 = arith.constant 48 : index
        %get3A_344 = tpu.vector_load %arg9[%get3A_342, %get3A_343] {strides = array<i32>} : memref<128x128xf32, #tpu.memory_space<vmem>>, vector<1x16xf32>,
        %get3A_345 = vector.shape_cast %get3A_344 : vector<1x16xf32> to vector<16xf32>
        %mul3A_346 = vector.broadcast %squeeze3A_294 : f32 to vector<16xf32>
        %mul3A_347 = arith.mulf %get3A_345, %mul3A_346 : vector<16xf32>
        %add3A_348 = arith.constant 1 : i32
        %add3A_349 = arith.addi %mul3A_173, %add3A_348 : i32
        %swap3A_350 = arith.index_cast %add3A_349 : i32 to index
        %swap3A_351 = arith.constant 48 : index
        %swap3A_352 = tpu.vector_load %arg9[%swap3A_350, %swap3A_351] {strides = array<i32>} : memref<128x128xf32, #tpu.memory_space<vmem>>, vector<1x16xf32>,
        %swap3A_353 = vector.shape_cast %swap3A_352 : vector<1x16xf32> to vector<16xf32>
        %swap3A_354 = vector.shape_cast %mul3A_347 : vector<16xf32> to vector<1x16xf32>
        tpu.vector_store %arg9[%swap3A_350, %swap3A_351], %swap3A_354 {strides = array<i32>} : memref<128x128xf32, #tpu.memory_space<vmem>>, vector<1x16xf32>,
        %add3A_355 = arith.constant 1 : i32
        %add3A_356 = arith.addi %mul3A_173, %add3A_355 : i32
        %get3A_357 = arith.index_cast %add3A_356 : i32 to index
        %get3A_358 = arith.constant 64 : index
        %get3A_359 = tpu.vector_load %arg9[%get3A_357, %get3A_358] {strides = array<i32>} : memref<128x128xf32, #tpu.memory_space<vmem>>, vector<1x16xf32>,
        %get3A_360 = vector.shape_cast %get3A_359 : vector<1x16xf32> to vector<16xf32>
        %mul3A_361 = vector.broadcast %squeeze3A_294 : f32 to vector<16xf32>
        %mul3A_362 = arith.mulf %get3A_360, %mul3A_361 : vector<16xf32>
        %add3A_363 = arith.constant 1 : i32
        %add3A_364 = arith.addi %mul3A_173, %add3A_363 : i32
        %swap3A_365 = arith.index_cast %add3A_364 : i32 to index
        %swap3A_366 = arith.constant 64 : index
        %swap3A_367 = tpu.vector_load %arg9[%swap3A_365, %swap3A_366] {strides = array<i32>} : memref<128x128xf32, #tpu.memory_space<vmem>>, vector<1x16xf32>,
        %swap3A_368 = vector.shape_cast %swap3A_367 : vector<1x16xf32> to vector<16xf32>
        %swap3A_369 = vector.shape_cast %mul3A_362 : vector<16xf32> to vector<1x16xf32>
        tpu.vector_store %arg9[%swap3A_365, %swap3A_366], %swap3A_369 {strides = array<i32>} : memref<128x128xf32, #tpu.memory_space<vmem>>, vector<1x16xf32>,
        %add3A_370 = arith.constant 1 : i32
        %add3A_371 = arith.addi %mul3A_173, %add3A_370 : i32
        %get3A_372 = arith.index_cast %add3A_371 : i32 to index
        %get3A_373 = arith.constant 80 : index
        %get3A_374 = tpu.vector_load %arg9[%get3A_372, %get3A_373] {strides = array<i32>} : memref<128x128xf32, #tpu.memory_space<vmem>>, vector<1x16xf32>,
        %get3A_375 = vector.shape_cast %get3A_374 : vector<1x16xf32> to vector<16xf32>
        %mul3A_376 = vector.broadcast %squeeze3A_294 : f32 to vector<16xf32>
        %mul3A_377 = arith.mulf %get3A_375, %mul3A_376 : vector<16xf32>
        %add3A_378 = arith.constant 1 : i32
        %add3A_379 = arith.addi %mul3A_173, %add3A_378 : i32
        %swap3A_380 = arith.index_cast %add3A_379 : i32 to index
        %swap3A_381 = arith.constant 80 : index
        %swap3A_382 = tpu.vector_load %arg9[%swap3A_380, %swap3A_381] {strides = array<i32>} : memref<128x128xf32, #tpu.memory_space<vmem>>, vector<1x16xf32>,
        %swap3A_383 = vector.shape_cast %swap3A_382 : vector<1x16xf32> to vector<16xf32>
        %swap3A_384 = vector.shape_cast %mul3A_377 : vector<16xf32> to vector<1x16xf32>
        tpu.vector_store %arg9[%swap3A_380, %swap3A_381], %swap3A_384 {strides = array<i32>} : memref<128x128xf32, #tpu.memory_space<vmem>>, vector<1x16xf32>,
        %add3A_385 = arith.constant 1 : i32
        %add3A_386 = arith.addi %mul3A_173, %add3A_385 : i32
        %get3A_387 = arith.index_cast %add3A_386 : i32 to index
        %get3A_388 = arith.constant 96 : index
        %get3A_389 = tpu.vector_load %arg9[%get3A_387, %get3A_388] {strides = array<i32>} : memref<128x128xf32, #tpu.memory_space<vmem>>, vector<1x16xf32>,
        %get3A_390 = vector.shape_cast %get3A_389 : vector<1x16xf32> to vector<16xf32>
        %mul3A_391 = vector.broadcast %squeeze3A_294 : f32 to vector<16xf32>
        %mul3A_392 = arith.mulf %get3A_390, %mul3A_391 : vector<16xf32>
        %add3A_393 = arith.constant 1 : i32
        %add3A_394 = arith.addi %mul3A_173, %add3A_393 : i32
        %swap3A_395 = arith.index_cast %add3A_394 : i32 to index
        %swap3A_396 = arith.constant 96 : index
        %swap3A_397 = tpu.vector_load %arg9[%swap3A_395, %swap3A_396] {strides = array<i32>} : memref<128x128xf32, #tpu.memory_space<vmem>>, vector<1x16xf32>,
        %swap3A_398 = vector.shape_cast %swap3A_397 : vector<1x16xf32> to vector<16xf32>
        %swap3A_399 = vector.shape_cast %mul3A_392 : vector<16xf32> to vector<1x16xf32>
        tpu.vector_store %arg9[%swap3A_395, %swap3A_396], %swap3A_399 {strides = array<i32>} : memref<128x128xf32, #tpu.memory_space<vmem>>, vector<1x16xf32>,
        %add3A_400 = arith.constant 1 : i32
        %add3A_401 = arith.addi %mul3A_173, %add3A_400 : i32
        %get3A_402 = arith.index_cast %add3A_401 : i32 to index
        %get3A_403 = arith.constant 112 : index
        %get3A_404 = tpu.vector_load %arg9[%get3A_402, %get3A_403] {strides = array<i32>} : memref<128x128xf32, #tpu.memory_space<vmem>>, vector<1x16xf32>,
        %get3A_405 = vector.shape_cast %get3A_404 : vector<1x16xf32> to vector<16xf32>
        %mul3A_406 = vector.broadcast %squeeze3A_294 : f32 to vector<16xf32>
        %mul3A_407 = arith.mulf %get3A_405, %mul3A_406 : vector<16xf32>
        %add3A_408 = arith.constant 1 : i32
        %add3A_409 = arith.addi %mul3A_173, %add3A_408 : i32
        %swap3A_410 = arith.index_cast %add3A_409 : i32 to index
        %swap3A_411 = arith.constant 112 : index
        %swap3A_412 = tpu.vector_load %arg9[%swap3A_410, %swap3A_411] {strides = array<i32>} : memref<128x128xf32, #tpu.memory_space<vmem>>, vector<1x16xf32>,
        %swap3A_413 = vector.shape_cast %swap3A_412 : vector<1x16xf32> to vector<16xf32>
        %swap3A_414 = vector.shape_cast %mul3A_407 : vector<16xf32> to vector<1x16xf32>
        tpu.vector_store %arg9[%swap3A_410, %swap3A_411], %swap3A_414 {strides = array<i32>} : memref<128x128xf32, #tpu.memory_space<vmem>>, vector<1x16xf32>,
        %slice3A_415 = vector.extract_strided_slice %get3A_171 {offsets = [2], sizes = [1], strides = [1]} : vector<16xf32> to vector<1xf32>
        %squeeze3A_416 = vector.extract %slice3A_415[0] : f32 from vector<1xf32>
        %add3A_417 = arith.constant 2 : i32
        %add3A_418 = arith.addi %mul3A_173, %add3A_417 : i32
        %get3A_419 = arith.index_cast %add3A_418 : i32 to index
        %get3A_420 = arith.constant 0 : index
        %get3A_421 = tpu.vector_load %arg9[%get3A_419, %get3A_420] {strides = array<i32>} : memref<128x128xf32, #tpu.memory_space<vmem>>, vector<1x16xf32>,
        %get3A_422 = vector.shape_cast %get3A_421 : vector<1x16xf32> to vector<16xf32>
        %mul3A_423 = vector.broadcast %squeeze3A_416 : f32 to vector<16xf32>
        %mul3A_424 = arith.mulf %get3A_422, %mul3A_423 : vector<16xf32>
        %add3A_425 = arith.constant 2 : i32
        %add3A_426 = arith.addi %mul3A_173, %add3A_425 : i32
        %swap3A_427 = arith.index_cast %add3A_426 : i32 to index
        %swap3A_428 = arith.constant 0 : index
        %swap3A_429 = tpu.vector_load %arg9[%swap3A_427, %swap3A_428] {strides = array<i32>} : memref<128x128xf32, #tpu.memory_space<vmem>>, vector<1x16xf32>,
        %swap3A_430 = vector.shape_cast %swap3A_429 : vector<1x16xf32> to vector<16xf32>
        %swap3A_431 = vector.shape_cast %mul3A_424 : vector<16xf32> to vector<1x16xf32>
        tpu.vector_store %arg9[%swap3A_427, %swap3A_428], %swap3A_431 {strides = array<i32>} : memref<128x128xf32, #tpu.memory_space<vmem>>, vector<1x16xf32>,
        %add3A_432 = arith.constant 2 : i32
        %add3A_433 = arith.addi %mul3A_173, %add3A_432 : i32
        %get3A_434 = arith.index_cast %add3A_433 : i32 to index
        %get3A_435 = arith.constant 16 : index
        %get3A_436 = tpu.vector_load %arg9[%get3A_434, %get3A_435] {strides = array<i32>} : memref<128x128xf32, #tpu.memory_space<vmem>>, vector<1x16xf32>,
        %get3A_437 = vector.shape_cast %get3A_436 : vector<1x16xf32> to vector<16xf32>
        %mul3A_438 = vector.broadcast %squeeze3A_416 : f32 to vector<16xf32>
        %mul3A_439 = arith.mulf %get3A_437, %mul3A_438 : vector<16xf32>
        %add3A_440 = arith.constant 2 : i32
        %add3A_441 = arith.addi %mul3A_173, %add3A_440 : i32
        %swap3A_442 = arith.index_cast %add3A_441 : i32 to index
        %swap3A_443 = arith.constant 16 : index
        %swap3A_444 = tpu.vector_load %arg9[%swap3A_442, %swap3A_443] {strides = array<i32>} : memref<128x128xf32, #tpu.memory_space<vmem>>, vector<1x16xf32>,
        %swap3A_445 = vector.shape_cast %swap3A_444 : vector<1x16xf32> to vector<16xf32>
        %swap3A_446 = vector.shape_cast %mul3A_439 : vector<16xf32> to vector<1x16xf32>
        tpu.vector_store %arg9[%swap3A_442, %swap3A_443], %swap3A_446 {strides = array<i32>} : memref<128x128xf32, #tpu.memory_space<vmem>>, vector<1x16xf32>,
        %add3A_447 = arith.constant 2 : i32
        %add3A_448 = arith.addi %mul3A_173, %add3A_447 : i32
        %get3A_449 = arith.index_cast %add3A_448 : i32 to index
        %get3A_450 = arith.constant 32 : index
        %get3A_451 = tpu.vector_load %arg9[%get3A_449, %get3A_450] {strides = array<i32>} : memref<128x128xf32, #tpu.memory_space<vmem>>, vector<1x16xf32>,
        %get3A_452 = vector.shape_cast %get3A_451 : vector<1x16xf32> to vector<16xf32>
        %mul3A_453 = vector.broadcast %squeeze3A_416 : f32 to vector<16xf32>
        %mul3A_454 = arith.mulf %get3A_452, %mul3A_453 : vector<16xf32>
        %add3A_455 = arith.constant 2 : i32
        %add3A_456 = arith.addi %mul3A_173, %add3A_455 : i32
        %swap3A_457 = arith.index_cast %add3A_456 : i32 to index
        %swap3A_458 = arith.constant 32 : index
        %swap3A_459 = tpu.vector_load %arg9[%swap3A_457, %swap3A_458] {strides = array<i32>} : memref<128x128xf32, #tpu.memory_space<vmem>>, vector<1x16xf32>,
        %swap3A_460 = vector.shape_cast %swap3A_459 : vector<1x16xf32> to vector<16xf32>
        %swap3A_461 = vector.shape_cast %mul3A_454 : vector<16xf32> to vector<1x16xf32>
        tpu.vector_store %arg9[%swap3A_457, %swap3A_458], %swap3A_461 {strides = array<i32>} : memref<128x128xf32, #tpu.memory_space<vmem>>, vector<1x16xf32>,
        %add3A_462 = arith.constant 2 : i32
        %add3A_463 = arith.addi %mul3A_173, %add3A_462 : i32
        %get3A_464 = arith.index_cast %add3A_463 : i32 to index
        %get3A_465 = arith.constant 48 : index
        %get3A_466 = tpu.vector_load %arg9[%get3A_464, %get3A_465] {strides = array<i32>} : memref<128x128xf32, #tpu.memory_space<vmem>>, vector<1x16xf32>,
        %get3A_467 = vector.shape_cast %get3A_466 : vector<1x16xf32> to vector<16xf32>
        %mul3A_468 = vector.broadcast %squeeze3A_416 : f32 to vector<16xf32>
        %mul3A_469 = arith.mulf %get3A_467, %mul3A_468 : vector<16xf32>
        %add3A_470 = arith.constant 2 : i32
        %add3A_471 = arith.addi %mul3A_173, %add3A_470 : i32
        %swap3A_472 = arith.index_cast %add3A_471 : i32 to index
        %swap3A_473 = arith.constant 48 : index
        %swap3A_474 = tpu.vector_load %arg9[%swap3A_472, %swap3A_473] {strides = array<i32>} : memref<128x128xf32, #tpu.memory_space<vmem>>, vector<1x16xf32>,
        %swap3A_475 = vector.shape_cast %swap3A_474 : vector<1x16xf32> to vector<16xf32>
        %swap3A_476 = vector.shape_cast %mul3A_469 : vector<16xf32> to vector<1x16xf32>
        tpu.vector_store %arg9[%swap3A_472, %swap3A_473], %swap3A_476 {strides = array<i32>} : memref<128x128xf32, #tpu.memory_space<vmem>>, vector<1x16xf32>,
        %add3A_477 = arith.constant 2 : i32
        %add3A_478 = arith.addi %mul3A_173, %add3A_477 : i32
        %get3A_479 = arith.index_cast %add3A_478 : i32 to index
        %get3A_480 = arith.constant 64 : index
        %get3A_481 = tpu.vector_load %arg9[%get3A_479, %get3A_480] {strides = array<i32>} : memref<128x128xf32, #tpu.memory_space<vmem>>, vector<1x16xf32>,
        %get3A_482 = vector.shape_cast %get3A_481 : vector<1x16xf32> to vector<16xf32>
        %mul3A_483 = vector.broadcast %squeeze3A_416 : f32 to vector<16xf32>
        %mul3A_484 = arith.mulf %get3A_482, %mul3A_483 : vector<16xf32>
        %add3A_485 = arith.constant 2 : i32
        %add3A_486 = arith.addi %mul3A_173, %add3A_485 : i32
        %swap3A_487 = arith.index_cast %add3A_486 : i32 to index
        %swap3A_488 = arith.constant 64 : index
        %swap3A_489 = tpu.vector_load %arg9[%swap3A_487, %swap3A_488] {strides = array<i32>} : memref<128x128xf32, #tpu.memory_space<vmem>>, vector<1x16xf32>,
        %swap3A_490 = vector.shape_cast %swap3A_489 : vector<1x16xf32> to vector<16xf32>
        %swap3A_491 = vector.shape_cast %mul3A_484 : vector<16xf32> to vector<1x16xf32>
        tpu.vector_store %arg9[%swap3A_487, %swap3A_488], %swap3A_491 {strides = array<i32>} : memref<128x128xf32, #tpu.memory_space<vmem>>, vector<1x16xf32>,
        %add3A_492 = arith.constant 2 : i32
        %add3A_493 = arith.addi %mul3A_173, %add3A_492 : i32
        %get3A_494 = arith.index_cast %add3A_493 : i32 to index
        %get3A_495 = arith.constant 80 : index
        %get3A_496 = tpu.vector_load %arg9[%get3A_494, %get3A_495] {strides = array<i32>} : memref<128x128xf32, #tpu.memory_space<vmem>>, vector<1x16xf32>,
        %get3A_497 = vector.shape_cast %get3A_496 : vector<1x16xf32> to vector<16xf32>
        %mul3A_498 = vector.broadcast %squeeze3A_416 : f32 to vector<16xf32>
        %mul3A_499 = arith.mulf %get3A_497, %mul3A_498 : vector<16xf32>
        %add3A_500 = arith.constant 2 : i32
        %add3A_501 = arith.addi %mul3A_173, %add3A_500 : i32
        %swap3A_502 = arith.index_cast %add3A_501 : i32 to index
        %swap3A_503 = arith.constant 80 : index
        %swap3A_504 = tpu.vector_load %arg9[%swap3A_502, %swap3A_503] {strides = array<i32>} : memref<128x128xf32, #tpu.memory_space<vmem>>, vector<1x16xf32>,
        %swap3A_505 = vector.shape_cast %swap3A_504 : vector<1x16xf32> to vector<16xf32>
        %swap3A_506 = vector.shape_cast %mul3A_499 : vector<16xf32> to vector<1x16xf32>
        tpu.vector_store %arg9[%swap3A_502, %swap3A_503], %swap3A_506 {strides = array<i32>} : memref<128x128xf32, #tpu.memory_space<vmem>>, vector<1x16xf32>,
        %add3A_507 = arith.constant 2 : i32
        %add3A_508 = arith.addi %mul3A_173, %add3A_507 : i32
        %get3A_509 = arith.index_cast %add3A_508 : i32 to index
        %get3A_510 = arith.constant 96 : index
        %get3A_511 = tpu.vector_load %arg9[%get3A_509, %get3A_510] {strides = array<i32>} : memref<128x128xf32, #tpu.memory_space<vmem>>, vector<1x16xf32>,
        %get3A_512 = vector.shape_cast %get3A_511 : vector<1x16xf32> to vector<16xf32>
        %mul3A_513 = vector.broadcast %squeeze3A_416 : f32 to vector<16xf32>
        %mul3A_514 = arith.mulf %get3A_512, %mul3A_513 : vector<16xf32>
        %add3A_515 = arith.constant 2 : i32
        %add3A_516 = arith.addi %mul3A_173, %add3A_515 : i32
        %swap3A_517 = arith.index_cast %add3A_516 : i32 to index
        %swap3A_518 = arith.constant 96 : index
        %swap3A_519 = tpu.vector_load %arg9[%swap3A_517, %swap3A_518] {strides = array<i32>} : memref<128x128xf32, #tpu.memory_space<vmem>>, vector<1x16xf32>,
        %swap3A_520 = vector.shape_cast %swap3A_519 : vector<1x16xf32> to vector<16xf32>
        %swap3A_521 = vector.shape_cast %mul3A_514 : vector<16xf32> to vector<1x16xf32>
        tpu.vector_store %arg9[%swap3A_517, %swap3A_518], %swap3A_521 {strides = array<i32>} : memref<128x128xf32, #tpu.memory_space<vmem>>, vector<1x16xf32>,
        %add3A_522 = arith.constant 2 : i32
        %add3A_523 = arith.addi %mul3A_173, %add3A_522 : i32
        %get3A_524 = arith.index_cast %add3A_523 : i32 to index
        %get3A_525 = arith.constant 112 : index
        %get3A_526 = tpu.vector_load %arg9[%get3A_524, %get3A_525] {strides = array<i32>} : memref<128x128xf32, #tpu.memory_space<vmem>>, vector<1x16xf32>,
        %get3A_527 = vector.shape_cast %get3A_526 : vector<1x16xf32> to vector<16xf32>
        %mul3A_528 = vector.broadcast %squeeze3A_416 : f32 to vector<16xf32>
        %mul3A_529 = arith.mulf %get3A_527, %mul3A_528 : vector<16xf32>
        %add3A_530 = arith.constant 2 : i32
        %add3A_531 = arith.addi %mul3A_173, %add3A_530 : i32
        %swap3A_532 = arith.index_cast %add3A_531 : i32 to index
        %swap3A_533 = arith.constant 112 : index
        %swap3A_534 = tpu.vector_load %arg9[%swap3A_532, %swap3A_533] {strides = array<i32>} : memref<128x128xf32, #tpu.memory_space<vmem>>, vector<1x16xf32>,
        %swap3A_535 = vector.shape_cast %swap3A_534 : vector<1x16xf32> to vector<16xf32>
        %swap3A_536 = vector.shape_cast %mul3A_529 : vector<16xf32> to vector<1x16xf32>
        tpu.vector_store %arg9[%swap3A_532, %swap3A_533], %swap3A_536 {strides = array<i32>} : memref<128x128xf32, #tpu.memory_space<vmem>>, vector<1x16xf32>,
        %slice3A_537 = vector.extract_strided_slice %get3A_171 {offsets = [3], sizes = [1], strides = [1]} : vector<16xf32> to vector<1xf32>
        %squeeze3A_538 = vector.extract %slice3A_537[0] : f32 from vector<1xf32>
        %add3A_539 = arith.constant 3 : i32
        %add3A_540 = arith.addi %mul3A_173, %add3A_539 : i32
        %get3A_541 = arith.index_cast %add3A_540 : i32 to index
        %get3A_542 = arith.constant 0 : index
        %get3A_543 = tpu.vector_load %arg9[%get3A_541, %get3A_542] {strides = array<i32>} : memref<128x128xf32, #tpu.memory_space<vmem>>, vector<1x16xf32>,
        %get3A_544 = vector.shape_cast %get3A_543 : vector<1x16xf32> to vector<16xf32>
        %mul3A_545 = vector.broadcast %squeeze3A_538 : f32 to vector<16xf32>
        %mul3A_546 = arith.mulf %get3A_544, %mul3A_545 : vector<16xf32>
        %add3A_547 = arith.constant 3 : i32
        %add3A_548 = arith.addi %mul3A_173, %add3A_547 : i32
        %swap3A_549 = arith.index_cast %add3A_548 : i32 to index
        %swap3A_550 = arith.constant 0 : index
        %swap3A_551 = tpu.vector_load %arg9[%swap3A_549, %swap3A_550] {strides = array<i32>} : memref<128x128xf32, #tpu.memory_space<vmem>>, vector<1x16xf32>,
        %swap3A_552 = vector.shape_cast %swap3A_551 : vector<1x16xf32> to vector<16xf32>
        %swap3A_553 = vector.shape_cast %mul3A_546 : vector<16xf32> to vector<1x16xf32>
        tpu.vector_store %arg9[%swap3A_549, %swap3A_550], %swap3A_553 {strides = array<i32>} : memref<128x128xf32, #tpu.memory_space<vmem>>, vector<1x16xf32>,
        %add3A_554 = arith.constant 3 : i32
        %add3A_555 = arith.addi %mul3A_173, %add3A_554 : i32
        %get3A_556 = arith.index_cast %add3A_555 : i32 to index
        %get3A_557 = arith.constant 16 : index
        %get3A_558 = tpu.vector_load %arg9[%get3A_556, %get3A_557] {strides = array<i32>} : memref<128x128xf32, #tpu.memory_space<vmem>>, vector<1x16xf32>,
        %get3A_559 = vector.shape_cast %get3A_558 : vector<1x16xf32> to vector<16xf32>
        %mul3A_560 = vector.broadcast %squeeze3A_538 : f32 to vector<16xf32>
        %mul3A_561 = arith.mulf %get3A_559, %mul3A_560 : vector<16xf32>
        %add3A_562 = arith.constant 3 : i32
        %add3A_563 = arith.addi %mul3A_173, %add3A_562 : i32
        %swap3A_564 = arith.index_cast %add3A_563 : i32 to index
        %swap3A_565 = arith.constant 16 : index
        %swap3A_566 = tpu.vector_load %arg9[%swap3A_564, %swap3A_565] {strides = array<i32>} : memref<128x128xf32, #tpu.memory_space<vmem>>, vector<1x16xf32>,
        %swap3A_567 = vector.shape_cast %swap3A_566 : vector<1x16xf32> to vector<16xf32>
        %swap3A_568 = vector.shape_cast %mul3A_561 : vector<16xf32> to vector<1x16xf32>
        tpu.vector_store %arg9[%swap3A_564, %swap3A_565], %swap3A_568 {strides = array<i32>} : memref<128x128xf32, #tpu.memory_space<vmem>>, vector<1x16xf32>,
        %add3A_569 = arith.constant 3 : i32
        %add3A_570 = arith.addi %mul3A_173, %add3A_569 : i32
        %get3A_571 = arith.index_cast %add3A_570 : i32 to index
        %get3A_572 = arith.constant 32 : index
        %get3A_573 = tpu.vector_load %arg9[%get3A_571, %get3A_572] {strides = array<i32>} : memref<128x128xf32, #tpu.memory_space<vmem>>, vector<1x16xf32>,
        %get3A_574 = vector.shape_cast %get3A_573 : vector<1x16xf32> to vector<16xf32>
        %mul3A_575 = vector.broadcast %squeeze3A_538 : f32 to vector<16xf32>
        %mul3A_576 = arith.mulf %get3A_574, %mul3A_575 : vector<16xf32>
        %add3A_577 = arith.constant 3 : i32
        %add3A_578 = arith.addi %mul3A_173, %add3A_577 : i32
        %swap3A_579 = arith.index_cast %add3A_578 : i32 to index
        %swap3A_580 = arith.constant 32 : index
        %swap3A_581 = tpu.vector_load %arg9[%swap3A_579, %swap3A_580] {strides = array<i32>} : memref<128x128xf32, #tpu.memory_space<vmem>>, vector<1x16xf32>,
        %swap3A_582 = vector.shape_cast %swap3A_581 : vector<1x16xf32> to vector<16xf32>
        %swap3A_583 = vector.shape_cast %mul3A_576 : vector<16xf32> to vector<1x16xf32>
        tpu.vector_store %arg9[%swap3A_579, %swap3A_580], %swap3A_583 {strides = array<i32>} : memref<128x128xf32, #tpu.memory_space<vmem>>, vector<1x16xf32>,
        %add3A_584 = arith.constant 3 : i32
        %add3A_585 = arith.addi %mul3A_173, %add3A_584 : i32
        %get3A_586 = arith.index_cast %add3A_585 : i32 to index
        %get3A_587 = arith.constant 48 : index
        %get3A_588 = tpu.vector_load %arg9[%get3A_586, %get3A_587] {strides = array<i32>} : memref<128x128xf32, #tpu.memory_space<vmem>>, vector<1x16xf32>,
        %get3A_589 = vector.shape_cast %get3A_588 : vector<1x16xf32> to vector<16xf32>
        %mul3A_590 = vector.broadcast %squeeze3A_538 : f32 to vector<16xf32>
        %mul3A_591 = arith.mulf %get3A_589, %mul3A_590 : vector<16xf32>
        %add3A_592 = arith.constant 3 : i32
        %add3A_593 = arith.addi %mul3A_173, %add3A_592 : i32
        %swap3A_594 = arith.index_cast %add3A_593 : i32 to index
        %swap3A_595 = arith.constant 48 : index
        %swap3A_596 = tpu.vector_load %arg9[%swap3A_594, %swap3A_595] {strides = array<i32>} : memref<128x128xf32, #tpu.memory_space<vmem>>, vector<1x16xf32>,
        %swap3A_597 = vector.shape_cast %swap3A_596 : vector<1x16xf32> to vector<16xf32>
        %swap3A_598 = vector.shape_cast %mul3A_591 : vector<16xf32> to vector<1x16xf32>
        tpu.vector_store %arg9[%swap3A_594, %swap3A_595], %swap3A_598 {strides = array<i32>} : memref<128x128xf32, #tpu.memory_space<vmem>>, vector<1x16xf32>,
        %add3A_599 = arith.constant 3 : i32
        %add3A_600 = arith.addi %mul3A_173, %add3A_599 : i32
        %get3A_601 = arith.index_cast %add3A_600 : i32 to index
        %get3A_602 = arith.constant 64 : index
        %get3A_603 = tpu.vector_load %arg9[%get3A_601, %get3A_602] {strides = array<i32>} : memref<128x128xf32, #tpu.memory_space<vmem>>, vector<1x16xf32>,
        %get3A_604 = vector.shape_cast %get3A_603 : vector<1x16xf32> to vector<16xf32>
        %mul3A_605 = vector.broadcast %squeeze3A_538 : f32 to vector<16xf32>
        %mul3A_606 = arith.mulf %get3A_604, %mul3A_605 : vector<16xf32>
        %add3A_607 = arith.constant 3 : i32
        %add3A_608 = arith.addi %mul3A_173, %add3A_607 : i32
        %swap3A_609 = arith.index_cast %add3A_608 : i32 to index
        %swap3A_610 = arith.constant 64 : index
        %swap3A_611 = tpu.vector_load %arg9[%swap3A_609, %swap3A_610] {strides = array<i32>} : memref<128x128xf32, #tpu.memory_space<vmem>>, vector<1x16xf32>,
        %swap3A_612 = vector.shape_cast %swap3A_611 : vector<1x16xf32> to vector<16xf32>
        %swap3A_613 = vector.shape_cast %mul3A_606 : vector<16xf32> to vector<1x16xf32>
        tpu.vector_store %arg9[%swap3A_609, %swap3A_610], %swap3A_613 {strides = array<i32>} : memref<128x128xf32, #tpu.memory_space<vmem>>, vector<1x16xf32>,
        %add3A_614 = arith.constant 3 : i32
        %add3A_615 = arith.addi %mul3A_173, %add3A_614 : i32
        %get3A_616 = arith.index_cast %add3A_615 : i32 to index
        %get3A_617 = arith.constant 80 : index
        %get3A_618 = tpu.vector_load %arg9[%get3A_616, %get3A_617] {strides = array<i32>} : memref<128x128xf32, #tpu.memory_space<vmem>>, vector<1x16xf32>,
        %get3A_619 = vector.shape_cast %get3A_618 : vector<1x16xf32> to vector<16xf32>
        %mul3A_620 = vector.broadcast %squeeze3A_538 : f32 to vector<16xf32>
        %mul3A_621 = arith.mulf %get3A_619, %mul3A_620 : vector<16xf32>
        %add3A_622 = arith.constant 3 : i32
        %add3A_623 = arith.addi %mul3A_173, %add3A_622 : i32
        %swap3A_624 = arith.index_cast %add3A_623 : i32 to index
        %swap3A_625 = arith.constant 80 : index
        %swap3A_626 = tpu.vector_load %arg9[%swap3A_624, %swap3A_625] {strides = array<i32>} : memref<128x128xf32, #tpu.memory_space<vmem>>, vector<1x16xf32>,
        %swap3A_627 = vector.shape_cast %swap3A_626 : vector<1x16xf32> to vector<16xf32>
        %swap3A_628 = vector.shape_cast %mul3A_621 : vector<16xf32> to vector<1x16xf32>
        tpu.vector_store %arg9[%swap3A_624, %swap3A_625], %swap3A_628 {strides = array<i32>} : memref<128x128xf32, #tpu.memory_space<vmem>>, vector<1x16xf32>,
        %add3A_629 = arith.constant 3 : i32
        %add3A_630 = arith.addi %mul3A_173, %add3A_629 : i32
        %get3A_631 = arith.index_cast %add3A_630 : i32 to index
        %get3A_632 = arith.constant 96 : index
        %get3A_633 = tpu.vector_load %arg9[%get3A_631, %get3A_632] {strides = array<i32>} : memref<128x128xf32, #tpu.memory_space<vmem>>, vector<1x16xf32>,
        %get3A_634 = vector.shape_cast %get3A_633 : vector<1x16xf32> to vector<16xf32>
        %mul3A_635 = vector.broadcast %squeeze3A_538 : f32 to vector<16xf32>
        %mul3A_636 = arith.mulf %get3A_634, %mul3A_635 : vector<16xf32>
        %add3A_637 = arith.constant 3 : i32
        %add3A_638 = arith.addi %mul3A_173, %add3A_637 : i32
        %swap3A_639 = arith.index_cast %add3A_638 : i32 to index
        %swap3A_640 = arith.constant 96 : index
        %swap3A_641 = tpu.vector_load %arg9[%swap3A_639, %swap3A_640] {strides = array<i32>} : memref<128x128xf32, #tpu.memory_space<vmem>>, vector<1x16xf32>,
        %swap3A_642 = vector.shape_cast %swap3A_641 : vector<1x16xf32> to vector<16xf32>
        %swap3A_643 = vector.shape_cast %mul3A_636 : vector<16xf32> to vector<1x16xf32>
        tpu.vector_store %arg9[%swap3A_639, %swap3A_640], %swap3A_643 {strides = array<i32>} : memref<128x128xf32, #tpu.memory_space<vmem>>, vector<1x16xf32>,
        %add3A_644 = arith.constant 3 : i32
        %add3A_645 = arith.addi %mul3A_173, %add3A_644 : i32
        %get3A_646 = arith.index_cast %add3A_645 : i32 to index
        %get3A_647 = arith.constant 112 : index
        %get3A_648 = tpu.vector_load %arg9[%get3A_646, %get3A_647] {strides = array<i32>} : memref<128x128xf32, #tpu.memory_space<vmem>>, vector<1x16xf32>,
        %get3A_649 = vector.shape_cast %get3A_648 : vector<1x16xf32> to vector<16xf32>
        %mul3A_650 = vector.broadcast %squeeze3A_538 : f32 to vector<16xf32>
        %mul3A_651 = arith.mulf %get3A_649, %mul3A_650 : vector<16xf32>
        %add3A_652 = arith.constant 3 : i32
        %add3A_653 = arith.addi %mul3A_173, %add3A_652 : i32
        %swap3A_654 = arith.index_cast %add3A_653 : i32 to index
        %swap3A_655 = arith.constant 112 : index
        %swap3A_656 = tpu.vector_load %arg9[%swap3A_654, %swap3A_655] {strides = array<i32>} : memref<128x128xf32, #tpu.memory_space<vmem>>, vector<1x16xf32>,
        %swap3A_657 = vector.shape_cast %swap3A_656 : vector<1x16xf32> to vector<16xf32>
        %swap3A_658 = vector.shape_cast %mul3A_651 : vector<16xf32> to vector<1x16xf32>
        tpu.vector_store %arg9[%swap3A_654, %swap3A_655], %swap3A_658 {strides = array<i32>} : memref<128x128xf32, #tpu.memory_space<vmem>>, vector<1x16xf32>,
        %slice3A_659 = vector.extract_strided_slice %get3A_171 {offsets = [4], sizes = [1], strides = [1]} : vector<16xf32> to vector<1xf32>
        %squeeze3A_660 = vector.extract %slice3A_659[0] : f32 from vector<1xf32>
        %add3A_661 = arith.constant 4 : i32
        %add3A_662 = arith.addi %mul3A_173, %add3A_661 : i32
        %get3A_663 = arith.index_cast %add3A_662 : i32 to index
        %get3A_664 = arith.constant 0 : index
        %get3A_665 = tpu.vector_load %arg9[%get3A_663, %get3A_664] {strides = array<i32>} : memref<128x128xf32, #tpu.memory_space<vmem>>, vector<1x16xf32>,
        %get3A_666 = vector.shape_cast %get3A_665 : vector<1x16xf32> to vector<16xf32>
        %mul3A_667 = vector.broadcast %squeeze3A_660 : f32 to vector<16xf32>
        %mul3A_668 = arith.mulf %get3A_666, %mul3A_667 : vector<16xf32>
        %add3A_669 = arith.constant 4 : i32
        %add3A_670 = arith.addi %mul3A_173, %add3A_669 : i32
        %swap3A_671 = arith.index_cast %add3A_670 : i32 to index
        %swap3A_672 = arith.constant 0 : index
        %swap3A_673 = tpu.vector_load %arg9[%swap3A_671, %swap3A_672] {strides = array<i32>} : memref<128x128xf32, #tpu.memory_space<vmem>>, vector<1x16xf32>,
        %swap3A_674 = vector.shape_cast %swap3A_673 : vector<1x16xf32> to vector<16xf32>
        %swap3A_675 = vector.shape_cast %mul3A_668 : vector<16xf32> to vector<1x16xf32>
        tpu.vector_store %arg9[%swap3A_671, %swap3A_672], %swap3A_675 {strides = array<i32>} : memref<128x128xf32, #tpu.memory_space<vmem>>, vector<1x16xf32>,
        %add3A_676 = arith.constant 4 : i32
        %add3A_677 = arith.addi %mul3A_173, %add3A_676 : i32
        %get3A_678 = arith.index_cast %add3A_677 : i32 to index
        %get3A_679 = arith.constant 16 : index
        %get3A_680 = tpu.vector_load %arg9[%get3A_678, %get3A_679] {strides = array<i32>} : memref<128x128xf32, #tpu.memory_space<vmem>>, vector<1x16xf32>,
        %get3A_681 = vector.shape_cast %get3A_680 : vector<1x16xf32> to vector<16xf32>
        %mul3A_682 = vector.broadcast %squeeze3A_660 : f32 to vector<16xf32>
        %mul3A_683 = arith.mulf %get3A_681, %mul3A_682 : vector<16xf32>
        %add3A_684 = arith.constant 4 : i32
        %add3A_685 = arith.addi %mul3A_173, %add3A_684 : i32
        %swap3A_686 = arith.index_cast %add3A_685 : i32 to index
        %swap3A_687 = arith.constant 16 : index
        %swap3A_688 = tpu.vector_load %arg9[%swap3A_686, %swap3A_687] {strides = array<i32>} : memref<128x128xf32, #tpu.memory_space<vmem>>, vector<1x16xf32>,
        %swap3A_689 = vector.shape_cast %swap3A_688 : vector<1x16xf32> to vector<16xf32>
        %swap3A_690 = vector.shape_cast %mul3A_683 : vector<16xf32> to vector<1x16xf32>
        tpu.vector_store %arg9[%swap3A_686, %swap3A_687], %swap3A_690 {strides = array<i32>} : memref<128x128xf32, #tpu.memory_space<vmem>>, vector<1x16xf32>,
        %add3A_691 = arith.constant 4 : i32
        %add3A_692 = arith.addi %mul3A_173, %add3A_691 : i32
        %get3A_693 = arith.index_cast %add3A_692 : i32 to index
        %get3A_694 = arith.constant 32 : index
        %get3A_695 = tpu.vector_load %arg9[%get3A_693, %get3A_694] {strides = array<i32>} : memref<128x128xf32, #tpu.memory_space<vmem>>, vector<1x16xf32>,
        %get3A_696 = vector.shape_cast %get3A_695 : vector<1x16xf32> to vector<16xf32>
        %mul3A_697 = vector.broadcast %squeeze3A_660 : f32 to vector<16xf32>
        %mul3A_698 = arith.mulf %get3A_696, %mul3A_697 : vector<16xf32>
        %add3A_699 = arith.constant 4 : i32
        %add3A_700 = arith.addi %mul3A_173, %add3A_699 : i32
        %swap3A_701 = arith.index_cast %add3A_700 : i32 to index
        %swap3A_702 = arith.constant 32 : index
        %swap3A_703 = tpu.vector_load %arg9[%swap3A_701, %swap3A_702] {strides = array<i32>} : memref<128x128xf32, #tpu.memory_space<vmem>>, vector<1x16xf32>,
        %swap3A_704 = vector.shape_cast %swap3A_703 : vector<1x16xf32> to vector<16xf32>
        %swap3A_705 = vector.shape_cast %mul3A_698 : vector<16xf32> to vector<1x16xf32>
        tpu.vector_store %arg9[%swap3A_701, %swap3A_702], %swap3A_705 {strides = array<i32>} : memref<128x128xf32, #tpu.memory_space<vmem>>, vector<1x16xf32>,
        %add3A_706 = arith.constant 4 : i32
        %add3A_707 = arith.addi %mul3A_173, %add3A_706 : i32
        %get3A_708 = arith.index_cast %add3A_707 : i32 to index
        %get3A_709 = arith.constant 48 : index
        %get3A_710 = tpu.vector_load %arg9[%get3A_708, %get3A_709] {strides = array<i32>} : memref<128x128xf32, #tpu.memory_space<vmem>>, vector<1x16xf32>,
        %get3A_711 = vector.shape_cast %get3A_710 : vector<1x16xf32> to vector<16xf32>
        %mul3A_712 = vector.broadcast %squeeze3A_660 : f32 to vector<16xf32>
        %mul3A_713 = arith.mulf %get3A_711, %mul3A_712 : vector<16xf32>
        %add3A_714 = arith.constant 4 : i32
        %add3A_715 = arith.addi %mul3A_173, %add3A_714 : i32
        %swap3A_716 = arith.index_cast %add3A_715 : i32 to index
        %swap3A_717 = arith.constant 48 : index
        %swap3A_718 = tpu.vector_load %arg9[%swap3A_716, %swap3A_717] {strides = array<i32>} : memref<128x128xf32, #tpu.memory_space<vmem>>, vector<1x16xf32>,
        %swap3A_719 = vector.shape_cast %swap3A_718 : vector<1x16xf32> to vector<16xf32>
        %swap3A_720 = vector.shape_cast %mul3A_713 : vector<16xf32> to vector<1x16xf32>
        tpu.vector_store %arg9[%swap3A_716, %swap3A_717], %swap3A_720 {strides = array<i32>} : memref<128x128xf32, #tpu.memory_space<vmem>>, vector<1x16xf32>,
        %add3A_721 = arith.constant 4 : i32
        %add3A_722 = arith.addi %mul3A_173, %add3A_721 : i32
        %get3A_723 = arith.index_cast %add3A_722 : i32 to index
        %get3A_724 = arith.constant 64 : index
        %get3A_725 = tpu.vector_load %arg9[%get3A_723, %get3A_724] {strides = array<i32>} : memref<128x128xf32, #tpu.memory_space<vmem>>, vector<1x16xf32>,
        %get3A_726 = vector.shape_cast %get3A_725 : vector<1x16xf32> to vector<16xf32>
        %mul3A_727 = vector.broadcast %squeeze3A_660 : f32 to vector<16xf32>
        %mul3A_728 = arith.mulf %get3A_726, %mul3A_727 : vector<16xf32>
        %add3A_729 = arith.constant 4 : i32
        %add3A_730 = arith.addi %mul3A_173, %add3A_729 : i32
        %swap3A_731 = arith.index_cast %add3A_730 : i32 to index
        %swap3A_732 = arith.constant 64 : index
        %swap3A_733 = tpu.vector_load %arg9[%swap3A_731, %swap3A_732] {strides = array<i32>} : memref<128x128xf32, #tpu.memory_space<vmem>>, vector<1x16xf32>,
        %swap3A_734 = vector.shape_cast %swap3A_733 : vector<1x16xf32> to vector<16xf32>
        %swap3A_735 = vector.shape_cast %mul3A_728 : vector<16xf32> to vector<1x16xf32>
        tpu.vector_store %arg9[%swap3A_731, %swap3A_732], %swap3A_735 {strides = array<i32>} : memref<128x128xf32, #tpu.memory_space<vmem>>, vector<1x16xf32>,
        %add3A_736 = arith.constant 4 : i32
        %add3A_737 = arith.addi %mul3A_173, %add3A_736 : i32
        %get3A_738 = arith.index_cast %add3A_737 : i32 to index
        %get3A_739 = arith.constant 80 : index
        %get3A_740 = tpu.vector_load %arg9[%get3A_738, %get3A_739] {strides = array<i32>} : memref<128x128xf32, #tpu.memory_space<vmem>>, vector<1x16xf32>,
        %get3A_741 = vector.shape_cast %get3A_740 : vector<1x16xf32> to vector<16xf32>
        %mul3A_742 = vector.broadcast %squeeze3A_660 : f32 to vector<16xf32>
        %mul3A_743 = arith.mulf %get3A_741, %mul3A_742 : vector<16xf32>
        %add3A_744 = arith.constant 4 : i32
        %add3A_745 = arith.addi %mul3A_173, %add3A_744 : i32
        %swap3A_746 = arith.index_cast %add3A_745 : i32 to index
        %swap3A_747 = arith.constant 80 : index
        %swap3A_748 = tpu.vector_load %arg9[%swap3A_746, %swap3A_747] {strides = array<i32>} : memref<128x128xf32, #tpu.memory_space<vmem>>, vector<1x16xf32>,
        %swap3A_749 = vector.shape_cast %swap3A_748 : vector<1x16xf32> to vector<16xf32>
        %swap3A_750 = vector.shape_cast %mul3A_743 : vector<16xf32> to vector<1x16xf32>
        tpu.vector_store %arg9[%swap3A_746, %swap3A_747], %swap3A_750 {strides = array<i32>} : memref<128x128xf32, #tpu.memory_space<vmem>>, vector<1x16xf32>,
        %add3A_751 = arith.constant 4 : i32
        %add3A_752 = arith.addi %mul3A_173, %add3A_751 : i32
        %get3A_753 = arith.index_cast %add3A_752 : i32 to index
        %get3A_754 = arith.constant 96 : index
        %get3A_755 = tpu.vector_load %arg9[%get3A_753, %get3A_754] {strides = array<i32>} : memref<128x128xf32, #tpu.memory_space<vmem>>, vector<1x16xf32>,
        %get3A_756 = vector.shape_cast %get3A_755 : vector<1x16xf32> to vector<16xf32>
        %mul3A_757 = vector.broadcast %squeeze3A_660 : f32 to vector<16xf32>
        %mul3A_758 = arith.mulf %get3A_756, %mul3A_757 : vector<16xf32>
        %add3A_759 = arith.constant 4 : i32
        %add3A_760 = arith.addi %mul3A_173, %add3A_759 : i32
        %swap3A_761 = arith.index_cast %add3A_760 : i32 to index
        %swap3A_762 = arith.constant 96 : index
        %swap3A_763 = tpu.vector_load %arg9[%swap3A_761, %swap3A_762] {strides = array<i32>} : memref<128x128xf32, #tpu.memory_space<vmem>>, vector<1x16xf32>,
        %swap3A_764 = vector.shape_cast %swap3A_763 : vector<1x16xf32> to vector<16xf32>
        %swap3A_765 = vector.shape_cast %mul3A_758 : vector<16xf32> to vector<1x16xf32>
        tpu.vector_store %arg9[%swap3A_761, %swap3A_762], %swap3A_765 {strides = array<i32>} : memref<128x128xf32, #tpu.memory_space<vmem>>, vector<1x16xf32>,
        %add3A_766 = arith.constant 4 : i32
        %add3A_767 = arith.addi %mul3A_173, %add3A_766 : i32
        %get3A_768 = arith.index_cast %add3A_767 : i32 to index
        %get3A_769 = arith.constant 112 : index
        %get3A_770 = tpu.vector_load %arg9[%get3A_768, %get3A_769] {strides = array<i32>} : memref<128x128xf32, #tpu.memory_space<vmem>>, vector<1x16xf32>,
        %get3A_771 = vector.shape_cast %get3A_770 : vector<1x16xf32> to vector<16xf32>
        %mul3A_772 = vector.broadcast %squeeze3A_660 : f32 to vector<16xf32>
        %mul3A_773 = arith.mulf %get3A_771, %mul3A_772 : vector<16xf32>
        %add3A_774 = arith.constant 4 : i32
        %add3A_775 = arith.addi %mul3A_173, %add3A_774 : i32
        %swap3A_776 = arith.index_cast %add3A_775 : i32 to index
        %swap3A_777 = arith.constant 112 : index
        %swap3A_778 = tpu.vector_load %arg9[%swap3A_776, %swap3A_777] {strides = array<i32>} : memref<128x128xf32, #tpu.memory_space<vmem>>, vector<1x16xf32>,
        %swap3A_779 = vector.shape_cast %swap3A_778 : vector<1x16xf32> to vector<16xf32>
        %swap3A_780 = vector.shape_cast %mul3A_773 : vector<16xf32> to vector<1x16xf32>
        tpu.vector_store %arg9[%swap3A_776, %swap3A_777], %swap3A_780 {strides = array<i32>} : memref<128x128xf32, #tpu.memory_space<vmem>>, vector<1x16xf32>,
        %slice3A_781 = vector.extract_strided_slice %get3A_171 {offsets = [5], sizes = [1], strides = [1]} : vector<16xf32> to vector<1xf32>
        %squeeze3A_782 = vector.extract %slice3A_781[0] : f32 from vector<1xf32>
        %add3A_783 = arith.constant 5 : i32
        %add3A_784 = arith.addi %mul3A_173, %add3A_783 : i32
        %get3A_785 = arith.index_cast %add3A_784 : i32 to index
        %get3A_786 = arith.constant 0 : index
        %get3A_787 = tpu.vector_load %arg9[%get3A_785, %get3A_786] {strides = array<i32>} : memref<128x128xf32, #tpu.memory_space<vmem>>, vector<1x16xf32>,
        %get3A_788 = vector.shape_cast %get3A_787 : vector<1x16xf32> to vector<16xf32>
        %mul3A_789 = vector.broadcast %squeeze3A_782 : f32 to vector<16xf32>
        %mul3A_790 = arith.mulf %get3A_788, %mul3A_789 : vector<16xf32>
        %add3A_791 = arith.constant 5 : i32
        %add3A_792 = arith.addi %mul3A_173, %add3A_791 : i32
        %swap3A_793 = arith.index_cast %add3A_792 : i32 to index
        %swap3A_794 = arith.constant 0 : index
        %swap3A_795 = tpu.vector_load %arg9[%swap3A_793, %swap3A_794] {strides = array<i32>} : memref<128x128xf32, #tpu.memory_space<vmem>>, vector<1x16xf32>,
        %swap3A_796 = vector.shape_cast %swap3A_795 : vector<1x16xf32> to vector<16xf32>
        %swap3A_797 = vector.shape_cast %mul3A_790 : vector<16xf32> to vector<1x16xf32>
        tpu.vector_store %arg9[%swap3A_793, %swap3A_794], %swap3A_797 {strides = array<i32>} : memref<128x128xf32, #tpu.memory_space<vmem>>, vector<1x16xf32>,
        %add3A_798 = arith.constant 5 : i32
        %add3A_799 = arith.addi %mul3A_173, %add3A_798 : i32
        %get3A_800 = arith.index_cast %add3A_799 : i32 to index
        %get3A_801 = arith.constant 16 : index
        %get3A_802 = tpu.vector_load %arg9[%get3A_800, %get3A_801] {strides = array<i32>} : memref<128x128xf32, #tpu.memory_space<vmem>>, vector<1x16xf32>,
        %get3A_803 = vector.shape_cast %get3A_802 : vector<1x16xf32> to vector<16xf32>
        %mul3A_804 = vector.broadcast %squeeze3A_782 : f32 to vector<16xf32>
        %mul3A_805 = arith.mulf %get3A_803, %mul3A_804 : vector<16xf32>
        %add3A_806 = arith.constant 5 : i32
        %add3A_807 = arith.addi %mul3A_173, %add3A_806 : i32
        %swap3A_808 = arith.index_cast %add3A_807 : i32 to index
        %swap3A_809 = arith.constant 16 : index
        %swap3A_810 = tpu.vector_load %arg9[%swap3A_808, %swap3A_809] {strides = array<i32>} : memref<128x128xf32, #tpu.memory_space<vmem>>, vector<1x16xf32>,
        %swap3A_811 = vector.shape_cast %swap3A_810 : vector<1x16xf32> to vector<16xf32>
        %swap3A_812 = vector.shape_cast %mul3A_805 : vector<16xf32> to vector<1x16xf32>
        tpu.vector_store %arg9[%swap3A_808, %swap3A_809], %swap3A_812 {strides = array<i32>} : memref<128x128xf32, #tpu.memory_space<vmem>>, vector<1x16xf32>,
        %add3A_813 = arith.constant 5 : i32
        %add3A_814 = arith.addi %mul3A_173, %add3A_813 : i32
        %get3A_815 = arith.index_cast %add3A_814 : i32 to index
        %get3A_816 = arith.constant 32 : index
        %get3A_817 = tpu.vector_load %arg9[%get3A_815, %get3A_816] {strides = array<i32>} : memref<128x128xf32, #tpu.memory_space<vmem>>, vector<1x16xf32>,
        %get3A_818 = vector.shape_cast %get3A_817 : vector<1x16xf32> to vector<16xf32>
        %mul3A_819 = vector.broadcast %squeeze3A_782 : f32 to vector<16xf32>
        %mul3A_820 = arith.mulf %get3A_818, %mul3A_819 : vector<16xf32>
        %add3A_821 = arith.constant 5 : i32
        %add3A_822 = arith.addi %mul3A_173, %add3A_821 : i32
        %swap3A_823 = arith.index_cast %add3A_822 : i32 to index
        %swap3A_824 = arith.constant 32 : index
        %swap3A_825 = tpu.vector_load %arg9[%swap3A_823, %swap3A_824] {strides = array<i32>} : memref<128x128xf32, #tpu.memory_space<vmem>>, vector<1x16xf32>,
        %swap3A_826 = vector.shape_cast %swap3A_825 : vector<1x16xf32> to vector<16xf32>
        %swap3A_827 = vector.shape_cast %mul3A_820 : vector<16xf32> to vector<1x16xf32>
        tpu.vector_store %arg9[%swap3A_823, %swap3A_824], %swap3A_827 {strides = array<i32>} : memref<128x128xf32, #tpu.memory_space<vmem>>, vector<1x16xf32>,
        %add3A_828 = arith.constant 5 : i32
        %add3A_829 = arith.addi %mul3A_173, %add3A_828 : i32
        %get3A_830 = arith.index_cast %add3A_829 : i32 to index
        %get3A_831 = arith.constant 48 : index
        %get3A_832 = tpu.vector_load %arg9[%get3A_830, %get3A_831] {strides = array<i32>} : memref<128x128xf32, #tpu.memory_space<vmem>>, vector<1x16xf32>,
        %get3A_833 = vector.shape_cast %get3A_832 : vector<1x16xf32> to vector<16xf32>
        %mul3A_834 = vector.broadcast %squeeze3A_782 : f32 to vector<16xf32>
        %mul3A_835 = arith.mulf %get3A_833, %mul3A_834 : vector<16xf32>
        %add3A_836 = arith.constant 5 : i32
        %add3A_837 = arith.addi %mul3A_173, %add3A_836 : i32
        %swap3A_838 = arith.index_cast %add3A_837 : i32 to index
        %swap3A_839 = arith.constant 48 : index
        %swap3A_840 = tpu.vector_load %arg9[%swap3A_838, %swap3A_839] {strides = array<i32>} : memref<128x128xf32, #tpu.memory_space<vmem>>, vector<1x16xf32>,
        %swap3A_841 = vector.shape_cast %swap3A_840 : vector<1x16xf32> to vector<16xf32>
        %swap3A_842 = vector.shape_cast %mul3A_835 : vector<16xf32> to vector<1x16xf32>
        tpu.vector_store %arg9[%swap3A_838, %swap3A_839], %swap3A_842 {strides = array<i32>} : memref<128x128xf32, #tpu.memory_space<vmem>>, vector<1x16xf32>,
        %add3A_843 = arith.constant 5 : i32
        %add3A_844 = arith.addi %mul3A_173, %add3A_843 : i32
        %get3A_845 = arith.index_cast %add3A_844 : i32 to index
        %get3A_846 = arith.constant 64 : index
        %get3A_847 = tpu.vector_load %arg9[%get3A_845, %get3A_846] {strides = array<i32>} : memref<128x128xf32, #tpu.memory_space<vmem>>, vector<1x16xf32>,
        %get3A_848 = vector.shape_cast %get3A_847 : vector<1x16xf32> to vector<16xf32>
        %mul3A_849 = vector.broadcast %squeeze3A_782 : f32 to vector<16xf32>
        %mul3A_850 = arith.mulf %get3A_848, %mul3A_849 : vector<16xf32>
        %add3A_851 = arith.constant 5 : i32
        %add3A_852 = arith.addi %mul3A_173, %add3A_851 : i32
        %swap3A_853 = arith.index_cast %add3A_852 : i32 to index
        %swap3A_854 = arith.constant 64 : index
        %swap3A_855 = tpu.vector_load %arg9[%swap3A_853, %swap3A_854] {strides = array<i32>} : memref<128x128xf32, #tpu.memory_space<vmem>>, vector<1x16xf32>,
        %swap3A_856 = vector.shape_cast %swap3A_855 : vector<1x16xf32> to vector<16xf32>
        %swap3A_857 = vector.shape_cast %mul3A_850 : vector<16xf32> to vector<1x16xf32>
        tpu.vector_store %arg9[%swap3A_853, %swap3A_854], %swap3A_857 {strides = array<i32>} : memref<128x128xf32, #tpu.memory_space<vmem>>, vector<1x16xf32>,
        %add3A_858 = arith.constant 5 : i32
        %add3A_859 = arith.addi %mul3A_173, %add3A_858 : i32
        %get3A_860 = arith.index_cast %add3A_859 : i32 to index
        %get3A_861 = arith.constant 80 : index
        %get3A_862 = tpu.vector_load %arg9[%get3A_860, %get3A_861] {strides = array<i32>} : memref<128x128xf32, #tpu.memory_space<vmem>>, vector<1x16xf32>,
        %get3A_863 = vector.shape_cast %get3A_862 : vector<1x16xf32> to vector<16xf32>
        %mul3A_864 = vector.broadcast %squeeze3A_782 : f32 to vector<16xf32>
        %mul3A_865 = arith.mulf %get3A_863, %mul3A_864 : vector<16xf32>
        %add3A_866 = arith.constant 5 : i32
        %add3A_867 = arith.addi %mul3A_173, %add3A_866 : i32
        %swap3A_868 = arith.index_cast %add3A_867 : i32 to index
        %swap3A_869 = arith.constant 80 : index
        %swap3A_870 = tpu.vector_load %arg9[%swap3A_868, %swap3A_869] {strides = array<i32>} : memref<128x128xf32, #tpu.memory_space<vmem>>, vector<1x16xf32>,
        %swap3A_871 = vector.shape_cast %swap3A_870 : vector<1x16xf32> to vector<16xf32>
        %swap3A_872 = vector.shape_cast %mul3A_865 : vector<16xf32> to vector<1x16xf32>
        tpu.vector_store %arg9[%swap3A_868, %swap3A_869], %swap3A_872 {strides = array<i32>} : memref<128x128xf32, #tpu.memory_space<vmem>>, vector<1x16xf32>,
        %add3A_873 = arith.constant 5 : i32
        %add3A_874 = arith.addi %mul3A_173, %add3A_873 : i32
        %get3A_875 = arith.index_cast %add3A_874 : i32 to index
        %get3A_876 = arith.constant 96 : index
        %get3A_877 = tpu.vector_load %arg9[%get3A_875, %get3A_876] {strides = array<i32>} : memref<128x128xf32, #tpu.memory_space<vmem>>, vector<1x16xf32>,
        %get3A_878 = vector.shape_cast %get3A_877 : vector<1x16xf32> to vector<16xf32>
        %mul3A_879 = vector.broadcast %squeeze3A_782 : f32 to vector<16xf32>
        %mul3A_880 = arith.mulf %get3A_878, %mul3A_879 : vector<16xf32>
        %add3A_881 = arith.constant 5 : i32
        %add3A_882 = arith.addi %mul3A_173, %add3A_881 : i32
        %swap3A_883 = arith.index_cast %add3A_882 : i32 to index
        %swap3A_884 = arith.constant 96 : index
        %swap3A_885 = tpu.vector_load %arg9[%swap3A_883, %swap3A_884] {strides = array<i32>} : memref<128x128xf32, #tpu.memory_space<vmem>>, vector<1x16xf32>,
        %swap3A_886 = vector.shape_cast %swap3A_885 : vector<1x16xf32> to vector<16xf32>
        %swap3A_887 = vector.shape_cast %mul3A_880 : vector<16xf32> to vector<1x16xf32>
        tpu.vector_store %arg9[%swap3A_883, %swap3A_884], %swap3A_887 {strides = array<i32>} : memref<128x128xf32, #tpu.memory_space<vmem>>, vector<1x16xf32>,
        %add3A_888 = arith.constant 5 : i32
        %add3A_889 = arith.addi %mul3A_173, %add3A_888 : i32
        %get3A_890 = arith.index_cast %add3A_889 : i32 to index
        %get3A_891 = arith.constant 112 : index
        %get3A_892 = tpu.vector_load %arg9[%get3A_890, %get3A_891] {strides = array<i32>} : memref<128x128xf32, #tpu.memory_space<vmem>>, vector<1x16xf32>,
        %get3A_893 = vector.shape_cast %get3A_892 : vector<1x16xf32> to vector<16xf32>
        %mul3A_894 = vector.broadcast %squeeze3A_782 : f32 to vector<16xf32>
        %mul3A_895 = arith.mulf %get3A_893, %mul3A_894 : vector<16xf32>
        %add3A_896 = arith.constant 5 : i32
        %add3A_897 = arith.addi %mul3A_173, %add3A_896 : i32
        %swap3A_898 = arith.index_cast %add3A_897 : i32 to index
        %swap3A_899 = arith.constant 112 : index
        %swap3A_900 = tpu.vector_load %arg9[%swap3A_898, %swap3A_899] {strides = array<i32>} : memref<128x128xf32, #tpu.memory_space<vmem>>, vector<1x16xf32>,
        %swap3A_901 = vector.shape_cast %swap3A_900 : vector<1x16xf32> to vector<16xf32>
        %swap3A_902 = vector.shape_cast %mul3A_895 : vector<16xf32> to vector<1x16xf32>
        tpu.vector_store %arg9[%swap3A_898, %swap3A_899], %swap3A_902 {strides = array<i32>} : memref<128x128xf32, #tpu.memory_space<vmem>>, vector<1x16xf32>,
        %slice3A_903 = vector.extract_strided_slice %get3A_171 {offsets = [6], sizes = [1], strides = [1]} : vector<16xf32> to vector<1xf32>
        %squeeze3A_904 = vector.extract %slice3A_903[0] : f32 from vector<1xf32>
        %add3A_905 = arith.constant 6 : i32
        %add3A_906 = arith.addi %mul3A_173, %add3A_905 : i32
        %get3A_907 = arith.index_cast %add3A_906 : i32 to index
        %get3A_908 = arith.constant 0 : index
        %get3A_909 = tpu.vector_load %arg9[%get3A_907, %get3A_908] {strides = array<i32>} : memref<128x128xf32, #tpu.memory_space<vmem>>, vector<1x16xf32>,
        %get3A_910 = vector.shape_cast %get3A_909 : vector<1x16xf32> to vector<16xf32>
        %mul3A_911 = vector.broadcast %squeeze3A_904 : f32 to vector<16xf32>
        %mul3A_912 = arith.mulf %get3A_910, %mul3A_911 : vector<16xf32>
        %add3A_913 = arith.constant 6 : i32
        %add3A_914 = arith.addi %mul3A_173, %add3A_913 : i32
        %swap3A_915 = arith.index_cast %add3A_914 : i32 to index
        %swap3A_916 = arith.constant 0 : index
        %swap3A_917 = tpu.vector_load %arg9[%swap3A_915, %swap3A_916] {strides = array<i32>} : memref<128x128xf32, #tpu.memory_space<vmem>>, vector<1x16xf32>,
        %swap3A_918 = vector.shape_cast %swap3A_917 : vector<1x16xf32> to vector<16xf32>
        %swap3A_919 = vector.shape_cast %mul3A_912 : vector<16xf32> to vector<1x16xf32>
        tpu.vector_store %arg9[%swap3A_915, %swap3A_916], %swap3A_919 {strides = array<i32>} : memref<128x128xf32, #tpu.memory_space<vmem>>, vector<1x16xf32>,
        %add3A_920 = arith.constant 6 : i32
        %add3A_921 = arith.addi %mul3A_173, %add3A_920 : i32
        %get3A_922 = arith.index_cast %add3A_921 : i32 to index
        %get3A_923 = arith.constant 16 : index
        %get3A_924 = tpu.vector_load %arg9[%get3A_922, %get3A_923] {strides = array<i32>} : memref<128x128xf32, #tpu.memory_space<vmem>>, vector<1x16xf32>,
        %get3A_925 = vector.shape_cast %get3A_924 : vector<1x16xf32> to vector<16xf32>
        %mul3A_926 = vector.broadcast %squeeze3A_904 : f32 to vector<16xf32>
        %mul3A_927 = arith.mulf %get3A_925, %mul3A_926 : vector<16xf32>
        %add3A_928 = arith.constant 6 : i32
        %add3A_929 = arith.addi %mul3A_173, %add3A_928 : i32
        %swap3A_930 = arith.index_cast %add3A_929 : i32 to index
        %swap3A_931 = arith.constant 16 : index
        %swap3A_932 = tpu.vector_load %arg9[%swap3A_930, %swap3A_931] {strides = array<i32>} : memref<128x128xf32, #tpu.memory_space<vmem>>, vector<1x16xf32>,
        %swap3A_933 = vector.shape_cast %swap3A_932 : vector<1x16xf32> to vector<16xf32>
        %swap3A_934 = vector.shape_cast %mul3A_927 : vector<16xf32> to vector<1x16xf32>
        tpu.vector_store %arg9[%swap3A_930, %swap3A_931], %swap3A_934 {strides = array<i32>} : memref<128x128xf32, #tpu.memory_space<vmem>>, vector<1x16xf32>,
        %add3A_935 = arith.constant 6 : i32
        %add3A_936 = arith.addi %mul3A_173, %add3A_935 : i32
        %get3A_937 = arith.index_cast %add3A_936 : i32 to index
        %get3A_938 = arith.constant 32 : index
        %get3A_939 = tpu.vector_load %arg9[%get3A_937, %get3A_938] {strides = array<i32>} : memref<128x128xf32, #tpu.memory_space<vmem>>, vector<1x16xf32>,
        %get3A_940 = vector.shape_cast %get3A_939 : vector<1x16xf32> to vector<16xf32>
        %mul3A_941 = vector.broadcast %squeeze3A_904 : f32 to vector<16xf32>
        %mul3A_942 = arith.mulf %get3A_940, %mul3A_941 : vector<16xf32>
        %add3A_943 = arith.constant 6 : i32
        %add3A_944 = arith.addi %mul3A_173, %add3A_943 : i32
        %swap3A_945 = arith.index_cast %add3A_944 : i32 to index
        %swap3A_946 = arith.constant 32 : index
        %swap3A_947 = tpu.vector_load %arg9[%swap3A_945, %swap3A_946] {strides = array<i32>} : memref<128x128xf32, #tpu.memory_space<vmem>>, vector<1x16xf32>,
        %swap3A_948 = vector.shape_cast %swap3A_947 : vector<1x16xf32> to vector<16xf32>
        %swap3A_949 = vector.shape_cast %mul3A_942 : vector<16xf32> to vector<1x16xf32>
        tpu.vector_store %arg9[%swap3A_945, %swap3A_946], %swap3A_949 {strides = array<i32>} : memref<128x128xf32, #tpu.memory_space<vmem>>, vector<1x16xf32>,
        %add3A_950 = arith.constant 6 : i32
        %add3A_951 = arith.addi %mul3A_173, %add3A_950 : i32
        %get3A_952 = arith.index_cast %add3A_951 : i32 to index
        %get3A_953 = arith.constant 48 : index
        %get3A_954 = tpu.vector_load %arg9[%get3A_952, %get3A_953] {strides = array<i32>} : memref<128x128xf32, #tpu.memory_space<vmem>>, vector<1x16xf32>,
        %get3A_955 = vector.shape_cast %get3A_954 : vector<1x16xf32> to vector<16xf32>
        %mul3A_956 = vector.broadcast %squeeze3A_904 : f32 to vector<16xf32>
        %mul3A_957 = arith.mulf %get3A_955, %mul3A_956 : vector<16xf32>
        %add3A_958 = arith.constant 6 : i32
        %add3A_959 = arith.addi %mul3A_173, %add3A_958 : i32
        %swap3A_960 = arith.index_cast %add3A_959 : i32 to index
        %swap3A_961 = arith.constant 48 : index
        %swap3A_962 = tpu.vector_load %arg9[%swap3A_960, %swap3A_961] {strides = array<i32>} : memref<128x128xf32, #tpu.memory_space<vmem>>, vector<1x16xf32>,
        %swap3A_963 = vector.shape_cast %swap3A_962 : vector<1x16xf32> to vector<16xf32>
        %swap3A_964 = vector.shape_cast %mul3A_957 : vector<16xf32> to vector<1x16xf32>
        tpu.vector_store %arg9[%swap3A_960, %swap3A_961], %swap3A_964 {strides = array<i32>} : memref<128x128xf32, #tpu.memory_space<vmem>>, vector<1x16xf32>,
        %add3A_965 = arith.constant 6 : i32
        %add3A_966 = arith.addi %mul3A_173, %add3A_965 : i32
        %get3A_967 = arith.index_cast %add3A_966 : i32 to index
        %get3A_968 = arith.constant 64 : index
        %get3A_969 = tpu.vector_load %arg9[%get3A_967, %get3A_968] {strides = array<i32>} : memref<128x128xf32, #tpu.memory_space<vmem>>, vector<1x16xf32>,
        %get3A_970 = vector.shape_cast %get3A_969 : vector<1x16xf32> to vector<16xf32>
        %mul3A_971 = vector.broadcast %squeeze3A_904 : f32 to vector<16xf32>
        %mul3A_972 = arith.mulf %get3A_970, %mul3A_971 : vector<16xf32>
        %add3A_973 = arith.constant 6 : i32
        %add3A_974 = arith.addi %mul3A_173, %add3A_973 : i32
        %swap3A_975 = arith.index_cast %add3A_974 : i32 to index
        %swap3A_976 = arith.constant 64 : index
        %swap3A_977 = tpu.vector_load %arg9[%swap3A_975, %swap3A_976] {strides = array<i32>} : memref<128x128xf32, #tpu.memory_space<vmem>>, vector<1x16xf32>,
        %swap3A_978 = vector.shape_cast %swap3A_977 : vector<1x16xf32> to vector<16xf32>
        %swap3A_979 = vector.shape_cast %mul3A_972 : vector<16xf32> to vector<1x16xf32>
        tpu.vector_store %arg9[%swap3A_975, %swap3A_976], %swap3A_979 {strides = array<i32>} : memref<128x128xf32, #tpu.memory_space<vmem>>, vector<1x16xf32>,
        %add3A_980 = arith.constant 6 : i32
        %add3A_981 = arith.addi %mul3A_173, %add3A_980 : i32
        %get3A_982 = arith.index_cast %add3A_981 : i32 to index
        %get3A_983 = arith.constant 80 : index
        %get3A_984 = tpu.vector_load %arg9[%get3A_982, %get3A_983] {strides = array<i32>} : memref<128x128xf32, #tpu.memory_space<vmem>>, vector<1x16xf32>,
        %get3A_985 = vector.shape_cast %get3A_984 : vector<1x16xf32> to vector<16xf32>
        %mul3A_986 = vector.broadcast %squeeze3A_904 : f32 to vector<16xf32>
        %mul3A_987 = arith.mulf %get3A_985, %mul3A_986 : vector<16xf32>
        %add3A_988 = arith.constant 6 : i32
        %add3A_989 = arith.addi %mul3A_173, %add3A_988 : i32
        %swap3A_990 = arith.index_cast %add3A_989 : i32 to index
        %swap3A_991 = arith.constant 80 : index
        %swap3A_992 = tpu.vector_load %arg9[%swap3A_990, %swap3A_991] {strides = array<i32>} : memref<128x128xf32, #tpu.memory_space<vmem>>, vector<1x16xf32>,
        %swap3A_993 = vector.shape_cast %swap3A_992 : vector<1x16xf32> to vector<16xf32>
        %swap3A_994 = vector.shape_cast %mul3A_987 : vector<16xf32> to vector<1x16xf32>
        tpu.vector_store %arg9[%swap3A_990, %swap3A_991], %swap3A_994 {strides = array<i32>} : memref<128x128xf32, #tpu.memory_space<vmem>>, vector<1x16xf32>,
        %add3A_995 = arith.constant 6 : i32
        %add3A_996 = arith.addi %mul3A_173, %add3A_995 : i32
        %get3A_997 = arith.index_cast %add3A_996 : i32 to index
        %get3A_998 = arith.constant 96 : index
        %get3A_999 = tpu.vector_load %arg9[%get3A_997, %get3A_998] {strides = array<i32>} : memref<128x128xf32, #tpu.memory_space<vmem>>, vector<1x16xf32>,
        %get3A_1000 = vector.shape_cast %get3A_999 : vector<1x16xf32> to vector<16xf32>
        %mul3A_1001 = vector.broadcast %squeeze3A_904 : f32 to vector<16xf32>
        %mul3A_1002 = arith.mulf %get3A_1000, %mul3A_1001 : vector<16xf32>
        %add3A_1003 = arith.constant 6 : i32
        %add3A_1004 = arith.addi %mul3A_173, %add3A_1003 : i32
        %swap3A_1005 = arith.index_cast %add3A_1004 : i32 to index
        %swap3A_1006 = arith.constant 96 : index
        %swap3A_1007 = tpu.vector_load %arg9[%swap3A_1005, %swap3A_1006] {strides = array<i32>} : memref<128x128xf32, #tpu.memory_space<vmem>>, vector<1x16xf32>,
        %swap3A_1008 = vector.shape_cast %swap3A_1007 : vector<1x16xf32> to vector<16xf32>
        %swap3A_1009 = vector.shape_cast %mul3A_1002 : vector<16xf32> to vector<1x16xf32>
        tpu.vector_store %arg9[%swap3A_1005, %swap3A_1006], %swap3A_1009 {strides = array<i32>} : memref<128x128xf32, #tpu.memory_space<vmem>>, vector<1x16xf32>,
        %add3A_1010 = arith.constant 6 : i32
        %add3A_1011 = arith.addi %mul3A_173, %add3A_1010 : i32
        %get3A_1012 = arith.index_cast %add3A_1011 : i32 to index
        %get3A_1013 = arith.constant 112 : index
        %get3A_1014 = tpu.vector_load %arg9[%get3A_1012, %get3A_1013] {strides = array<i32>} : memref<128x128xf32, #tpu.memory_space<vmem>>, vector<1x16xf32>,
        %get3A_1015 = vector.shape_cast %get3A_1014 : vector<1x16xf32> to vector<16xf32>
        %mul3A_1016 = vector.broadcast %squeeze3A_904 : f32 to vector<16xf32>
        %mul3A_1017 = arith.mulf %get3A_1015, %mul3A_1016 : vector<16xf32>
        %add3A_1018 = arith.constant 6 : i32
        %add3A_1019 = arith.addi %mul3A_173, %add3A_1018 : i32
        %swap3A_1020 = arith.index_cast %add3A_1019 : i32 to index
        %swap3A_1021 = arith.constant 112 : index
        %swap3A_1022 = tpu.vector_load %arg9[%swap3A_1020, %swap3A_1021] {strides = array<i32>} : memref<128x128xf32, #tpu.memory_space<vmem>>, vector<1x16xf32>,
        %swap3A_1023 = vector.shape_cast %swap3A_1022 : vector<1x16xf32> to vector<16xf32>
        %swap3A_1024 = vector.shape_cast %mul3A_1017 : vector<16xf32> to vector<1x16xf32>
        tpu.vector_store %arg9[%swap3A_1020, %swap3A_1021], %swap3A_1024 {strides = array<i32>} : memref<128x128xf32, #tpu.memory_space<vmem>>, vector<1x16xf32>,
        %slice3A_1025 = vector.extract_strided_slice %get3A_171 {offsets = [7], sizes = [1], strides = [1]} : vector<16xf32> to vector<1xf32>
        %squeeze3A_1026 = vector.extract %slice3A_1025[0] : f32 from vector<1xf32>
        %add3A_1027 = arith.constant 7 : i32
        %add3A_1028 = arith.addi %mul3A_173, %add3A_1027 : i32
        %get3A_1029 = arith.index_cast %add3A_1028 : i32 to index
        %get3A_1030 = arith.constant 0 : index
        %get3A_1031 = tpu.vector_load %arg9[%get3A_1029, %get3A_1030] {strides = array<i32>} : memref<128x128xf32, #tpu.memory_space<vmem>>, vector<1x16xf32>,
        %get3A_1032 = vector.shape_cast %get3A_1031 : vector<1x16xf32> to vector<16xf32>
        %mul3A_1033 = vector.broadcast %squeeze3A_1026 : f32 to vector<16xf32>
        %mul3A_1034 = arith.mulf %get3A_1032, %mul3A_1033 : vector<16xf32>
        %add3A_1035 = arith.constant 7 : i32
        %add3A_1036 = arith.addi %mul3A_173, %add3A_1035 : i32
        %swap3A_1037 = arith.index_cast %add3A_1036 : i32 to index
        %swap3A_1038 = arith.constant 0 : index
        %swap3A_1039 = tpu.vector_load %arg9[%swap3A_1037, %swap3A_1038] {strides = array<i32>} : memref<128x128xf32, #tpu.memory_space<vmem>>, vector<1x16xf32>,
        %swap3A_1040 = vector.shape_cast %swap3A_1039 : vector<1x16xf32> to vector<16xf32>
        %swap3A_1041 = vector.shape_cast %mul3A_1034 : vector<16xf32> to vector<1x16xf32>
        tpu.vector_store %arg9[%swap3A_1037, %swap3A_1038], %swap3A_1041 {strides = array<i32>} : memref<128x128xf32, #tpu.memory_space<vmem>>, vector<1x16xf32>,
        %add3A_1042 = arith.constant 7 : i32
        %add3A_1043 = arith.addi %mul3A_173, %add3A_1042 : i32
        %get3A_1044 = arith.index_cast %add3A_1043 : i32 to index
        %get3A_1045 = arith.constant 16 : index
        %get3A_1046 = tpu.vector_load %arg9[%get3A_1044, %get3A_1045] {strides = array<i32>} : memref<128x128xf32, #tpu.memory_space<vmem>>, vector<1x16xf32>,
        %get3A_1047 = vector.shape_cast %get3A_1046 : vector<1x16xf32> to vector<16xf32>
        %mul3A_1048 = vector.broadcast %squeeze3A_1026 : f32 to vector<16xf32>
        %mul3A_1049 = arith.mulf %get3A_1047, %mul3A_1048 : vector<16xf32>
        %add3A_1050 = arith.constant 7 : i32
        %add3A_1051 = arith.addi %mul3A_173, %add3A_1050 : i32
        %swap3A_1052 = arith.index_cast %add3A_1051 : i32 to index
        %swap3A_1053 = arith.constant 16 : index
        %swap3A_1054 = tpu.vector_load %arg9[%swap3A_1052, %swap3A_1053] {strides = array<i32>} : memref<128x128xf32, #tpu.memory_space<vmem>>, vector<1x16xf32>,
        %swap3A_1055 = vector.shape_cast %swap3A_1054 : vector<1x16xf32> to vector<16xf32>
        %swap3A_1056 = vector.shape_cast %mul3A_1049 : vector<16xf32> to vector<1x16xf32>
        tpu.vector_store %arg9[%swap3A_1052, %swap3A_1053], %swap3A_1056 {strides = array<i32>} : memref<128x128xf32, #tpu.memory_space<vmem>>, vector<1x16xf32>,
        %add3A_1057 = arith.constant 7 : i32
        %add3A_1058 = arith.addi %mul3A_173, %add3A_1057 : i32
        %get3A_1059 = arith.index_cast %add3A_1058 : i32 to index
        %get3A_1060 = arith.constant 32 : index
        %get3A_1061 = tpu.vector_load %arg9[%get3A_1059, %get3A_1060] {strides = array<i32>} : memref<128x128xf32, #tpu.memory_space<vmem>>, vector<1x16xf32>,
        %get3A_1062 = vector.shape_cast %get3A_1061 : vector<1x16xf32> to vector<16xf32>
        %mul3A_1063 = vector.broadcast %squeeze3A_1026 : f32 to vector<16xf32>
        %mul3A_1064 = arith.mulf %get3A_1062, %mul3A_1063 : vector<16xf32>
        %add3A_1065 = arith.constant 7 : i32
        %add3A_1066 = arith.addi %mul3A_173, %add3A_1065 : i32
        %swap3A_1067 = arith.index_cast %add3A_1066 : i32 to index
        %swap3A_1068 = arith.constant 32 : index
        %swap3A_1069 = tpu.vector_load %arg9[%swap3A_1067, %swap3A_1068] {strides = array<i32>} : memref<128x128xf32, #tpu.memory_space<vmem>>, vector<1x16xf32>,
        %swap3A_1070 = vector.shape_cast %swap3A_1069 : vector<1x16xf32> to vector<16xf32>
        %swap3A_1071 = vector.shape_cast %mul3A_1064 : vector<16xf32> to vector<1x16xf32>
        tpu.vector_store %arg9[%swap3A_1067, %swap3A_1068], %swap3A_1071 {strides = array<i32>} : memref<128x128xf32, #tpu.memory_space<vmem>>, vector<1x16xf32>,
        %add3A_1072 = arith.constant 7 : i32
        %add3A_1073 = arith.addi %mul3A_173, %add3A_1072 : i32
        %get3A_1074 = arith.index_cast %add3A_1073 : i32 to index
        %get3A_1075 = arith.constant 48 : index
        %get3A_1076 = tpu.vector_load %arg9[%get3A_1074, %get3A_1075] {strides = array<i32>} : memref<128x128xf32, #tpu.memory_space<vmem>>, vector<1x16xf32>,
        %get3A_1077 = vector.shape_cast %get3A_1076 : vector<1x16xf32> to vector<16xf32>
        %mul3A_1078 = vector.broadcast %squeeze3A_1026 : f32 to vector<16xf32>
        %mul3A_1079 = arith.mulf %get3A_1077, %mul3A_1078 : vector<16xf32>
        %add3A_1080 = arith.constant 7 : i32
        %add3A_1081 = arith.addi %mul3A_173, %add3A_1080 : i32
        %swap3A_1082 = arith.index_cast %add3A_1081 : i32 to index
        %swap3A_1083 = arith.constant 48 : index
        %swap3A_1084 = tpu.vector_load %arg9[%swap3A_1082, %swap3A_1083] {strides = array<i32>} : memref<128x128xf32, #tpu.memory_space<vmem>>, vector<1x16xf32>,
        %swap3A_1085 = vector.shape_cast %swap3A_1084 : vector<1x16xf32> to vector<16xf32>
        %swap3A_1086 = vector.shape_cast %mul3A_1079 : vector<16xf32> to vector<1x16xf32>
        tpu.vector_store %arg9[%swap3A_1082, %swap3A_1083], %swap3A_1086 {strides = array<i32>} : memref<128x128xf32, #tpu.memory_space<vmem>>, vector<1x16xf32>,
        %add3A_1087 = arith.constant 7 : i32
        %add3A_1088 = arith.addi %mul3A_173, %add3A_1087 : i32
        %get3A_1089 = arith.index_cast %add3A_1088 : i32 to index
        %get3A_1090 = arith.constant 64 : index
        %get3A_1091 = tpu.vector_load %arg9[%get3A_1089, %get3A_1090] {strides = array<i32>} : memref<128x128xf32, #tpu.memory_space<vmem>>, vector<1x16xf32>,
        %get3A_1092 = vector.shape_cast %get3A_1091 : vector<1x16xf32> to vector<16xf32>
        %mul3A_1093 = vector.broadcast %squeeze3A_1026 : f32 to vector<16xf32>
        %mul3A_1094 = arith.mulf %get3A_1092, %mul3A_1093 : vector<16xf32>
        %add3A_1095 = arith.constant 7 : i32
        %add3A_1096 = arith.addi %mul3A_173, %add3A_1095 : i32
        %swap3A_1097 = arith.index_cast %add3A_1096 : i32 to index
        %swap3A_1098 = arith.constant 64 : index
        %swap3A_1099 = tpu.vector_load %arg9[%swap3A_1097, %swap3A_1098] {strides = array<i32>} : memref<128x128xf32, #tpu.memory_space<vmem>>, vector<1x16xf32>,
        %swap3A_1100 = vector.shape_cast %swap3A_1099 : vector<1x16xf32> to vector<16xf32>
        %swap3A_1101 = vector.shape_cast %mul3A_1094 : vector<16xf32> to vector<1x16xf32>
        tpu.vector_store %arg9[%swap3A_1097, %swap3A_1098], %swap3A_1101 {strides = array<i32>} : memref<128x128xf32, #tpu.memory_space<vmem>>, vector<1x16xf32>,
        %add3A_1102 = arith.constant 7 : i32
        %add3A_1103 = arith.addi %mul3A_173, %add3A_1102 : i32
        %get3A_1104 = arith.index_cast %add3A_1103 : i32 to index
        %get3A_1105 = arith.constant 80 : index
        %get3A_1106 = tpu.vector_load %arg9[%get3A_1104, %get3A_1105] {strides = array<i32>} : memref<128x128xf32, #tpu.memory_space<vmem>>, vector<1x16xf32>,
        %get3A_1107 = vector.shape_cast %get3A_1106 : vector<1x16xf32> to vector<16xf32>
        %mul3A_1108 = vector.broadcast %squeeze3A_1026 : f32 to vector<16xf32>
        %mul3A_1109 = arith.mulf %get3A_1107, %mul3A_1108 : vector<16xf32>
        %add3A_1110 = arith.constant 7 : i32
        %add3A_1111 = arith.addi %mul3A_173, %add3A_1110 : i32
        %swap3A_1112 = arith.index_cast %add3A_1111 : i32 to index
        %swap3A_1113 = arith.constant 80 : index
        %swap3A_1114 = tpu.vector_load %arg9[%swap3A_1112, %swap3A_1113] {strides = array<i32>} : memref<128x128xf32, #tpu.memory_space<vmem>>, vector<1x16xf32>,
        %swap3A_1115 = vector.shape_cast %swap3A_1114 : vector<1x16xf32> to vector<16xf32>
        %swap3A_1116 = vector.shape_cast %mul3A_1109 : vector<16xf32> to vector<1x16xf32>
        tpu.vector_store %arg9[%swap3A_1112, %swap3A_1113], %swap3A_1116 {strides = array<i32>} : memref<128x128xf32, #tpu.memory_space<vmem>>, vector<1x16xf32>,
        %add3A_1117 = arith.constant 7 : i32
        %add3A_1118 = arith.addi %mul3A_173, %add3A_1117 : i32
        %get3A_1119 = arith.index_cast %add3A_1118 : i32 to index
        %get3A_1120 = arith.constant 96 : index
        %get3A_1121 = tpu.vector_load %arg9[%get3A_1119, %get3A_1120] {strides = array<i32>} : memref<128x128xf32, #tpu.memory_space<vmem>>, vector<1x16xf32>,
        %get3A_1122 = vector.shape_cast %get3A_1121 : vector<1x16xf32> to vector<16xf32>
        %mul3A_1123 = vector.broadcast %squeeze3A_1026 : f32 to vector<16xf32>
        %mul3A_1124 = arith.mulf %get3A_1122, %mul3A_1123 : vector<16xf32>
        %add3A_1125 = arith.constant 7 : i32
        %add3A_1126 = arith.addi %mul3A_173, %add3A_1125 : i32
        %swap3A_1127 = arith.index_cast %add3A_1126 : i32 to index
        %swap3A_1128 = arith.constant 96 : index
        %swap3A_1129 = tpu.vector_load %arg9[%swap3A_1127, %swap3A_1128] {strides = array<i32>} : memref<128x128xf32, #tpu.memory_space<vmem>>, vector<1x16xf32>,
        %swap3A_1130 = vector.shape_cast %swap3A_1129 : vector<1x16xf32> to vector<16xf32>
        %swap3A_1131 = vector.shape_cast %mul3A_1124 : vector<16xf32> to vector<1x16xf32>
        tpu.vector_store %arg9[%swap3A_1127, %swap3A_1128], %swap3A_1131 {strides = array<i32>} : memref<128x128xf32, #tpu.memory_space<vmem>>, vector<1x16xf32>,
        %add3A_1132 = arith.constant 7 : i32
        %add3A_1133 = arith.addi %mul3A_173, %add3A_1132 : i32
        %get3A_1134 = arith.index_cast %add3A_1133 : i32 to index
        %get3A_1135 = arith.constant 112 : index
        %get3A_1136 = tpu.vector_load %arg9[%get3A_1134, %get3A_1135] {strides = array<i32>} : memref<128x128xf32, #tpu.memory_space<vmem>>, vector<1x16xf32>,
        %get3A_1137 = vector.shape_cast %get3A_1136 : vector<1x16xf32> to vector<16xf32>
        %mul3A_1138 = vector.broadcast %squeeze3A_1026 : f32 to vector<16xf32>
        %mul3A_1139 = arith.mulf %get3A_1137, %mul3A_1138 : vector<16xf32>
        %add3A_1140 = arith.constant 7 : i32
        %add3A_1141 = arith.addi %mul3A_173, %add3A_1140 : i32
        %swap3A_1142 = arith.index_cast %add3A_1141 : i32 to index
        %swap3A_1143 = arith.constant 112 : index
        %swap3A_1144 = tpu.vector_load %arg9[%swap3A_1142, %swap3A_1143] {strides = array<i32>} : memref<128x128xf32, #tpu.memory_space<vmem>>, vector<1x16xf32>,
        %swap3A_1145 = vector.shape_cast %swap3A_1144 : vector<1x16xf32> to vector<16xf32>
        %swap3A_1146 = vector.shape_cast %mul3A_1139 : vector<16xf32> to vector<1x16xf32>
        tpu.vector_store %arg9[%swap3A_1142, %swap3A_1143], %swap3A_1146 {strides = array<i32>} : memref<128x128xf32, #tpu.memory_space<vmem>>, vector<1x16xf32>,
        %slice3A_1147 = vector.extract_strided_slice %get3A_171 {offsets = [8], sizes = [1], strides = [1]} : vector<16xf32> to vector<1xf32>
        %squeeze3A_1148 = vector.extract %slice3A_1147[0] : f32 from vector<1xf32>
        %add3A_1149 = arith.constant 8 : i32
        %add3A_1150 = arith.addi %mul3A_173, %add3A_1149 : i32
        %get3A_1151 = arith.index_cast %add3A_1150 : i32 to index
        %get3A_1152 = arith.constant 0 : index
        %get3A_1153 = tpu.vector_load %arg9[%get3A_1151, %get3A_1152] {strides = array<i32>} : memref<128x128xf32, #tpu.memory_space<vmem>>, vector<1x16xf32>,
        %get3A_1154 = vector.shape_cast %get3A_1153 : vector<1x16xf32> to vector<16xf32>
        %mul3A_1155 = vector.broadcast %squeeze3A_1148 : f32 to vector<16xf32>
        %mul3A_1156 = arith.mulf %get3A_1154, %mul3A_1155 : vector<16xf32>
        %add3A_1157 = arith.constant 8 : i32
        %add3A_1158 = arith.addi %mul3A_173, %add3A_1157 : i32
        %swap3A_1159 = arith.index_cast %add3A_1158 : i32 to index
        %swap3A_1160 = arith.constant 0 : index
        %swap3A_1161 = tpu.vector_load %arg9[%swap3A_1159, %swap3A_1160] {strides = array<i32>} : memref<128x128xf32, #tpu.memory_space<vmem>>, vector<1x16xf32>,
        %swap3A_1162 = vector.shape_cast %swap3A_1161 : vector<1x16xf32> to vector<16xf32>
        %swap3A_1163 = vector.shape_cast %mul3A_1156 : vector<16xf32> to vector<1x16xf32>
        tpu.vector_store %arg9[%swap3A_1159, %swap3A_1160], %swap3A_1163 {strides = array<i32>} : memref<128x128xf32, #tpu.memory_space<vmem>>, vector<1x16xf32>,
        %add3A_1164 = arith.constant 8 : i32
        %add3A_1165 = arith.addi %mul3A_173, %add3A_1164 : i32
        %get3A_1166 = arith.index_cast %add3A_1165 : i32 to index
        %get3A_1167 = arith.constant 16 : index
        %get3A_1168 = tpu.vector_load %arg9[%get3A_1166, %get3A_1167] {strides = array<i32>} : memref<128x128xf32, #tpu.memory_space<vmem>>, vector<1x16xf32>,
        %get3A_1169 = vector.shape_cast %get3A_1168 : vector<1x16xf32> to vector<16xf32>
        %mul3A_1170 = vector.broadcast %squeeze3A_1148 : f32 to vector<16xf32>
        %mul3A_1171 = arith.mulf %get3A_1169, %mul3A_1170 : vector<16xf32>
        %add3A_1172 = arith.constant 8 : i32
        %add3A_1173 = arith.addi %mul3A_173, %add3A_1172 : i32
        %swap3A_1174 = arith.index_cast %add3A_1173 : i32 to index
        %swap3A_1175 = arith.constant 16 : index
        %swap3A_1176 = tpu.vector_load %arg9[%swap3A_1174, %swap3A_1175] {strides = array<i32>} : memref<128x128xf32, #tpu.memory_space<vmem>>, vector<1x16xf32>,
        %swap3A_1177 = vector.shape_cast %swap3A_1176 : vector<1x16xf32> to vector<16xf32>
        %swap3A_1178 = vector.shape_cast %mul3A_1171 : vector<16xf32> to vector<1x16xf32>
        tpu.vector_store %arg9[%swap3A_1174, %swap3A_1175], %swap3A_1178 {strides = array<i32>} : memref<128x128xf32, #tpu.memory_space<vmem>>, vector<1x16xf32>,
        %add3A_1179 = arith.constant 8 : i32
        %add3A_1180 = arith.addi %mul3A_173, %add3A_1179 : i32
        %get3A_1181 = arith.index_cast %add3A_1180 : i32 to index
        %get3A_1182 = arith.constant 32 : index
        %get3A_1183 = tpu.vector_load %arg9[%get3A_1181, %get3A_1182] {strides = array<i32>} : memref<128x128xf32, #tpu.memory_space<vmem>>, vector<1x16xf32>,
        %get3A_1184 = vector.shape_cast %get3A_1183 : vector<1x16xf32> to vector<16xf32>
        %mul3A_1185 = vector.broadcast %squeeze3A_1148 : f32 to vector<16xf32>
        %mul3A_1186 = arith.mulf %get3A_1184, %mul3A_1185 : vector<16xf32>
        %add3A_1187 = arith.constant 8 : i32
        %add3A_1188 = arith.addi %mul3A_173, %add3A_1187 : i32
        %swap3A_1189 = arith.index_cast %add3A_1188 : i32 to index
        %swap3A_1190 = arith.constant 32 : index
        %swap3A_1191 = tpu.vector_load %arg9[%swap3A_1189, %swap3A_1190] {strides = array<i32>} : memref<128x128xf32, #tpu.memory_space<vmem>>, vector<1x16xf32>,
        %swap3A_1192 = vector.shape_cast %swap3A_1191 : vector<1x16xf32> to vector<16xf32>
        %swap3A_1193 = vector.shape_cast %mul3A_1186 : vector<16xf32> to vector<1x16xf32>
        tpu.vector_store %arg9[%swap3A_1189, %swap3A_1190], %swap3A_1193 {strides = array<i32>} : memref<128x128xf32, #tpu.memory_space<vmem>>, vector<1x16xf32>,
        %add3A_1194 = arith.constant 8 : i32
        %add3A_1195 = arith.addi %mul3A_173, %add3A_1194 : i32
        %get3A_1196 = arith.index_cast %add3A_1195 : i32 to index
        %get3A_1197 = arith.constant 48 : index
        %get3A_1198 = tpu.vector_load %arg9[%get3A_1196, %get3A_1197] {strides = array<i32>} : memref<128x128xf32, #tpu.memory_space<vmem>>, vector<1x16xf32>,
        %get3A_1199 = vector.shape_cast %get3A_1198 : vector<1x16xf32> to vector<16xf32>
        %mul3A_1200 = vector.broadcast %squeeze3A_1148 : f32 to vector<16xf32>
        %mul3A_1201 = arith.mulf %get3A_1199, %mul3A_1200 : vector<16xf32>
        %add3A_1202 = arith.constant 8 : i32
        %add3A_1203 = arith.addi %mul3A_173, %add3A_1202 : i32
        %swap3A_1204 = arith.index_cast %add3A_1203 : i32 to index
        %swap3A_1205 = arith.constant 48 : index
        %swap3A_1206 = tpu.vector_load %arg9[%swap3A_1204, %swap3A_1205] {strides = array<i32>} : memref<128x128xf32, #tpu.memory_space<vmem>>, vector<1x16xf32>,
        %swap3A_1207 = vector.shape_cast %swap3A_1206 : vector<1x16xf32> to vector<16xf32>
        %swap3A_1208 = vector.shape_cast %mul3A_1201 : vector<16xf32> to vector<1x16xf32>
        tpu.vector_store %arg9[%swap3A_1204, %swap3A_1205], %swap3A_1208 {strides = array<i32>} : memref<128x128xf32, #tpu.memory_space<vmem>>, vector<1x16xf32>,
        %add3A_1209 = arith.constant 8 : i32
        %add3A_1210 = arith.addi %mul3A_173, %add3A_1209 : i32
        %get3A_1211 = arith.index_cast %add3A_1210 : i32 to index
        %get3A_1212 = arith.constant 64 : index
        %get3A_1213 = tpu.vector_load %arg9[%get3A_1211, %get3A_1212] {strides = array<i32>} : memref<128x128xf32, #tpu.memory_space<vmem>>, vector<1x16xf32>,
        %get3A_1214 = vector.shape_cast %get3A_1213 : vector<1x16xf32> to vector<16xf32>
        %mul3A_1215 = vector.broadcast %squeeze3A_1148 : f32 to vector<16xf32>
        %mul3A_1216 = arith.mulf %get3A_1214, %mul3A_1215 : vector<16xf32>
        %add3A_1217 = arith.constant 8 : i32
        %add3A_1218 = arith.addi %mul3A_173, %add3A_1217 : i32
        %swap3A_1219 = arith.index_cast %add3A_1218 : i32 to index
        %swap3A_1220 = arith.constant 64 : index
        %swap3A_1221 = tpu.vector_load %arg9[%swap3A_1219, %swap3A_1220] {strides = array<i32>} : memref<128x128xf32, #tpu.memory_space<vmem>>, vector<1x16xf32>,
        %swap3A_1222 = vector.shape_cast %swap3A_1221 : vector<1x16xf32> to vector<16xf32>
        %swap3A_1223 = vector.shape_cast %mul3A_1216 : vector<16xf32> to vector<1x16xf32>
        tpu.vector_store %arg9[%swap3A_1219, %swap3A_1220], %swap3A_1223 {strides = array<i32>} : memref<128x128xf32, #tpu.memory_space<vmem>>, vector<1x16xf32>,
        %add3A_1224 = arith.constant 8 : i32
        %add3A_1225 = arith.addi %mul3A_173, %add3A_1224 : i32
        %get3A_1226 = arith.index_cast %add3A_1225 : i32 to index
        %get3A_1227 = arith.constant 80 : index
        %get3A_1228 = tpu.vector_load %arg9[%get3A_1226, %get3A_1227] {strides = array<i32>} : memref<128x128xf32, #tpu.memory_space<vmem>>, vector<1x16xf32>,
        %get3A_1229 = vector.shape_cast %get3A_1228 : vector<1x16xf32> to vector<16xf32>
        %mul3A_1230 = vector.broadcast %squeeze3A_1148 : f32 to vector<16xf32>
        %mul3A_1231 = arith.mulf %get3A_1229, %mul3A_1230 : vector<16xf32>
        %add3A_1232 = arith.constant 8 : i32
        %add3A_1233 = arith.addi %mul3A_173, %add3A_1232 : i32
        %swap3A_1234 = arith.index_cast %add3A_1233 : i32 to index
        %swap3A_1235 = arith.constant 80 : index
        %swap3A_1236 = tpu.vector_load %arg9[%swap3A_1234, %swap3A_1235] {strides = array<i32>} : memref<128x128xf32, #tpu.memory_space<vmem>>, vector<1x16xf32>,
        %swap3A_1237 = vector.shape_cast %swap3A_1236 : vector<1x16xf32> to vector<16xf32>
        %swap3A_1238 = vector.shape_cast %mul3A_1231 : vector<16xf32> to vector<1x16xf32>
        tpu.vector_store %arg9[%swap3A_1234, %swap3A_1235], %swap3A_1238 {strides = array<i32>} : memref<128x128xf32, #tpu.memory_space<vmem>>, vector<1x16xf32>,
        %add3A_1239 = arith.constant 8 : i32
        %add3A_1240 = arith.addi %mul3A_173, %add3A_1239 : i32
        %get3A_1241 = arith.index_cast %add3A_1240 : i32 to index
        %get3A_1242 = arith.constant 96 : index
        %get3A_1243 = tpu.vector_load %arg9[%get3A_1241, %get3A_1242] {strides = array<i32>} : memref<128x128xf32, #tpu.memory_space<vmem>>, vector<1x16xf32>,
        %get3A_1244 = vector.shape_cast %get3A_1243 : vector<1x16xf32> to vector<16xf32>
        %mul3A_1245 = vector.broadcast %squeeze3A_1148 : f32 to vector<16xf32>
        %mul3A_1246 = arith.mulf %get3A_1244, %mul3A_1245 : vector<16xf32>
        %add3A_1247 = arith.constant 8 : i32
        %add3A_1248 = arith.addi %mul3A_173, %add3A_1247 : i32
        %swap3A_1249 = arith.index_cast %add3A_1248 : i32 to index
        %swap3A_1250 = arith.constant 96 : index
        %swap3A_1251 = tpu.vector_load %arg9[%swap3A_1249, %swap3A_1250] {strides = array<i32>} : memref<128x128xf32, #tpu.memory_space<vmem>>, vector<1x16xf32>,
        %swap3A_1252 = vector.shape_cast %swap3A_1251 : vector<1x16xf32> to vector<16xf32>
        %swap3A_1253 = vector.shape_cast %mul3A_1246 : vector<16xf32> to vector<1x16xf32>
        tpu.vector_store %arg9[%swap3A_1249, %swap3A_1250], %swap3A_1253 {strides = array<i32>} : memref<128x128xf32, #tpu.memory_space<vmem>>, vector<1x16xf32>,
        %add3A_1254 = arith.constant 8 : i32
        %add3A_1255 = arith.addi %mul3A_173, %add3A_1254 : i32
        %get3A_1256 = arith.index_cast %add3A_1255 : i32 to index
        %get3A_1257 = arith.constant 112 : index
        %get3A_1258 = tpu.vector_load %arg9[%get3A_1256, %get3A_1257] {strides = array<i32>} : memref<128x128xf32, #tpu.memory_space<vmem>>, vector<1x16xf32>,
        %get3A_1259 = vector.shape_cast %get3A_1258 : vector<1x16xf32> to vector<16xf32>
        %mul3A_1260 = vector.broadcast %squeeze3A_1148 : f32 to vector<16xf32>
        %mul3A_1261 = arith.mulf %get3A_1259, %mul3A_1260 : vector<16xf32>
        %add3A_1262 = arith.constant 8 : i32
        %add3A_1263 = arith.addi %mul3A_173, %add3A_1262 : i32
        %swap3A_1264 = arith.index_cast %add3A_1263 : i32 to index
        %swap3A_1265 = arith.constant 112 : index
        %swap3A_1266 = tpu.vector_load %arg9[%swap3A_1264, %swap3A_1265] {strides = array<i32>} : memref<128x128xf32, #tpu.memory_space<vmem>>, vector<1x16xf32>,
        %swap3A_1267 = vector.shape_cast %swap3A_1266 : vector<1x16xf32> to vector<16xf32>
        %swap3A_1268 = vector.shape_cast %mul3A_1261 : vector<16xf32> to vector<1x16xf32>
        tpu.vector_store %arg9[%swap3A_1264, %swap3A_1265], %swap3A_1268 {strides = array<i32>} : memref<128x128xf32, #tpu.memory_space<vmem>>, vector<1x16xf32>,
        %slice3A_1269 = vector.extract_strided_slice %get3A_171 {offsets = [9], sizes = [1], strides = [1]} : vector<16xf32> to vector<1xf32>
        %squeeze3A_1270 = vector.extract %slice3A_1269[0] : f32 from vector<1xf32>
        %add3A_1271 = arith.constant 9 : i32
        %add3A_1272 = arith.addi %mul3A_173, %add3A_1271 : i32
        %get3A_1273 = arith.index_cast %add3A_1272 : i32 to index
        %get3A_1274 = arith.constant 0 : index
        %get3A_1275 = tpu.vector_load %arg9[%get3A_1273, %get3A_1274] {strides = array<i32>} : memref<128x128xf32, #tpu.memory_space<vmem>>, vector<1x16xf32>,
        %get3A_1276 = vector.shape_cast %get3A_1275 : vector<1x16xf32> to vector<16xf32>
        %mul3A_1277 = vector.broadcast %squeeze3A_1270 : f32 to vector<16xf32>
        %mul3A_1278 = arith.mulf %get3A_1276, %mul3A_1277 : vector<16xf32>
        %add3A_1279 = arith.constant 9 : i32
        %add3A_1280 = arith.addi %mul3A_173, %add3A_1279 : i32
        %swap3A_1281 = arith.index_cast %add3A_1280 : i32 to index
        %swap3A_1282 = arith.constant 0 : index
        %swap3A_1283 = tpu.vector_load %arg9[%swap3A_1281, %swap3A_1282] {strides = array<i32>} : memref<128x128xf32, #tpu.memory_space<vmem>>, vector<1x16xf32>,
        %swap3A_1284 = vector.shape_cast %swap3A_1283 : vector<1x16xf32> to vector<16xf32>
        %swap3A_1285 = vector.shape_cast %mul3A_1278 : vector<16xf32> to vector<1x16xf32>
        tpu.vector_store %arg9[%swap3A_1281, %swap3A_1282], %swap3A_1285 {strides = array<i32>} : memref<128x128xf32, #tpu.memory_space<vmem>>, vector<1x16xf32>,
        %add3A_1286 = arith.constant 9 : i32
        %add3A_1287 = arith.addi %mul3A_173, %add3A_1286 : i32
        %get3A_1288 = arith.index_cast %add3A_1287 : i32 to index
        %get3A_1289 = arith.constant 16 : index
        %get3A_1290 = tpu.vector_load %arg9[%get3A_1288, %get3A_1289] {strides = array<i32>} : memref<128x128xf32, #tpu.memory_space<vmem>>, vector<1x16xf32>,
        %get3A_1291 = vector.shape_cast %get3A_1290 : vector<1x16xf32> to vector<16xf32>
        %mul3A_1292 = vector.broadcast %squeeze3A_1270 : f32 to vector<16xf32>
        %mul3A_1293 = arith.mulf %get3A_1291, %mul3A_1292 : vector<16xf32>
        %add3A_1294 = arith.constant 9 : i32
        %add3A_1295 = arith.addi %mul3A_173, %add3A_1294 : i32
        %swap3A_1296 = arith.index_cast %add3A_1295 : i32 to index
        %swap3A_1297 = arith.constant 16 : index
        %swap3A_1298 = tpu.vector_load %arg9[%swap3A_1296, %swap3A_1297] {strides = array<i32>} : memref<128x128xf32, #tpu.memory_space<vmem>>, vector<1x16xf32>,
        %swap3A_1299 = vector.shape_cast %swap3A_1298 : vector<1x16xf32> to vector<16xf32>
        %swap3A_1300 = vector.shape_cast %mul3A_1293 : vector<16xf32> to vector<1x16xf32>
        tpu.vector_store %arg9[%swap3A_1296, %swap3A_1297], %swap3A_1300 {strides = array<i32>} : memref<128x128xf32, #tpu.memory_space<vmem>>, vector<1x16xf32>,
        %add3A_1301 = arith.constant 9 : i32
        %add3A_1302 = arith.addi %mul3A_173, %add3A_1301 : i32
        %get3A_1303 = arith.index_cast %add3A_1302 : i32 to index
        %get3A_1304 = arith.constant 32 : index
        %get3A_1305 = tpu.vector_load %arg9[%get3A_1303, %get3A_1304] {strides = array<i32>} : memref<128x128xf32, #tpu.memory_space<vmem>>, vector<1x16xf32>,
        %get3A_1306 = vector.shape_cast %get3A_1305 : vector<1x16xf32> to vector<16xf32>
        %mul3A_1307 = vector.broadcast %squeeze3A_1270 : f32 to vector<16xf32>
        %mul3A_1308 = arith.mulf %get3A_1306, %mul3A_1307 : vector<16xf32>
        %add3A_1309 = arith.constant 9 : i32
        %add3A_1310 = arith.addi %mul3A_173, %add3A_1309 : i32
        %swap3A_1311 = arith.index_cast %add3A_1310 : i32 to index
        %swap3A_1312 = arith.constant 32 : index
        %swap3A_1313 = tpu.vector_load %arg9[%swap3A_1311, %swap3A_1312] {strides = array<i32>} : memref<128x128xf32, #tpu.memory_space<vmem>>, vector<1x16xf32>,
        %swap3A_1314 = vector.shape_cast %swap3A_1313 : vector<1x16xf32> to vector<16xf32>
        %swap3A_1315 = vector.shape_cast %mul3A_1308 : vector<16xf32> to vector<1x16xf32>
        tpu.vector_store %arg9[%swap3A_1311, %swap3A_1312], %swap3A_1315 {strides = array<i32>} : memref<128x128xf32, #tpu.memory_space<vmem>>, vector<1x16xf32>,
        %add3A_1316 = arith.constant 9 : i32
        %add3A_1317 = arith.addi %mul3A_173, %add3A_1316 : i32
        %get3A_1318 = arith.index_cast %add3A_1317 : i32 to index
        %get3A_1319 = arith.constant 48 : index
        %get3A_1320 = tpu.vector_load %arg9[%get3A_1318, %get3A_1319] {strides = array<i32>} : memref<128x128xf32, #tpu.memory_space<vmem>>, vector<1x16xf32>,
        %get3A_1321 = vector.shape_cast %get3A_1320 : vector<1x16xf32> to vector<16xf32>
        %mul3A_1322 = vector.broadcast %squeeze3A_1270 : f32 to vector<16xf32>
        %mul3A_1323 = arith.mulf %get3A_1321, %mul3A_1322 : vector<16xf32>
        %add3A_1324 = arith.constant 9 : i32
        %add3A_1325 = arith.addi %mul3A_173, %add3A_1324 : i32
        %swap3A_1326 = arith.index_cast %add3A_1325 : i32 to index
        %swap3A_1327 = arith.constant 48 : index
        %swap3A_1328 = tpu.vector_load %arg9[%swap3A_1326, %swap3A_1327] {strides = array<i32>} : memref<128x128xf32, #tpu.memory_space<vmem>>, vector<1x16xf32>,
        %swap3A_1329 = vector.shape_cast %swap3A_1328 : vector<1x16xf32> to vector<16xf32>
        %swap3A_1330 = vector.shape_cast %mul3A_1323 : vector<16xf32> to vector<1x16xf32>
        tpu.vector_store %arg9[%swap3A_1326, %swap3A_1327], %swap3A_1330 {strides = array<i32>} : memref<128x128xf32, #tpu.memory_space<vmem>>, vector<1x16xf32>,
        %add3A_1331 = arith.constant 9 : i32
        %add3A_1332 = arith.addi %mul3A_173, %add3A_1331 : i32
        %get3A_1333 = arith.index_cast %add3A_1332 : i32 to index
        %get3A_1334 = arith.constant 64 : index
        %get3A_1335 = tpu.vector_load %arg9[%get3A_1333, %get3A_1334] {strides = array<i32>} : memref<128x128xf32, #tpu.memory_space<vmem>>, vector<1x16xf32>,
        %get3A_1336 = vector.shape_cast %get3A_1335 : vector<1x16xf32> to vector<16xf32>
        %mul3A_1337 = vector.broadcast %squeeze3A_1270 : f32 to vector<16xf32>
        %mul3A_1338 = arith.mulf %get3A_1336, %mul3A_1337 : vector<16xf32>
        %add3A_1339 = arith.constant 9 : i32
        %add3A_1340 = arith.addi %mul3A_173, %add3A_1339 : i32
        %swap3A_1341 = arith.index_cast %add3A_1340 : i32 to index
        %swap3A_1342 = arith.constant 64 : index
        %swap3A_1343 = tpu.vector_load %arg9[%swap3A_1341, %swap3A_1342] {strides = array<i32>} : memref<128x128xf32, #tpu.memory_space<vmem>>, vector<1x16xf32>,
        %swap3A_1344 = vector.shape_cast %swap3A_1343 : vector<1x16xf32> to vector<16xf32>
        %swap3A_1345 = vector.shape_cast %mul3A_1338 : vector<16xf32> to vector<1x16xf32>
        tpu.vector_store %arg9[%swap3A_1341, %swap3A_1342], %swap3A_1345 {strides = array<i32>} : memref<128x128xf32, #tpu.memory_space<vmem>>, vector<1x16xf32>,
        %add3A_1346 = arith.constant 9 : i32
        %add3A_1347 = arith.addi %mul3A_173, %add3A_1346 : i32
        %get3A_1348 = arith.index_cast %add3A_1347 : i32 to index
        %get3A_1349 = arith.constant 80 : index
        %get3A_1350 = tpu.vector_load %arg9[%get3A_1348, %get3A_1349] {strides = array<i32>} : memref<128x128xf32, #tpu.memory_space<vmem>>, vector<1x16xf32>,
        %get3A_1351 = vector.shape_cast %get3A_1350 : vector<1x16xf32> to vector<16xf32>
        %mul3A_1352 = vector.broadcast %squeeze3A_1270 : f32 to vector<16xf32>
        %mul3A_1353 = arith.mulf %get3A_1351, %mul3A_1352 : vector<16xf32>
        %add3A_1354 = arith.constant 9 : i32
        %add3A_1355 = arith.addi %mul3A_173, %add3A_1354 : i32
        %swap3A_1356 = arith.index_cast %add3A_1355 : i32 to index
        %swap3A_1357 = arith.constant 80 : index
        %swap3A_1358 = tpu.vector_load %arg9[%swap3A_1356, %swap3A_1357] {strides = array<i32>} : memref<128x128xf32, #tpu.memory_space<vmem>>, vector<1x16xf32>,
        %swap3A_1359 = vector.shape_cast %swap3A_1358 : vector<1x16xf32> to vector<16xf32>
        %swap3A_1360 = vector.shape_cast %mul3A_1353 : vector<16xf32> to vector<1x16xf32>
        tpu.vector_store %arg9[%swap3A_1356, %swap3A_1357], %swap3A_1360 {strides = array<i32>} : memref<128x128xf32, #tpu.memory_space<vmem>>, vector<1x16xf32>,
        %add3A_1361 = arith.constant 9 : i32
        %add3A_1362 = arith.addi %mul3A_173, %add3A_1361 : i32
        %get3A_1363 = arith.index_cast %add3A_1362 : i32 to index
        %get3A_1364 = arith.constant 96 : index
        %get3A_1365 = tpu.vector_load %arg9[%get3A_1363, %get3A_1364] {strides = array<i32>} : memref<128x128xf32, #tpu.memory_space<vmem>>, vector<1x16xf32>,
        %get3A_1366 = vector.shape_cast %get3A_1365 : vector<1x16xf32> to vector<16xf32>
        %mul3A_1367 = vector.broadcast %squeeze3A_1270 : f32 to vector<16xf32>
        %mul3A_1368 = arith.mulf %get3A_1366, %mul3A_1367 : vector<16xf32>
        %add3A_1369 = arith.constant 9 : i32
        %add3A_1370 = arith.addi %mul3A_173, %add3A_1369 : i32
        %swap3A_1371 = arith.index_cast %add3A_1370 : i32 to index
        %swap3A_1372 = arith.constant 96 : index
        %swap3A_1373 = tpu.vector_load %arg9[%swap3A_1371, %swap3A_1372] {strides = array<i32>} : memref<128x128xf32, #tpu.memory_space<vmem>>, vector<1x16xf32>,
        %swap3A_1374 = vector.shape_cast %swap3A_1373 : vector<1x16xf32> to vector<16xf32>
        %swap3A_1375 = vector.shape_cast %mul3A_1368 : vector<16xf32> to vector<1x16xf32>
        tpu.vector_store %arg9[%swap3A_1371, %swap3A_1372], %swap3A_1375 {strides = array<i32>} : memref<128x128xf32, #tpu.memory_space<vmem>>, vector<1x16xf32>,
        %add3A_1376 = arith.constant 9 : i32
        %add3A_1377 = arith.addi %mul3A_173, %add3A_1376 : i32
        %get3A_1378 = arith.index_cast %add3A_1377 : i32 to index
        %get3A_1379 = arith.constant 112 : index
        %get3A_1380 = tpu.vector_load %arg9[%get3A_1378, %get3A_1379] {strides = array<i32>} : memref<128x128xf32, #tpu.memory_space<vmem>>, vector<1x16xf32>,
        %get3A_1381 = vector.shape_cast %get3A_1380 : vector<1x16xf32> to vector<16xf32>
        %mul3A_1382 = vector.broadcast %squeeze3A_1270 : f32 to vector<16xf32>
        %mul3A_1383 = arith.mulf %get3A_1381, %mul3A_1382 : vector<16xf32>
        %add3A_1384 = arith.constant 9 : i32
        %add3A_1385 = arith.addi %mul3A_173, %add3A_1384 : i32
        %swap3A_1386 = arith.index_cast %add3A_1385 : i32 to index
        %swap3A_1387 = arith.constant 112 : index
        %swap3A_1388 = tpu.vector_load %arg9[%swap3A_1386, %swap3A_1387] {strides = array<i32>} : memref<128x128xf32, #tpu.memory_space<vmem>>, vector<1x16xf32>,
        %swap3A_1389 = vector.shape_cast %swap3A_1388 : vector<1x16xf32> to vector<16xf32>
        %swap3A_1390 = vector.shape_cast %mul3A_1383 : vector<16xf32> to vector<1x16xf32>
        tpu.vector_store %arg9[%swap3A_1386, %swap3A_1387], %swap3A_1390 {strides = array<i32>} : memref<128x128xf32, #tpu.memory_space<vmem>>, vector<1x16xf32>,
        %slice3A_1391 = vector.extract_strided_slice %get3A_171 {offsets = [10], sizes = [1], strides = [1]} : vector<16xf32> to vector<1xf32>
        %squeeze3A_1392 = vector.extract %slice3A_1391[0] : f32 from vector<1xf32>
        %add3A_1393 = arith.constant 10 : i32
        %add3A_1394 = arith.addi %mul3A_173, %add3A_1393 : i32
        %get3A_1395 = arith.index_cast %add3A_1394 : i32 to index
        %get3A_1396 = arith.constant 0 : index
        %get3A_1397 = tpu.vector_load %arg9[%get3A_1395, %get3A_1396] {strides = array<i32>} : memref<128x128xf32, #tpu.memory_space<vmem>>, vector<1x16xf32>,
        %get3A_1398 = vector.shape_cast %get3A_1397 : vector<1x16xf32> to vector<16xf32>
        %mul3A_1399 = vector.broadcast %squeeze3A_1392 : f32 to vector<16xf32>
        %mul3A_1400 = arith.mulf %get3A_1398, %mul3A_1399 : vector<16xf32>
        %add3A_1401 = arith.constant 10 : i32
        %add3A_1402 = arith.addi %mul3A_173, %add3A_1401 : i32
        %swap3A_1403 = arith.index_cast %add3A_1402 : i32 to index
        %swap3A_1404 = arith.constant 0 : index
        %swap3A_1405 = tpu.vector_load %arg9[%swap3A_1403, %swap3A_1404] {strides = array<i32>} : memref<128x128xf32, #tpu.memory_space<vmem>>, vector<1x16xf32>,
        %swap3A_1406 = vector.shape_cast %swap3A_1405 : vector<1x16xf32> to vector<16xf32>
        %swap3A_1407 = vector.shape_cast %mul3A_1400 : vector<16xf32> to vector<1x16xf32>
        tpu.vector_store %arg9[%swap3A_1403, %swap3A_1404], %swap3A_1407 {strides = array<i32>} : memref<128x128xf32, #tpu.memory_space<vmem>>, vector<1x16xf32>,
        %add3A_1408 = arith.constant 10 : i32
        %add3A_1409 = arith.addi %mul3A_173, %add3A_1408 : i32
        %get3A_1410 = arith.index_cast %add3A_1409 : i32 to index
        %get3A_1411 = arith.constant 16 : index
        %get3A_1412 = tpu.vector_load %arg9[%get3A_1410, %get3A_1411] {strides = array<i32>} : memref<128x128xf32, #tpu.memory_space<vmem>>, vector<1x16xf32>,
        %get3A_1413 = vector.shape_cast %get3A_1412 : vector<1x16xf32> to vector<16xf32>
        %mul3A_1414 = vector.broadcast %squeeze3A_1392 : f32 to vector<16xf32>
        %mul3A_1415 = arith.mulf %get3A_1413, %mul3A_1414 : vector<16xf32>
        %add3A_1416 = arith.constant 10 : i32
        %add3A_1417 = arith.addi %mul3A_173, %add3A_1416 : i32
        %swap3A_1418 = arith.index_cast %add3A_1417 : i32 to index
        %swap3A_1419 = arith.constant 16 : index
        %swap3A_1420 = tpu.vector_load %arg9[%swap3A_1418, %swap3A_1419] {strides = array<i32>} : memref<128x128xf32, #tpu.memory_space<vmem>>, vector<1x16xf32>,
        %swap3A_1421 = vector.shape_cast %swap3A_1420 : vector<1x16xf32> to vector<16xf32>
        %swap3A_1422 = vector.shape_cast %mul3A_1415 : vector<16xf32> to vector<1x16xf32>
        tpu.vector_store %arg9[%swap3A_1418, %swap3A_1419], %swap3A_1422 {strides = array<i32>} : memref<128x128xf32, #tpu.memory_space<vmem>>, vector<1x16xf32>,
        %add3A_1423 = arith.constant 10 : i32
        %add3A_1424 = arith.addi %mul3A_173, %add3A_1423 : i32
        %get3A_1425 = arith.index_cast %add3A_1424 : i32 to index
        %get3A_1426 = arith.constant 32 : index
        %get3A_1427 = tpu.vector_load %arg9[%get3A_1425, %get3A_1426] {strides = array<i32>} : memref<128x128xf32, #tpu.memory_space<vmem>>, vector<1x16xf32>,
        %get3A_1428 = vector.shape_cast %get3A_1427 : vector<1x16xf32> to vector<16xf32>
        %mul3A_1429 = vector.broadcast %squeeze3A_1392 : f32 to vector<16xf32>
        %mul3A_1430 = arith.mulf %get3A_1428, %mul3A_1429 : vector<16xf32>
        %add3A_1431 = arith.constant 10 : i32
        %add3A_1432 = arith.addi %mul3A_173, %add3A_1431 : i32
        %swap3A_1433 = arith.index_cast %add3A_1432 : i32 to index
        %swap3A_1434 = arith.constant 32 : index
        %swap3A_1435 = tpu.vector_load %arg9[%swap3A_1433, %swap3A_1434] {strides = array<i32>} : memref<128x128xf32, #tpu.memory_space<vmem>>, vector<1x16xf32>,
        %swap3A_1436 = vector.shape_cast %swap3A_1435 : vector<1x16xf32> to vector<16xf32>
        %swap3A_1437 = vector.shape_cast %mul3A_1430 : vector<16xf32> to vector<1x16xf32>
        tpu.vector_store %arg9[%swap3A_1433, %swap3A_1434], %swap3A_1437 {strides = array<i32>} : memref<128x128xf32, #tpu.memory_space<vmem>>, vector<1x16xf32>,
        %add3A_1438 = arith.constant 10 : i32
        %add3A_1439 = arith.addi %mul3A_173, %add3A_1438 : i32
        %get3A_1440 = arith.index_cast %add3A_1439 : i32 to index
        %get3A_1441 = arith.constant 48 : index
        %get3A_1442 = tpu.vector_load %arg9[%get3A_1440, %get3A_1441] {strides = array<i32>} : memref<128x128xf32, #tpu.memory_space<vmem>>, vector<1x16xf32>,
        %get3A_1443 = vector.shape_cast %get3A_1442 : vector<1x16xf32> to vector<16xf32>
        %mul3A_1444 = vector.broadcast %squeeze3A_1392 : f32 to vector<16xf32>
        %mul3A_1445 = arith.mulf %get3A_1443, %mul3A_1444 : vector<16xf32>
        %add3A_1446 = arith.constant 10 : i32
        %add3A_1447 = arith.addi %mul3A_173, %add3A_1446 : i32
        %swap3A_1448 = arith.index_cast %add3A_1447 : i32 to index
        %swap3A_1449 = arith.constant 48 : index
        %swap3A_1450 = tpu.vector_load %arg9[%swap3A_1448, %swap3A_1449] {strides = array<i32>} : memref<128x128xf32, #tpu.memory_space<vmem>>, vector<1x16xf32>,
        %swap3A_1451 = vector.shape_cast %swap3A_1450 : vector<1x16xf32> to vector<16xf32>
        %swap3A_1452 = vector.shape_cast %mul3A_1445 : vector<16xf32> to vector<1x16xf32>
        tpu.vector_store %arg9[%swap3A_1448, %swap3A_1449], %swap3A_1452 {strides = array<i32>} : memref<128x128xf32, #tpu.memory_space<vmem>>, vector<1x16xf32>,
        %add3A_1453 = arith.constant 10 : i32
        %add3A_1454 = arith.addi %mul3A_173, %add3A_1453 : i32
        %get3A_1455 = arith.index_cast %add3A_1454 : i32 to index
        %get3A_1456 = arith.constant 64 : index
        %get3A_1457 = tpu.vector_load %arg9[%get3A_1455, %get3A_1456] {strides = array<i32>} : memref<128x128xf32, #tpu.memory_space<vmem>>, vector<1x16xf32>,
        %get3A_1458 = vector.shape_cast %get3A_1457 : vector<1x16xf32> to vector<16xf32>
        %mul3A_1459 = vector.broadcast %squeeze3A_1392 : f32 to vector<16xf32>
        %mul3A_1460 = arith.mulf %get3A_1458, %mul3A_1459 : vector<16xf32>
        %add3A_1461 = arith.constant 10 : i32
        %add3A_1462 = arith.addi %mul3A_173, %add3A_1461 : i32
        %swap3A_1463 = arith.index_cast %add3A_1462 : i32 to index
        %swap3A_1464 = arith.constant 64 : index
        %swap3A_1465 = tpu.vector_load %arg9[%swap3A_1463, %swap3A_1464] {strides = array<i32>} : memref<128x128xf32, #tpu.memory_space<vmem>>, vector<1x16xf32>,
        %swap3A_1466 = vector.shape_cast %swap3A_1465 : vector<1x16xf32> to vector<16xf32>
        %swap3A_1467 = vector.shape_cast %mul3A_1460 : vector<16xf32> to vector<1x16xf32>
        tpu.vector_store %arg9[%swap3A_1463, %swap3A_1464], %swap3A_1467 {strides = array<i32>} : memref<128x128xf32, #tpu.memory_space<vmem>>, vector<1x16xf32>,
        %add3A_1468 = arith.constant 10 : i32
        %add3A_1469 = arith.addi %mul3A_173, %add3A_1468 : i32
        %get3A_1470 = arith.index_cast %add3A_1469 : i32 to index
        %get3A_1471 = arith.constant 80 : index
        %get3A_1472 = tpu.vector_load %arg9[%get3A_1470, %get3A_1471] {strides = array<i32>} : memref<128x128xf32, #tpu.memory_space<vmem>>, vector<1x16xf32>,
        %get3A_1473 = vector.shape_cast %get3A_1472 : vector<1x16xf32> to vector<16xf32>
        %mul3A_1474 = vector.broadcast %squeeze3A_1392 : f32 to vector<16xf32>
        %mul3A_1475 = arith.mulf %get3A_1473, %mul3A_1474 : vector<16xf32>
        %add3A_1476 = arith.constant 10 : i32
        %add3A_1477 = arith.addi %mul3A_173, %add3A_1476 : i32
        %swap3A_1478 = arith.index_cast %add3A_1477 : i32 to index
        %swap3A_1479 = arith.constant 80 : index
        %swap3A_1480 = tpu.vector_load %arg9[%swap3A_1478, %swap3A_1479] {strides = array<i32>} : memref<128x128xf32, #tpu.memory_space<vmem>>, vector<1x16xf32>,
        %swap3A_1481 = vector.shape_cast %swap3A_1480 : vector<1x16xf32> to vector<16xf32>
        %swap3A_1482 = vector.shape_cast %mul3A_1475 : vector<16xf32> to vector<1x16xf32>
        tpu.vector_store %arg9[%swap3A_1478, %swap3A_1479], %swap3A_1482 {strides = array<i32>} : memref<128x128xf32, #tpu.memory_space<vmem>>, vector<1x16xf32>,
        %add3A_1483 = arith.constant 10 : i32
        %add3A_1484 = arith.addi %mul3A_173, %add3A_1483 : i32
        %get3A_1485 = arith.index_cast %add3A_1484 : i32 to index
        %get3A_1486 = arith.constant 96 : index
        %get3A_1487 = tpu.vector_load %arg9[%get3A_1485, %get3A_1486] {strides = array<i32>} : memref<128x128xf32, #tpu.memory_space<vmem>>, vector<1x16xf32>,
        %get3A_1488 = vector.shape_cast %get3A_1487 : vector<1x16xf32> to vector<16xf32>
        %mul3A_1489 = vector.broadcast %squeeze3A_1392 : f32 to vector<16xf32>
        %mul3A_1490 = arith.mulf %get3A_1488, %mul3A_1489 : vector<16xf32>
        %add3A_1491 = arith.constant 10 : i32
        %add3A_1492 = arith.addi %mul3A_173, %add3A_1491 : i32
        %swap3A_1493 = arith.index_cast %add3A_1492 : i32 to index
        %swap3A_1494 = arith.constant 96 : index
        %swap3A_1495 = tpu.vector_load %arg9[%swap3A_1493, %swap3A_1494] {strides = array<i32>} : memref<128x128xf32, #tpu.memory_space<vmem>>, vector<1x16xf32>,
        %swap3A_1496 = vector.shape_cast %swap3A_1495 : vector<1x16xf32> to vector<16xf32>
        %swap3A_1497 = vector.shape_cast %mul3A_1490 : vector<16xf32> to vector<1x16xf32>
        tpu.vector_store %arg9[%swap3A_1493, %swap3A_1494], %swap3A_1497 {strides = array<i32>} : memref<128x128xf32, #tpu.memory_space<vmem>>, vector<1x16xf32>,
        %add3A_1498 = arith.constant 10 : i32
        %add3A_1499 = arith.addi %mul3A_173, %add3A_1498 : i32
        %get3A_1500 = arith.index_cast %add3A_1499 : i32 to index
        %get3A_1501 = arith.constant 112 : index
        %get3A_1502 = tpu.vector_load %arg9[%get3A_1500, %get3A_1501] {strides = array<i32>} : memref<128x128xf32, #tpu.memory_space<vmem>>, vector<1x16xf32>,
        %get3A_1503 = vector.shape_cast %get3A_1502 : vector<1x16xf32> to vector<16xf32>
        %mul3A_1504 = vector.broadcast %squeeze3A_1392 : f32 to vector<16xf32>
        %mul3A_1505 = arith.mulf %get3A_1503, %mul3A_1504 : vector<16xf32>
        %add3A_1506 = arith.constant 10 : i32
        %add3A_1507 = arith.addi %mul3A_173, %add3A_1506 : i32
        %swap3A_1508 = arith.index_cast %add3A_1507 : i32 to index
        %swap3A_1509 = arith.constant 112 : index
        %swap3A_1510 = tpu.vector_load %arg9[%swap3A_1508, %swap3A_1509] {strides = array<i32>} : memref<128x128xf32, #tpu.memory_space<vmem>>, vector<1x16xf32>,
        %swap3A_1511 = vector.shape_cast %swap3A_1510 : vector<1x16xf32> to vector<16xf32>
        %swap3A_1512 = vector.shape_cast %mul3A_1505 : vector<16xf32> to vector<1x16xf32>
        tpu.vector_store %arg9[%swap3A_1508, %swap3A_1509], %swap3A_1512 {strides = array<i32>} : memref<128x128xf32, #tpu.memory_space<vmem>>, vector<1x16xf32>,
        %slice3A_1513 = vector.extract_strided_slice %get3A_171 {offsets = [11], sizes = [1], strides = [1]} : vector<16xf32> to vector<1xf32>
        %squeeze3A_1514 = vector.extract %slice3A_1513[0] : f32 from vector<1xf32>
        %add3A_1515 = arith.constant 11 : i32
        %add3A_1516 = arith.addi %mul3A_173, %add3A_1515 : i32
        %get3A_1517 = arith.index_cast %add3A_1516 : i32 to index
        %get3A_1518 = arith.constant 0 : index
        %get3A_1519 = tpu.vector_load %arg9[%get3A_1517, %get3A_1518] {strides = array<i32>} : memref<128x128xf32, #tpu.memory_space<vmem>>, vector<1x16xf32>,
        %get3A_1520 = vector.shape_cast %get3A_1519 : vector<1x16xf32> to vector<16xf32>
        %mul3A_1521 = vector.broadcast %squeeze3A_1514 : f32 to vector<16xf32>
        %mul3A_1522 = arith.mulf %get3A_1520, %mul3A_1521 : vector<16xf32>
        %add3A_1523 = arith.constant 11 : i32
        %add3A_1524 = arith.addi %mul3A_173, %add3A_1523 : i32
        %swap3A_1525 = arith.index_cast %add3A_1524 : i32 to index
        %swap3A_1526 = arith.constant 0 : index
        %swap3A_1527 = tpu.vector_load %arg9[%swap3A_1525, %swap3A_1526] {strides = array<i32>} : memref<128x128xf32, #tpu.memory_space<vmem>>, vector<1x16xf32>,
        %swap3A_1528 = vector.shape_cast %swap3A_1527 : vector<1x16xf32> to vector<16xf32>
        %swap3A_1529 = vector.shape_cast %mul3A_1522 : vector<16xf32> to vector<1x16xf32>
        tpu.vector_store %arg9[%swap3A_1525, %swap3A_1526], %swap3A_1529 {strides = array<i32>} : memref<128x128xf32, #tpu.memory_space<vmem>>, vector<1x16xf32>,
        %add3A_1530 = arith.constant 11 : i32
        %add3A_1531 = arith.addi %mul3A_173, %add3A_1530 : i32
        %get3A_1532 = arith.index_cast %add3A_1531 : i32 to index
        %get3A_1533 = arith.constant 16 : index
        %get3A_1534 = tpu.vector_load %arg9[%get3A_1532, %get3A_1533] {strides = array<i32>} : memref<128x128xf32, #tpu.memory_space<vmem>>, vector<1x16xf32>,
        %get3A_1535 = vector.shape_cast %get3A_1534 : vector<1x16xf32> to vector<16xf32>
        %mul3A_1536 = vector.broadcast %squeeze3A_1514 : f32 to vector<16xf32>
        %mul3A_1537 = arith.mulf %get3A_1535, %mul3A_1536 : vector<16xf32>
        %add3A_1538 = arith.constant 11 : i32
        %add3A_1539 = arith.addi %mul3A_173, %add3A_1538 : i32
        %swap3A_1540 = arith.index_cast %add3A_1539 : i32 to index
        %swap3A_1541 = arith.constant 16 : index
        %swap3A_1542 = tpu.vector_load %arg9[%swap3A_1540, %swap3A_1541] {strides = array<i32>} : memref<128x128xf32, #tpu.memory_space<vmem>>, vector<1x16xf32>,
        %swap3A_1543 = vector.shape_cast %swap3A_1542 : vector<1x16xf32> to vector<16xf32>
        %swap3A_1544 = vector.shape_cast %mul3A_1537 : vector<16xf32> to vector<1x16xf32>
        tpu.vector_store %arg9[%swap3A_1540, %swap3A_1541], %swap3A_1544 {strides = array<i32>} : memref<128x128xf32, #tpu.memory_space<vmem>>, vector<1x16xf32>,
        %add3A_1545 = arith.constant 11 : i32
        %add3A_1546 = arith.addi %mul3A_173, %add3A_1545 : i32
        %get3A_1547 = arith.index_cast %add3A_1546 : i32 to index
        %get3A_1548 = arith.constant 32 : index
        %get3A_1549 = tpu.vector_load %arg9[%get3A_1547, %get3A_1548] {strides = array<i32>} : memref<128x128xf32, #tpu.memory_space<vmem>>, vector<1x16xf32>,
        %get3A_1550 = vector.shape_cast %get3A_1549 : vector<1x16xf32> to vector<16xf32>
        %mul3A_1551 = vector.broadcast %squeeze3A_1514 : f32 to vector<16xf32>
        %mul3A_1552 = arith.mulf %get3A_1550, %mul3A_1551 : vector<16xf32>
        %add3A_1553 = arith.constant 11 : i32
        %add3A_1554 = arith.addi %mul3A_173, %add3A_1553 : i32
        %swap3A_1555 = arith.index_cast %add3A_1554 : i32 to index
        %swap3A_1556 = arith.constant 32 : index
        %swap3A_1557 = tpu.vector_load %arg9[%swap3A_1555, %swap3A_1556] {strides = array<i32>} : memref<128x128xf32, #tpu.memory_space<vmem>>, vector<1x16xf32>,
        %swap3A_1558 = vector.shape_cast %swap3A_1557 : vector<1x16xf32> to vector<16xf32>
        %swap3A_1559 = vector.shape_cast %mul3A_1552 : vector<16xf32> to vector<1x16xf32>
        tpu.vector_store %arg9[%swap3A_1555, %swap3A_1556], %swap3A_1559 {strides = array<i32>} : memref<128x128xf32, #tpu.memory_space<vmem>>, vector<1x16xf32>,
        %add3A_1560 = arith.constant 11 : i32
        %add3A_1561 = arith.addi %mul3A_173, %add3A_1560 : i32
        %get3A_1562 = arith.index_cast %add3A_1561 : i32 to index
        %get3A_1563 = arith.constant 48 : index
        %get3A_1564 = tpu.vector_load %arg9[%get3A_1562, %get3A_1563] {strides = array<i32>} : memref<128x128xf32, #tpu.memory_space<vmem>>, vector<1x16xf32>,
        %get3A_1565 = vector.shape_cast %get3A_1564 : vector<1x16xf32> to vector<16xf32>
        %mul3A_1566 = vector.broadcast %squeeze3A_1514 : f32 to vector<16xf32>
        %mul3A_1567 = arith.mulf %get3A_1565, %mul3A_1566 : vector<16xf32>
        %add3A_1568 = arith.constant 11 : i32
        %add3A_1569 = arith.addi %mul3A_173, %add3A_1568 : i32
        %swap3A_1570 = arith.index_cast %add3A_1569 : i32 to index
        %swap3A_1571 = arith.constant 48 : index
        %swap3A_1572 = tpu.vector_load %arg9[%swap3A_1570, %swap3A_1571] {strides = array<i32>} : memref<128x128xf32, #tpu.memory_space<vmem>>, vector<1x16xf32>,
        %swap3A_1573 = vector.shape_cast %swap3A_1572 : vector<1x16xf32> to vector<16xf32>
        %swap3A_1574 = vector.shape_cast %mul3A_1567 : vector<16xf32> to vector<1x16xf32>
        tpu.vector_store %arg9[%swap3A_1570, %swap3A_1571], %swap3A_1574 {strides = array<i32>} : memref<128x128xf32, #tpu.memory_space<vmem>>, vector<1x16xf32>,
        %add3A_1575 = arith.constant 11 : i32
        %add3A_1576 = arith.addi %mul3A_173, %add3A_1575 : i32
        %get3A_1577 = arith.index_cast %add3A_1576 : i32 to index
        %get3A_1578 = arith.constant 64 : index
        %get3A_1579 = tpu.vector_load %arg9[%get3A_1577, %get3A_1578] {strides = array<i32>} : memref<128x128xf32, #tpu.memory_space<vmem>>, vector<1x16xf32>,
        %get3A_1580 = vector.shape_cast %get3A_1579 : vector<1x16xf32> to vector<16xf32>
        %mul3A_1581 = vector.broadcast %squeeze3A_1514 : f32 to vector<16xf32>
        %mul3A_1582 = arith.mulf %get3A_1580, %mul3A_1581 : vector<16xf32>
        %add3A_1583 = arith.constant 11 : i32
        %add3A_1584 = arith.addi %mul3A_173, %add3A_1583 : i32
        %swap3A_1585 = arith.index_cast %add3A_1584 : i32 to index
        %swap3A_1586 = arith.constant 64 : index
        %swap3A_1587 = tpu.vector_load %arg9[%swap3A_1585, %swap3A_1586] {strides = array<i32>} : memref<128x128xf32, #tpu.memory_space<vmem>>, vector<1x16xf32>,
        %swap3A_1588 = vector.shape_cast %swap3A_1587 : vector<1x16xf32> to vector<16xf32>
        %swap3A_1589 = vector.shape_cast %mul3A_1582 : vector<16xf32> to vector<1x16xf32>
        tpu.vector_store %arg9[%swap3A_1585, %swap3A_1586], %swap3A_1589 {strides = array<i32>} : memref<128x128xf32, #tpu.memory_space<vmem>>, vector<1x16xf32>,
        %add3A_1590 = arith.constant 11 : i32
        %add3A_1591 = arith.addi %mul3A_173, %add3A_1590 : i32
        %get3A_1592 = arith.index_cast %add3A_1591 : i32 to index
        %get3A_1593 = arith.constant 80 : index
        %get3A_1594 = tpu.vector_load %arg9[%get3A_1592, %get3A_1593] {strides = array<i32>} : memref<128x128xf32, #tpu.memory_space<vmem>>, vector<1x16xf32>,
        %get3A_1595 = vector.shape_cast %get3A_1594 : vector<1x16xf32> to vector<16xf32>
        %mul3A_1596 = vector.broadcast %squeeze3A_1514 : f32 to vector<16xf32>
        %mul3A_1597 = arith.mulf %get3A_1595, %mul3A_1596 : vector<16xf32>
        %add3A_1598 = arith.constant 11 : i32
        %add3A_1599 = arith.addi %mul3A_173, %add3A_1598 : i32
        %swap3A_1600 = arith.index_cast %add3A_1599 : i32 to index
        %swap3A_1601 = arith.constant 80 : index
        %swap3A_1602 = tpu.vector_load %arg9[%swap3A_1600, %swap3A_1601] {strides = array<i32>} : memref<128x128xf32, #tpu.memory_space<vmem>>, vector<1x16xf32>,
        %swap3A_1603 = vector.shape_cast %swap3A_1602 : vector<1x16xf32> to vector<16xf32>
        %swap3A_1604 = vector.shape_cast %mul3A_1597 : vector<16xf32> to vector<1x16xf32>
        tpu.vector_store %arg9[%swap3A_1600, %swap3A_1601], %swap3A_1604 {strides = array<i32>} : memref<128x128xf32, #tpu.memory_space<vmem>>, vector<1x16xf32>,
        %add3A_1605 = arith.constant 11 : i32
        %add3A_1606 = arith.addi %mul3A_173, %add3A_1605 : i32
        %get3A_1607 = arith.index_cast %add3A_1606 : i32 to index
        %get3A_1608 = arith.constant 96 : index
        %get3A_1609 = tpu.vector_load %arg9[%get3A_1607, %get3A_1608] {strides = array<i32>} : memref<128x128xf32, #tpu.memory_space<vmem>>, vector<1x16xf32>,
        %get3A_1610 = vector.shape_cast %get3A_1609 : vector<1x16xf32> to vector<16xf32>
        %mul3A_1611 = vector.broadcast %squeeze3A_1514 : f32 to vector<16xf32>
        %mul3A_1612 = arith.mulf %get3A_1610, %mul3A_1611 : vector<16xf32>
        %add3A_1613 = arith.constant 11 : i32
        %add3A_1614 = arith.addi %mul3A_173, %add3A_1613 : i32
        %swap3A_1615 = arith.index_cast %add3A_1614 : i32 to index
        %swap3A_1616 = arith.constant 96 : index
        %swap3A_1617 = tpu.vector_load %arg9[%swap3A_1615, %swap3A_1616] {strides = array<i32>} : memref<128x128xf32, #tpu.memory_space<vmem>>, vector<1x16xf32>,
        %swap3A_1618 = vector.shape_cast %swap3A_1617 : vector<1x16xf32> to vector<16xf32>
        %swap3A_1619 = vector.shape_cast %mul3A_1612 : vector<16xf32> to vector<1x16xf32>
        tpu.vector_store %arg9[%swap3A_1615, %swap3A_1616], %swap3A_1619 {strides = array<i32>} : memref<128x128xf32, #tpu.memory_space<vmem>>, vector<1x16xf32>,
        %add3A_1620 = arith.constant 11 : i32
        %add3A_1621 = arith.addi %mul3A_173, %add3A_1620 : i32
        %get3A_1622 = arith.index_cast %add3A_1621 : i32 to index
        %get3A_1623 = arith.constant 112 : index
        %get3A_1624 = tpu.vector_load %arg9[%get3A_1622, %get3A_1623] {strides = array<i32>} : memref<128x128xf32, #tpu.memory_space<vmem>>, vector<1x16xf32>,
        %get3A_1625 = vector.shape_cast %get3A_1624 : vector<1x16xf32> to vector<16xf32>
        %mul3A_1626 = vector.broadcast %squeeze3A_1514 : f32 to vector<16xf32>
        %mul3A_1627 = arith.mulf %get3A_1625, %mul3A_1626 : vector<16xf32>
        %add3A_1628 = arith.constant 11 : i32
        %add3A_1629 = arith.addi %mul3A_173, %add3A_1628 : i32
        %swap3A_1630 = arith.index_cast %add3A_1629 : i32 to index
        %swap3A_1631 = arith.constant 112 : index
        %swap3A_1632 = tpu.vector_load %arg9[%swap3A_1630, %swap3A_1631] {strides = array<i32>} : memref<128x128xf32, #tpu.memory_space<vmem>>, vector<1x16xf32>,
        %swap3A_1633 = vector.shape_cast %swap3A_1632 : vector<1x16xf32> to vector<16xf32>
        %swap3A_1634 = vector.shape_cast %mul3A_1627 : vector<16xf32> to vector<1x16xf32>
        tpu.vector_store %arg9[%swap3A_1630, %swap3A_1631], %swap3A_1634 {strides = array<i32>} : memref<128x128xf32, #tpu.memory_space<vmem>>, vector<1x16xf32>,
        %slice3A_1635 = vector.extract_strided_slice %get3A_171 {offsets = [12], sizes = [1], strides = [1]} : vector<16xf32> to vector<1xf32>
        %squeeze3A_1636 = vector.extract %slice3A_1635[0] : f32 from vector<1xf32>
        %add3A_1637 = arith.constant 12 : i32
        %add3A_1638 = arith.addi %mul3A_173, %add3A_1637 : i32
        %get3A_1639 = arith.index_cast %add3A_1638 : i32 to index
        %get3A_1640 = arith.constant 0 : index
        %get3A_1641 = tpu.vector_load %arg9[%get3A_1639, %get3A_1640] {strides = array<i32>} : memref<128x128xf32, #tpu.memory_space<vmem>>, vector<1x16xf32>,
        %get3A_1642 = vector.shape_cast %get3A_1641 : vector<1x16xf32> to vector<16xf32>
        %mul3A_1643 = vector.broadcast %squeeze3A_1636 : f32 to vector<16xf32>
        %mul3A_1644 = arith.mulf %get3A_1642, %mul3A_1643 : vector<16xf32>
        %add3A_1645 = arith.constant 12 : i32
        %add3A_1646 = arith.addi %mul3A_173, %add3A_1645 : i32
        %swap3A_1647 = arith.index_cast %add3A_1646 : i32 to index
        %swap3A_1648 = arith.constant 0 : index
        %swap3A_1649 = tpu.vector_load %arg9[%swap3A_1647, %swap3A_1648] {strides = array<i32>} : memref<128x128xf32, #tpu.memory_space<vmem>>, vector<1x16xf32>,
        %swap3A_1650 = vector.shape_cast %swap3A_1649 : vector<1x16xf32> to vector<16xf32>
        %swap3A_1651 = vector.shape_cast %mul3A_1644 : vector<16xf32> to vector<1x16xf32>
        tpu.vector_store %arg9[%swap3A_1647, %swap3A_1648], %swap3A_1651 {strides = array<i32>} : memref<128x128xf32, #tpu.memory_space<vmem>>, vector<1x16xf32>,
        %add3A_1652 = arith.constant 12 : i32
        %add3A_1653 = arith.addi %mul3A_173, %add3A_1652 : i32
        %get3A_1654 = arith.index_cast %add3A_1653 : i32 to index
        %get3A_1655 = arith.constant 16 : index
        %get3A_1656 = tpu.vector_load %arg9[%get3A_1654, %get3A_1655] {strides = array<i32>} : memref<128x128xf32, #tpu.memory_space<vmem>>, vector<1x16xf32>,
        %get3A_1657 = vector.shape_cast %get3A_1656 : vector<1x16xf32> to vector<16xf32>
        %mul3A_1658 = vector.broadcast %squeeze3A_1636 : f32 to vector<16xf32>
        %mul3A_1659 = arith.mulf %get3A_1657, %mul3A_1658 : vector<16xf32>
        %add3A_1660 = arith.constant 12 : i32
        %add3A_1661 = arith.addi %mul3A_173, %add3A_1660 : i32
        %swap3A_1662 = arith.index_cast %add3A_1661 : i32 to index
        %swap3A_1663 = arith.constant 16 : index
        %swap3A_1664 = tpu.vector_load %arg9[%swap3A_1662, %swap3A_1663] {strides = array<i32>} : memref<128x128xf32, #tpu.memory_space<vmem>>, vector<1x16xf32>,
        %swap3A_1665 = vector.shape_cast %swap3A_1664 : vector<1x16xf32> to vector<16xf32>
        %swap3A_1666 = vector.shape_cast %mul3A_1659 : vector<16xf32> to vector<1x16xf32>
        tpu.vector_store %arg9[%swap3A_1662, %swap3A_1663], %swap3A_1666 {strides = array<i32>} : memref<128x128xf32, #tpu.memory_space<vmem>>, vector<1x16xf32>,
        %add3A_1667 = arith.constant 12 : i32
        %add3A_1668 = arith.addi %mul3A_173, %add3A_1667 : i32
        %get3A_1669 = arith.index_cast %add3A_1668 : i32 to index
        %get3A_1670 = arith.constant 32 : index
        %get3A_1671 = tpu.vector_load %arg9[%get3A_1669, %get3A_1670] {strides = array<i32>} : memref<128x128xf32, #tpu.memory_space<vmem>>, vector<1x16xf32>,
        %get3A_1672 = vector.shape_cast %get3A_1671 : vector<1x16xf32> to vector<16xf32>
        %mul3A_1673 = vector.broadcast %squeeze3A_1636 : f32 to vector<16xf32>
        %mul3A_1674 = arith.mulf %get3A_1672, %mul3A_1673 : vector<16xf32>
        %add3A_1675 = arith.constant 12 : i32
        %add3A_1676 = arith.addi %mul3A_173, %add3A_1675 : i32
        %swap3A_1677 = arith.index_cast %add3A_1676 : i32 to index
        %swap3A_1678 = arith.constant 32 : index
        %swap3A_1679 = tpu.vector_load %arg9[%swap3A_1677, %swap3A_1678] {strides = array<i32>} : memref<128x128xf32, #tpu.memory_space<vmem>>, vector<1x16xf32>,
        %swap3A_1680 = vector.shape_cast %swap3A_1679 : vector<1x16xf32> to vector<16xf32>
        %swap3A_1681 = vector.shape_cast %mul3A_1674 : vector<16xf32> to vector<1x16xf32>
        tpu.vector_store %arg9[%swap3A_1677, %swap3A_1678], %swap3A_1681 {strides = array<i32>} : memref<128x128xf32, #tpu.memory_space<vmem>>, vector<1x16xf32>,
        %add3A_1682 = arith.constant 12 : i32
        %add3A_1683 = arith.addi %mul3A_173, %add3A_1682 : i32
        %get3A_1684 = arith.index_cast %add3A_1683 : i32 to index
        %get3A_1685 = arith.constant 48 : index
        %get3A_1686 = tpu.vector_load %arg9[%get3A_1684, %get3A_1685] {strides = array<i32>} : memref<128x128xf32, #tpu.memory_space<vmem>>, vector<1x16xf32>,
        %get3A_1687 = vector.shape_cast %get3A_1686 : vector<1x16xf32> to vector<16xf32>
        %mul3A_1688 = vector.broadcast %squeeze3A_1636 : f32 to vector<16xf32>
        %mul3A_1689 = arith.mulf %get3A_1687, %mul3A_1688 : vector<16xf32>
        %add3A_1690 = arith.constant 12 : i32
        %add3A_1691 = arith.addi %mul3A_173, %add3A_1690 : i32
        %swap3A_1692 = arith.index_cast %add3A_1691 : i32 to index
        %swap3A_1693 = arith.constant 48 : index
        %swap3A_1694 = tpu.vector_load %arg9[%swap3A_1692, %swap3A_1693] {strides = array<i32>} : memref<128x128xf32, #tpu.memory_space<vmem>>, vector<1x16xf32>,
        %swap3A_1695 = vector.shape_cast %swap3A_1694 : vector<1x16xf32> to vector<16xf32>
        %swap3A_1696 = vector.shape_cast %mul3A_1689 : vector<16xf32> to vector<1x16xf32>
        tpu.vector_store %arg9[%swap3A_1692, %swap3A_1693], %swap3A_1696 {strides = array<i32>} : memref<128x128xf32, #tpu.memory_space<vmem>>, vector<1x16xf32>,
        %add3A_1697 = arith.constant 12 : i32
        %add3A_1698 = arith.addi %mul3A_173, %add3A_1697 : i32
        %get3A_1699 = arith.index_cast %add3A_1698 : i32 to index
        %get3A_1700 = arith.constant 64 : index
        %get3A_1701 = tpu.vector_load %arg9[%get3A_1699, %get3A_1700] {strides = array<i32>} : memref<128x128xf32, #tpu.memory_space<vmem>>, vector<1x16xf32>,
        %get3A_1702 = vector.shape_cast %get3A_1701 : vector<1x16xf32> to vector<16xf32>
        %mul3A_1703 = vector.broadcast %squeeze3A_1636 : f32 to vector<16xf32>
        %mul3A_1704 = arith.mulf %get3A_1702, %mul3A_1703 : vector<16xf32>
        %add3A_1705 = arith.constant 12 : i32
        %add3A_1706 = arith.addi %mul3A_173, %add3A_1705 : i32
        %swap3A_1707 = arith.index_cast %add3A_1706 : i32 to index
        %swap3A_1708 = arith.constant 64 : index
        %swap3A_1709 = tpu.vector_load %arg9[%swap3A_1707, %swap3A_1708] {strides = array<i32>} : memref<128x128xf32, #tpu.memory_space<vmem>>, vector<1x16xf32>,
        %swap3A_1710 = vector.shape_cast %swap3A_1709 : vector<1x16xf32> to vector<16xf32>
        %swap3A_1711 = vector.shape_cast %mul3A_1704 : vector<16xf32> to vector<1x16xf32>
        tpu.vector_store %arg9[%swap3A_1707, %swap3A_1708], %swap3A_1711 {strides = array<i32>} : memref<128x128xf32, #tpu.memory_space<vmem>>, vector<1x16xf32>,
        %add3A_1712 = arith.constant 12 : i32
        %add3A_1713 = arith.addi %mul3A_173, %add3A_1712 : i32
        %get3A_1714 = arith.index_cast %add3A_1713 : i32 to index
        %get3A_1715 = arith.constant 80 : index
        %get3A_1716 = tpu.vector_load %arg9[%get3A_1714, %get3A_1715] {strides = array<i32>} : memref<128x128xf32, #tpu.memory_space<vmem>>, vector<1x16xf32>,
        %get3A_1717 = vector.shape_cast %get3A_1716 : vector<1x16xf32> to vector<16xf32>
        %mul3A_1718 = vector.broadcast %squeeze3A_1636 : f32 to vector<16xf32>
        %mul3A_1719 = arith.mulf %get3A_1717, %mul3A_1718 : vector<16xf32>
        %add3A_1720 = arith.constant 12 : i32
        %add3A_1721 = arith.addi %mul3A_173, %add3A_1720 : i32
        %swap3A_1722 = arith.index_cast %add3A_1721 : i32 to index
        %swap3A_1723 = arith.constant 80 : index
        %swap3A_1724 = tpu.vector_load %arg9[%swap3A_1722, %swap3A_1723] {strides = array<i32>} : memref<128x128xf32, #tpu.memory_space<vmem>>, vector<1x16xf32>,
        %swap3A_1725 = vector.shape_cast %swap3A_1724 : vector<1x16xf32> to vector<16xf32>
        %swap3A_1726 = vector.shape_cast %mul3A_1719 : vector<16xf32> to vector<1x16xf32>
        tpu.vector_store %arg9[%swap3A_1722, %swap3A_1723], %swap3A_1726 {strides = array<i32>} : memref<128x128xf32, #tpu.memory_space<vmem>>, vector<1x16xf32>,
        %add3A_1727 = arith.constant 12 : i32
        %add3A_1728 = arith.addi %mul3A_173, %add3A_1727 : i32
        %get3A_1729 = arith.index_cast %add3A_1728 : i32 to index
        %get3A_1730 = arith.constant 96 : index
        %get3A_1731 = tpu.vector_load %arg9[%get3A_1729, %get3A_1730] {strides = array<i32>} : memref<128x128xf32, #tpu.memory_space<vmem>>, vector<1x16xf32>,
        %get3A_1732 = vector.shape_cast %get3A_1731 : vector<1x16xf32> to vector<16xf32>
        %mul3A_1733 = vector.broadcast %squeeze3A_1636 : f32 to vector<16xf32>
        %mul3A_1734 = arith.mulf %get3A_1732, %mul3A_1733 : vector<16xf32>
        %add3A_1735 = arith.constant 12 : i32
        %add3A_1736 = arith.addi %mul3A_173, %add3A_1735 : i32
        %swap3A_1737 = arith.index_cast %add3A_1736 : i32 to index
        %swap3A_1738 = arith.constant 96 : index
        %swap3A_1739 = tpu.vector_load %arg9[%swap3A_1737, %swap3A_1738] {strides = array<i32>} : memref<128x128xf32, #tpu.memory_space<vmem>>, vector<1x16xf32>,
        %swap3A_1740 = vector.shape_cast %swap3A_1739 : vector<1x16xf32> to vector<16xf32>
        %swap3A_1741 = vector.shape_cast %mul3A_1734 : vector<16xf32> to vector<1x16xf32>
        tpu.vector_store %arg9[%swap3A_1737, %swap3A_1738], %swap3A_1741 {strides = array<i32>} : memref<128x128xf32, #tpu.memory_space<vmem>>, vector<1x16xf32>,
        %add3A_1742 = arith.constant 12 : i32
        %add3A_1743 = arith.addi %mul3A_173, %add3A_1742 : i32
        %get3A_1744 = arith.index_cast %add3A_1743 : i32 to index
        %get3A_1745 = arith.constant 112 : index
        %get3A_1746 = tpu.vector_load %arg9[%get3A_1744, %get3A_1745] {strides = array<i32>} : memref<128x128xf32, #tpu.memory_space<vmem>>, vector<1x16xf32>,
        %get3A_1747 = vector.shape_cast %get3A_1746 : vector<1x16xf32> to vector<16xf32>
        %mul3A_1748 = vector.broadcast %squeeze3A_1636 : f32 to vector<16xf32>
        %mul3A_1749 = arith.mulf %get3A_1747, %mul3A_1748 : vector<16xf32>
        %add3A_1750 = arith.constant 12 : i32
        %add3A_1751 = arith.addi %mul3A_173, %add3A_1750 : i32
        %swap3A_1752 = arith.index_cast %add3A_1751 : i32 to index
        %swap3A_1753 = arith.constant 112 : index
        %swap3A_1754 = tpu.vector_load %arg9[%swap3A_1752, %swap3A_1753] {strides = array<i32>} : memref<128x128xf32, #tpu.memory_space<vmem>>, vector<1x16xf32>,
        %swap3A_1755 = vector.shape_cast %swap3A_1754 : vector<1x16xf32> to vector<16xf32>
        %swap3A_1756 = vector.shape_cast %mul3A_1749 : vector<16xf32> to vector<1x16xf32>
        tpu.vector_store %arg9[%swap3A_1752, %swap3A_1753], %swap3A_1756 {strides = array<i32>} : memref<128x128xf32, #tpu.memory_space<vmem>>, vector<1x16xf32>,
        %slice3A_1757 = vector.extract_strided_slice %get3A_171 {offsets = [13], sizes = [1], strides = [1]} : vector<16xf32> to vector<1xf32>
        %squeeze3A_1758 = vector.extract %slice3A_1757[0] : f32 from vector<1xf32>
        %add3A_1759 = arith.constant 13 : i32
        %add3A_1760 = arith.addi %mul3A_173, %add3A_1759 : i32
        %get3A_1761 = arith.index_cast %add3A_1760 : i32 to index
        %get3A_1762 = arith.constant 0 : index
        %get3A_1763 = tpu.vector_load %arg9[%get3A_1761, %get3A_1762] {strides = array<i32>} : memref<128x128xf32, #tpu.memory_space<vmem>>, vector<1x16xf32>,
        %get3A_1764 = vector.shape_cast %get3A_1763 : vector<1x16xf32> to vector<16xf32>
        %mul3A_1765 = vector.broadcast %squeeze3A_1758 : f32 to vector<16xf32>
        %mul3A_1766 = arith.mulf %get3A_1764, %mul3A_1765 : vector<16xf32>
        %add3A_1767 = arith.constant 13 : i32
        %add3A_1768 = arith.addi %mul3A_173, %add3A_1767 : i32
        %swap3A_1769 = arith.index_cast %add3A_1768 : i32 to index
        %swap3A_1770 = arith.constant 0 : index
        %swap3A_1771 = tpu.vector_load %arg9[%swap3A_1769, %swap3A_1770] {strides = array<i32>} : memref<128x128xf32, #tpu.memory_space<vmem>>, vector<1x16xf32>,
        %swap3A_1772 = vector.shape_cast %swap3A_1771 : vector<1x16xf32> to vector<16xf32>
        %swap3A_1773 = vector.shape_cast %mul3A_1766 : vector<16xf32> to vector<1x16xf32>
        tpu.vector_store %arg9[%swap3A_1769, %swap3A_1770], %swap3A_1773 {strides = array<i32>} : memref<128x128xf32, #tpu.memory_space<vmem>>, vector<1x16xf32>,
        %add3A_1774 = arith.constant 13 : i32
        %add3A_1775 = arith.addi %mul3A_173, %add3A_1774 : i32
        %get3A_1776 = arith.index_cast %add3A_1775 : i32 to index
        %get3A_1777 = arith.constant 16 : index
        %get3A_1778 = tpu.vector_load %arg9[%get3A_1776, %get3A_1777] {strides = array<i32>} : memref<128x128xf32, #tpu.memory_space<vmem>>, vector<1x16xf32>,
        %get3A_1779 = vector.shape_cast %get3A_1778 : vector<1x16xf32> to vector<16xf32>
        %mul3A_1780 = vector.broadcast %squeeze3A_1758 : f32 to vector<16xf32>
        %mul3A_1781 = arith.mulf %get3A_1779, %mul3A_1780 : vector<16xf32>
        %add3A_1782 = arith.constant 13 : i32
        %add3A_1783 = arith.addi %mul3A_173, %add3A_1782 : i32
        %swap3A_1784 = arith.index_cast %add3A_1783 : i32 to index
        %swap3A_1785 = arith.constant 16 : index
        %swap3A_1786 = tpu.vector_load %arg9[%swap3A_1784, %swap3A_1785] {strides = array<i32>} : memref<128x128xf32, #tpu.memory_space<vmem>>, vector<1x16xf32>,
        %swap3A_1787 = vector.shape_cast %swap3A_1786 : vector<1x16xf32> to vector<16xf32>
        %swap3A_1788 = vector.shape_cast %mul3A_1781 : vector<16xf32> to vector<1x16xf32>
        tpu.vector_store %arg9[%swap3A_1784, %swap3A_1785], %swap3A_1788 {strides = array<i32>} : memref<128x128xf32, #tpu.memory_space<vmem>>, vector<1x16xf32>,
        %add3A_1789 = arith.constant 13 : i32
        %add3A_1790 = arith.addi %mul3A_173, %add3A_1789 : i32
        %get3A_1791 = arith.index_cast %add3A_1790 : i32 to index
        %get3A_1792 = arith.constant 32 : index
        %get3A_1793 = tpu.vector_load %arg9[%get3A_1791, %get3A_1792] {strides = array<i32>} : memref<128x128xf32, #tpu.memory_space<vmem>>, vector<1x16xf32>,
        %get3A_1794 = vector.shape_cast %get3A_1793 : vector<1x16xf32> to vector<16xf32>
        %mul3A_1795 = vector.broadcast %squeeze3A_1758 : f32 to vector<16xf32>
        %mul3A_1796 = arith.mulf %get3A_1794, %mul3A_1795 : vector<16xf32>
        %add3A_1797 = arith.constant 13 : i32
        %add3A_1798 = arith.addi %mul3A_173, %add3A_1797 : i32
        %swap3A_1799 = arith.index_cast %add3A_1798 : i32 to index
        %swap3A_1800 = arith.constant 32 : index
        %swap3A_1801 = tpu.vector_load %arg9[%swap3A_1799, %swap3A_1800] {strides = array<i32>} : memref<128x128xf32, #tpu.memory_space<vmem>>, vector<1x16xf32>,
        %swap3A_1802 = vector.shape_cast %swap3A_1801 : vector<1x16xf32> to vector<16xf32>
        %swap3A_1803 = vector.shape_cast %mul3A_1796 : vector<16xf32> to vector<1x16xf32>
        tpu.vector_store %arg9[%swap3A_1799, %swap3A_1800], %swap3A_1803 {strides = array<i32>} : memref<128x128xf32, #tpu.memory_space<vmem>>, vector<1x16xf32>,
        %add3A_1804 = arith.constant 13 : i32
        %add3A_1805 = arith.addi %mul3A_173, %add3A_1804 : i32
        %get3A_1806 = arith.index_cast %add3A_1805 : i32 to index
        %get3A_1807 = arith.constant 48 : index
        %get3A_1808 = tpu.vector_load %arg9[%get3A_1806, %get3A_1807] {strides = array<i32>} : memref<128x128xf32, #tpu.memory_space<vmem>>, vector<1x16xf32>,
        %get3A_1809 = vector.shape_cast %get3A_1808 : vector<1x16xf32> to vector<16xf32>
        %mul3A_1810 = vector.broadcast %squeeze3A_1758 : f32 to vector<16xf32>
        %mul3A_1811 = arith.mulf %get3A_1809, %mul3A_1810 : vector<16xf32>
        %add3A_1812 = arith.constant 13 : i32
        %add3A_1813 = arith.addi %mul3A_173, %add3A_1812 : i32
        %swap3A_1814 = arith.index_cast %add3A_1813 : i32 to index
        %swap3A_1815 = arith.constant 48 : index
        %swap3A_1816 = tpu.vector_load %arg9[%swap3A_1814, %swap3A_1815] {strides = array<i32>} : memref<128x128xf32, #tpu.memory_space<vmem>>, vector<1x16xf32>,
        %swap3A_1817 = vector.shape_cast %swap3A_1816 : vector<1x16xf32> to vector<16xf32>
        %swap3A_1818 = vector.shape_cast %mul3A_1811 : vector<16xf32> to vector<1x16xf32>
        tpu.vector_store %arg9[%swap3A_1814, %swap3A_1815], %swap3A_1818 {strides = array<i32>} : memref<128x128xf32, #tpu.memory_space<vmem>>, vector<1x16xf32>,
        %add3A_1819 = arith.constant 13 : i32
        %add3A_1820 = arith.addi %mul3A_173, %add3A_1819 : i32
        %get3A_1821 = arith.index_cast %add3A_1820 : i32 to index
        %get3A_1822 = arith.constant 64 : index
        %get3A_1823 = tpu.vector_load %arg9[%get3A_1821, %get3A_1822] {strides = array<i32>} : memref<128x128xf32, #tpu.memory_space<vmem>>, vector<1x16xf32>,
        %get3A_1824 = vector.shape_cast %get3A_1823 : vector<1x16xf32> to vector<16xf32>
        %mul3A_1825 = vector.broadcast %squeeze3A_1758 : f32 to vector<16xf32>
        %mul3A_1826 = arith.mulf %get3A_1824, %mul3A_1825 : vector<16xf32>
        %add3A_1827 = arith.constant 13 : i32
        %add3A_1828 = arith.addi %mul3A_173, %add3A_1827 : i32
        %swap3A_1829 = arith.index_cast %add3A_1828 : i32 to index
        %swap3A_1830 = arith.constant 64 : index
        %swap3A_1831 = tpu.vector_load %arg9[%swap3A_1829, %swap3A_1830] {strides = array<i32>} : memref<128x128xf32, #tpu.memory_space<vmem>>, vector<1x16xf32>,
        %swap3A_1832 = vector.shape_cast %swap3A_1831 : vector<1x16xf32> to vector<16xf32>
        %swap3A_1833 = vector.shape_cast %mul3A_1826 : vector<16xf32> to vector<1x16xf32>
        tpu.vector_store %arg9[%swap3A_1829, %swap3A_1830], %swap3A_1833 {strides = array<i32>} : memref<128x128xf32, #tpu.memory_space<vmem>>, vector<1x16xf32>,
        %add3A_1834 = arith.constant 13 : i32
        %add3A_1835 = arith.addi %mul3A_173, %add3A_1834 : i32
        %get3A_1836 = arith.index_cast %add3A_1835 : i32 to index
        %get3A_1837 = arith.constant 80 : index
        %get3A_1838 = tpu.vector_load %arg9[%get3A_1836, %get3A_1837] {strides = array<i32>} : memref<128x128xf32, #tpu.memory_space<vmem>>, vector<1x16xf32>,
        %get3A_1839 = vector.shape_cast %get3A_1838 : vector<1x16xf32> to vector<16xf32>
        %mul3A_1840 = vector.broadcast %squeeze3A_1758 : f32 to vector<16xf32>
        %mul3A_1841 = arith.mulf %get3A_1839, %mul3A_1840 : vector<16xf32>
        %add3A_1842 = arith.constant 13 : i32
        %add3A_1843 = arith.addi %mul3A_173, %add3A_1842 : i32
        %swap3A_1844 = arith.index_cast %add3A_1843 : i32 to index
        %swap3A_1845 = arith.constant 80 : index
        %swap3A_1846 = tpu.vector_load %arg9[%swap3A_1844, %swap3A_1845] {strides = array<i32>} : memref<128x128xf32, #tpu.memory_space<vmem>>, vector<1x16xf32>,
        %swap3A_1847 = vector.shape_cast %swap3A_1846 : vector<1x16xf32> to vector<16xf32>
        %swap3A_1848 = vector.shape_cast %mul3A_1841 : vector<16xf32> to vector<1x16xf32>
        tpu.vector_store %arg9[%swap3A_1844, %swap3A_1845], %swap3A_1848 {strides = array<i32>} : memref<128x128xf32, #tpu.memory_space<vmem>>, vector<1x16xf32>,
        %add3A_1849 = arith.constant 13 : i32
        %add3A_1850 = arith.addi %mul3A_173, %add3A_1849 : i32
        %get3A_1851 = arith.index_cast %add3A_1850 : i32 to index
        %get3A_1852 = arith.constant 96 : index
        %get3A_1853 = tpu.vector_load %arg9[%get3A_1851, %get3A_1852] {strides = array<i32>} : memref<128x128xf32, #tpu.memory_space<vmem>>, vector<1x16xf32>,
        %get3A_1854 = vector.shape_cast %get3A_1853 : vector<1x16xf32> to vector<16xf32>
        %mul3A_1855 = vector.broadcast %squeeze3A_1758 : f32 to vector<16xf32>
        %mul3A_1856 = arith.mulf %get3A_1854, %mul3A_1855 : vector<16xf32>
        %add3A_1857 = arith.constant 13 : i32
        %add3A_1858 = arith.addi %mul3A_173, %add3A_1857 : i32
        %swap3A_1859 = arith.index_cast %add3A_1858 : i32 to index
        %swap3A_1860 = arith.constant 96 : index
        %swap3A_1861 = tpu.vector_load %arg9[%swap3A_1859, %swap3A_1860] {strides = array<i32>} : memref<128x128xf32, #tpu.memory_space<vmem>>, vector<1x16xf32>,
        %swap3A_1862 = vector.shape_cast %swap3A_1861 : vector<1x16xf32> to vector<16xf32>
        %swap3A_1863 = vector.shape_cast %mul3A_1856 : vector<16xf32> to vector<1x16xf32>
        tpu.vector_store %arg9[%swap3A_1859, %swap3A_1860], %swap3A_1863 {strides = array<i32>} : memref<128x128xf32, #tpu.memory_space<vmem>>, vector<1x16xf32>,
        %add3A_1864 = arith.constant 13 : i32
        %add3A_1865 = arith.addi %mul3A_173, %add3A_1864 : i32
        %get3A_1866 = arith.index_cast %add3A_1865 : i32 to index
        %get3A_1867 = arith.constant 112 : index
        %get3A_1868 = tpu.vector_load %arg9[%get3A_1866, %get3A_1867] {strides = array<i32>} : memref<128x128xf32, #tpu.memory_space<vmem>>, vector<1x16xf32>,
        %get3A_1869 = vector.shape_cast %get3A_1868 : vector<1x16xf32> to vector<16xf32>
        %mul3A_1870 = vector.broadcast %squeeze3A_1758 : f32 to vector<16xf32>
        %mul3A_1871 = arith.mulf %get3A_1869, %mul3A_1870 : vector<16xf32>
        %add3A_1872 = arith.constant 13 : i32
        %add3A_1873 = arith.addi %mul3A_173, %add3A_1872 : i32
        %swap3A_1874 = arith.index_cast %add3A_1873 : i32 to index
        %swap3A_1875 = arith.constant 112 : index
        %swap3A_1876 = tpu.vector_load %arg9[%swap3A_1874, %swap3A_1875] {strides = array<i32>} : memref<128x128xf32, #tpu.memory_space<vmem>>, vector<1x16xf32>,
        %swap3A_1877 = vector.shape_cast %swap3A_1876 : vector<1x16xf32> to vector<16xf32>
        %swap3A_1878 = vector.shape_cast %mul3A_1871 : vector<16xf32> to vector<1x16xf32>
        tpu.vector_store %arg9[%swap3A_1874, %swap3A_1875], %swap3A_1878 {strides = array<i32>} : memref<128x128xf32, #tpu.memory_space<vmem>>, vector<1x16xf32>,
        %slice3A_1879 = vector.extract_strided_slice %get3A_171 {offsets = [14], sizes = [1], strides = [1]} : vector<16xf32> to vector<1xf32>
        %squeeze3A_1880 = vector.extract %slice3A_1879[0] : f32 from vector<1xf32>
        %add3A_1881 = arith.constant 14 : i32
        %add3A_1882 = arith.addi %mul3A_173, %add3A_1881 : i32
        %get3A_1883 = arith.index_cast %add3A_1882 : i32 to index
        %get3A_1884 = arith.constant 0 : index
        %get3A_1885 = tpu.vector_load %arg9[%get3A_1883, %get3A_1884] {strides = array<i32>} : memref<128x128xf32, #tpu.memory_space<vmem>>, vector<1x16xf32>,
        %get3A_1886 = vector.shape_cast %get3A_1885 : vector<1x16xf32> to vector<16xf32>
        %mul3A_1887 = vector.broadcast %squeeze3A_1880 : f32 to vector<16xf32>
        %mul3A_1888 = arith.mulf %get3A_1886, %mul3A_1887 : vector<16xf32>
        %add3A_1889 = arith.constant 14 : i32
        %add3A_1890 = arith.addi %mul3A_173, %add3A_1889 : i32
        %swap3A_1891 = arith.index_cast %add3A_1890 : i32 to index
        %swap3A_1892 = arith.constant 0 : index
        %swap3A_1893 = tpu.vector_load %arg9[%swap3A_1891, %swap3A_1892] {strides = array<i32>} : memref<128x128xf32, #tpu.memory_space<vmem>>, vector<1x16xf32>,
        %swap3A_1894 = vector.shape_cast %swap3A_1893 : vector<1x16xf32> to vector<16xf32>
        %swap3A_1895 = vector.shape_cast %mul3A_1888 : vector<16xf32> to vector<1x16xf32>
        tpu.vector_store %arg9[%swap3A_1891, %swap3A_1892], %swap3A_1895 {strides = array<i32>} : memref<128x128xf32, #tpu.memory_space<vmem>>, vector<1x16xf32>,
        %add3A_1896 = arith.constant 14 : i32
        %add3A_1897 = arith.addi %mul3A_173, %add3A_1896 : i32
        %get3A_1898 = arith.index_cast %add3A_1897 : i32 to index
        %get3A_1899 = arith.constant 16 : index
        %get3A_1900 = tpu.vector_load %arg9[%get3A_1898, %get3A_1899] {strides = array<i32>} : memref<128x128xf32, #tpu.memory_space<vmem>>, vector<1x16xf32>,
        %get3A_1901 = vector.shape_cast %get3A_1900 : vector<1x16xf32> to vector<16xf32>
        %mul3A_1902 = vector.broadcast %squeeze3A_1880 : f32 to vector<16xf32>
        %mul3A_1903 = arith.mulf %get3A_1901, %mul3A_1902 : vector<16xf32>
        %add3A_1904 = arith.constant 14 : i32
        %add3A_1905 = arith.addi %mul3A_173, %add3A_1904 : i32
        %swap3A_1906 = arith.index_cast %add3A_1905 : i32 to index
        %swap3A_1907 = arith.constant 16 : index
        %swap3A_1908 = tpu.vector_load %arg9[%swap3A_1906, %swap3A_1907] {strides = array<i32>} : memref<128x128xf32, #tpu.memory_space<vmem>>, vector<1x16xf32>,
        %swap3A_1909 = vector.shape_cast %swap3A_1908 : vector<1x16xf32> to vector<16xf32>
        %swap3A_1910 = vector.shape_cast %mul3A_1903 : vector<16xf32> to vector<1x16xf32>
        tpu.vector_store %arg9[%swap3A_1906, %swap3A_1907], %swap3A_1910 {strides = array<i32>} : memref<128x128xf32, #tpu.memory_space<vmem>>, vector<1x16xf32>,
        %add3A_1911 = arith.constant 14 : i32
        %add3A_1912 = arith.addi %mul3A_173, %add3A_1911 : i32
        %get3A_1913 = arith.index_cast %add3A_1912 : i32 to index
        %get3A_1914 = arith.constant 32 : index
        %get3A_1915 = tpu.vector_load %arg9[%get3A_1913, %get3A_1914] {strides = array<i32>} : memref<128x128xf32, #tpu.memory_space<vmem>>, vector<1x16xf32>,
        %get3A_1916 = vector.shape_cast %get3A_1915 : vector<1x16xf32> to vector<16xf32>
        %mul3A_1917 = vector.broadcast %squeeze3A_1880 : f32 to vector<16xf32>
        %mul3A_1918 = arith.mulf %get3A_1916, %mul3A_1917 : vector<16xf32>
        %add3A_1919 = arith.constant 14 : i32
        %add3A_1920 = arith.addi %mul3A_173, %add3A_1919 : i32
        %swap3A_1921 = arith.index_cast %add3A_1920 : i32 to index
        %swap3A_1922 = arith.constant 32 : index
        %swap3A_1923 = tpu.vector_load %arg9[%swap3A_1921, %swap3A_1922] {strides = array<i32>} : memref<128x128xf32, #tpu.memory_space<vmem>>, vector<1x16xf32>,
        %swap3A_1924 = vector.shape_cast %swap3A_1923 : vector<1x16xf32> to vector<16xf32>
        %swap3A_1925 = vector.shape_cast %mul3A_1918 : vector<16xf32> to vector<1x16xf32>
        tpu.vector_store %arg9[%swap3A_1921, %swap3A_1922], %swap3A_1925 {strides = array<i32>} : memref<128x128xf32, #tpu.memory_space<vmem>>, vector<1x16xf32>,
        %add3A_1926 = arith.constant 14 : i32
        %add3A_1927 = arith.addi %mul3A_173, %add3A_1926 : i32
        %get3A_1928 = arith.index_cast %add3A_1927 : i32 to index
        %get3A_1929 = arith.constant 48 : index
        %get3A_1930 = tpu.vector_load %arg9[%get3A_1928, %get3A_1929] {strides = array<i32>} : memref<128x128xf32, #tpu.memory_space<vmem>>, vector<1x16xf32>,
        %get3A_1931 = vector.shape_cast %get3A_1930 : vector<1x16xf32> to vector<16xf32>
        %mul3A_1932 = vector.broadcast %squeeze3A_1880 : f32 to vector<16xf32>
        %mul3A_1933 = arith.mulf %get3A_1931, %mul3A_1932 : vector<16xf32>
        %add3A_1934 = arith.constant 14 : i32
        %add3A_1935 = arith.addi %mul3A_173, %add3A_1934 : i32
        %swap3A_1936 = arith.index_cast %add3A_1935 : i32 to index
        %swap3A_1937 = arith.constant 48 : index
        %swap3A_1938 = tpu.vector_load %arg9[%swap3A_1936, %swap3A_1937] {strides = array<i32>} : memref<128x128xf32, #tpu.memory_space<vmem>>, vector<1x16xf32>,
        %swap3A_1939 = vector.shape_cast %swap3A_1938 : vector<1x16xf32> to vector<16xf32>
        %swap3A_1940 = vector.shape_cast %mul3A_1933 : vector<16xf32> to vector<1x16xf32>
        tpu.vector_store %arg9[%swap3A_1936, %swap3A_1937], %swap3A_1940 {strides = array<i32>} : memref<128x128xf32, #tpu.memory_space<vmem>>, vector<1x16xf32>,
        %add3A_1941 = arith.constant 14 : i32
        %add3A_1942 = arith.addi %mul3A_173, %add3A_1941 : i32
        %get3A_1943 = arith.index_cast %add3A_1942 : i32 to index
        %get3A_1944 = arith.constant 64 : index
        %get3A_1945 = tpu.vector_load %arg9[%get3A_1943, %get3A_1944] {strides = array<i32>} : memref<128x128xf32, #tpu.memory_space<vmem>>, vector<1x16xf32>,
        %get3A_1946 = vector.shape_cast %get3A_1945 : vector<1x16xf32> to vector<16xf32>
        %mul3A_1947 = vector.broadcast %squeeze3A_1880 : f32 to vector<16xf32>
        %mul3A_1948 = arith.mulf %get3A_1946, %mul3A_1947 : vector<16xf32>
        %add3A_1949 = arith.constant 14 : i32
        %add3A_1950 = arith.addi %mul3A_173, %add3A_1949 : i32
        %swap3A_1951 = arith.index_cast %add3A_1950 : i32 to index
        %swap3A_1952 = arith.constant 64 : index
        %swap3A_1953 = tpu.vector_load %arg9[%swap3A_1951, %swap3A_1952] {strides = array<i32>} : memref<128x128xf32, #tpu.memory_space<vmem>>, vector<1x16xf32>,
        %swap3A_1954 = vector.shape_cast %swap3A_1953 : vector<1x16xf32> to vector<16xf32>
        %swap3A_1955 = vector.shape_cast %mul3A_1948 : vector<16xf32> to vector<1x16xf32>
        tpu.vector_store %arg9[%swap3A_1951, %swap3A_1952], %swap3A_1955 {strides = array<i32>} : memref<128x128xf32, #tpu.memory_space<vmem>>, vector<1x16xf32>,
        %add3A_1956 = arith.constant 14 : i32
        %add3A_1957 = arith.addi %mul3A_173, %add3A_1956 : i32
        %get3A_1958 = arith.index_cast %add3A_1957 : i32 to index
        %get3A_1959 = arith.constant 80 : index
        %get3A_1960 = tpu.vector_load %arg9[%get3A_1958, %get3A_1959] {strides = array<i32>} : memref<128x128xf32, #tpu.memory_space<vmem>>, vector<1x16xf32>,
        %get3A_1961 = vector.shape_cast %get3A_1960 : vector<1x16xf32> to vector<16xf32>
        %mul3A_1962 = vector.broadcast %squeeze3A_1880 : f32 to vector<16xf32>
        %mul3A_1963 = arith.mulf %get3A_1961, %mul3A_1962 : vector<16xf32>
        %add3A_1964 = arith.constant 14 : i32
        %add3A_1965 = arith.addi %mul3A_173, %add3A_1964 : i32
        %swap3A_1966 = arith.index_cast %add3A_1965 : i32 to index
        %swap3A_1967 = arith.constant 80 : index
        %swap3A_1968 = tpu.vector_load %arg9[%swap3A_1966, %swap3A_1967] {strides = array<i32>} : memref<128x128xf32, #tpu.memory_space<vmem>>, vector<1x16xf32>,
        %swap3A_1969 = vector.shape_cast %swap3A_1968 : vector<1x16xf32> to vector<16xf32>
        %swap3A_1970 = vector.shape_cast %mul3A_1963 : vector<16xf32> to vector<1x16xf32>
        tpu.vector_store %arg9[%swap3A_1966, %swap3A_1967], %swap3A_1970 {strides = array<i32>} : memref<128x128xf32, #tpu.memory_space<vmem>>, vector<1x16xf32>,
        %add3A_1971 = arith.constant 14 : i32
        %add3A_1972 = arith.addi %mul3A_173, %add3A_1971 : i32
        %get3A_1973 = arith.index_cast %add3A_1972 : i32 to index
        %get3A_1974 = arith.constant 96 : index
        %get3A_1975 = tpu.vector_load %arg9[%get3A_1973, %get3A_1974] {strides = array<i32>} : memref<128x128xf32, #tpu.memory_space<vmem>>, vector<1x16xf32>,
        %get3A_1976 = vector.shape_cast %get3A_1975 : vector<1x16xf32> to vector<16xf32>
        %mul3A_1977 = vector.broadcast %squeeze3A_1880 : f32 to vector<16xf32>
        %mul3A_1978 = arith.mulf %get3A_1976, %mul3A_1977 : vector<16xf32>
        %add3A_1979 = arith.constant 14 : i32
        %add3A_1980 = arith.addi %mul3A_173, %add3A_1979 : i32
        %swap3A_1981 = arith.index_cast %add3A_1980 : i32 to index
        %swap3A_1982 = arith.constant 96 : index
        %swap3A_1983 = tpu.vector_load %arg9[%swap3A_1981, %swap3A_1982] {strides = array<i32>} : memref<128x128xf32, #tpu.memory_space<vmem>>, vector<1x16xf32>,
        %swap3A_1984 = vector.shape_cast %swap3A_1983 : vector<1x16xf32> to vector<16xf32>
        %swap3A_1985 = vector.shape_cast %mul3A_1978 : vector<16xf32> to vector<1x16xf32>
        tpu.vector_store %arg9[%swap3A_1981, %swap3A_1982], %swap3A_1985 {strides = array<i32>} : memref<128x128xf32, #tpu.memory_space<vmem>>, vector<1x16xf32>,
        %add3A_1986 = arith.constant 14 : i32
        %add3A_1987 = arith.addi %mul3A_173, %add3A_1986 : i32
        %get3A_1988 = arith.index_cast %add3A_1987 : i32 to index
        %get3A_1989 = arith.constant 112 : index
        %get3A_1990 = tpu.vector_load %arg9[%get3A_1988, %get3A_1989] {strides = array<i32>} : memref<128x128xf32, #tpu.memory_space<vmem>>, vector<1x16xf32>,
        %get3A_1991 = vector.shape_cast %get3A_1990 : vector<1x16xf32> to vector<16xf32>
        %mul3A_1992 = vector.broadcast %squeeze3A_1880 : f32 to vector<16xf32>
        %mul3A_1993 = arith.mulf %get3A_1991, %mul3A_1992 : vector<16xf32>
        %add3A_1994 = arith.constant 14 : i32
        %add3A_1995 = arith.addi %mul3A_173, %add3A_1994 : i32
        %swap3A_1996 = arith.index_cast %add3A_1995 : i32 to index
        %swap3A_1997 = arith.constant 112 : index
        %swap3A_1998 = tpu.vector_load %arg9[%swap3A_1996, %swap3A_1997] {strides = array<i32>} : memref<128x128xf32, #tpu.memory_space<vmem>>, vector<1x16xf32>,
        %swap3A_1999 = vector.shape_cast %swap3A_1998 : vector<1x16xf32> to vector<16xf32>
        %swap3A_2000 = vector.shape_cast %mul3A_1993 : vector<16xf32> to vector<1x16xf32>
        tpu.vector_store %arg9[%swap3A_1996, %swap3A_1997], %swap3A_2000 {strides = array<i32>} : memref<128x128xf32, #tpu.memory_space<vmem>>, vector<1x16xf32>,
        %slice3A_2001 = vector.extract_strided_slice %get3A_171 {offsets = [15], sizes = [1], strides = [1]} : vector<16xf32> to vector<1xf32>
        %squeeze3A_2002 = vector.extract %slice3A_2001[0] : f32 from vector<1xf32>
        %add3A_2003 = arith.constant 15 : i32
        %add3A_2004 = arith.addi %mul3A_173, %add3A_2003 : i32
        %get3A_2005 = arith.index_cast %add3A_2004 : i32 to index
        %get3A_2006 = arith.constant 0 : index
        %get3A_2007 = tpu.vector_load %arg9[%get3A_2005, %get3A_2006] {strides = array<i32>} : memref<128x128xf32, #tpu.memory_space<vmem>>, vector<1x16xf32>,
        %get3A_2008 = vector.shape_cast %get3A_2007 : vector<1x16xf32> to vector<16xf32>
        %mul3A_2009 = vector.broadcast %squeeze3A_2002 : f32 to vector<16xf32>
        %mul3A_2010 = arith.mulf %get3A_2008, %mul3A_2009 : vector<16xf32>
        %add3A_2011 = arith.constant 15 : i32
        %add3A_2012 = arith.addi %mul3A_173, %add3A_2011 : i32
        %swap3A_2013 = arith.index_cast %add3A_2012 : i32 to index
        %swap3A_2014 = arith.constant 0 : index
        %swap3A_2015 = tpu.vector_load %arg9[%swap3A_2013, %swap3A_2014] {strides = array<i32>} : memref<128x128xf32, #tpu.memory_space<vmem>>, vector<1x16xf32>,
        %swap3A_2016 = vector.shape_cast %swap3A_2015 : vector<1x16xf32> to vector<16xf32>
        %swap3A_2017 = vector.shape_cast %mul3A_2010 : vector<16xf32> to vector<1x16xf32>
        tpu.vector_store %arg9[%swap3A_2013, %swap3A_2014], %swap3A_2017 {strides = array<i32>} : memref<128x128xf32, #tpu.memory_space<vmem>>, vector<1x16xf32>,
        %add3A_2018 = arith.constant 15 : i32
        %add3A_2019 = arith.addi %mul3A_173, %add3A_2018 : i32
        %get3A_2020 = arith.index_cast %add3A_2019 : i32 to index
        %get3A_2021 = arith.constant 16 : index
        %get3A_2022 = tpu.vector_load %arg9[%get3A_2020, %get3A_2021] {strides = array<i32>} : memref<128x128xf32, #tpu.memory_space<vmem>>, vector<1x16xf32>,
        %get3A_2023 = vector.shape_cast %get3A_2022 : vector<1x16xf32> to vector<16xf32>
        %mul3A_2024 = vector.broadcast %squeeze3A_2002 : f32 to vector<16xf32>
        %mul3A_2025 = arith.mulf %get3A_2023, %mul3A_2024 : vector<16xf32>
        %add3A_2026 = arith.constant 15 : i32
        %add3A_2027 = arith.addi %mul3A_173, %add3A_2026 : i32
        %swap3A_2028 = arith.index_cast %add3A_2027 : i32 to index
        %swap3A_2029 = arith.constant 16 : index
        %swap3A_2030 = tpu.vector_load %arg9[%swap3A_2028, %swap3A_2029] {strides = array<i32>} : memref<128x128xf32, #tpu.memory_space<vmem>>, vector<1x16xf32>,
        %swap3A_2031 = vector.shape_cast %swap3A_2030 : vector<1x16xf32> to vector<16xf32>
        %swap3A_2032 = vector.shape_cast %mul3A_2025 : vector<16xf32> to vector<1x16xf32>
        tpu.vector_store %arg9[%swap3A_2028, %swap3A_2029], %swap3A_2032 {strides = array<i32>} : memref<128x128xf32, #tpu.memory_space<vmem>>, vector<1x16xf32>,
        %add3A_2033 = arith.constant 15 : i32
        %add3A_2034 = arith.addi %mul3A_173, %add3A_2033 : i32
        %get3A_2035 = arith.index_cast %add3A_2034 : i32 to index
        %get3A_2036 = arith.constant 32 : index
        %get3A_2037 = tpu.vector_load %arg9[%get3A_2035, %get3A_2036] {strides = array<i32>} : memref<128x128xf32, #tpu.memory_space<vmem>>, vector<1x16xf32>,
        %get3A_2038 = vector.shape_cast %get3A_2037 : vector<1x16xf32> to vector<16xf32>
        %mul3A_2039 = vector.broadcast %squeeze3A_2002 : f32 to vector<16xf32>
        %mul3A_2040 = arith.mulf %get3A_2038, %mul3A_2039 : vector<16xf32>
        %add3A_2041 = arith.constant 15 : i32
        %add3A_2042 = arith.addi %mul3A_173, %add3A_2041 : i32
        %swap3A_2043 = arith.index_cast %add3A_2042 : i32 to index
        %swap3A_2044 = arith.constant 32 : index
        %swap3A_2045 = tpu.vector_load %arg9[%swap3A_2043, %swap3A_2044] {strides = array<i32>} : memref<128x128xf32, #tpu.memory_space<vmem>>, vector<1x16xf32>,
        %swap3A_2046 = vector.shape_cast %swap3A_2045 : vector<1x16xf32> to vector<16xf32>
        %swap3A_2047 = vector.shape_cast %mul3A_2040 : vector<16xf32> to vector<1x16xf32>
        tpu.vector_store %arg9[%swap3A_2043, %swap3A_2044], %swap3A_2047 {strides = array<i32>} : memref<128x128xf32, #tpu.memory_space<vmem>>, vector<1x16xf32>,
        %add3A_2048 = arith.constant 15 : i32
        %add3A_2049 = arith.addi %mul3A_173, %add3A_2048 : i32
        %get3A_2050 = arith.index_cast %add3A_2049 : i32 to index
        %get3A_2051 = arith.constant 48 : index
        %get3A_2052 = tpu.vector_load %arg9[%get3A_2050, %get3A_2051] {strides = array<i32>} : memref<128x128xf32, #tpu.memory_space<vmem>>, vector<1x16xf32>,
        %get3A_2053 = vector.shape_cast %get3A_2052 : vector<1x16xf32> to vector<16xf32>
        %mul3A_2054 = vector.broadcast %squeeze3A_2002 : f32 to vector<16xf32>
        %mul3A_2055 = arith.mulf %get3A_2053, %mul3A_2054 : vector<16xf32>
        %add3A_2056 = arith.constant 15 : i32
        %add3A_2057 = arith.addi %mul3A_173, %add3A_2056 : i32
        %swap3A_2058 = arith.index_cast %add3A_2057 : i32 to index
        %swap3A_2059 = arith.constant 48 : index
        %swap3A_2060 = tpu.vector_load %arg9[%swap3A_2058, %swap3A_2059] {strides = array<i32>} : memref<128x128xf32, #tpu.memory_space<vmem>>, vector<1x16xf32>,
        %swap3A_2061 = vector.shape_cast %swap3A_2060 : vector<1x16xf32> to vector<16xf32>
        %swap3A_2062 = vector.shape_cast %mul3A_2055 : vector<16xf32> to vector<1x16xf32>
        tpu.vector_store %arg9[%swap3A_2058, %swap3A_2059], %swap3A_2062 {strides = array<i32>} : memref<128x128xf32, #tpu.memory_space<vmem>>, vector<1x16xf32>,
        %add3A_2063 = arith.constant 15 : i32
        %add3A_2064 = arith.addi %mul3A_173, %add3A_2063 : i32
        %get3A_2065 = arith.index_cast %add3A_2064 : i32 to index
        %get3A_2066 = arith.constant 64 : index
        %get3A_2067 = tpu.vector_load %arg9[%get3A_2065, %get3A_2066] {strides = array<i32>} : memref<128x128xf32, #tpu.memory_space<vmem>>, vector<1x16xf32>,
        %get3A_2068 = vector.shape_cast %get3A_2067 : vector<1x16xf32> to vector<16xf32>
        %mul3A_2069 = vector.broadcast %squeeze3A_2002 : f32 to vector<16xf32>
        %mul3A_2070 = arith.mulf %get3A_2068, %mul3A_2069 : vector<16xf32>
        %add3A_2071 = arith.constant 15 : i32
        %add3A_2072 = arith.addi %mul3A_173, %add3A_2071 : i32
        %swap3A_2073 = arith.index_cast %add3A_2072 : i32 to index
        %swap3A_2074 = arith.constant 64 : index
        %swap3A_2075 = tpu.vector_load %arg9[%swap3A_2073, %swap3A_2074] {strides = array<i32>} : memref<128x128xf32, #tpu.memory_space<vmem>>, vector<1x16xf32>,
        %swap3A_2076 = vector.shape_cast %swap3A_2075 : vector<1x16xf32> to vector<16xf32>
        %swap3A_2077 = vector.shape_cast %mul3A_2070 : vector<16xf32> to vector<1x16xf32>
        tpu.vector_store %arg9[%swap3A_2073, %swap3A_2074], %swap3A_2077 {strides = array<i32>} : memref<128x128xf32, #tpu.memory_space<vmem>>, vector<1x16xf32>,
        %add3A_2078 = arith.constant 15 : i32
        %add3A_2079 = arith.addi %mul3A_173, %add3A_2078 : i32
        %get3A_2080 = arith.index_cast %add3A_2079 : i32 to index
        %get3A_2081 = arith.constant 80 : index
        %get3A_2082 = tpu.vector_load %arg9[%get3A_2080, %get3A_2081] {strides = array<i32>} : memref<128x128xf32, #tpu.memory_space<vmem>>, vector<1x16xf32>,
        %get3A_2083 = vector.shape_cast %get3A_2082 : vector<1x16xf32> to vector<16xf32>
        %mul3A_2084 = vector.broadcast %squeeze3A_2002 : f32 to vector<16xf32>
        %mul3A_2085 = arith.mulf %get3A_2083, %mul3A_2084 : vector<16xf32>
        %add3A_2086 = arith.constant 15 : i32
        %add3A_2087 = arith.addi %mul3A_173, %add3A_2086 : i32
        %swap3A_2088 = arith.index_cast %add3A_2087 : i32 to index
        %swap3A_2089 = arith.constant 80 : index
        %swap3A_2090 = tpu.vector_load %arg9[%swap3A_2088, %swap3A_2089] {strides = array<i32>} : memref<128x128xf32, #tpu.memory_space<vmem>>, vector<1x16xf32>,
        %swap3A_2091 = vector.shape_cast %swap3A_2090 : vector<1x16xf32> to vector<16xf32>
        %swap3A_2092 = vector.shape_cast %mul3A_2085 : vector<16xf32> to vector<1x16xf32>
        tpu.vector_store %arg9[%swap3A_2088, %swap3A_2089], %swap3A_2092 {strides = array<i32>} : memref<128x128xf32, #tpu.memory_space<vmem>>, vector<1x16xf32>,
        %add3A_2093 = arith.constant 15 : i32
        %add3A_2094 = arith.addi %mul3A_173, %add3A_2093 : i32
        %get3A_2095 = arith.index_cast %add3A_2094 : i32 to index
        %get3A_2096 = arith.constant 96 : index
        %get3A_2097 = tpu.vector_load %arg9[%get3A_2095, %get3A_2096] {strides = array<i32>} : memref<128x128xf32, #tpu.memory_space<vmem>>, vector<1x16xf32>,
        %get3A_2098 = vector.shape_cast %get3A_2097 : vector<1x16xf32> to vector<16xf32>
        %mul3A_2099 = vector.broadcast %squeeze3A_2002 : f32 to vector<16xf32>
        %mul3A_2100 = arith.mulf %get3A_2098, %mul3A_2099 : vector<16xf32>
        %add3A_2101 = arith.constant 15 : i32
        %add3A_2102 = arith.addi %mul3A_173, %add3A_2101 : i32
        %swap3A_2103 = arith.index_cast %add3A_2102 : i32 to index
        %swap3A_2104 = arith.constant 96 : index
        %swap3A_2105 = tpu.vector_load %arg9[%swap3A_2103, %swap3A_2104] {strides = array<i32>} : memref<128x128xf32, #tpu.memory_space<vmem>>, vector<1x16xf32>,
        %swap3A_2106 = vector.shape_cast %swap3A_2105 : vector<1x16xf32> to vector<16xf32>
        %swap3A_2107 = vector.shape_cast %mul3A_2100 : vector<16xf32> to vector<1x16xf32>
        tpu.vector_store %arg9[%swap3A_2103, %swap3A_2104], %swap3A_2107 {strides = array<i32>} : memref<128x128xf32, #tpu.memory_space<vmem>>, vector<1x16xf32>,
        %add3A_2108 = arith.constant 15 : i32
        %add3A_2109 = arith.addi %mul3A_173, %add3A_2108 : i32
        %get3A_2110 = arith.index_cast %add3A_2109 : i32 to index
        %get3A_2111 = arith.constant 112 : index
        %get3A_2112 = tpu.vector_load %arg9[%get3A_2110, %get3A_2111] {strides = array<i32>} : memref<128x128xf32, #tpu.memory_space<vmem>>, vector<1x16xf32>,
        %get3A_2113 = vector.shape_cast %get3A_2112 : vector<1x16xf32> to vector<16xf32>
        %mul3A_2114 = vector.broadcast %squeeze3A_2002 : f32 to vector<16xf32>
        %mul3A_2115 = arith.mulf %get3A_2113, %mul3A_2114 : vector<16xf32>
        %add3A_2116 = arith.constant 15 : i32
        %add3A_2117 = arith.addi %mul3A_173, %add3A_2116 : i32
        %swap3A_2118 = arith.index_cast %add3A_2117 : i32 to index
        %swap3A_2119 = arith.constant 112 : index
        %swap3A_2120 = tpu.vector_load %arg9[%swap3A_2118, %swap3A_2119] {strides = array<i32>} : memref<128x128xf32, #tpu.memory_space<vmem>>, vector<1x16xf32>,
        %swap3A_2121 = vector.shape_cast %swap3A_2120 : vector<1x16xf32> to vector<16xf32>
        %swap3A_2122 = vector.shape_cast %mul3A_2115 : vector<16xf32> to vector<1x16xf32>
        tpu.vector_store %arg9[%swap3A_2118, %swap3A_2119], %swap3A_2122 {strides = array<i32>} : memref<128x128xf32, #tpu.memory_space<vmem>>, vector<1x16xf32>,
      }
      %scan3A_166 = arith.constant 8 : i32
      "tpu.region"() ({
        %run_scoped3A = tpu.sem_alloc : memref<!tpu.dma_semaphore, #tpu.memory_space<semaphore_mem>>
        %dma_start3A_167 = arith.constant 0 : i32
        %dma_start3A_168 = arith.constant 0 : i32
        %dma_start3A_169 = tpu.memref_slice %arg7[%dma_start3A_167, %dma_start3A_168] : memref<10000x128xf32, #tpu.memory_space<vmem_shared>> -> memref<10000x128xf32, #tpu.memory_space<vmem_shared>>
        tpu.enqueue_indirect_dma source(%arg9 : memref<128x128xf32, #tpu.memory_space<vmem>>) target(%dma_start3A_169 : memref<10000x128xf32, #tpu.memory_space<vmem_shared>>) offsets(%arg13 : memref<128xi32, #tpu.memory_space<vmem>>) semaphore(%run_scoped3A : memref<!tpu.dma_semaphore, #tpu.memory_space<semaphore_mem>>) {add = true}
        %dma_wait3A_170 = arith.constant 0 : i32
        %dma_wait3A_171 = arith.constant 0 : i32
        %dma_wait3A_172 = tpu.memref_slice %arg7[%dma_wait3A_170, %dma_wait3A_171] : memref<10000x128xf32, #tpu.memory_space<vmem_shared>> -> memref<10000x128xf32, #tpu.memory_space<vmem_shared>>
        tpu.wait_indirect_dma semaphore(%run_scoped3A : memref<!tpu.dma_semaphore, #tpu.memory_space<semaphore_mem>>) src(%arg9 : memref<128x128xf32, #tpu.memory_space<vmem>>) dst(%dma_wait3A_172 : memref<10000x128xf32, #tpu.memory_space<vmem_shared>>)
        tpu.yield
      }) : () -> ()
    }
    %scan3A_63 = arith.constant 40 : i32
    %barrier3A_64 = arith.constant 0 : index
    tpu.barrier barrier_id(%barrier3A_64)
    "tpu.region"() ({
      %run_scoped3A = tpu.sem_alloc : memref<!tpu.dma_semaphore, #tpu.memory_space<semaphore_mem>>
      %dma_start3A_70 = arith.constant 0 : i32
      %dma_start3A_71 = tpu.memref_slice %arg6[%arg0, %mul3A_8, %dma_start3A_70] : memref<2x10000x128xf32, #tpu.memory_space<hbm>> -> memref<1x624x128xf32, #tpu.memory_space<hbm>>
      %dma_start3A_72 = tpu.memref_squeeze %dma_start3A_71 : memref<1x624x128xf32, #tpu.memory_space<hbm>> -> memref<624x128xf32, #tpu.memory_space<hbm>>
      %dma_start3A_73 = arith.constant 0 : i32
      %dma_start3A_74 = tpu.memref_slice %arg7[%mul3A_8, %dma_start3A_73] : memref<10000x128xf32, #tpu.memory_space<vmem_shared>> -> memref<624x128xf32, #tpu.memory_space<vmem_shared>>
      tpu.enqueue_dma source(%dma_start3A_74 : memref<624x128xf32, #tpu.memory_space<vmem_shared>>) target(%dma_start3A_72 : memref<624x128xf32, #tpu.memory_space<hbm>>) target_semaphore(%run_scoped3A : memref<!tpu.dma_semaphore, #tpu.memory_space<semaphore_mem>>)
      %dma_wait3A = arith.constant 0 : i32
      %dma_wait3A_75 = tpu.memref_slice %arg6[%arg0, %mul3A_8, %dma_wait3A] : memref<2x10000x128xf32, #tpu.memory_space<hbm>> -> memref<1x624x128xf32, #tpu.memory_space<hbm>>
      %dma_wait3A_76 = tpu.memref_squeeze %dma_wait3A_75 : memref<1x624x128xf32, #tpu.memory_space<hbm>> -> memref<624x128xf32, #tpu.memory_space<hbm>>
      %dma_wait3A_77 = arith.constant 0 : i32
      %dma_wait3A_78 = tpu.memref_slice %arg7[%mul3A_8, %dma_wait3A_77] : memref<10000x128xf32, #tpu.memory_space<vmem_shared>> -> memref<624x128xf32, #tpu.memory_space<vmem_shared>>
      tpu.wait_dma2 semaphore(%run_scoped3A : memref<!tpu.dma_semaphore, #tpu.memory_space<semaphore_mem>>) src(%dma_wait3A_78 : memref<624x128xf32, #tpu.memory_space<vmem_shared>>) dst(%dma_wait3A_76 : memref<624x128xf32, #tpu.memory_space<hbm>>)
      tpu.yield
    }) : () -> ()
    %eq3A_65 = arith.constant 15 : i32
    %eq3A_66 = arith.cmpi eq, %arg1, %eq3A_65 : i32
    %convert_element_type3A_67 = arith.extui %eq3A_66 : i1 to i32
    %cond3A_68 = arith.constant 0 : i32
    %cond3A_69 = arith.cmpi ne, %convert_element_type3A_67, %cond3A_68 : i32
    scf.if %cond3A_69 {
      "tpu.region"() ({
        %run_scoped3A = tpu.sem_alloc : memref<!tpu.dma_semaphore, #tpu.memory_space<semaphore_mem>>
        %dma_start3A_70 = arith.constant 9984 : i32
        %dma_start3A_71 = arith.constant 0 : i32
        %dma_start3A_72 = tpu.memref_slice %arg6[%arg0, %dma_start3A_70, %dma_start3A_71] : memref<2x10000x128xf32, #tpu.memory_space<hbm>> -> memref<1x16x128xf32, #tpu.memory_space<hbm>>
        %dma_start3A_73 = tpu.memref_squeeze %dma_start3A_72 : memref<1x16x128xf32, #tpu.memory_space<hbm>> -> memref<16x128xf32, #tpu.memory_space<hbm>>
        %dma_start3A_74 = arith.constant 9984 : i32
        %dma_start3A_75 = arith.constant 0 : i32
        %dma_start3A_76 = tpu.memref_slice %arg7[%dma_start3A_74, %dma_start3A_75] : memref<10000x128xf32, #tpu.memory_space<vmem_shared>> -> memref<16x128xf32, #tpu.memory_space<vmem_shared>>
        tpu.enqueue_dma source(%dma_start3A_76 : memref<16x128xf32, #tpu.memory_space<vmem_shared>>) target(%dma_start3A_73 : memref<16x128xf32, #tpu.memory_space<hbm>>) target_semaphore(%run_scoped3A : memref<!tpu.dma_semaphore, #tpu.memory_space<semaphore_mem>>)
        %dma_wait3A = arith.constant 9984 : i32
        %dma_wait3A_77 = arith.constant 0 : i32
        %dma_wait3A_78 = tpu.memref_slice %arg6[%arg0, %dma_wait3A, %dma_wait3A_77] : memref<2x10000x128xf32, #tpu.memory_space<hbm>> -> memref<1x16x128xf32, #tpu.memory_space<hbm>>
        %dma_wait3A_79 = tpu.memref_squeeze %dma_wait3A_78 : memref<1x16x128xf32, #tpu.memory_space<hbm>> -> memref<16x128xf32, #tpu.memory_space<hbm>>
        %dma_wait3A_80 = arith.constant 9984 : i32
        %dma_wait3A_81 = arith.constant 0 : i32
        %dma_wait3A_82 = tpu.memref_slice %arg7[%dma_wait3A_80, %dma_wait3A_81] : memref<10000x128xf32, #tpu.memory_space<vmem_shared>> -> memref<16x128xf32, #tpu.memory_space<vmem_shared>>
        tpu.wait_dma2 semaphore(%run_scoped3A : memref<!tpu.dma_semaphore, #tpu.memory_space<semaphore_mem>>) src(%dma_wait3A_82 : memref<16x128xf32, #tpu.memory_space<vmem_shared>>) dst(%dma_wait3A_79 : memref<16x128xf32, #tpu.memory_space<hbm>>)
        tpu.yield
      }) : () -> ()
    } else {
    }
    return
  }
}

module attributes {stable_mosaic.version = 14 : i64} {
  func.func @_matmul_body(%arg0: i32, %arg1: memref<1000x128xf32, #tpu.memory_space<vmem>>, %arg2: memref<128x128xf32, #tpu.memory_space<vmem>>, %arg3: memref<1000x128xf32, #tpu.memory_space<vmem>>) attributes {dimension_semantics = [#tpu.dimension_semantics<arbitrary>], iteration_bounds = array<i64: 10>, scalar_prefetch = 0 : i64, scratch_operands = 0 : i64, tpu.core_type = #tpu.core_type<tc>, window_params = [{transform_indices = @transform_0, window_bounds = array<i64: 1000, 128>}, {pipeline_mode = #tpu.pipeline_mode<synchronous>, transform_indices = @transform_1, window_bounds = array<i64: 128, 128>}, {transform_indices = @transform_2, window_bounds = array<i64: 1000, 128>}]} {
    %get3A = arith.constant 0 : index
    %get3A_0 = arith.constant 0 : index
    %get3A_1 = vector.load %arg1[%get3A, %get3A_0] : memref<1000x128xf32, #tpu.memory_space<vmem>>, vector<1000x128xf32>
    %get3A_2 = arith.constant 0 : index
    %get3A_3 = arith.constant 0 : index
    %get3A_4 = vector.load %arg2[%get3A_2, %get3A_3] : memref<128x128xf32, #tpu.memory_space<vmem>>, vector<128x128xf32>
    %dot_general3A = arith.constant dense<0.000000e+00> : vector<1000x128xf32>
    %dot_general3A_5 = tpu.matmul %get3A_1, %get3A_4, %dot_general3A {dimension_numbers = #tpu.dot_dimension_numbers<[1], [0], [0], [1], [0, 0, 1, 1], [], []>, transpose_lhs_hint = false} : vector<1000x128xf32>, vector<128x128xf32>, vector<1000x128xf32> -> vector<1000x128xf32>
    %swap3A = arith.constant 0 : index
    %swap3A_6 = arith.constant 0 : index
    %swap3A_7 = vector.load %arg3[%swap3A, %swap3A_6] : memref<1000x128xf32, #tpu.memory_space<vmem>>, vector<1000x128xf32>
    tpu.vector_store %arg3[%swap3A, %swap3A_6], %dot_general3A_5 {strides = array<i32>} : memref<1000x128xf32, #tpu.memory_space<vmem>>, vector<1000x128xf32>,
    return
  }
  func.func @transform_0(%arg0: i32) -> (i32, i32) {
    %c0_i32 = arith.constant 0 : i32
    %c0_i32_0 = arith.constant 0 : i32
    return %arg0, %c0_i32 : i32, i32
  }
  func.func @transform_1(%arg0: i32) -> (i32, i32) {
    %c0_i32 = arith.constant 0 : i32
    %c0_i32_0 = arith.constant 0 : i32
    %c0_i32_1 = arith.constant 0 : i32
    return %c0_i32, %c0_i32_0 : i32, i32
  }
  func.func @transform_2(%arg0: i32) -> (i32, i32) {
    %c0_i32 = arith.constant 0 : i32
    %c0_i32_0 = arith.constant 0 : i32
    return %arg0, %c0_i32 : i32, i32
  }
}

module attributes {stable_mosaic.version = 14 : i64} {
  func.func @_combine_body(%arg0: i32, %arg1: memref<2x1000x128xf32, #tpu.memory_space<vmem>>, %arg2: memref<1x128xf32, #tpu.memory_space<vmem>>, %arg3: memref<1000x128xf32, #tpu.memory_space<vmem>>) attributes {dimension_semantics = [#tpu.dimension_semantics<arbitrary>], iteration_bounds = array<i64: 10>, scalar_prefetch = 0 : i64, scratch_operands = 0 : i64, tpu.core_type = #tpu.core_type<tc>, window_params = [{transform_indices = @transform_0, window_bounds = array<i64: 2, 1000, 128>}, {pipeline_mode = #tpu.pipeline_mode<synchronous>, transform_indices = @transform_1, window_bounds = array<i64: 1, 128>}, {transform_indices = @transform_2, window_bounds = array<i64: 1000, 128>}]} {
    %get3A = arith.constant 0 : index
    %get3A_0 = arith.constant 0 : index
    %get3A_1 = arith.constant 0 : index
    %get3A_2 = vector.load %arg1[%get3A, %get3A_0, %get3A_1] : memref<2x1000x128xf32, #tpu.memory_space<vmem>>, vector<1x1000x128xf32>
    %get3A_3 = vector.shape_cast %get3A_2 : vector<1x1000x128xf32> to vector<1000x128xf32>
    %get3A_4 = arith.constant 1 : index
    %get3A_5 = arith.constant 0 : index
    %get3A_6 = arith.constant 0 : index
    %get3A_7 = vector.load %arg1[%get3A_4, %get3A_5, %get3A_6] : memref<2x1000x128xf32, #tpu.memory_space<vmem>>, vector<1x1000x128xf32>
    %get3A_8 = vector.shape_cast %get3A_7 : vector<1x1000x128xf32> to vector<1000x128xf32>
    %add3A = arith.addf %get3A_3, %get3A_8 : vector<1000x128xf32>
    %get3A_9 = arith.constant 0 : index
    %get3A_10 = arith.constant 0 : index
    %get3A_11 = vector.load %arg2[%get3A_9, %get3A_10] : memref<1x128xf32, #tpu.memory_space<vmem>>, vector<1x128xf32>
    %add3A_12 = vector.broadcast %get3A_11 : vector<1x128xf32> to vector<1000x128xf32>
    %add3A_13 = arith.addf %add3A, %add3A_12 : vector<1000x128xf32>
    %swap3A = arith.constant 0 : index
    %swap3A_14 = arith.constant 0 : index
    %swap3A_15 = vector.load %arg3[%swap3A, %swap3A_14] : memref<1000x128xf32, #tpu.memory_space<vmem>>, vector<1000x128xf32>
    tpu.vector_store %arg3[%swap3A, %swap3A_14], %add3A_13 {strides = array<i32>} : memref<1000x128xf32, #tpu.memory_space<vmem>>, vector<1000x128xf32>,
    return
  }
  func.func @transform_0(%arg0: i32) -> (i32, i32, i32) {
    %c0_i32 = arith.constant 0 : i32
    %c0_i32_0 = arith.constant 0 : i32
    %c0_i32_1 = arith.constant 0 : i32
    return %c0_i32, %arg0, %c0_i32_0 : i32, i32, i32
  }
  func.func @transform_1(%arg0: i32) -> (i32, i32) {
    %c0_i32 = arith.constant 0 : i32
    %c0_i32_0 = arith.constant 0 : i32
    %c0_i32_1 = arith.constant 0 : i32
    return %c0_i32, %c0_i32_0 : i32, i32
  }
  func.func @transform_2(%arg0: i32) -> (i32, i32) {
    %c0_i32 = arith.constant 0 : i32
    %c0_i32_0 = arith.constant 0 : i32
    return %arg0, %c0_i32 : i32, i32
  }
}

</mosaic_0001>

<sc_bundles>
// kernel: kernel.5.cloned.1.call-start
scs
__scs_entry_jumppad:
0x0: {  	(pc) =	sbr.rel $0x88, $3  }
0x1: {  	(tag) =	ssettag $0x0;
	lr =	simm.s32 $0x1  }
0x2: {  	[smem:$0x3F9C] =	sst lr;
	_ =	strace $0xD0000000  }
0x3: {  	_ = 	snop  }
0x4: {  	_ = 	snop  }
0x5: {  	_ = 	snop  }
0x6: {  	_ = 	snop  }
0x7: {  	_ = 	snop  }
__scs_overlays_trampoline_lowered:
0x8: {  	[smem:$0x3FAB] =	sst s0  }
0x9: {  	[smem:$0x3FAC] =	sst s1  }
0xa: {  	[smem:$0x3FAD] =	sst s2  }
0xb: {  	[smem:$0x3FAE] =	sst s3  }
0xc: {  	[smem:$0x3FAF] =	sst s4  }
0xd: {  	[smem:$0x3FB0] =	sst s5  }
0xe: {  	[smem:$0x3FB1] =	sst s6  }
0xf: {  	[smem:$0x3FB2] =	sst s7  }
0x10: {  	[smem:$0x3FB3] =	sst s8  }
0x11: {  	[smem:$0x3FB4] =	sst s9;
	s0 =	simm.s32 @!p0 $0x0  }
0x12: {  	s1 =	sld [smem:$0x3F9A];
	s0 =	simm.s32 @p0 $0x1  }
0x13: {  	[smem:$0x3FB5] =	sst s0;
	s0 =	simm.s32 @!p1 $0x0  }
0x14: {  	s2 =	sld [smem:$0x3F99];
	s0 =	simm.s32 @p1 $0x1  }
0x15: {  	[smem:$0x3FB6] =	sst s0;
	s0 =	simm.s32 @!p2 $0x0  }
0x16: {  	s3 =	sld [smem:$0x3FDB];
	s0 =	simm.s32 @p2 $0x1  }
0x17: {  	s4 =	simm.s32 $0x1BF5;
	[smem:$0x3FB8] =	sst s0  }
0x18: {  	s0 =	sld [smem:$0x3F9B];
	_ =	swait.ge [sflag:s4], $0x0  }
0x19: {  	s7 =	sld [smem:$0x3F9C]  }
0x1a: {  	s8 =	sadd.s32 $0xFFFFE003, lr  }
0x1b: {  	s9 =	sadd.s32 $0xFFFFFEF7, lr;
	s5 =	simm.s32 $0xFFFFFFFF;
	p2 =	slt.u32 s8, $0xFFFFF086  }
0x1c: {  	p1 =	slt.u32 s9, $0xF7A;
	s5 =	simm.s32 @!p2 $0x0  }
0x1d: {  	s5 =	simm.s32 @p1 $0x1;
	p0 =	seq.s32 s7, s2  }
0x1e: {  	s7 =	smul.u32 @!p0 $0xF7A, s2;
	p2 =	seq.s32 @!p0 s5, $0x0  }
0x1f: {  	s9 =	smul.u32 $0xF7A, s1;
	s8 =	simm.s32 @!p0 $0x1BF5;
	p2 =	por !p2, p0  }
0x20: {  	[sflag:s8] =	ssyncset.s32 @!p0 $0xFFFFF086;
	s6 =	sadd.s32 @!p0 s3, s7;
	s7 =	simm.s32 @!p0 $0x108  }
0x21: {  	s3 =	sadd.s32 s3, s9;
	s6 =	sadd.s32 @!p0 $0x88, s6;
	s7 =	simm.s32 @p2 $0x1082  }
0x22: {  	[simem:s7], [sflag:s8] =	dma.local @!p0 [hbm:s6], $0xF7A  }
0x23: {  	s9 =	sor.u32 $0xD0000000, s2;
	s6 =	simm.s32 $0x108;
	_ =	swait.ge @!p0 [sflag:s8], $0x0  }
0x24: {  	s3 =	sadd.s32 $0x88, s3;
	s6 =	simm.s32 @!p1 $0x1082;
	[sflag:s4] =	ssyncset.s32 $0xFFFFF086  }
0x25: {  	[simem:s6], [sflag:s4] =	dma.local [hbm:s3], $0xF7A  }
0x26: {  	[smem:$0x3F9C] =	sst s1;
	(tag) =	ssettag s2;
	_ =	strace s9  }
0x27: {  	s1 =	sld [smem:$0x3FAC]  }
0x28: {  	s2 =	sld [smem:$0x3FAD]  }
0x29: {  	s4 =	sld [smem:$0x3FAF]  }
0x2a: {  	p0 =	seq.s32 s5, $0x0;
	s5 =	sld [smem:$0x3FB0]  }
0x2b: {  	s6 =	sld [smem:$0x3FB1]  }
0x2c: {  	s7 =	sld [smem:$0x3FB2]  }
0x2d: {  	s3 =	simm.s32 $0x108;
	s8 =	sld [smem:$0x3FB3]  }
0x2e: {  	s3 =	simm.s32 @!p0 $0x1082;
	s9 =	sld [smem:$0x3FB4]  }
0x2f: {  	lr =	sadd.s32 s0, s3;
	s0 =	sld [smem:$0x3FAB]  }
0x30: {  	s3 =	sld [smem:$0x3FAE]  }
0x31: {  	[smem:$0x3FB7] =	sst s10  }
0x32: {  	s10 =	sld [smem:$0x3FB5];
	_ =	sdelay $0x3  }
0x33: {  	p0 =	seq.s32 s10, $0x1;
	s10 =	sld [smem:$0x3FB7];
	_ =	sdelay $0x3  }
0x34: {  	[smem:$0x3FB7] =	sst s10  }
0x35: {  	s10 =	sld [smem:$0x3FB6];
	_ =	sdelay $0x3  }
0x36: {  	p1 =	seq.s32 s10, $0x1;
	s10 =	sld [smem:$0x3FB7];
	_ =	sdelay $0x3  }
0x37: {  	[smem:$0x3FB7] =	sst s10  }
0x38: {  	s10 =	sld [smem:$0x3FB8]  }
0x39: {  	_ = 	snop;
	(pc) =	sbr.ind lr, $3  }
0x3a: {  	_ = 	snop  }
0x3b: {  	_ = 	snop  }
0x3c: {  	p2 =	seq.s32 s10, $0x1;
	s10 =	sld [smem:$0x3FB7]  }
0x3d: {  	_ =	shalt  }
0x3e: {  	_ =	shalt  }
0x3f: {  	_ =	shalt  }
0x40: {  	_ =	shalt  }
0x41: {  	_ =	shalt  }
0x42: {  	_ =	shalt  }
0x43: {  	_ =	shalt  }
0x44: {  	_ =	shalt  }
0x45: {  	_ =	shalt  }
0x46: {  	_ =	shalt  }
0x47: {  	_ =	shalt  }
0x48: {  	_ =	shalt  }
0x49: {  	_ =	shalt  }
0x4a: {  	_ =	shalt  }
0x4b: {  	_ =	shalt  }
0x4c: {  	_ =	shalt  }
0x4d: {  	_ =	shalt  }
0x4e: {  	_ =	shalt  }
0x4f: {  	_ =	shalt  }
0x50: {  	_ =	shalt  }
0x51: {  	_ =	shalt  }
0x52: {  	_ =	shalt  }
0x53: {  	_ =	shalt  }
0x54: {  	_ =	shalt  }
0x55: {  	_ =	shalt  }
0x56: {  	_ =	shalt  }
0x57: {  	_ =	shalt  }
0x58: {  	_ =	shalt  }
0x59: {  	_ =	shalt  }
0x5a: {  	_ =	shalt  }
0x5b: {  	_ =	shalt  }
0x5c: {  	_ =	shalt  }
0x5d: {  	_ =	shalt  }
0x5e: {  	_ =	shalt  }
0x5f: {  	_ =	shalt  }
0x60: {  	_ =	shalt  }
0x61: {  	_ =	shalt  }
0x62: {  	_ =	shalt  }
0x63: {  	_ =	shalt  }
0x64: {  	_ =	shalt  }
0x65: {  	_ =	shalt  }
0x66: {  	_ =	shalt  }
0x67: {  	_ =	shalt  }
0x68: {  	_ =	shalt  }
0x69: {  	_ =	shalt  }
0x6a: {  	_ =	shalt  }
0x6b: {  	_ =	shalt  }
0x6c: {  	_ =	shalt  }
0x6d: {  	_ =	shalt  }
0x6e: {  	_ =	shalt  }
0x6f: {  	_ =	shalt  }
0x70: {  	_ =	shalt  }
0x71: {  	_ =	shalt  }
0x72: {  	_ =	shalt  }
0x73: {  	_ =	shalt  }
0x74: {  	_ =	shalt  }
0x75: {  	_ =	shalt  }
0x76: {  	_ =	shalt  }
0x77: {  	_ =	shalt  }
0x78: {  	_ =	shalt  }
0x79: {  	_ =	shalt  }
0x7a: {  	_ =	shalt  }
0x7b: {  	_ =	shalt  }
0x7c: {  	_ =	shalt  }
0x7d: {  	_ =	shalt  }
0x7e: {  	_ =	shalt  }
0x7f: {  	_ =	shalt  }
0x80: {  	_ =	shalt  }
0x81: {  	_ =	shalt  }
0x82: {  	_ =	shalt  }
0x83: {  	_ =	shalt  }
0x84: {  	_ =	shalt  }
0x85: {  	_ =	shalt  }
0x86: {  	_ =	shalt  }
0x87: {  	_ =	shalt  }
.Lfunc_end0:
.L_simem_size_0:
called_computation_lowered:
.L_overlay_start_0:
0x88: {  	s2 =	sld [smem:$0x3FD9]  }
0x89: {  	s3 =	sld [smem:$0x3FFE];
	_ =	sdelay $0x1  }
0x8a: {  	s1 =	srdreg.scid  }
0x8b: {  	s0 =	sand.u32 $0x1, s1  }
0x8c: {  	s17 =	sshll.u32 s0, $0xA;
	s2 =	sadd.s32 s3, s2  }
0x8d: {  	s2 =	sadd.s32 s2, s17  }
0x8e: {  	[smem:$0x3FC3] =	sst s2  }
0x8f: {  	_ = 	snop  }
0x90: {  	s2 =	sld [smem:$0x3FD0];
	(tm) =	ssettm $0x1  }
0x91: {  	s18 =	sld [smem:$0x3FFB];
	_ =	sdelay $0x3  }
0x92: {  	_ =	strace s18  }
0x93: {  	s3 =	sld [smem:$0x3FFC];
	_ =	sdelay $0x3  }
0x94: {  	_ =	strace s3  }
0x95: {  	s3 =	sld [smem:$0x3FFD];
	_ =	sdelay $0x3  }
0x96: {  	_ =	strace s3  }
0x97: {  	_ =	strace $0x8FFFFFFF  }
0x98: {  	s19 =	sld [smem:$0x3FDB];
	_ =	sdelay $0x1  }
0x99: {  	s4 =	simm.s32 $_scs_section_size  }
0x9a: {  	s5 =	simm.s32 $_size__tile_overlayer_lowered;
	s6 =	simm.s32 $_tile_overlayer_lowered  }
0x9b: {  	s22 =	simm.s32 $0x1BFF;
	s21 =	sshll.u32 s6, $0x1;
	s3 =	sadd.s32 s4, s19  }
0x9c: {  	s7 =	simm.s32 $0x0;
	s20 =	sshll.u32 s5, $0x1;
	s5 =	sadd.s32 s21, s3  }
0x9d: {  	[timem:s7], [sflag:s22] =	dma.local [hbm:s5], s20  }
0x9e: {  	_ =	swait.ge [sflag:s22], s20  }
0x9f: {  	s4 =	ssub.s32 $0x0, s20;
	[sflag:s22] =	ssyncset.done $0x0  }
0xa0: {  	[sflag:s22] =	ssyncadd.s32 s4;
	_ =	sdelay $0x1  }
0xa1: {  	s23 =	simm.s32 $0x1B8B  }
0xa2: {  	_ =	swait.ge [sflag:s23], $0x1  }
0xa3: {  	[sflag:s23] =	ssyncset.done $0x0  }
0xa4: {  	s25 =	simm.s32 $0x1B8E;
	s24 =	sld [smem:$0x3FFE];
	[sflag:s23] =	ssyncadd.s32 $0xFFFFFFFF  }
0xa5: {  	s26 =	simm.s32 $execute0_lowered;
	[smem:$0x3FD2] =	sst s25  }
0xa6: {  	s5 =	sshll.u32 s26, $0x1;
	_ =	strace $0x80000046;
	[dreg:$0x1] =	wrdreg $0xFFFFFFFF  }
0xa7: {  	s28 =	simm.s32 $_size_execute0_lowered;
	s3 =	sadd.s32 s3, s5;
	[dreg:$0x0] =	wrdreg $0x0  }
0xa8: {  	s5 =	sshll.u32 s28, $0x1;
	[dreg:$0x2] =	wrdreg s3  }
0xa9: {  	[dreg:$0x3] =	wrdreg s5  }
0xaa: {  	[dreg:$0x4] =	wrdreg $0xC0  }
0xab: {  	_ =	task [dreg:s7], $0x5FFFF  }
0xac: {  	[dreg:$0x1] =	wrdreg $0xFFFFFFFF  }
0xad: {  	[dreg:$0x0] =	wrdreg $0x60  }
0xae: {  	[dreg:$0x2] =	wrdreg s2  }
0xaf: {  	[dreg:$0x3] =	wrdreg s24  }
0xb0: {  	[dreg:$0x4] =	wrdreg $0x0  }
0xb1: {  	[dreg:$0x5] =	wrdreg $0x9  }
0xb2: {  	_ =	task.clear_ibuf [dreg:s7], $0x6FFFF;
	_ =	strace $0x90000046  }
0xb3: {  	s29 =	simm.s32 $0x9;
	_ =	strace $0x80000048  }
0xb4: {  	_ =	swait.ge [sflag:s29], $0x1  }
0xb5: {  	[sflag:s29] =	ssyncadd.s32 $0xFFFFFFFF  }
0xb6: {  	_ =	strace $0x90000048  }
0xb7: {  	_ =	sfence  }
0xb8: {  	s30 =	sld [smem:$0x0];
	_ =	sdelay $0x2  }
0xb9: {  	s31 =	sshll.u32 s1, $0xD;
	s1 =	sshrl.u32 s1, $0x2  }
0xba: {  	s3 =	sand.u32 $0x4000, s31;
	s1 =	sadd.s32 s1, s30  }
0xbb: {  	s0 =	sor.u32 s3, s0;
	s1 =	sshll.u32 s1, $0x11  }
0xbc: {  	s0 =	sor.u32 s1, s0  }
0xbd: {  	s0 =	sadd.s32 $0x8F2B, s0  }
0xbe: {  	[sflag:s0] =	ssyncadd.remote.s32 $0x1  }
0xbf: {  	_ =	sfence.sel $0xFFFF  }
0xc0: {  	[dreg:$0x0] =	wrdreg $0xFFFFFFFF;
	(pc) =	sbr.abs _section_cstart, $3  }
0xc1: {  	[dreg:$0x1] =	wrdreg $0xFFFFFFFF  }
0xc2: {  	_ =	task.clear_ibuf [dreg:s7], $0x2FFFF;
	_ =	strace $0x9FFFFFFF  }
0xc3: {  	(tm) =	ssettm $0x7FFFFFFF  }
tec
execute0_lowered:
.L_overlay_start_1:
0x0: {  	(tag) =	ssettag $0x1  }
0x1: {  	s1 =	rddreg [dreg:$0x0]  }
0x2: {  	s0 =	rddreg [dreg:$0x1]  }
0x3: {  	s2 =	rddreg [dreg:$0x2];
	s13 =	simm.s32 $0x0;
	s4 =	stileid.u32  }
0x4: {  	s3 =	srdreg.scid;
	s28 =	simm.s32 $0x20;
	s30 =	simm.s32 $0x1B900  }
0x5: {  	s29 =	simm.s32 $0x1B920;
	s14 =	simm.s32 $0x80;
	s15 =	simm.s32 $0x2  }
0x6: {  	[smem:$0x7FF] =	sst s13;
	s5 =	sadd.s32 $0xAE00, s0;
	s6 =	sadd.s32 $0xE00, s0  }
0x7: {  	s8 =	smul.u32 $0x4E000, s4;
	s7 =	sadd.s32 $0x14E00, s0;
	s0 =	sadd.s32 $0x1EE00, s0  }
0x8: {  	s3 =	sand.u32 $0x1, s3;
	s10 =	sshll.u32 s4, $0x1;
	s12 =	smul.u32 $0x13800, s4  }
0x9: {  	s9 =	ssub.s32 $0x2, s3;
	s10 =	sor.u32 s3, s10;
	s3 =	smul.u32 $0x138800, s3  }
0xa: {  	p0 =	sne.s32 s4, $0xF;
	_ =	strace $0x80000047;
	s17 =	smul.u32 $0x500, s10  }
0xb: {  	s8 =	sshrl.u32 s8, $0x2;
	s11 =	sshrl.u32 s9, $0x1;
	s10 =	smul.u32 $0x50, s10  }
0xc: {  	s19 =	sadd.s32 s8, s2;
	s9 =	ssub.s32 s9, s11;
	s25 =	sadd.s32 s12, s3  }
0xd: {  	s3 =	sshrl.u32 s3, $0x3;
	s8 =	sadd.s32 $0x4000, s19;
	[dreg:$0x5] =	wrdreg s19  }
0xe: {  	s12 =	simm.s32 $0x1;
	s18 =	sadd.s32 $0x8000, s19;
	[dreg:$0x6] =	wrdreg s8  }
0xf: {  	s20 =	sadd.s32 $0xC000, s19;
	s21 =	sadd.s32 $0x10000, s19;
	[dreg:$0x7] =	wrdreg s18  }
0x10: {  	s22 =	sadd.s32 s6, s17;
	s23 =	sadd.s32 s7, s17;
	[dreg:$0x8] =	wrdreg s20  }
0x11: {  	s24 =	sadd.s32 s5, s17;
	s17 =	sor.u32 $0x1, s10;
	[dreg:$0x9] =	wrdreg s21  }
0x12: {  	s11 =	sshrl.u32 s25, $0x3;
	s3 =	sadd.s32 s0, s3;
	[dreg:$0xb] =	wrdreg s22  }
0x13: {  	s31 =	smax.u32 s9, $0x1;
	s25 =	simm.s32 $0x17880;
	[dreg:$0xc] =	wrdreg s23  }
0x14: {  	s9 =	simm.s32 $0x19880;
	s20 =	sadd.s32 $0x138000, s2;
	[dreg:$0xd] =	wrdreg s24  }
0x15: {  	s18 =	sor.u32 $0x2, s10;
	s0 =	sadd.s32 s0, s11;
	s26 =	sadd.s32 $0x27000, s3  }
0x16: {  	[dreg:$0x10] =	wrdreg s31;
	s22 =	simm.s32 $0x13880;
	s23 =	simm.s32 $0x3  }
0x17: {  	s3 =	simm.s32 $0x18880;
	s24 =	simm.s32 $0x1B940;
	[dreg:$0xe] =	wrdreg s0  }
0x18: {  	s10 =	simm.s32 $0x1B960;
	s11 =	simm.s32 $0x1A880;
	[dreg:$0xf] =	wrdreg s26  }
0x19: {  	v0 =	vimm.f32 $0.0e+00;
	s26 =	simm.s32 $0x1B980;
	s0 =	simm.s32 $0x1BA00;
	[dreg:$0xa] =	wrdreg s20  }
.LBB2_1:
0x1a: {  	[dreg:$0x4] =	wrdreg s13;
	s13 =	simm.s32 $0x0;
	s16 =	simm.s32 $0x200  }
.LBB2_2:
0x1b: {  	p1 =	sne.s32 s16, $0xFE00;
	[tilespmem:s13+$0x138F0] =	vst v0  }
0x1c: {  	[tilespmem:s13+$0x13880] =	vst v0  }
0x1d: {  	[tilespmem:s13+$0x13890] =	vst v0  }
.Ltmp0:
0x1e: {  	[tilespmem:s13+$0x138A0] =	vst v0;
	(pc) =	sbr.rel @p1 .LBB2_2-.Ltmp0, $4  }
0x1f: {  	[tilespmem:s13+$0x138B0] =	vst v0  }
0x20: {  	[tilespmem:s13+$0x138C0] =	vst v0  }
0x21: {  	[tilespmem:s13+$0x138D0] =	vst v0  }
0x22: {  	[tilespmem:s13+$0x138E0] =	vst v0;
	s13 =	sshra.s32 s16, $0x2;
	s16 =	sadd.s32 $0x200, s16  }
0x23: {  	[tilespmem:s13+$0x138F0] =	vst v0  }
0x24: {  	[tilespmem:s13+$0x13880] =	vst v0  }
0x25: {  	[tilespmem:s13+$0x13890] =	vst v0  }
0x26: {  	[tilespmem:s13+$0x138A0] =	vst v0  }
0x27: {  	[tilespmem:s13+$0x138B0] =	vst v0  }
0x28: {  	[tilespmem:s13+$0x138C0] =	vst v0  }
0x29: {  	[tilespmem:s13+$0x138D0] =	vst v0  }
0x2a: {  	[tilespmem:s13+$0x138E0] =	vst v0  }
0x2b: {  	[spmem:s19] =	stream.linear.scatter [tilespmem:s22], [sflag:$0x3], $0x4000, $0x38;
	[tilespmem:$0x1BB80] =	vst v63  }
0x2c: {  	_ =	swait.ge [sflag:s23], $0x4000  }
0x2d: {  	[sflag:s23] =	ssyncset.done $0x0  }
0x2e: {  	s4 =	rddreg [dreg:$0x6];
	[sflag:s23] =	ssyncadd.s32 $0xFFFFC000  }
0x2f: {  	[spmem:s4] =	stream.linear.scatter [tilespmem:s22], [sflag:$0x3], $0x4000, $0x38;
	[tilespmem:$0x1BB80] =	vst v63  }
0x30: {  	_ =	swait.ge [sflag:s23], $0x4000  }
0x31: {  	[sflag:s23] =	ssyncset.done $0x0  }
0x32: {  	s8 =	rddreg [dreg:$0x7];
	[sflag:s23] =	ssyncadd.s32 $0xFFFFC000  }
0x33: {  	[spmem:s8] =	stream.linear.scatter [tilespmem:s22], [sflag:$0x3], $0x4000, $0x38;
	[tilespmem:$0x1BB80] =	vst v63  }
0x34: {  	_ =	swait.ge [sflag:s23], $0x4000  }
0x35: {  	[sflag:s23] =	ssyncset.done $0x0  }
0x36: {  	s13 =	rddreg [dreg:$0x8];
	[sflag:s23] =	ssyncadd.s32 $0xFFFFC000  }
0x37: {  	[spmem:s13] =	stream.linear.scatter [tilespmem:s22], [sflag:$0x3], $0x4000, $0x38;
	[tilespmem:$0x1BB80] =	vst v63  }
0x38: {  	_ =	swait.ge [sflag:s23], $0x4000  }
0x39: {  	[sflag:s23] =	ssyncset.done $0x0  }
0x3a: {  	s16 =	rddreg [dreg:$0x9];
	[sflag:s23] =	ssyncadd.s32 $0xFFFFC000  }
0x3b: {  	[spmem:s16] =	stream.linear.scatter [tilespmem:s22], [sflag:$0x3], $0x3800, $0x38;
	[tilespmem:$0x1BB80] =	vst v63  }
0x3c: {  	_ =	swait.ge [sflag:s23], $0x3800  }
0x3d: {  	[sflag:s23] =	ssyncset.done $0x0  }
0x3e: {  	s13 =	simm.s32 @!p0 $0x13880;
	[sflag:s23] =	ssyncadd.s32 $0xFFFFC800  }
0x3f: {  	[spmem:s20] =	stream.linear.scatter @!p0 [tilespmem:s13], [sflag:$0x3], $0x800, $0x38;
	[tilespmem:$0x1BB80] =	vst v63  }
0x40: {  	s13 =	simm.s32 @!p0 $0x3  }
0x41: {  	_ =	swait.ge @!p0 [sflag:s13], $0x800  }
0x42: {  	[sflag:s13] =	ssyncset.done @!p0 $0x0  }
0x43: {  	[sflag:s13] =	ssyncadd.s32 @!p0 $0xFFFFF800  }
0x44: {  	[bflag:$0x0] =	sbarrier.arrive $0xFFFF  }
0x45: {  	s8 =	simm.s32 $0x1B880;
	s16 =	simm.s32 $0x0;
	s19 =	rddreg [dreg:$0xb]  }
0x46: {  	[tilespmem:s8], [sflag:$0x3] =	stream.linear.gather [hbm4b:s19+s16], $0x80, $0x38;
	[tilespmem:$0x1BB80] =	vst v63  }
0x47: {  	_ =	swait.ge [sflag:s23], $0x80  }
0x48: {  	[sflag:s23] =	ssyncset.done $0x0  }
0x49: {  	s21 =	simm.s32 $0x1BA80;
	s20 =	rddreg [dreg:$0xc];
	[sflag:s23] =	ssyncadd.s32 $0xFFFFFF80  }
0x4a: {  	[tilespmem:s21], [sflag:$0x3] =	stream.linear.gather [hbm4b:s20+s16], $0x80, $0x38;
	[tilespmem:$0x1BB80] =	vst v63  }
0x4b: {  	_ =	swait.ge [sflag:s23], $0x80  }
0x4c: {  	[sflag:s23] =	ssyncset.done $0x0  }
0x4d: {  	s31 =	rddreg [dreg:$0xd];
	[sflag:s23] =	ssyncadd.s32 $0xFFFFFF80  }
0x4e: {  	[tilespmem:s26], [sflag:$0x3] =	stream.linear.gather [hbm4b:s31+s16], $0x80, $0x38;
	[tilespmem:$0x1BB80] =	vst v63  }
0x4f: {  	_ =	swait.ge [sflag:s23], $0x80  }
0x50: {  	[sflag:s23] =	ssyncset.done $0x0  }
0x51: {  	[sflag:s23] =	ssyncadd.s32 $0xFFFFFF80  }
0x52: {  	[tilespmem:s22], [sflag:$0x1] =	stream.indirect.gather [hbm4b:s1+s28], $0x80, s8, s28, $0xb8;
	[tilespmem:$0x1BB80] =	vst v63  }
0x53: {  	s13 =	simm.s32 $0x14880;
	s8 =	simm.s32 $0x1B8A0  }
0x54: {  	[tilespmem:s13], [sflag:$0x1] =	stream.indirect.gather [hbm4b:s1+s28], $0x80, s8, s28, $0xb8;
	[tilespmem:$0x1BB80] =	vst v63  }
0x55: {  	s19 =	simm.s32 $0x1B8C0;
	s20 =	simm.s32 $0x15880  }
0x56: {  	[tilespmem:s20], [sflag:$0x1] =	stream.indirect.gather [hbm4b:s1+s28], $0x80, s19, s28, $0xb8;
	[tilespmem:$0x1BB80] =	vst v63  }
0x57: {  	s21 =	simm.s32 $0x1B8E0;
	s31 =	simm.s32 $0x16880;
	s19 =	simm.s32 $0x0  }
0x58: {  	[tilespmem:s31], [sflag:$0x1] =	stream.indirect.gather [hbm4b:s1+s28], $0x80, s21, s28, $0xb8;
	[tilespmem:$0x1BB80] =	vst v63  }
.LBB2_4:
0x59: {  	s20 =	sshll.u32 s19, $0x1  }
0x5a: {  	s13 =	sadd.s32 s20, s17  }
0x5b: {  	s13 =	sshll.u32 s13, $0x4  }
0x5c: {  	s13 =	sand.u32 $0x1FFFFFF0, s13  }
0x5d: {  	s21 =	sadd.s32 s6, s13  }
0x5e: {  	[tilespmem:s30], [sflag:$0x3] =	stream.linear.gather [hbm4b:s21+s16], $0x80, $0x38;
	[tilespmem:$0x1BB80] =	vst v63  }
0x5f: {  	_ =	swait.ge [sflag:s23], $0x80  }
0x60: {  	[sflag:s23] =	ssyncset.done $0x0  }
0x61: {  	s4 =	simm.s32 $0x1BB00;
	s8 =	sadd.s32 s7, s13;
	[sflag:s23] =	ssyncadd.s32 $0xFFFFFF80  }
0x62: {  	[tilespmem:s4], [sflag:$0x3] =	stream.linear.gather [hbm4b:s8+s16], $0x80, $0x38;
	[tilespmem:$0x1BB80] =	vst v63  }
0x63: {  	_ =	swait.ge [sflag:s23], $0x80  }
0x64: {  	[sflag:s23] =	ssyncset.done $0x0  }
0x65: {  	s13 =	sadd.s32 s5, s13;
	[sflag:s23] =	ssyncadd.s32 $0xFFFFFF80  }
0x66: {  	[tilespmem:s0], [sflag:$0x3] =	stream.linear.gather [hbm4b:s13+s16], $0x80, $0x38;
	[tilespmem:$0x1BB80] =	vst v63  }
0x67: {  	_ =	swait.ge [sflag:s23], $0x80  }
0x68: {  	[sflag:s23] =	ssyncset.done $0x0  }
0x69: {  	[sflag:s23] =	ssyncadd.s32 $0xFFFFFF80  }
0x6a: {  	[tilespmem:s25], [sflag:$0x2] =	stream.indirect.gather [hbm4b:s1+s28], $0x80, s30, s28, $0xb8;
	[tilespmem:$0x1BB80] =	vst v63  }
0x6b: {  	_ = 	snop  }
0x6c: {  	[tilespmem:s3], [sflag:$0x2] =	stream.indirect.gather [hbm4b:s1+s28], $0x80, s29, s28, $0xb8;
	[tilespmem:$0x1BB80] =	vst v63  }
0x6d: {  	_ = 	snop  }
0x6e: {  	[tilespmem:s9], [sflag:$0x2] =	stream.indirect.gather [hbm4b:s1+s28], $0x80, s24, s28, $0xb8;
	[tilespmem:$0x1BB80] =	vst v63  }
0x6f: {  	_ = 	snop  }
0x70: {  	[tilespmem:s11], [sflag:$0x2] =	stream.indirect.gather [hbm4b:s1+s28], $0x80, s10, s28, $0xb8;
	[tilespmem:$0x1BB80] =	vst v63  }
0x71: {  	_ =	swait.ge [sflag:s12], $0x1000  }
0x72: {  	[sflag:s12] =	ssyncset.done $0x0  }
0x73: {  	[sflag:s12] =	ssyncadd.s32 $0xFFFFF000  }
0x74: {  	_ =	swait.ge [sflag:s12], $0x1000  }
0x75: {  	[sflag:s12] =	ssyncset.done $0x0  }
0x76: {  	[sflag:s12] =	ssyncadd.s32 $0xFFFFF000  }
0x77: {  	_ =	swait.ge [sflag:s12], $0x1000  }
0x78: {  	[sflag:s12] =	ssyncset.done $0x0  }
0x79: {  	[sflag:s12] =	ssyncadd.s32 $0xFFFFF000  }
0x7a: {  	_ =	swait.ge [sflag:s12], $0x1000  }
0x7b: {  	s21 =	simm.s32 $0x0;
	[sflag:s12] =	ssyncset.done $0x0  }
0x7c: {  	s13 =	sand.u32 $0x3FFFFFF0, s21;
	[sflag:s12] =	ssyncadd.s32 $0xFFFFF000  }
0x7d: {  	s31 =	simm.s32 $0x0;
	v1 =	vld [tilespmem:s13+$0x1BA80]  }
0x7e: {  	s21 =	sand.u32 $0x3FFFF800, s31  }
0x7f: {  	v3 =	vld [tilespmem:s21+$0x138A0]  }
0x80: {  	v4 =	vld [tilespmem:s21+$0x138B0]  }
0x81: {  	v10 =	vld [tilespmem:s21+$0x138E0]  }
0x82: {  	v11 =	vld [tilespmem:s21+$0x138F0];
	v2 =	vbroadcast v1, $0x0  }
0x83: {  	v12 =	vld [tilespmem:s21+$0x13900]  }
0x84: {  	v13 =	vld [tilespmem:s21+$0x13910];
	v3 =	vmul.f32 v3, v2  }
0x85: {  	v14 =	vld [tilespmem:s21+$0x13920];
	v4 =	vmul.f32 v4, v2  }
0x86: {  	v9 =	vld [tilespmem:s21+$0x13930];
	v23 =	vbroadcast v1, $0x1;
	v22 =	vmul.f32 v10, v2;
	[tilespmem:s21+$0x138A0] =	vst v3  }
0x87: {  	v7 =	vld [tilespmem:s21+$0x13940];
	v11 =	vmul.f32 v11, v2;
	[tilespmem:s21+$0x138B0] =	vst v4  }
0x88: {  	v8 =	vld [tilespmem:s21+$0x13950];
	v12 =	vmul.f32 v12, v23;
	[tilespmem:s21+$0x138E0] =	vst v22  }
0x89: {  	v25 =	vld [tilespmem:s21+$0x13970];
	v13 =	vmul.f32 v13, v23;
	[tilespmem:s21+$0x138F0] =	vst v11  }
0x8a: {  	v26 =	vld [tilespmem:s21+$0x13980];
	v14 =	vmul.f32 v14, v23;
	[tilespmem:s21+$0x13900] =	vst v12  }
0x8b: {  	v27 =	vld [tilespmem:s21+$0x13990];
	v9 =	vmul.f32 v9, v23;
	[tilespmem:s21+$0x13910] =	vst v13  }
0x8c: {  	v6 =	vld [tilespmem:s21+$0x13DF0];
	v7 =	vmul.f32 v7, v23;
	[tilespmem:s21+$0x13920] =	vst v14  }
0x8d: {  	v24 =	vld [tilespmem:s21+$0x13960];
	v15 =	vbroadcast v1, $0x2;
	v8 =	vmul.f32 v8, v23;
	[tilespmem:s21+$0x13930] =	vst v9  }
0x8e: {  	v28 =	vld [tilespmem:s21+$0x139A0];
	v10 =	vmul.f32 v25, v23;
	[tilespmem:s21+$0x13940] =	vst v7  }
0x8f: {  	v29 =	vld [tilespmem:s21+$0x139B0];
	v5 =	vbroadcast v1, $0xA;
	v32 =	vmul.f32 v26, v15;
	[tilespmem:s21+$0x13950] =	vst v8  }
0x90: {  	v30 =	vld [tilespmem:s21+$0x139C0];
	v34 =	vmul.f32 v27, v15;
	[tilespmem:s21+$0x13970] =	vst v10  }
0x91: {  	v33 =	vld [tilespmem:s21+$0x139E0];
	v3 =	vmul.f32 v6, v5;
	[tilespmem:s21+$0x13980] =	vst v32  }
0x92: {  	v35 =	vld [tilespmem:s21+$0x139F0];
	v11 =	vmul.f32 v24, v23;
	[tilespmem:s21+$0x13990] =	vst v34  }
0x93: {  	v36 =	vld [tilespmem:s21+$0x13A00];
	v9 =	vmul.f32 v28, v15;
	[tilespmem:s21+$0x13DF0] =	vst v3  }
0x94: {  	v31 =	vld [tilespmem:s21+$0x139D0];
	v7 =	vmul.f32 v29, v15;
	[tilespmem:s21+$0x13960] =	vst v11  }
0x95: {  	v37 =	vld [tilespmem:s21+$0x13A10];
	v8 =	vmul.f32 v30, v15;
	[tilespmem:s21+$0x139A0] =	vst v9  }
0x96: {  	v38 =	vld [tilespmem:s21+$0x13A20];
	v41 =	vbroadcast v1, $0x3;
	v10 =	vmul.f32 v33, v15;
	[tilespmem:s21+$0x139B0] =	vst v7  }
0x97: {  	v39 =	vld [tilespmem:s21+$0x13A30];
	v12 =	vmul.f32 v35, v15;
	[tilespmem:s21+$0x139C0] =	vst v8  }
0x98: {  	v42 =	vld [tilespmem:s21+$0x13A50];
	v13 =	vmul.f32 v36, v41;
	[tilespmem:s21+$0x139E0] =	vst v10  }
0x99: {  	v43 =	vld [tilespmem:s21+$0x13A60];
	v11 =	vmul.f32 v31, v15;
	[tilespmem:s21+$0x139F0] =	vst v12  }
0x9a: {  	v44 =	vld [tilespmem:s21+$0x13A70];
	v9 =	vmul.f32 v37, v41;
	[tilespmem:s21+$0x13A00] =	vst v13  }
0x9b: {  	v40 =	vld [tilespmem:s21+$0x13A40];
	v7 =	vmul.f32 v38, v41;
	[tilespmem:s21+$0x139D0] =	vst v11  }
0x9c: {  	v45 =	vld [tilespmem:s21+$0x13A80];
	v8 =	vmul.f32 v39, v41;
	[tilespmem:s21+$0x13A10] =	vst v9  }
0x9d: {  	v46 =	vld [tilespmem:s21+$0x13A90];
	v10 =	vmul.f32 v42, v41;
	[tilespmem:s21+$0x13A20] =	vst v7  }
0x9e: {  	v47 =	vld [tilespmem:s21+$0x13AA0];
	v12 =	vmul.f32 v43, v41;
	[tilespmem:s21+$0x13A30] =	vst v8  }
0x9f: {  	v49 =	vld [tilespmem:s21+$0x13AC0];
	v50 =	vbroadcast v1, $0x4;
	v13 =	vmul.f32 v44, v41;
	[tilespmem:s21+$0x13A50] =	vst v10  }
0xa0: {  	v51 =	vld [tilespmem:s21+$0x13AD0];
	v11 =	vmul.f32 v40, v41;
	[tilespmem:s21+$0x13A60] =	vst v12  }
0xa1: {  	v52 =	vld [tilespmem:s21+$0x13AE0];
	v9 =	vmul.f32 v45, v50;
	[tilespmem:s21+$0x13A70] =	vst v13  }
0xa2: {  	v48 =	vld [tilespmem:s21+$0x13AB0];
	v7 =	vmul.f32 v46, v50;
	[tilespmem:s21+$0x13A40] =	vst v11  }
0xa3: {  	v53 =	vld [tilespmem:s21+$0x13AF0];
	v8 =	vmul.f32 v47, v50;
	[tilespmem:s21+$0x13A80] =	vst v9  }
0xa4: {  	v54 =	vld [tilespmem:s21+$0x13B00];
	v10 =	vmul.f32 v49, v50;
	[tilespmem:s21+$0x13A90] =	vst v7  }
0xa5: {  	v55 =	vld [tilespmem:s21+$0x13B10];
	v12 =	vmul.f32 v51, v50;
	[tilespmem:s21+$0x13AA0] =	vst v8  }
0xa6: {  	v57 =	vld [tilespmem:s21+$0x13B30];
	v13 =	vmul.f32 v52, v50;
	[tilespmem:s21+$0x13AC0] =	vst v10  }
0xa7: {  	v58 =	vld [tilespmem:s21+$0x13B40];
	v59 =	vbroadcast v1, $0x5;
	v11 =	vmul.f32 v48, v50;
	[tilespmem:s21+$0x13AD0] =	vst v12  }
0xa8: {  	v60 =	vld [tilespmem:s21+$0x13B50];
	v9 =	vmul.f32 v53, v50;
	[tilespmem:s21+$0x13AE0] =	vst v13  }
0xa9: {  	v56 =	vld [tilespmem:s21+$0x13B20];
	v7 =	vmul.f32 v54, v59;
	[tilespmem:s21+$0x13AB0] =	vst v11  }
0xaa: {  	v61 =	vld [tilespmem:s21+$0x13B60];
	v8 =	vmul.f32 v55, v59;
	[tilespmem:s21+$0x13AF0] =	vst v9  }
0xab: {  	v62 =	vld [tilespmem:s21+$0x13B70];
	v10 =	vmul.f32 v57, v59;
	[tilespmem:s21+$0x13B00] =	vst v7  }
0xac: {  	v63 =	vld [tilespmem:s21+$0x13B80];
	v12 =	vmul.f32 v58, v59;
	[tilespmem:s21+$0x13B10] =	vst v8  }
0xad: {  	v19 =	vld [tilespmem:s21+$0x13BA0];
	v13 =	vmul.f32 v60, v59;
	[tilespmem:s21+$0x13B30] =	vst v10  }
0xae: {  	v20 =	vld [tilespmem:s21+$0x13BB0];
	v11 =	vmul.f32 v56, v59;
	[tilespmem:s21+$0x13B40] =	vst v12  }
0xaf: {  	v21 =	vld [tilespmem:s21+$0x13BC0];
	v22 =	vbroadcast v1, $0x6;
	v9 =	vmul.f32 v61, v59;
	[tilespmem:s21+$0x13B50] =	vst v13  }
0xb0: {  	v18 =	vld [tilespmem:s21+$0x13B90];
	v7 =	vmul.f32 v62, v59;
	[tilespmem:s21+$0x13B20] =	vst v11  }
0xb1: {  	v23 =	vld [tilespmem:s21+$0x13BD0];
	v8 =	vmul.f32 v63, v22;
	[tilespmem:s21+$0x13B60] =	vst v9  }
0xb2: {  	v24 =	vld [tilespmem:s21+$0x13BE0];
	v10 =	vmul.f32 v19, v22;
	[tilespmem:s21+$0x13B70] =	vst v7  }
0xb3: {  	v25 =	vld [tilespmem:s21+$0x13BF0];
	v12 =	vmul.f32 v20, v22;
	[tilespmem:s21+$0x13B80] =	vst v8  }
0xb4: {  	v27 =	vld [tilespmem:s21+$0x13C10];
	v13 =	vmul.f32 v21, v22;
	[tilespmem:s21+$0x13BA0] =	vst v10  }
0xb5: {  	v28 =	vld [tilespmem:s21+$0x13C20];
	v11 =	vmul.f32 v18, v22;
	[tilespmem:s21+$0x13BB0] =	vst v12  }
0xb6: {  	v29 =	vld [tilespmem:s21+$0x13C30];
	v9 =	vmul.f32 v23, v22;
	[tilespmem:s21+$0x13BC0] =	vst v13  }
0xb7: {  	v31 =	vbroadcast v1, $0x7;
	v53 =	vld [tilespmem:s21+$0x13D80];
	v7 =	vmul.f32 v24, v22;
	[tilespmem:s21+$0x13B90] =	vst v11  }
0xb8: {  	v57 =	vld [tilespmem:s21+$0x13DC0];
	v8 =	vmul.f32 v25, v22;
	[tilespmem:s21+$0x13BD0] =	vst v9  }
0xb9: {  	v58 =	vld [tilespmem:s21+$0x13DD0];
	v10 =	vmul.f32 v27, v31;
	[tilespmem:s21+$0x13BE0] =	vst v7  }
0xba: {  	v26 =	vld [tilespmem:s21+$0x13C00];
	v12 =	vmul.f32 v28, v31;
	[tilespmem:s21+$0x13BF0] =	vst v8  }
0xbb: {  	v30 =	vld [tilespmem:s21+$0x13C40];
	v13 =	vmul.f32 v29, v31;
	[tilespmem:s21+$0x13C10] =	vst v10  }
0xbc: {  	v32 =	vld [tilespmem:s21+$0x13C50];
	v59 =	vmul.f32 v53, v5;
	[tilespmem:s21+$0x13C20] =	vst v12  }
0xbd: {  	v33 =	vld [tilespmem:s21+$0x13C60];
	v18 =	vmul.f32 v57, v5;
	[tilespmem:s21+$0x13C30] =	vst v13  }
0xbe: {  	v35 =	vld [tilespmem:s21+$0x13C80];
	v20 =	vmul.f32 v58, v5;
	[tilespmem:s21+$0x13D80] =	vst v59  }
0xbf: {  	v36 =	vld [tilespmem:s21+$0x13C90];
	v11 =	vmul.f32 v26, v31;
	[tilespmem:s21+$0x13DC0] =	vst v18  }
0xc0: {  	v37 =	vld [tilespmem:s21+$0x13CA0];
	v9 =	vmul.f32 v30, v31;
	[tilespmem:s21+$0x13DD0] =	vst v20  }
0xc1: {  	v4 =	vld [tilespmem:s21+$0x13E00];
	v40 =	vbroadcast v1, $0x8;
	v7 =	vmul.f32 v32, v31;
	[tilespmem:s21+$0x13C00] =	vst v11  }
0xc2: {  	v6 =	vld [tilespmem:s21+$0x13E10];
	v8 =	vmul.f32 v33, v31;
	[tilespmem:s21+$0x13C40] =	vst v9  }
0xc3: {  	v3 =	vld [tilespmem:s21+$0x14050];
	v10 =	vmul.f32 v35, v40;
	[tilespmem:s21+$0x13C50] =	vst v7  }
0xc4: {  	v61 =	vld [tilespmem:s21+$0x13880];
	v23 =	vbroadcast v1, $0xB;
	v12 =	vmul.f32 v36, v40;
	[tilespmem:s21+$0x13C60] =	vst v8  }
0xc5: {  	v34 =	vld [tilespmem:s21+$0x13C70];
	v13 =	vmul.f32 v37, v40;
	[tilespmem:s21+$0x13C80] =	vst v10  }
0xc6: {  	v38 =	vld [tilespmem:s21+$0x13CB0];
	v27 =	vbroadcast v1, $0xF;
	v4 =	vmul.f32 v4, v23;
	[tilespmem:s21+$0x13C90] =	vst v12  }
0xc7: {  	v39 =	vld [tilespmem:s21+$0x13CC0];
	v6 =	vmul.f32 v6, v23;
	[tilespmem:s21+$0x13CA0] =	vst v13  }
0xc8: {  	v41 =	vld [tilespmem:s21+$0x13CD0];
	v3 =	vmul.f32 v3, v27;
	[tilespmem:s21+$0x13E00] =	vst v4  }
0xc9: {  	v43 =	vld [tilespmem:s21+$0x13CF0];
	v24 =	vmul.f32 v2, v61;
	[tilespmem:s21+$0x13E10] =	vst v6  }
0xca: {  	v44 =	vld [tilespmem:s21+$0x13D00];
	v11 =	vmul.f32 v34, v31;
	[tilespmem:s21+$0x14050] =	vst v3  }
0xcb: {  	v45 =	vld [tilespmem:s21+$0x13D10];
	v9 =	vmul.f32 v38, v40;
	[tilespmem:s21+$0x13880] =	vst v24  }
0xcc: {  	v63 =	vld [tilespmem:s21+$0x138C0];
	v7 =	vmul.f32 v39, v40;
	[tilespmem:s21+$0x13C70] =	vst v11  }
0xcd: {  	v49 =	vbroadcast v1, $0x9;
	v29 =	vld [tilespmem:s21+$0x13E70];
	v8 =	vmul.f32 v41, v40;
	[tilespmem:s21+$0x13CB0] =	vst v9  }
0xce: {  	v42 =	vld [tilespmem:s21+$0x13CE0];
	v10 =	vmul.f32 v43, v40;
	[tilespmem:s21+$0x13CC0] =	vst v7  }
0xcf: {  	v46 =	vld [tilespmem:s21+$0x13D20];
	v12 =	vmul.f32 v44, v49;
	[tilespmem:s21+$0x13CD0] =	vst v8  }
0xd0: {  	v47 =	vld [tilespmem:s21+$0x13D30];
	v13 =	vmul.f32 v45, v49;
	[tilespmem:s21+$0x13CF0] =	vst v10  }
0xd1: {  	v48 =	vld [tilespmem:s21+$0x13D40];
	v3 =	vmul.f32 v63, v2;
	[tilespmem:s21+$0x13D00] =	vst v12  }
0xd2: {  	v51 =	vld [tilespmem:s21+$0x13D60];
	v6 =	vmul.f32 v29, v23;
	[tilespmem:s21+$0x13D10] =	vst v13  }
0xd3: {  	v52 =	vld [tilespmem:s21+$0x13D70];
	v11 =	vmul.f32 v42, v40;
	[tilespmem:s21+$0x138C0] =	vst v3  }
0xd4: {  	v28 =	vld [tilespmem:s21+$0x13E60];
	v9 =	vmul.f32 v46, v49;
	[tilespmem:s21+$0x13E70] =	vst v6  }
0xd5: {  	v26 =	vld [tilespmem:s21+$0x13E50];
	v7 =	vmul.f32 v47, v49;
	[tilespmem:s21+$0x13CE0] =	vst v11  }
0xd6: {  	v30 =	vld [tilespmem:s21+$0x13E80];
	v8 =	vmul.f32 v48, v49;
	[tilespmem:s21+$0x13D20] =	vst v9  }
0xd7: {  	v50 =	vld [tilespmem:s21+$0x13D50];
	v10 =	vmul.f32 v51, v49;
	[tilespmem:s21+$0x13D30] =	vst v7  }
0xd8: {  	v54 =	vld [tilespmem:s21+$0x13D90];
	v12 =	vmul.f32 v52, v49;
	[tilespmem:s21+$0x13D40] =	vst v8  }
0xd9: {  	v55 =	vld [tilespmem:s21+$0x13DA0];
	v35 =	vbroadcast v1, $0xC;
	v40 =	vmul.f32 v28, v23;
	[tilespmem:s21+$0x13D60] =	vst v10  }
0xda: {  	v56 =	vld [tilespmem:s21+$0x13DB0];
	v32 =	vmul.f32 v26, v23;
	[tilespmem:s21+$0x13D70] =	vst v12  }
0xdb: {  	v60 =	vld [tilespmem:s21+$0x13DE0];
	v15 =	vmul.f32 v30, v35;
	[tilespmem:s21+$0x13E60] =	vst v40  }
0xdc: {  	v62 =	vld [tilespmem:s21+$0x13890];
	v11 =	vmul.f32 v50, v49;
	[tilespmem:s21+$0x13E50] =	vst v32  }
0xdd: {  	v19 =	vld [tilespmem:s21+$0x138D0];
	v9 =	vmul.f32 v54, v5;
	[tilespmem:s21+$0x13E80] =	vst v15  }
0xde: {  	v33 =	vld [tilespmem:s21+$0x13EB0];
	v7 =	vmul.f32 v55, v5;
	[tilespmem:s21+$0x13D50] =	vst v11  }
0xdf: {  	v61 =	vld [tilespmem:s21+$0x14070];
	v8 =	vmul.f32 v56, v5;
	[tilespmem:s21+$0x13D90] =	vst v9  }
0xe0: {  	v38 =	vld [tilespmem:s21+$0x13EF0];
	v5 =	vmul.f32 v60, v5;
	[tilespmem:s21+$0x13DA0] =	vst v7  }
0xe1: {  	v21 =	vld [tilespmem:s21+$0x13E20];
	v12 =	vmul.f32 v62, v2;
	[tilespmem:s21+$0x13DB0] =	vst v8  }
0xe2: {  	v22 =	vld [tilespmem:s21+$0x13E30];
	v2 =	vmul.f32 v19, v2;
	[tilespmem:s21+$0x13DE0] =	vst v5  }
0xe3: {  	v25 =	vld [tilespmem:s21+$0x13E40];
	v62 =	vmul.f32 v33, v35;
	[tilespmem:s21+$0x13890] =	vst v12  }
0xe4: {  	v31 =	vld [tilespmem:s21+$0x13E90];
	v63 =	vmul.f32 v61, v27;
	[tilespmem:s21+$0x138D0] =	vst v2  }
0xe5: {  	v34 =	vld [tilespmem:s21+$0x13EC0];
	v15 =	vmul.f32 v38, v35;
	[tilespmem:s21+$0x13EB0] =	vst v62  }
0xe6: {  	v41 =	vld [tilespmem:s21+$0x13F20];
	v7 =	vmul.f32 v21, v23;
	[tilespmem:s21+$0x14070] =	vst v63  }
0xe7: {  	v46 =	vld [tilespmem:s21+$0x13F60];
	v8 =	vmul.f32 v22, v23;
	[tilespmem:s21+$0x13EF0] =	vst v15  }
0xe8: {  	v36 =	vld [tilespmem:s21+$0x13ED0];
	v5 =	vmul.f32 v25, v23;
	[tilespmem:s21+$0x13E20] =	vst v7  }
0xe9: {  	v44 =	vbroadcast v1, $0xD;
	v9 =	vmul.f32 v31, v35;
	v2 =	vld [tilespmem:s21+$0x13F10];
	[tilespmem:s21+$0x13E30] =	vst v8  }
0xea: {  	v37 =	vld [tilespmem:s21+$0x13EE0];
	v12 =	vmul.f32 v34, v35;
	[tilespmem:s21+$0x13E40] =	vst v5  }
0xeb: {  	v39 =	vld [tilespmem:s21+$0x13F00];
	v11 =	vmul.f32 v41, v44;
	[tilespmem:s21+$0x13E90] =	vst v9  }
0xec: {  	v42 =	vld [tilespmem:s21+$0x13F30];
	v51 =	vmul.f32 v46, v44;
	[tilespmem:s21+$0x13EC0] =	vst v12  }
0xed: {  	v48 =	vld [tilespmem:s21+$0x13F90];
	v8 =	vmul.f32 v36, v35;
	[tilespmem:s21+$0x13F20] =	vst v11  }
0xee: {  	v49 =	vld [tilespmem:s21+$0x13FA0];
	[tilespmem:s21+$0x13F60] =	vst v51;
	v2 =	vmul.f32 v2, v44  }
0xef: {  	v50 =	vld [tilespmem:s21+$0x13FB0];
	v5 =	vmul.f32 v37, v35;
	[tilespmem:s21+$0x13ED0] =	vst v8  }
0xf0: {  	v1 =	vbroadcast v1, $0xE;
	v9 =	vmul.f32 v39, v44;
	[tilespmem:s21+$0x13F10] =	vst v2;
	v2 =	vld [tilespmem:s21+$0x13F80]  }
0xf1: {  	v60 =	vld [tilespmem:s21+$0x14060];
	v12 =	vmul.f32 v42, v44;
	[tilespmem:s21+$0x13EE0] =	vst v5  }
0xf2: {  	v45 =	vld [tilespmem:s21+$0x13F50];
	v11 =	vmul.f32 v48, v1;
	[tilespmem:s21+$0x13F00] =	vst v9  }
0xf3: {  	v47 =	vld [tilespmem:s21+$0x13F70];
	v10 =	vmul.f32 v49, v1;
	[tilespmem:s21+$0x13F30] =	vst v12  }
0xf4: {  	v43 =	vld [tilespmem:s21+$0x13F40];
	v6 =	vmul.f32 v50, v1;
	[tilespmem:s21+$0x13F90] =	vst v11  }
0xf5: {  	v55 =	vld [tilespmem:s21+$0x14000];
	[tilespmem:s21+$0x13FA0] =	vst v10;
	v2 =	vmul.f32 v2, v1  }
0xf6: {  	v57 =	vld [tilespmem:s21+$0x14020];
	v4 =	vmul.f32 v60, v27;
	[tilespmem:s21+$0x13FB0] =	vst v6  }
0xf7: {  	v5 =	vmul.f32 v45, v44;
	[tilespmem:s21+$0x13F80] =	vst v2;
	v2 =	vld [tilespmem:s21+$0x13FF0]  }
0xf8: {  	v52 =	vld [tilespmem:s21+$0x13FC0];
	v9 =	vmul.f32 v47, v44;
	[tilespmem:s21+$0x14060] =	vst v4  }
0xf9: {  	v56 =	vld [tilespmem:s21+$0x14010];
	v8 =	vmul.f32 v43, v44;
	[tilespmem:s21+$0x13F50] =	vst v5  }
0xfa: {  	v54 =	vld [tilespmem:s21+$0x13FE0];
	v11 =	vmul.f32 v55, v27;
	[tilespmem:s21+$0x13F70] =	vst v9  }
0xfb: {  	v58 =	vld [tilespmem:s21+$0x14030];
	v6 =	vmul.f32 v57, v27;
	[tilespmem:s21+$0x13F40] =	vst v8  }
0xfc: {  	v53 =	vld [tilespmem:s21+$0x13FD0];
	[tilespmem:s21+$0x14000] =	vst v11;
	v2 =	vmul.f32 v2, v1  }
0xfd: {  	v59 =	vld [tilespmem:s21+$0x14040];
	v5 =	vmul.f32 v52, v1;
	[tilespmem:s21+$0x14020] =	vst v6  }
0xfe: {  	[tilespmem:s21+$0x13FF0] =	vst v2;
	v2 =	vmul.f32 v56, v27  }
0xff: {  	v3 =	vld [tilespmem:s21+$0x13EA0];
	v9 =	vmul.f32 v54, v1;
	[tilespmem:s21+$0x13FC0] =	vst v5  }
0x100: {  	[tilespmem:s21+$0x14010] =	vst v2;
	v2 =	vmul.f32 v58, v27  }
0x101: {  	[tilespmem:s21+$0x13FE0] =	vst v9;
	v1 =	vmul.f32 v53, v1  }
0x102: {  	[tilespmem:s21+$0x14030] =	vst v2;
	v2 =	vmul.f32 v59, v27  }
0x103: {  	[tilespmem:s21+$0x13FD0] =	vst v1  }
0x104: {  	s13 =	simm.s32 $0x1;
	[tilespmem:s21+$0x14040] =	vst v2;
	v2 =	vmul.f32 v3, v35  }
.LBB2_5:
0x105: {  	s8 =	sshll.u32 s13, $0x4  }
0x106: {  	p1 =	sne.s32 s13, $0x7;
	[tilespmem:s21+$0x13EA0] =	vst v2;
	s21 =	smov.u32 s13;
	s13 =	sadd.s32 $0x1, s13  }
0x107: {  	s8 =	sand.u32 $0x3FFFFFF0, s8  }
0x108: {  	v1 =	vld [tilespmem:s8+$0x1BA80];
	s8 =	sshll.u32 s21, $0xB  }
0x109: {  	s21 =	sand.u32 $0x3FFFF800, s8  }
0x10a: {  	v8 =	vld [tilespmem:s21+$0x13940]  }
0x10b: {  	v9 =	vld [tilespmem:s21+$0x13950]  }
0x10c: {  	v10 =	vld [tilespmem:s21+$0x13930]  }
0x10d: {  	v2 =	vbroadcast v1, $0x0;
	v3 =	vld [tilespmem:s21+$0x138A0];
	v7 =	vbroadcast v1, $0x4  }
0x10e: {  	v5 =	vld [tilespmem:s21+$0x138B0]  }
0x10f: {  	v6 =	vld [tilespmem:s21+$0x13DF0]  }
0x110: {  	v11 =	vld [tilespmem:s21+$0x138E0]  }
0x111: {  	v12 =	vld [tilespmem:s21+$0x138F0]  }
0x112: {  	v4 =	vbroadcast v1, $0xA;
	v3 =	vmul.f32 v3, v2;
	v13 =	vld [tilespmem:s21+$0x13900]  }
0x113: {  	v5 =	vmul.f32 v5, v2;
	v14 =	vld [tilespmem:s21+$0x13910]  }
0x114: {  	[tilespmem:s21+$0x138A0] =	vst v3;
	v15 =	vld [tilespmem:s21+$0x13920];
	v3 =	vmul.f32 v6, v4  }
0x115: {  	[tilespmem:s21+$0x138B0] =	vst v5;
	v6 =	vmul.f32 v11, v2;
	v11 =	vbroadcast v1, $0x1;
	v5 =	vld [tilespmem:s21+$0x13E00]  }
0x116: {  	v12 =	vmul.f32 v12, v2;
	[tilespmem:s21+$0x13DF0] =	vst v3;
	v3 =	vld [tilespmem:s21+$0x14050]  }
0x117: {  	[tilespmem:s21+$0x138E0] =	vst v6;
	v13 =	vmul.f32 v13, v11;
	v6 =	vld [tilespmem:s21+$0x13E10]  }
0x118: {  	[tilespmem:s21+$0x138F0] =	vst v12;
	v12 =	vmul.f32 v14, v11;
	v14 =	vld [tilespmem:s21+$0x13960]  }
0x119: {  	[tilespmem:s21+$0x13900] =	vst v13;
	v13 =	vmul.f32 v15, v11;
	v15 =	vld [tilespmem:s21+$0x13970]  }
0x11a: {  	v10 =	vmul.f32 v10, v11;
	[tilespmem:s21+$0x13910] =	vst v12;
	v12 =	vld [tilespmem:s21+$0x13980]  }
0x11b: {  	v8 =	vmul.f32 v8, v11;
	[tilespmem:s21+$0x13920] =	vst v13;
	v13 =	vld [tilespmem:s21+$0x13990]  }
0x11c: {  	v9 =	vmul.f32 v9, v11;
	[tilespmem:s21+$0x13930] =	vst v10;
	v10 =	vld [tilespmem:s21+$0x139A0]  }
0x11d: {  	[tilespmem:s21+$0x13940] =	vst v8;
	v8 =	vmul.f32 v14, v11;
	v14 =	vbroadcast v1, $0x2;
	v16 =	vld [tilespmem:s21+$0x139B0]  }
0x11e: {  	[tilespmem:s21+$0x13950] =	vst v9;
	v9 =	vmul.f32 v15, v11;
	v11 =	vld [tilespmem:s21+$0x139C0]  }
0x11f: {  	[tilespmem:s21+$0x13960] =	vst v8;
	v8 =	vmul.f32 v12, v14;
	v12 =	vld [tilespmem:s21+$0x139D0]  }
0x120: {  	[tilespmem:s21+$0x13970] =	vst v9;
	v9 =	vmul.f32 v13, v14;
	v13 =	vld [tilespmem:s21+$0x139E0]  }
0x121: {  	[tilespmem:s21+$0x13980] =	vst v8;
	v8 =	vmul.f32 v10, v14;
	v10 =	vld [tilespmem:s21+$0x139F0]  }
0x122: {  	[tilespmem:s21+$0x13990] =	vst v9;
	v9 =	vmul.f32 v16, v14;
	v15 =	vld [tilespmem:s21+$0x13A00]  }
0x123: {  	[tilespmem:s21+$0x139A0] =	vst v8;
	v8 =	vmul.f32 v11, v14;
	v11 =	vld [tilespmem:s21+$0x13A10]  }
0x124: {  	[tilespmem:s21+$0x139B0] =	vst v9;
	v9 =	vmul.f32 v12, v14;
	v12 =	vld [tilespmem:s21+$0x13A20]  }
0x125: {  	[tilespmem:s21+$0x139C0] =	vst v8;
	v8 =	vmul.f32 v13, v14;
	v13 =	vbroadcast v1, $0x3;
	v16 =	vld [tilespmem:s21+$0x13A30]  }
0x126: {  	[tilespmem:s21+$0x139D0] =	vst v9;
	v9 =	vmul.f32 v10, v14;
	v10 =	vld [tilespmem:s21+$0x13A40]  }
0x127: {  	[tilespmem:s21+$0x139E0] =	vst v8;
	v8 =	vmul.f32 v15, v13;
	v14 =	vld [tilespmem:s21+$0x13A50]  }
0x128: {  	[tilespmem:s21+$0x139F0] =	vst v9;
	v9 =	vmul.f32 v11, v13;
	v11 =	vld [tilespmem:s21+$0x13A60]  }
0x129: {  	[tilespmem:s21+$0x13A00] =	vst v8;
	v8 =	vmul.f32 v12, v13;
	v12 =	vld [tilespmem:s21+$0x13A70]  }
0x12a: {  	[tilespmem:s21+$0x13A10] =	vst v9;
	v9 =	vmul.f32 v16, v13;
	v15 =	vld [tilespmem:s21+$0x13A80]  }
0x12b: {  	[tilespmem:s21+$0x13A20] =	vst v8;
	v8 =	vmul.f32 v10, v13;
	v10 =	vld [tilespmem:s21+$0x13A90]  }
0x12c: {  	[tilespmem:s21+$0x13A30] =	vst v9;
	v9 =	vmul.f32 v14, v13;
	v14 =	vld [tilespmem:s21+$0x13AA0]  }
0x12d: {  	[tilespmem:s21+$0x13A40] =	vst v8;
	v8 =	vmul.f32 v11, v13;
	v11 =	vld [tilespmem:s21+$0x13AB0]  }
0x12e: {  	[tilespmem:s21+$0x13A50] =	vst v9;
	v9 =	vmul.f32 v12, v13;
	v12 =	vld [tilespmem:s21+$0x13AC0]  }
0x12f: {  	[tilespmem:s21+$0x13A60] =	vst v8;
	v8 =	vmul.f32 v15, v7;
	v13 =	vld [tilespmem:s21+$0x13AD0]  }
0x130: {  	[tilespmem:s21+$0x13A70] =	vst v9;
	v9 =	vmul.f32 v10, v7;
	v10 =	vld [tilespmem:s21+$0x13AE0]  }
0x131: {  	[tilespmem:s21+$0x13A80] =	vst v8;
	v8 =	vmul.f32 v14, v7;
	v14 =	vld [tilespmem:s21+$0x13AF0]  }
0x132: {  	[tilespmem:s21+$0x13A90] =	vst v9;
	v9 =	vmul.f32 v11, v7;
	v11 =	vld [tilespmem:s21+$0x13B00]  }
0x133: {  	[tilespmem:s21+$0x13AA0] =	vst v8;
	v8 =	vmul.f32 v12, v7;
	v12 =	vld [tilespmem:s21+$0x13B10]  }
0x134: {  	[tilespmem:s21+$0x13AB0] =	vst v9;
	v9 =	vmul.f32 v13, v7;
	v13 =	vld [tilespmem:s21+$0x13B20]  }
0x135: {  	[tilespmem:s21+$0x13AC0] =	vst v8;
	v8 =	vmul.f32 v10, v7;
	v10 =	vbroadcast v1, $0x5;
	v15 =	vld [tilespmem:s21+$0x13B30]  }
0x136: {  	[tilespmem:s21+$0x13AD0] =	vst v9;
	v7 =	vmul.f32 v14, v7;
	v9 =	vld [tilespmem:s21+$0x13B40]  }
0x137: {  	[tilespmem:s21+$0x13AE0] =	vst v8;
	v8 =	vmul.f32 v11, v10;
	v11 =	vld [tilespmem:s21+$0x13B50]  }
0x138: {  	[tilespmem:s21+$0x13AF0] =	vst v7;
	v7 =	vmul.f32 v12, v10;
	v12 =	vld [tilespmem:s21+$0x13B60]  }
0x139: {  	[tilespmem:s21+$0x13B00] =	vst v8;
	v8 =	vmul.f32 v13, v10;
	v13 =	vld [tilespmem:s21+$0x13B70]  }
0x13a: {  	[tilespmem:s21+$0x13B10] =	vst v7;
	v7 =	vmul.f32 v15, v10;
	v14 =	vld [tilespmem:s21+$0x13B80]  }
0x13b: {  	[tilespmem:s21+$0x13B20] =	vst v8;
	v8 =	vmul.f32 v9, v10;
	v9 =	vld [tilespmem:s21+$0x13B90]  }
0x13c: {  	[tilespmem:s21+$0x13B30] =	vst v7;
	v7 =	vmul.f32 v11, v10;
	v11 =	vld [tilespmem:s21+$0x13BA0]  }
0x13d: {  	[tilespmem:s21+$0x13B40] =	vst v8;
	v8 =	vmul.f32 v12, v10;
	v12 =	vbroadcast v1, $0x6;
	v15 =	vld [tilespmem:s21+$0x13BB0]  }
0x13e: {  	[tilespmem:s21+$0x13B50] =	vst v7;
	v7 =	vmul.f32 v13, v10;
	v10 =	vld [tilespmem:s21+$0x13BC0]  }
0x13f: {  	[tilespmem:s21+$0x13B60] =	vst v8;
	v8 =	vmul.f32 v14, v12;
	v13 =	vld [tilespmem:s21+$0x13BD0]  }
0x140: {  	[tilespmem:s21+$0x13B70] =	vst v7;
	v7 =	vmul.f32 v9, v12;
	v9 =	vld [tilespmem:s21+$0x13BE0]  }
0x141: {  	[tilespmem:s21+$0x13B80] =	vst v8;
	v8 =	vmul.f32 v11, v12;
	v11 =	vld [tilespmem:s21+$0x13BF0]  }
0x142: {  	[tilespmem:s21+$0x13B90] =	vst v7;
	v7 =	vmul.f32 v15, v12;
	v14 =	vld [tilespmem:s21+$0x13C00]  }
0x143: {  	[tilespmem:s21+$0x13BA0] =	vst v8;
	v8 =	vmul.f32 v10, v12;
	v10 =	vld [tilespmem:s21+$0x13C10]  }
0x144: {  	[tilespmem:s21+$0x13BB0] =	vst v7;
	v7 =	vmul.f32 v13, v12;
	v13 =	vld [tilespmem:s21+$0x13C20]  }
0x145: {  	[tilespmem:s21+$0x13BC0] =	vst v8;
	v8 =	vmul.f32 v9, v12;
	v9 =	vbroadcast v1, $0x7;
	v15 =	vld [tilespmem:s21+$0x13C30]  }
0x146: {  	[tilespmem:s21+$0x13BD0] =	vst v7;
	v7 =	vmul.f32 v11, v12;
	v11 =	vld [tilespmem:s21+$0x13C40]  }
0x147: {  	[tilespmem:s21+$0x13BE0] =	vst v8;
	v8 =	vmul.f32 v14, v9;
	v12 =	vld [tilespmem:s21+$0x13C50]  }
0x148: {  	[tilespmem:s21+$0x13BF0] =	vst v7;
	v7 =	vmul.f32 v10, v9;
	v10 =	vld [tilespmem:s21+$0x13C60]  }
0x149: {  	[tilespmem:s21+$0x13C00] =	vst v8;
	v8 =	vmul.f32 v13, v9;
	v13 =	vld [tilespmem:s21+$0x13C70]  }
0x14a: {  	[tilespmem:s21+$0x13C10] =	vst v7;
	v7 =	vmul.f32 v15, v9;
	v14 =	vld [tilespmem:s21+$0x13C80]  }
0x14b: {  	[tilespmem:s21+$0x13C20] =	vst v8;
	v8 =	vmul.f32 v11, v9;
	v11 =	vld [tilespmem:s21+$0x13C90]  }
0x14c: {  	[tilespmem:s21+$0x13C30] =	vst v7;
	v7 =	vmul.f32 v12, v9;
	v12 =	vld [tilespmem:s21+$0x13CA0]  }
0x14d: {  	[tilespmem:s21+$0x13C40] =	vst v8;
	v8 =	vmul.f32 v10, v9;
	v10 =	vbroadcast v1, $0x8;
	v15 =	vld [tilespmem:s21+$0x13CB0]  }
0x14e: {  	[tilespmem:s21+$0x13C50] =	vst v7;
	v7 =	vmul.f32 v13, v9;
	v9 =	vld [tilespmem:s21+$0x13CC0]  }
0x14f: {  	[tilespmem:s21+$0x13C60] =	vst v8;
	v8 =	vmul.f32 v14, v10;
	v13 =	vld [tilespmem:s21+$0x13CD0]  }
0x150: {  	[tilespmem:s21+$0x13C70] =	vst v7;
	v7 =	vmul.f32 v11, v10;
	v11 =	vld [tilespmem:s21+$0x13CE0]  }
0x151: {  	[tilespmem:s21+$0x13C80] =	vst v8;
	v8 =	vmul.f32 v12, v10;
	v12 =	vld [tilespmem:s21+$0x13CF0]  }
0x152: {  	[tilespmem:s21+$0x13C90] =	vst v7;
	v7 =	vmul.f32 v15, v10;
	v14 =	vld [tilespmem:s21+$0x13D00]  }
0x153: {  	[tilespmem:s21+$0x13CA0] =	vst v8;
	v8 =	vmul.f32 v9, v10;
	v9 =	vld [tilespmem:s21+$0x13D10]  }
0x154: {  	[tilespmem:s21+$0x13CB0] =	vst v7;
	v7 =	vmul.f32 v13, v10;
	v13 =	vld [tilespmem:s21+$0x13D20]  }
0x155: {  	[tilespmem:s21+$0x13CC0] =	vst v8;
	v8 =	vmul.f32 v11, v10;
	v11 =	vbroadcast v1, $0x9;
	v15 =	vld [tilespmem:s21+$0x13D30]  }
0x156: {  	[tilespmem:s21+$0x13CD0] =	vst v7;
	v7 =	vmul.f32 v12, v10;
	v10 =	vld [tilespmem:s21+$0x13D40]  }
0x157: {  	[tilespmem:s21+$0x13CE0] =	vst v8;
	v8 =	vmul.f32 v14, v11;
	v12 =	vld [tilespmem:s21+$0x13D50]  }
0x158: {  	[tilespmem:s21+$0x13CF0] =	vst v7;
	v7 =	vmul.f32 v9, v11;
	v9 =	vld [tilespmem:s21+$0x13D60]  }
0x159: {  	[tilespmem:s21+$0x13D00] =	vst v8;
	v8 =	vmul.f32 v13, v11;
	v13 =	vld [tilespmem:s21+$0x13D70]  }
0x15a: {  	[tilespmem:s21+$0x13D10] =	vst v7;
	v7 =	vmul.f32 v15, v11;
	v14 =	vld [tilespmem:s21+$0x13D80]  }
0x15b: {  	[tilespmem:s21+$0x13D20] =	vst v8;
	v8 =	vmul.f32 v10, v11;
	v10 =	vld [tilespmem:s21+$0x13D90]  }
0x15c: {  	[tilespmem:s21+$0x13D30] =	vst v7;
	v7 =	vmul.f32 v12, v11;
	v12 =	vld [tilespmem:s21+$0x13DA0]  }
0x15d: {  	[tilespmem:s21+$0x13D40] =	vst v8;
	v8 =	vmul.f32 v9, v11;
	v9 =	vld [tilespmem:s21+$0x13DB0]  }
0x15e: {  	[tilespmem:s21+$0x13D50] =	vst v7;
	v7 =	vmul.f32 v13, v11;
	v11 =	vld [tilespmem:s21+$0x13DC0]  }
0x15f: {  	[tilespmem:s21+$0x13D60] =	vst v8;
	v8 =	vmul.f32 v14, v4;
	v13 =	vld [tilespmem:s21+$0x13DD0]  }
0x160: {  	[tilespmem:s21+$0x13D70] =	vst v7;
	v7 =	vmul.f32 v10, v4;
	v10 =	vld [tilespmem:s21+$0x13DE0]  }
0x161: {  	v14 =	vld [tilespmem:s21+$0x13880];
	[tilespmem:s21+$0x13D80] =	vst v8;
	v8 =	vmul.f32 v12, v4  }
0x162: {  	v12 =	vld [tilespmem:s21+$0x13890];
	[tilespmem:s21+$0x13D90] =	vst v7;
	v7 =	vmul.f32 v9, v4  }
0x163: {  	v9 =	vld [tilespmem:s21+$0x138C0];
	[tilespmem:s21+$0x13DA0] =	vst v8;
	v8 =	vmul.f32 v11, v4  }
0x164: {  	v11 =	vld [tilespmem:s21+$0x138D0];
	[tilespmem:s21+$0x13DB0] =	vst v7;
	v7 =	vmul.f32 v13, v4  }
0x165: {  	[tilespmem:s21+$0x13DC0] =	vst v8;
	v8 =	vmul.f32 v10, v4;
	v10 =	vbroadcast v1, $0xB;
	v13 =	vld [tilespmem:s21+$0x13E20]  }
0x166: {  	v4 =	vbroadcast v1, $0xF;
	v14 =	vmul.f32 v2, v14;
	[tilespmem:s21+$0x13DD0] =	vst v7;
	v7 =	vld [tilespmem:s21+$0x13E30]  }
0x167: {  	v12 =	vmul.f32 v12, v2;
	[tilespmem:s21+$0x13DE0] =	vst v8;
	v5 =	vmul.f32 v5, v10;
	v8 =	vld [tilespmem:s21+$0x13E40]  }
0x168: {  	v6 =	vmul.f32 v6, v10;
	[tilespmem:s21+$0x13880] =	vst v14;
	v9 =	vmul.f32 v9, v2;
	v14 =	vld [tilespmem:s21+$0x13E50]  }
0x169: {  	v3 =	vmul.f32 v3, v4;
	v11 =	vmul.f32 v11, v2;
	[tilespmem:s21+$0x13E00] =	vst v5;
	v2 =	vld [tilespmem:s21+$0x13E60]  }
0x16a: {  	[tilespmem:s21+$0x13E10] =	vst v6;
	v5 =	vmul.f32 v13, v10;
	v6 =	vld [tilespmem:s21+$0x13E70]  }
0x16b: {  	v7 =	vmul.f32 v7, v10;
	v13 =	vld [tilespmem:s21+$0x13E80];
	[tilespmem:s21+$0x14050] =	vst v3  }
0x16c: {  	[tilespmem:s21+$0x13890] =	vst v12;
	v3 =	vmul.f32 v8, v10;
	v8 =	vld [tilespmem:s21+$0x13E90]  }
0x16d: {  	[tilespmem:s21+$0x138C0] =	vst v9;
	v9 =	vmul.f32 v14, v10;
	v12 =	vld [tilespmem:s21+$0x13EA0]  }
0x16e: {  	v14 =	vbroadcast v1, $0xC;
	[tilespmem:s21+$0x13E20] =	vst v5;
	v5 =	vmul.f32 v2, v10;
	v15 =	vld [tilespmem:s21+$0x13EB0]  }
0x16f: {  	[tilespmem:s21+$0x13E50] =	vst v9;
	v6 =	vmul.f32 v6, v10;
	v9 =	vld [tilespmem:s21+$0x13EC0]  }
0x170: {  	[tilespmem:s21+$0x13E30] =	vst v7;
	v2 =	vmul.f32 v13, v14;
	v7 =	vld [tilespmem:s21+$0x13ED0]  }
0x171: {  	[tilespmem:s21+$0x13E40] =	vst v3;
	v3 =	vmul.f32 v8, v14;
	v8 =	vld [tilespmem:s21+$0x13EE0]  }
0x172: {  	[tilespmem:s21+$0x13E80] =	vst v2;
	v2 =	vmul.f32 v12, v14;
	v10 =	vld [tilespmem:s21+$0x13EF0]  }
0x173: {  	[tilespmem:s21+$0x13E90] =	vst v3;
	v3 =	vld [tilespmem:s21+$0x13F00]  }
0x174: {  	[tilespmem:s21+$0x138D0] =	vst v11;
	v9 =	vmul.f32 v9, v14;
	v11 =	vld [tilespmem:s21+$0x13F10]  }
0x175: {  	[tilespmem:s21+$0x13E60] =	vst v5;
	v5 =	vmul.f32 v7, v14;
	v7 =	vld [tilespmem:s21+$0x13F20]  }
0x176: {  	[tilespmem:s21+$0x13EC0] =	vst v9;
	v8 =	vmul.f32 v8, v14;
	v9 =	vbroadcast v1, $0xD;
	v12 =	vld [tilespmem:s21+$0x13F30]  }
0x177: {  	[tilespmem:s21+$0x13ED0] =	vst v5;
	v5 =	vmul.f32 v10, v14;
	v10 =	vld [tilespmem:s21+$0x13F40]  }
0x178: {  	[tilespmem:s21+$0x13EE0] =	vst v8;
	v3 =	vmul.f32 v3, v9;
	v8 =	vld [tilespmem:s21+$0x13F50]  }
0x179: {  	[tilespmem:s21+$0x13EF0] =	vst v5;
	v5 =	vmul.f32 v11, v9;
	v11 =	vld [tilespmem:s21+$0x13F60]  }
0x17a: {  	[tilespmem:s21+$0x13F00] =	vst v3;
	v3 =	vmul.f32 v7, v9;
	v7 =	vld [tilespmem:s21+$0x13F70]  }
0x17b: {  	[tilespmem:s21+$0x13F10] =	vst v5;
	v5 =	vmul.f32 v12, v9;
	v12 =	vld [tilespmem:s21+$0x13F80]  }
0x17c: {  	[tilespmem:s21+$0x13F20] =	vst v3;
	v3 =	vmul.f32 v10, v9;
	v10 =	vld [tilespmem:s21+$0x13F90]  }
0x17d: {  	[tilespmem:s21+$0x13F30] =	vst v5;
	v5 =	vmul.f32 v8, v9;
	v8 =	vld [tilespmem:s21+$0x13FA0]  }
0x17e: {  	v1 =	vbroadcast v1, $0xE;
	[tilespmem:s21+$0x13E70] =	vst v6;
	v6 =	vmul.f32 v11, v9;
	v11 =	vld [tilespmem:s21+$0x13FB0]  }
0x17f: {  	[tilespmem:s21+$0x13F50] =	vst v5;
	v5 =	vmul.f32 v7, v9;
	v7 =	vld [tilespmem:s21+$0x13FC0]  }
0x180: {  	[tilespmem:s21+$0x13F60] =	vst v6;
	v6 =	vmul.f32 v12, v1;
	v9 =	vld [tilespmem:s21+$0x13FD0]  }
0x181: {  	[tilespmem:s21+$0x13F70] =	vst v5;
	v5 =	vmul.f32 v10, v1;
	v10 =	vld [tilespmem:s21+$0x13FE0]  }
0x182: {  	[tilespmem:s21+$0x13F80] =	vst v6;
	v6 =	vmul.f32 v8, v1;
	v8 =	vld [tilespmem:s21+$0x13FF0]  }
0x183: {  	[tilespmem:s21+$0x13F90] =	vst v5;
	v5 =	vmul.f32 v11, v1;
	v11 =	vld [tilespmem:s21+$0x14000]  }
0x184: {  	[tilespmem:s21+$0x13FA0] =	vst v6;
	v6 =	vmul.f32 v7, v1;
	v7 =	vld [tilespmem:s21+$0x14010]  }
0x185: {  	[tilespmem:s21+$0x13FB0] =	vst v5;
	v5 =	vmul.f32 v9, v1;
	v9 =	vld [tilespmem:s21+$0x14020]  }
0x186: {  	[tilespmem:s21+$0x13FC0] =	vst v6;
	v6 =	vmul.f32 v10, v1;
	v10 =	vld [tilespmem:s21+$0x14030]  }
0x187: {  	[tilespmem:s21+$0x13F40] =	vst v3;
	v1 =	vmul.f32 v8, v1;
	v3 =	vld [tilespmem:s21+$0x14040]  }
0x188: {  	[tilespmem:s21+$0x13FE0] =	vst v6;
	v6 =	vmul.f32 v11, v4;
	v8 =	vld [tilespmem:s21+$0x14060]  }
0x189: {  	[tilespmem:s21+$0x13FF0] =	vst v1;
	v1 =	vmul.f32 v7, v4;
	v7 =	vld [tilespmem:s21+$0x14070]  }
0x18a: {  	[tilespmem:s21+$0x14000] =	vst v6;
	v6 =	vmul.f32 v9, v4  }
0x18b: {  	[tilespmem:s21+$0x14010] =	vst v1;
	v1 =	vmul.f32 v10, v4  }
0x18c: {  	v9 =	vmul.f32 v15, v14;
	[tilespmem:s21+$0x14020] =	vst v6  }
0x18d: {  	[tilespmem:s21+$0x14030] =	vst v1;
	v1 =	vmul.f32 v3, v4  }
.Ltmp1:
0x18e: {  	[tilespmem:s21+$0x13EB0] =	vst v9;
	v3 =	vmul.f32 v7, v4;
	(pc) =	sbr.rel @p1 .LBB2_5-.Ltmp1, $4  }
0x18f: {  	[tilespmem:s21+$0x14040] =	vst v1  }
0x190: {  	v1 =	vmul.f32 v8, v4;
	[tilespmem:s21+$0x14070] =	vst v3  }
0x191: {  	[tilespmem:s21+$0x13FD0] =	vst v5  }
0x192: {  	[tilespmem:s21+$0x14060] =	vst v1  }
0x193: {  	[tilespmem:s21+$0x13EA0] =	vst v2;
	p1 =	seq.s32 s19, $0x27  }
0x194: {  	[spmem:s2] =	stream.indirect.scatter.add.f32 [tilespmem:s22], [sflag:$0x3], $0x80, s26, s14, $0xb8;
	[tilespmem:$0x1BB80] =	vst v63  }
0x195: {  	s8 =	sadd.s32 @!p1 s20, s18  }
0x196: {  	_ =	swait.ge [sflag:s23], $0x4000;
	s8 =	sshll.u32 @!p1 s8, $0x4  }
0x197: {  	s20 =	simm.s32 @!p1 $0x0;
	[sflag:s23] =	ssyncset.done $0x0;
	s8 =	sand.u32 @!p1 $0x1FFFFFE0, s8  }
0x198: {  	s21 =	simm.s32 @!p1 $0x1B880;
	[sflag:s23] =	ssyncadd.s32 $0xFFFFC000;
	s13 =	sadd.s32 @!p1 s6, s8  }
0x199: {  	[tilespmem:s21], [sflag:$0x3] =	stream.linear.gather @!p1 [hbm4b:s13+s20], $0x80, $0x38;
	[tilespmem:$0x1BB80] =	vst v63  }
0x19a: {  	s13 =	simm.s32 @!p1 $0x3  }
0x19b: {  	_ =	swait.ge @!p1 [sflag:s13], $0x80  }
0x19c: {  	[sflag:s13] =	ssyncset.done @!p1 $0x0  }
0x19d: {  	s31 =	simm.s32 @!p1 $0x1BA80;
	s4 =	sadd.s32 @!p1 s7, s8;
	[sflag:s13] =	ssyncadd.s32 @!p1 $0xFFFFFF80  }
0x19e: {  	[tilespmem:s31], [sflag:$0x3] =	stream.linear.gather @!p1 [hbm4b:s4+s20], $0x80, $0x38;
	[tilespmem:$0x1BB80] =	vst v63  }
0x19f: {  	_ =	swait.ge @!p1 [sflag:s13], $0x80  }
0x1a0: {  	[sflag:s13] =	ssyncset.done @!p1 $0x0  }
0x1a1: {  	s4 =	sadd.s32 @!p1 s5, s8;
	s8 =	simm.s32 @!p1 $0x1B980;
	[sflag:s13] =	ssyncadd.s32 @!p1 $0xFFFFFF80  }
0x1a2: {  	[tilespmem:s8], [sflag:$0x3] =	stream.linear.gather @!p1 [hbm4b:s4+s20], $0x80, $0x38;
	[tilespmem:$0x1BB80] =	vst v63  }
0x1a3: {  	_ =	swait.ge @!p1 [sflag:s13], $0x80  }
0x1a4: {  	[sflag:s13] =	ssyncset.done @!p1 $0x0  }
0x1a5: {  	s4 =	simm.s32 @!p1 $0x20;
	s8 =	simm.s32 @!p1 $0x13880;
	[sflag:s13] =	ssyncadd.s32 @!p1 $0xFFFFFF80  }
0x1a6: {  	[tilespmem:s8], [sflag:$0x1] =	stream.indirect.gather @!p1 [hbm4b:s1+s4], $0x80, s21, s4, $0xb8;
	[tilespmem:$0x1BB80] =	vst v63  }
0x1a7: {  	s13 =	simm.s32 @!p1 $0x14880;
	s8 =	simm.s32 @!p1 $0x1B8A0  }
0x1a8: {  	[tilespmem:s13], [sflag:$0x1] =	stream.indirect.gather @!p1 [hbm4b:s1+s4], $0x80, s8, s4, $0xb8;
	[tilespmem:$0x1BB80] =	vst v63  }
0x1a9: {  	s8 =	simm.s32 @!p1 $0x1B8C0;
	s13 =	simm.s32 @!p1 $0x15880  }
0x1aa: {  	[tilespmem:s13], [sflag:$0x1] =	stream.indirect.gather @!p1 [hbm4b:s1+s4], $0x80, s8, s4, $0xb8;
	[tilespmem:$0x1BB80] =	vst v63  }
0x1ab: {  	s8 =	simm.s32 @!p1 $0x1B8E0;
	s13 =	simm.s32 @!p1 $0x16880  }
0x1ac: {  	[tilespmem:s13], [sflag:$0x1] =	stream.indirect.gather @!p1 [hbm4b:s1+s4], $0x80, s8, s4, $0xb8;
	[tilespmem:$0x1BB80] =	vst v63  }
0x1ad: {  	_ =	swait.ge [sflag:s15], $0x1000  }
0x1ae: {  	[sflag:s15] =	ssyncset.done $0x0  }
0x1af: {  	[sflag:s15] =	ssyncadd.s32 $0xFFFFF000  }
0x1b0: {  	_ =	swait.ge [sflag:s15], $0x1000  }
0x1b1: {  	[sflag:s15] =	ssyncset.done $0x0  }
0x1b2: {  	[sflag:s15] =	ssyncadd.s32 $0xFFFFF000  }
0x1b3: {  	_ =	swait.ge [sflag:s15], $0x1000  }
0x1b4: {  	[sflag:s15] =	ssyncset.done $0x0  }
0x1b5: {  	[sflag:s15] =	ssyncadd.s32 $0xFFFFF000  }
0x1b6: {  	_ =	swait.ge [sflag:s15], $0x1000  }
0x1b7: {  	s21 =	simm.s32 $0x0;
	[sflag:s15] =	ssyncset.done $0x0  }
0x1b8: {  	s4 =	sand.u32 $0x3FFFFFF0, s21;
	[sflag:s15] =	ssyncadd.s32 $0xFFFFF000  }
0x1b9: {  	s31 =	simm.s32 $0x0;
	v1 =	vld [tilespmem:s4+$0x1BB00]  }
0x1ba: {  	s20 =	sand.u32 $0x3FFFF800, s31  }
0x1bb: {  	v3 =	vld [tilespmem:s20+$0x178A0]  }
0x1bc: {  	v4 =	vld [tilespmem:s20+$0x178B0]  }
0x1bd: {  	v10 =	vld [tilespmem:s20+$0x178E0]  }
0x1be: {  	v11 =	vld [tilespmem:s20+$0x178F0];
	v2 =	vbroadcast v1, $0x0  }
0x1bf: {  	v12 =	vld [tilespmem:s20+$0x17900]  }
0x1c0: {  	v13 =	vld [tilespmem:s20+$0x17910];
	v3 =	vmul.f32 v3, v2  }
0x1c1: {  	v14 =	vld [tilespmem:s20+$0x17920];
	v4 =	vmul.f32 v4, v2  }
0x1c2: {  	v9 =	vld [tilespmem:s20+$0x17930];
	v23 =	vbroadcast v1, $0x1;
	v22 =	vmul.f32 v10, v2;
	[tilespmem:s20+$0x178A0] =	vst v3  }
0x1c3: {  	v7 =	vld [tilespmem:s20+$0x17940];
	v11 =	vmul.f32 v11, v2;
	[tilespmem:s20+$0x178B0] =	vst v4  }
0x1c4: {  	v8 =	vld [tilespmem:s20+$0x17950];
	v12 =	vmul.f32 v12, v23;
	[tilespmem:s20+$0x178E0] =	vst v22  }
0x1c5: {  	v25 =	vld [tilespmem:s20+$0x17970];
	v13 =	vmul.f32 v13, v23;
	[tilespmem:s20+$0x178F0] =	vst v11  }
0x1c6: {  	v26 =	vld [tilespmem:s20+$0x17980];
	v14 =	vmul.f32 v14, v23;
	[tilespmem:s20+$0x17900] =	vst v12  }
0x1c7: {  	v27 =	vld [tilespmem:s20+$0x17990];
	v9 =	vmul.f32 v9, v23;
	[tilespmem:s20+$0x17910] =	vst v13  }
0x1c8: {  	v6 =	vld [tilespmem:s20+$0x17DF0];
	v7 =	vmul.f32 v7, v23;
	[tilespmem:s20+$0x17920] =	vst v14  }
0x1c9: {  	v24 =	vld [tilespmem:s20+$0x17960];
	v15 =	vbroadcast v1, $0x2;
	v8 =	vmul.f32 v8, v23;
	[tilespmem:s20+$0x17930] =	vst v9  }
0x1ca: {  	v28 =	vld [tilespmem:s20+$0x179A0];
	v10 =	vmul.f32 v25, v23;
	[tilespmem:s20+$0x17940] =	vst v7  }
0x1cb: {  	v29 =	vld [tilespmem:s20+$0x179B0];
	v5 =	vbroadcast v1, $0xA;
	v32 =	vmul.f32 v26, v15;
	[tilespmem:s20+$0x17950] =	vst v8  }
0x1cc: {  	v30 =	vld [tilespmem:s20+$0x179C0];
	v34 =	vmul.f32 v27, v15;
	[tilespmem:s20+$0x17970] =	vst v10  }
0x1cd: {  	v33 =	vld [tilespmem:s20+$0x179E0];
	v3 =	vmul.f32 v6, v5;
	[tilespmem:s20+$0x17980] =	vst v32  }
0x1ce: {  	v35 =	vld [tilespmem:s20+$0x179F0];
	v11 =	vmul.f32 v24, v23;
	[tilespmem:s20+$0x17990] =	vst v34  }
0x1cf: {  	v36 =	vld [tilespmem:s20+$0x17A00];
	v9 =	vmul.f32 v28, v15;
	[tilespmem:s20+$0x17DF0] =	vst v3  }
0x1d0: {  	v31 =	vld [tilespmem:s20+$0x179D0];
	v7 =	vmul.f32 v29, v15;
	[tilespmem:s20+$0x17960] =	vst v11  }
0x1d1: {  	v37 =	vld [tilespmem:s20+$0x17A10];
	v8 =	vmul.f32 v30, v15;
	[tilespmem:s20+$0x179A0] =	vst v9  }
0x1d2: {  	v38 =	vld [tilespmem:s20+$0x17A20];
	v41 =	vbroadcast v1, $0x3;
	v10 =	vmul.f32 v33, v15;
	[tilespmem:s20+$0x179B0] =	vst v7  }
0x1d3: {  	v39 =	vld [tilespmem:s20+$0x17A30];
	v12 =	vmul.f32 v35, v15;
	[tilespmem:s20+$0x179C0] =	vst v8  }
0x1d4: {  	v42 =	vld [tilespmem:s20+$0x17A50];
	v13 =	vmul.f32 v36, v41;
	[tilespmem:s20+$0x179E0] =	vst v10  }
0x1d5: {  	v43 =	vld [tilespmem:s20+$0x17A60];
	v11 =	vmul.f32 v31, v15;
	[tilespmem:s20+$0x179F0] =	vst v12  }
0x1d6: {  	v44 =	vld [tilespmem:s20+$0x17A70];
	v9 =	vmul.f32 v37, v41;
	[tilespmem:s20+$0x17A00] =	vst v13  }
0x1d7: {  	v40 =	vld [tilespmem:s20+$0x17A40];
	v7 =	vmul.f32 v38, v41;
	[tilespmem:s20+$0x179D0] =	vst v11  }
0x1d8: {  	v45 =	vld [tilespmem:s20+$0x17A80];
	v8 =	vmul.f32 v39, v41;
	[tilespmem:s20+$0x17A10] =	vst v9  }
0x1d9: {  	v46 =	vld [tilespmem:s20+$0x17A90];
	v10 =	vmul.f32 v42, v41;
	[tilespmem:s20+$0x17A20] =	vst v7  }
0x1da: {  	v47 =	vld [tilespmem:s20+$0x17AA0];
	v12 =	vmul.f32 v43, v41;
	[tilespmem:s20+$0x17A30] =	vst v8  }
0x1db: {  	v49 =	vld [tilespmem:s20+$0x17AC0];
	v50 =	vbroadcast v1, $0x4;
	v13 =	vmul.f32 v44, v41;
	[tilespmem:s20+$0x17A50] =	vst v10  }
0x1dc: {  	v51 =	vld [tilespmem:s20+$0x17AD0];
	v11 =	vmul.f32 v40, v41;
	[tilespmem:s20+$0x17A60] =	vst v12  }
0x1dd: {  	v52 =	vld [tilespmem:s20+$0x17AE0];
	v9 =	vmul.f32 v45, v50;
	[tilespmem:s20+$0x17A70] =	vst v13  }
0x1de: {  	v48 =	vld [tilespmem:s20+$0x17AB0];
	v7 =	vmul.f32 v46, v50;
	[tilespmem:s20+$0x17A40] =	vst v11  }
0x1df: {  	v53 =	vld [tilespmem:s20+$0x17AF0];
	v8 =	vmul.f32 v47, v50;
	[tilespmem:s20+$0x17A80] =	vst v9  }
0x1e0: {  	v54 =	vld [tilespmem:s20+$0x17B00];
	v10 =	vmul.f32 v49, v50;
	[tilespmem:s20+$0x17A90] =	vst v7  }
0x1e1: {  	v55 =	vld [tilespmem:s20+$0x17B10];
	v12 =	vmul.f32 v51, v50;
	[tilespmem:s20+$0x17AA0] =	vst v8  }
0x1e2: {  	v57 =	vld [tilespmem:s20+$0x17B30];
	v13 =	vmul.f32 v52, v50;
	[tilespmem:s20+$0x17AC0] =	vst v10  }
0x1e3: {  	v58 =	vld [tilespmem:s20+$0x17B40];
	v59 =	vbroadcast v1, $0x5;
	v11 =	vmul.f32 v48, v50;
	[tilespmem:s20+$0x17AD0] =	vst v12  }
0x1e4: {  	v60 =	vld [tilespmem:s20+$0x17B50];
	v9 =	vmul.f32 v53, v50;
	[tilespmem:s20+$0x17AE0] =	vst v13  }
0x1e5: {  	v56 =	vld [tilespmem:s20+$0x17B20];
	v7 =	vmul.f32 v54, v59;
	[tilespmem:s20+$0x17AB0] =	vst v11  }
0x1e6: {  	v61 =	vld [tilespmem:s20+$0x17B60];
	v8 =	vmul.f32 v55, v59;
	[tilespmem:s20+$0x17AF0] =	vst v9  }
0x1e7: {  	v62 =	vld [tilespmem:s20+$0x17B70];
	v10 =	vmul.f32 v57, v59;
	[tilespmem:s20+$0x17B00] =	vst v7  }
0x1e8: {  	v63 =	vld [tilespmem:s20+$0x17B80];
	v12 =	vmul.f32 v58, v59;
	[tilespmem:s20+$0x17B10] =	vst v8  }
0x1e9: {  	v19 =	vld [tilespmem:s20+$0x17BA0];
	v13 =	vmul.f32 v60, v59;
	[tilespmem:s20+$0x17B30] =	vst v10  }
0x1ea: {  	v20 =	vld [tilespmem:s20+$0x17BB0];
	v11 =	vmul.f32 v56, v59;
	[tilespmem:s20+$0x17B40] =	vst v12  }
0x1eb: {  	v21 =	vld [tilespmem:s20+$0x17BC0];
	v22 =	vbroadcast v1, $0x6;
	v9 =	vmul.f32 v61, v59;
	[tilespmem:s20+$0x17B50] =	vst v13  }
0x1ec: {  	v18 =	vld [tilespmem:s20+$0x17B90];
	v7 =	vmul.f32 v62, v59;
	[tilespmem:s20+$0x17B20] =	vst v11  }
0x1ed: {  	v23 =	vld [tilespmem:s20+$0x17BD0];
	v8 =	vmul.f32 v63, v22;
	[tilespmem:s20+$0x17B60] =	vst v9  }
0x1ee: {  	v24 =	vld [tilespmem:s20+$0x17BE0];
	v10 =	vmul.f32 v19, v22;
	[tilespmem:s20+$0x17B70] =	vst v7  }
0x1ef: {  	v25 =	vld [tilespmem:s20+$0x17BF0];
	v12 =	vmul.f32 v20, v22;
	[tilespmem:s20+$0x17B80] =	vst v8  }
0x1f0: {  	v27 =	vld [tilespmem:s20+$0x17C10];
	v13 =	vmul.f32 v21, v22;
	[tilespmem:s20+$0x17BA0] =	vst v10  }
0x1f1: {  	v28 =	vld [tilespmem:s20+$0x17C20];
	v11 =	vmul.f32 v18, v22;
	[tilespmem:s20+$0x17BB0] =	vst v12  }
0x1f2: {  	v29 =	vld [tilespmem:s20+$0x17C30];
	v9 =	vmul.f32 v23, v22;
	[tilespmem:s20+$0x17BC0] =	vst v13  }
0x1f3: {  	v31 =	vbroadcast v1, $0x7;
	v53 =	vld [tilespmem:s20+$0x17D80];
	v7 =	vmul.f32 v24, v22;
	[tilespmem:s20+$0x17B90] =	vst v11  }
0x1f4: {  	v57 =	vld [tilespmem:s20+$0x17DC0];
	v8 =	vmul.f32 v25, v22;
	[tilespmem:s20+$0x17BD0] =	vst v9  }
0x1f5: {  	v58 =	vld [tilespmem:s20+$0x17DD0];
	v10 =	vmul.f32 v27, v31;
	[tilespmem:s20+$0x17BE0] =	vst v7  }
0x1f6: {  	v26 =	vld [tilespmem:s20+$0x17C00];
	v12 =	vmul.f32 v28, v31;
	[tilespmem:s20+$0x17BF0] =	vst v8  }
0x1f7: {  	v30 =	vld [tilespmem:s20+$0x17C40];
	v13 =	vmul.f32 v29, v31;
	[tilespmem:s20+$0x17C10] =	vst v10  }
0x1f8: {  	v32 =	vld [tilespmem:s20+$0x17C50];
	v59 =	vmul.f32 v53, v5;
	[tilespmem:s20+$0x17C20] =	vst v12  }
0x1f9: {  	v33 =	vld [tilespmem:s20+$0x17C60];
	v18 =	vmul.f32 v57, v5;
	[tilespmem:s20+$0x17C30] =	vst v13  }
0x1fa: {  	v35 =	vld [tilespmem:s20+$0x17C80];
	v20 =	vmul.f32 v58, v5;
	[tilespmem:s20+$0x17D80] =	vst v59  }
0x1fb: {  	v36 =	vld [tilespmem:s20+$0x17C90];
	v11 =	vmul.f32 v26, v31;
	[tilespmem:s20+$0x17DC0] =	vst v18  }
0x1fc: {  	v37 =	vld [tilespmem:s20+$0x17CA0];
	v9 =	vmul.f32 v30, v31;
	[tilespmem:s20+$0x17DD0] =	vst v20  }
0x1fd: {  	v4 =	vld [tilespmem:s20+$0x17E00];
	v40 =	vbroadcast v1, $0x8;
	v7 =	vmul.f32 v32, v31;
	[tilespmem:s20+$0x17C00] =	vst v11  }
0x1fe: {  	v6 =	vld [tilespmem:s20+$0x17E10];
	v8 =	vmul.f32 v33, v31;
	[tilespmem:s20+$0x17C40] =	vst v9  }
0x1ff: {  	v3 =	vld [tilespmem:s20+$0x18050];
	v10 =	vmul.f32 v35, v40;
	[tilespmem:s20+$0x17C50] =	vst v7  }
0x200: {  	v61 =	vld [tilespmem:s20+$0x17880];
	v23 =	vbroadcast v1, $0xB;
	v12 =	vmul.f32 v36, v40;
	[tilespmem:s20+$0x17C60] =	vst v8  }
0x201: {  	v34 =	vld [tilespmem:s20+$0x17C70];
	v13 =	vmul.f32 v37, v40;
	[tilespmem:s20+$0x17C80] =	vst v10  }
0x202: {  	v38 =	vld [tilespmem:s20+$0x17CB0];
	v27 =	vbroadcast v1, $0xF;
	v4 =	vmul.f32 v4, v23;
	[tilespmem:s20+$0x17C90] =	vst v12  }
0x203: {  	v39 =	vld [tilespmem:s20+$0x17CC0];
	v6 =	vmul.f32 v6, v23;
	[tilespmem:s20+$0x17CA0] =	vst v13  }
0x204: {  	v41 =	vld [tilespmem:s20+$0x17CD0];
	v3 =	vmul.f32 v3, v27;
	[tilespmem:s20+$0x17E00] =	vst v4  }
0x205: {  	v43 =	vld [tilespmem:s20+$0x17CF0];
	v24 =	vmul.f32 v2, v61;
	[tilespmem:s20+$0x17E10] =	vst v6  }
0x206: {  	v44 =	vld [tilespmem:s20+$0x17D00];
	v11 =	vmul.f32 v34, v31;
	[tilespmem:s20+$0x18050] =	vst v3  }
0x207: {  	v45 =	vld [tilespmem:s20+$0x17D10];
	v9 =	vmul.f32 v38, v40;
	[tilespmem:s20+$0x17880] =	vst v24  }
0x208: {  	v63 =	vld [tilespmem:s20+$0x178C0];
	v7 =	vmul.f32 v39, v40;
	[tilespmem:s20+$0x17C70] =	vst v11  }
0x209: {  	v49 =	vbroadcast v1, $0x9;
	v29 =	vld [tilespmem:s20+$0x17E70];
	v8 =	vmul.f32 v41, v40;
	[tilespmem:s20+$0x17CB0] =	vst v9  }
0x20a: {  	v42 =	vld [tilespmem:s20+$0x17CE0];
	v10 =	vmul.f32 v43, v40;
	[tilespmem:s20+$0x17CC0] =	vst v7  }
0x20b: {  	v46 =	vld [tilespmem:s20+$0x17D20];
	v12 =	vmul.f32 v44, v49;
	[tilespmem:s20+$0x17CD0] =	vst v8  }
0x20c: {  	v47 =	vld [tilespmem:s20+$0x17D30];
	v13 =	vmul.f32 v45, v49;
	[tilespmem:s20+$0x17CF0] =	vst v10  }
0x20d: {  	v48 =	vld [tilespmem:s20+$0x17D40];
	v3 =	vmul.f32 v63, v2;
	[tilespmem:s20+$0x17D00] =	vst v12  }
0x20e: {  	v51 =	vld [tilespmem:s20+$0x17D60];
	v6 =	vmul.f32 v29, v23;
	[tilespmem:s20+$0x17D10] =	vst v13  }
0x20f: {  	v52 =	vld [tilespmem:s20+$0x17D70];
	v11 =	vmul.f32 v42, v40;
	[tilespmem:s20+$0x178C0] =	vst v3  }
0x210: {  	v28 =	vld [tilespmem:s20+$0x17E60];
	v9 =	vmul.f32 v46, v49;
	[tilespmem:s20+$0x17E70] =	vst v6  }
0x211: {  	v26 =	vld [tilespmem:s20+$0x17E50];
	v7 =	vmul.f32 v47, v49;
	[tilespmem:s20+$0x17CE0] =	vst v11  }
0x212: {  	v30 =	vld [tilespmem:s20+$0x17E80];
	v8 =	vmul.f32 v48, v49;
	[tilespmem:s20+$0x17D20] =	vst v9  }
0x213: {  	v50 =	vld [tilespmem:s20+$0x17D50];
	v10 =	vmul.f32 v51, v49;
	[tilespmem:s20+$0x17D30] =	vst v7  }
0x214: {  	v54 =	vld [tilespmem:s20+$0x17D90];
	v12 =	vmul.f32 v52, v49;
	[tilespmem:s20+$0x17D40] =	vst v8  }
0x215: {  	v55 =	vld [tilespmem:s20+$0x17DA0];
	v35 =	vbroadcast v1, $0xC;
	v40 =	vmul.f32 v28, v23;
	[tilespmem:s20+$0x17D60] =	vst v10  }
0x216: {  	v56 =	vld [tilespmem:s20+$0x17DB0];
	v32 =	vmul.f32 v26, v23;
	[tilespmem:s20+$0x17D70] =	vst v12  }
0x217: {  	v60 =	vld [tilespmem:s20+$0x17DE0];
	v15 =	vmul.f32 v30, v35;
	[tilespmem:s20+$0x17E60] =	vst v40  }
0x218: {  	v62 =	vld [tilespmem:s20+$0x17890];
	v11 =	vmul.f32 v50, v49;
	[tilespmem:s20+$0x17E50] =	vst v32  }
0x219: {  	v19 =	vld [tilespmem:s20+$0x178D0];
	v9 =	vmul.f32 v54, v5;
	[tilespmem:s20+$0x17E80] =	vst v15  }
0x21a: {  	v33 =	vld [tilespmem:s20+$0x17EB0];
	v7 =	vmul.f32 v55, v5;
	[tilespmem:s20+$0x17D50] =	vst v11  }
0x21b: {  	v61 =	vld [tilespmem:s20+$0x18070];
	v8 =	vmul.f32 v56, v5;
	[tilespmem:s20+$0x17D90] =	vst v9  }
0x21c: {  	v38 =	vld [tilespmem:s20+$0x17EF0];
	v5 =	vmul.f32 v60, v5;
	[tilespmem:s20+$0x17DA0] =	vst v7  }
0x21d: {  	v21 =	vld [tilespmem:s20+$0x17E20];
	v12 =	vmul.f32 v62, v2;
	[tilespmem:s20+$0x17DB0] =	vst v8  }
0x21e: {  	v22 =	vld [tilespmem:s20+$0x17E30];
	v2 =	vmul.f32 v19, v2;
	[tilespmem:s20+$0x17DE0] =	vst v5  }
0x21f: {  	v25 =	vld [tilespmem:s20+$0x17E40];
	v62 =	vmul.f32 v33, v35;
	[tilespmem:s20+$0x17890] =	vst v12  }
0x220: {  	v31 =	vld [tilespmem:s20+$0x17E90];
	v63 =	vmul.f32 v61, v27;
	[tilespmem:s20+$0x178D0] =	vst v2  }
0x221: {  	v34 =	vld [tilespmem:s20+$0x17EC0];
	v15 =	vmul.f32 v38, v35;
	[tilespmem:s20+$0x17EB0] =	vst v62  }
0x222: {  	v41 =	vld [tilespmem:s20+$0x17F20];
	v7 =	vmul.f32 v21, v23;
	[tilespmem:s20+$0x18070] =	vst v63  }
0x223: {  	v46 =	vld [tilespmem:s20+$0x17F60];
	v8 =	vmul.f32 v22, v23;
	[tilespmem:s20+$0x17EF0] =	vst v15  }
0x224: {  	v36 =	vld [tilespmem:s20+$0x17ED0];
	v5 =	vmul.f32 v25, v23;
	[tilespmem:s20+$0x17E20] =	vst v7  }
0x225: {  	v44 =	vbroadcast v1, $0xD;
	v9 =	vmul.f32 v31, v35;
	v2 =	vld [tilespmem:s20+$0x17F10];
	[tilespmem:s20+$0x17E30] =	vst v8  }
0x226: {  	v37 =	vld [tilespmem:s20+$0x17EE0];
	v12 =	vmul.f32 v34, v35;
	[tilespmem:s20+$0x17E40] =	vst v5  }
0x227: {  	v39 =	vld [tilespmem:s20+$0x17F00];
	v11 =	vmul.f32 v41, v44;
	[tilespmem:s20+$0x17E90] =	vst v9  }
0x228: {  	v42 =	vld [tilespmem:s20+$0x17F30];
	v51 =	vmul.f32 v46, v44;
	[tilespmem:s20+$0x17EC0] =	vst v12  }
0x229: {  	v48 =	vld [tilespmem:s20+$0x17F90];
	v8 =	vmul.f32 v36, v35;
	[tilespmem:s20+$0x17F20] =	vst v11  }
0x22a: {  	v49 =	vld [tilespmem:s20+$0x17FA0];
	[tilespmem:s20+$0x17F60] =	vst v51;
	v2 =	vmul.f32 v2, v44  }
0x22b: {  	v50 =	vld [tilespmem:s20+$0x17FB0];
	v5 =	vmul.f32 v37, v35;
	[tilespmem:s20+$0x17ED0] =	vst v8  }
0x22c: {  	v1 =	vbroadcast v1, $0xE;
	v9 =	vmul.f32 v39, v44;
	[tilespmem:s20+$0x17F10] =	vst v2;
	v2 =	vld [tilespmem:s20+$0x17F80]  }
0x22d: {  	v60 =	vld [tilespmem:s20+$0x18060];
	v12 =	vmul.f32 v42, v44;
	[tilespmem:s20+$0x17EE0] =	vst v5  }
0x22e: {  	v45 =	vld [tilespmem:s20+$0x17F50];
	v11 =	vmul.f32 v48, v1;
	[tilespmem:s20+$0x17F00] =	vst v9  }
0x22f: {  	v47 =	vld [tilespmem:s20+$0x17F70];
	v10 =	vmul.f32 v49, v1;
	[tilespmem:s20+$0x17F30] =	vst v12  }
0x230: {  	v43 =	vld [tilespmem:s20+$0x17F40];
	v6 =	vmul.f32 v50, v1;
	[tilespmem:s20+$0x17F90] =	vst v11  }
0x231: {  	v55 =	vld [tilespmem:s20+$0x18000];
	[tilespmem:s20+$0x17FA0] =	vst v10;
	v2 =	vmul.f32 v2, v1  }
0x232: {  	v57 =	vld [tilespmem:s20+$0x18020];
	v4 =	vmul.f32 v60, v27;
	[tilespmem:s20+$0x17FB0] =	vst v6  }
0x233: {  	v5 =	vmul.f32 v45, v44;
	[tilespmem:s20+$0x17F80] =	vst v2;
	v2 =	vld [tilespmem:s20+$0x17FF0]  }
0x234: {  	v52 =	vld [tilespmem:s20+$0x17FC0];
	v9 =	vmul.f32 v47, v44;
	[tilespmem:s20+$0x18060] =	vst v4  }
0x235: {  	v56 =	vld [tilespmem:s20+$0x18010];
	v8 =	vmul.f32 v43, v44;
	[tilespmem:s20+$0x17F50] =	vst v5  }
0x236: {  	v54 =	vld [tilespmem:s20+$0x17FE0];
	v11 =	vmul.f32 v55, v27;
	[tilespmem:s20+$0x17F70] =	vst v9  }
0x237: {  	v58 =	vld [tilespmem:s20+$0x18030];
	v6 =	vmul.f32 v57, v27;
	[tilespmem:s20+$0x17F40] =	vst v8  }
0x238: {  	v53 =	vld [tilespmem:s20+$0x17FD0];
	[tilespmem:s20+$0x18000] =	vst v11;
	v2 =	vmul.f32 v2, v1  }
0x239: {  	v59 =	vld [tilespmem:s20+$0x18040];
	v5 =	vmul.f32 v52, v1;
	[tilespmem:s20+$0x18020] =	vst v6  }
0x23a: {  	[tilespmem:s20+$0x17FF0] =	vst v2;
	v2 =	vmul.f32 v56, v27  }
0x23b: {  	v3 =	vld [tilespmem:s20+$0x17EA0];
	v9 =	vmul.f32 v54, v1;
	[tilespmem:s20+$0x17FC0] =	vst v5  }
0x23c: {  	[tilespmem:s20+$0x18010] =	vst v2;
	v2 =	vmul.f32 v58, v27  }
0x23d: {  	[tilespmem:s20+$0x17FE0] =	vst v9;
	v1 =	vmul.f32 v53, v1  }
0x23e: {  	[tilespmem:s20+$0x18030] =	vst v2;
	v2 =	vmul.f32 v59, v27  }
0x23f: {  	[tilespmem:s20+$0x17FD0] =	vst v1  }
0x240: {  	s13 =	simm.s32 $0x1;
	[tilespmem:s20+$0x18040] =	vst v2;
	v2 =	vmul.f32 v3, v35  }
.LBB2_7:
0x241: {  	s4 =	sshll.u32 s13, $0x4  }
0x242: {  	p1 =	sne.s32 s13, $0x7;
	[tilespmem:s20+$0x17EA0] =	vst v2;
	s8 =	smov.u32 s13;
	s13 =	sadd.s32 $0x1, s13  }
0x243: {  	s4 =	sand.u32 $0x3FFFFFF0, s4  }
0x244: {  	v1 =	vld [tilespmem:s4+$0x1BB00];
	s4 =	sshll.u32 s8, $0xB  }
0x245: {  	s20 =	sand.u32 $0x3FFFF800, s4  }
0x246: {  	v8 =	vld [tilespmem:s20+$0x17940]  }
0x247: {  	v9 =	vld [tilespmem:s20+$0x17950]  }
0x248: {  	v10 =	vld [tilespmem:s20+$0x17930]  }
0x249: {  	v2 =	vbroadcast v1, $0x0;
	v3 =	vld [tilespmem:s20+$0x178A0];
	v7 =	vbroadcast v1, $0x4  }
0x24a: {  	v5 =	vld [tilespmem:s20+$0x178B0]  }
0x24b: {  	v6 =	vld [tilespmem:s20+$0x17DF0]  }
0x24c: {  	v11 =	vld [tilespmem:s20+$0x178E0]  }
0x24d: {  	v12 =	vld [tilespmem:s20+$0x178F0]  }
0x24e: {  	v4 =	vbroadcast v1, $0xA;
	v3 =	vmul.f32 v3, v2;
	v13 =	vld [tilespmem:s20+$0x17900]  }
0x24f: {  	v5 =	vmul.f32 v5, v2;
	v14 =	vld [tilespmem:s20+$0x17910]  }
0x250: {  	[tilespmem:s20+$0x178A0] =	vst v3;
	v15 =	vld [tilespmem:s20+$0x17920];
	v3 =	vmul.f32 v6, v4  }
0x251: {  	[tilespmem:s20+$0x178B0] =	vst v5;
	v6 =	vmul.f32 v11, v2;
	v11 =	vbroadcast v1, $0x1;
	v5 =	vld [tilespmem:s20+$0x17E00]  }
0x252: {  	v12 =	vmul.f32 v12, v2;
	[tilespmem:s20+$0x17DF0] =	vst v3;
	v3 =	vld [tilespmem:s20+$0x18050]  }
0x253: {  	[tilespmem:s20+$0x178E0] =	vst v6;
	v13 =	vmul.f32 v13, v11;
	v6 =	vld [tilespmem:s20+$0x17E10]  }
0x254: {  	[tilespmem:s20+$0x178F0] =	vst v12;
	v12 =	vmul.f32 v14, v11;
	v14 =	vld [tilespmem:s20+$0x17960]  }
0x255: {  	[tilespmem:s20+$0x17900] =	vst v13;
	v13 =	vmul.f32 v15, v11;
	v15 =	vld [tilespmem:s20+$0x17970]  }
0x256: {  	v10 =	vmul.f32 v10, v11;
	[tilespmem:s20+$0x17910] =	vst v12;
	v12 =	vld [tilespmem:s20+$0x17980]  }
0x257: {  	v8 =	vmul.f32 v8, v11;
	[tilespmem:s20+$0x17920] =	vst v13;
	v13 =	vld [tilespmem:s20+$0x17990]  }
0x258: {  	v9 =	vmul.f32 v9, v11;
	[tilespmem:s20+$0x17930] =	vst v10;
	v10 =	vld [tilespmem:s20+$0x179A0]  }
0x259: {  	[tilespmem:s20+$0x17940] =	vst v8;
	v8 =	vmul.f32 v14, v11;
	v14 =	vbroadcast v1, $0x2;
	v16 =	vld [tilespmem:s20+$0x179B0]  }
0x25a: {  	[tilespmem:s20+$0x17950] =	vst v9;
	v9 =	vmul.f32 v15, v11;
	v11 =	vld [tilespmem:s20+$0x179C0]  }
0x25b: {  	[tilespmem:s20+$0x17960] =	vst v8;
	v8 =	vmul.f32 v12, v14;
	v12 =	vld [tilespmem:s20+$0x179D0]  }
0x25c: {  	[tilespmem:s20+$0x17970] =	vst v9;
	v9 =	vmul.f32 v13, v14;
	v13 =	vld [tilespmem:s20+$0x179E0]  }
0x25d: {  	[tilespmem:s20+$0x17980] =	vst v8;
	v8 =	vmul.f32 v10, v14;
	v10 =	vld [tilespmem:s20+$0x179F0]  }
0x25e: {  	[tilespmem:s20+$0x17990] =	vst v9;
	v9 =	vmul.f32 v16, v14;
	v15 =	vld [tilespmem:s20+$0x17A00]  }
0x25f: {  	[tilespmem:s20+$0x179A0] =	vst v8;
	v8 =	vmul.f32 v11, v14;
	v11 =	vld [tilespmem:s20+$0x17A10]  }
0x260: {  	[tilespmem:s20+$0x179B0] =	vst v9;
	v9 =	vmul.f32 v12, v14;
	v12 =	vld [tilespmem:s20+$0x17A20]  }
0x261: {  	[tilespmem:s20+$0x179C0] =	vst v8;
	v8 =	vmul.f32 v13, v14;
	v13 =	vbroadcast v1, $0x3;
	v16 =	vld [tilespmem:s20+$0x17A30]  }
0x262: {  	[tilespmem:s20+$0x179D0] =	vst v9;
	v9 =	vmul.f32 v10, v14;
	v10 =	vld [tilespmem:s20+$0x17A40]  }
0x263: {  	[tilespmem:s20+$0x179E0] =	vst v8;
	v8 =	vmul.f32 v15, v13;
	v14 =	vld [tilespmem:s20+$0x17A50]  }
0x264: {  	[tilespmem:s20+$0x179F0] =	vst v9;
	v9 =	vmul.f32 v11, v13;
	v11 =	vld [tilespmem:s20+$0x17A60]  }
0x265: {  	[tilespmem:s20+$0x17A00] =	vst v8;
	v8 =	vmul.f32 v12, v13;
	v12 =	vld [tilespmem:s20+$0x17A70]  }
0x266: {  	[tilespmem:s20+$0x17A10] =	vst v9;
	v9 =	vmul.f32 v16, v13;
	v15 =	vld [tilespmem:s20+$0x17A80]  }
0x267: {  	[tilespmem:s20+$0x17A20] =	vst v8;
	v8 =	vmul.f32 v10, v13;
	v10 =	vld [tilespmem:s20+$0x17A90]  }
0x268: {  	[tilespmem:s20+$0x17A30] =	vst v9;
	v9 =	vmul.f32 v14, v13;
	v14 =	vld [tilespmem:s20+$0x17AA0]  }
0x269: {  	[tilespmem:s20+$0x17A40] =	vst v8;
	v8 =	vmul.f32 v11, v13;
	v11 =	vld [tilespmem:s20+$0x17AB0]  }
0x26a: {  	[tilespmem:s20+$0x17A50] =	vst v9;
	v9 =	vmul.f32 v12, v13;
	v12 =	vld [tilespmem:s20+$0x17AC0]  }
0x26b: {  	[tilespmem:s20+$0x17A60] =	vst v8;
	v8 =	vmul.f32 v15, v7;
	v13 =	vld [tilespmem:s20+$0x17AD0]  }
0x26c: {  	[tilespmem:s20+$0x17A70] =	vst v9;
	v9 =	vmul.f32 v10, v7;
	v10 =	vld [tilespmem:s20+$0x17AE0]  }
0x26d: {  	[tilespmem:s20+$0x17A80] =	vst v8;
	v8 =	vmul.f32 v14, v7;
	v14 =	vld [tilespmem:s20+$0x17AF0]  }
0x26e: {  	[tilespmem:s20+$0x17A90] =	vst v9;
	v9 =	vmul.f32 v11, v7;
	v11 =	vld [tilespmem:s20+$0x17B00]  }
0x26f: {  	[tilespmem:s20+$0x17AA0] =	vst v8;
	v8 =	vmul.f32 v12, v7;
	v12 =	vld [tilespmem:s20+$0x17B10]  }
0x270: {  	[tilespmem:s20+$0x17AB0] =	vst v9;
	v9 =	vmul.f32 v13, v7;
	v13 =	vld [tilespmem:s20+$0x17B20]  }
0x271: {  	[tilespmem:s20+$0x17AC0] =	vst v8;
	v8 =	vmul.f32 v10, v7;
	v10 =	vbroadcast v1, $0x5;
	v15 =	vld [tilespmem:s20+$0x17B30]  }
0x272: {  	[tilespmem:s20+$0x17AD0] =	vst v9;
	v7 =	vmul.f32 v14, v7;
	v9 =	vld [tilespmem:s20+$0x17B40]  }
0x273: {  	[tilespmem:s20+$0x17AE0] =	vst v8;
	v8 =	vmul.f32 v11, v10;
	v11 =	vld [tilespmem:s20+$0x17B50]  }
0x274: {  	[tilespmem:s20+$0x17AF0] =	vst v7;
	v7 =	vmul.f32 v12, v10;
	v12 =	vld [tilespmem:s20+$0x17B60]  }
0x275: {  	[tilespmem:s20+$0x17B00] =	vst v8;
	v8 =	vmul.f32 v13, v10;
	v13 =	vld [tilespmem:s20+$0x17B70]  }
0x276: {  	[tilespmem:s20+$0x17B10] =	vst v7;
	v7 =	vmul.f32 v15, v10;
	v14 =	vld [tilespmem:s20+$0x17B80]  }
0x277: {  	[tilespmem:s20+$0x17B20] =	vst v8;
	v8 =	vmul.f32 v9, v10;
	v9 =	vld [tilespmem:s20+$0x17B90]  }
0x278: {  	[tilespmem:s20+$0x17B30] =	vst v7;
	v7 =	vmul.f32 v11, v10;
	v11 =	vld [tilespmem:s20+$0x17BA0]  }
0x279: {  	[tilespmem:s20+$0x17B40] =	vst v8;
	v8 =	vmul.f32 v12, v10;
	v12 =	vbroadcast v1, $0x6;
	v15 =	vld [tilespmem:s20+$0x17BB0]  }
0x27a: {  	[tilespmem:s20+$0x17B50] =	vst v7;
	v7 =	vmul.f32 v13, v10;
	v10 =	vld [tilespmem:s20+$0x17BC0]  }
0x27b: {  	[tilespmem:s20+$0x17B60] =	vst v8;
	v8 =	vmul.f32 v14, v12;
	v13 =	vld [tilespmem:s20+$0x17BD0]  }
0x27c: {  	[tilespmem:s20+$0x17B70] =	vst v7;
	v7 =	vmul.f32 v9, v12;
	v9 =	vld [tilespmem:s20+$0x17BE0]  }
0x27d: {  	[tilespmem:s20+$0x17B80] =	vst v8;
	v8 =	vmul.f32 v11, v12;
	v11 =	vld [tilespmem:s20+$0x17BF0]  }
0x27e: {  	[tilespmem:s20+$0x17B90] =	vst v7;
	v7 =	vmul.f32 v15, v12;
	v14 =	vld [tilespmem:s20+$0x17C00]  }
0x27f: {  	[tilespmem:s20+$0x17BA0] =	vst v8;
	v8 =	vmul.f32 v10, v12;
	v10 =	vld [tilespmem:s20+$0x17C10]  }
0x280: {  	[tilespmem:s20+$0x17BB0] =	vst v7;
	v7 =	vmul.f32 v13, v12;
	v13 =	vld [tilespmem:s20+$0x17C20]  }
0x281: {  	[tilespmem:s20+$0x17BC0] =	vst v8;
	v8 =	vmul.f32 v9, v12;
	v9 =	vbroadcast v1, $0x7;
	v15 =	vld [tilespmem:s20+$0x17C30]  }
0x282: {  	[tilespmem:s20+$0x17BD0] =	vst v7;
	v7 =	vmul.f32 v11, v12;
	v11 =	vld [tilespmem:s20+$0x17C40]  }
0x283: {  	[tilespmem:s20+$0x17BE0] =	vst v8;
	v8 =	vmul.f32 v14, v9;
	v12 =	vld [tilespmem:s20+$0x17C50]  }
0x284: {  	[tilespmem:s20+$0x17BF0] =	vst v7;
	v7 =	vmul.f32 v10, v9;
	v10 =	vld [tilespmem:s20+$0x17C60]  }
0x285: {  	[tilespmem:s20+$0x17C00] =	vst v8;
	v8 =	vmul.f32 v13, v9;
	v13 =	vld [tilespmem:s20+$0x17C70]  }
0x286: {  	[tilespmem:s20+$0x17C10] =	vst v7;
	v7 =	vmul.f32 v15, v9;
	v14 =	vld [tilespmem:s20+$0x17C80]  }
0x287: {  	[tilespmem:s20+$0x17C20] =	vst v8;
	v8 =	vmul.f32 v11, v9;
	v11 =	vld [tilespmem:s20+$0x17C90]  }
0x288: {  	[tilespmem:s20+$0x17C30] =	vst v7;
	v7 =	vmul.f32 v12, v9;
	v12 =	vld [tilespmem:s20+$0x17CA0]  }
0x289: {  	[tilespmem:s20+$0x17C40] =	vst v8;
	v8 =	vmul.f32 v10, v9;
	v10 =	vbroadcast v1, $0x8;
	v15 =	vld [tilespmem:s20+$0x17CB0]  }
0x28a: {  	[tilespmem:s20+$0x17C50] =	vst v7;
	v7 =	vmul.f32 v13, v9;
	v9 =	vld [tilespmem:s20+$0x17CC0]  }
0x28b: {  	[tilespmem:s20+$0x17C60] =	vst v8;
	v8 =	vmul.f32 v14, v10;
	v13 =	vld [tilespmem:s20+$0x17CD0]  }
0x28c: {  	[tilespmem:s20+$0x17C70] =	vst v7;
	v7 =	vmul.f32 v11, v10;
	v11 =	vld [tilespmem:s20+$0x17CE0]  }
0x28d: {  	[tilespmem:s20+$0x17C80] =	vst v8;
	v8 =	vmul.f32 v12, v10;
	v12 =	vld [tilespmem:s20+$0x17CF0]  }
0x28e: {  	[tilespmem:s20+$0x17C90] =	vst v7;
	v7 =	vmul.f32 v15, v10;
	v14 =	vld [tilespmem:s20+$0x17D00]  }
0x28f: {  	[tilespmem:s20+$0x17CA0] =	vst v8;
	v8 =	vmul.f32 v9, v10;
	v9 =	vld [tilespmem:s20+$0x17D10]  }
0x290: {  	[tilespmem:s20+$0x17CB0] =	vst v7;
	v7 =	vmul.f32 v13, v10;
	v13 =	vld [tilespmem:s20+$0x17D20]  }
0x291: {  	[tilespmem:s20+$0x17CC0] =	vst v8;
	v8 =	vmul.f32 v11, v10;
	v11 =	vbroadcast v1, $0x9;
	v15 =	vld [tilespmem:s20+$0x17D30]  }
0x292: {  	[tilespmem:s20+$0x17CD0] =	vst v7;
	v7 =	vmul.f32 v12, v10;
	v10 =	vld [tilespmem:s20+$0x17D40]  }
0x293: {  	[tilespmem:s20+$0x17CE0] =	vst v8;
	v8 =	vmul.f32 v14, v11;
	v12 =	vld [tilespmem:s20+$0x17D50]  }
0x294: {  	[tilespmem:s20+$0x17CF0] =	vst v7;
	v7 =	vmul.f32 v9, v11;
	v9 =	vld [tilespmem:s20+$0x17D60]  }
0x295: {  	[tilespmem:s20+$0x17D00] =	vst v8;
	v8 =	vmul.f32 v13, v11;
	v13 =	vld [tilespmem:s20+$0x17D70]  }
0x296: {  	[tilespmem:s20+$0x17D10] =	vst v7;
	v7 =	vmul.f32 v15, v11;
	v14 =	vld [tilespmem:s20+$0x17D80]  }
0x297: {  	[tilespmem:s20+$0x17D20] =	vst v8;
	v8 =	vmul.f32 v10, v11;
	v10 =	vld [tilespmem:s20+$0x17D90]  }
0x298: {  	[tilespmem:s20+$0x17D30] =	vst v7;
	v7 =	vmul.f32 v12, v11;
	v12 =	vld [tilespmem:s20+$0x17DA0]  }
0x299: {  	[tilespmem:s20+$0x17D40] =	vst v8;
	v8 =	vmul.f32 v9, v11;
	v9 =	vld [tilespmem:s20+$0x17DB0]  }
0x29a: {  	[tilespmem:s20+$0x17D50] =	vst v7;
	v7 =	vmul.f32 v13, v11;
	v11 =	vld [tilespmem:s20+$0x17DC0]  }
0x29b: {  	[tilespmem:s20+$0x17D60] =	vst v8;
	v8 =	vmul.f32 v14, v4;
	v13 =	vld [tilespmem:s20+$0x17DD0]  }
0x29c: {  	[tilespmem:s20+$0x17D70] =	vst v7;
	v7 =	vmul.f32 v10, v4;
	v10 =	vld [tilespmem:s20+$0x17DE0]  }
0x29d: {  	v14 =	vld [tilespmem:s20+$0x17880];
	[tilespmem:s20+$0x17D80] =	vst v8;
	v8 =	vmul.f32 v12, v4  }
0x29e: {  	v12 =	vld [tilespmem:s20+$0x17890];
	[tilespmem:s20+$0x17D90] =	vst v7;
	v7 =	vmul.f32 v9, v4  }
0x29f: {  	v9 =	vld [tilespmem:s20+$0x178C0];
	[tilespmem:s20+$0x17DA0] =	vst v8;
	v8 =	vmul.f32 v11, v4  }
0x2a0: {  	v11 =	vld [tilespmem:s20+$0x178D0];
	[tilespmem:s20+$0x17DB0] =	vst v7;
	v7 =	vmul.f32 v13, v4  }
0x2a1: {  	[tilespmem:s20+$0x17DC0] =	vst v8;
	v8 =	vmul.f32 v10, v4;
	v10 =	vbroadcast v1, $0xB;
	v13 =	vld [tilespmem:s20+$0x17E20]  }
0x2a2: {  	v4 =	vbroadcast v1, $0xF;
	v14 =	vmul.f32 v2, v14;
	[tilespmem:s20+$0x17DD0] =	vst v7;
	v7 =	vld [tilespmem:s20+$0x17E30]  }
0x2a3: {  	v12 =	vmul.f32 v12, v2;
	[tilespmem:s20+$0x17DE0] =	vst v8;
	v5 =	vmul.f32 v5, v10;
	v8 =	vld [tilespmem:s20+$0x17E40]  }
0x2a4: {  	v6 =	vmul.f32 v6, v10;
	[tilespmem:s20+$0x17880] =	vst v14;
	v9 =	vmul.f32 v9, v2;
	v14 =	vld [tilespmem:s20+$0x17E50]  }
0x2a5: {  	v3 =	vmul.f32 v3, v4;
	v11 =	vmul.f32 v11, v2;
	[tilespmem:s20+$0x17E00] =	vst v5;
	v2 =	vld [tilespmem:s20+$0x17E60]  }
0x2a6: {  	[tilespmem:s20+$0x17E10] =	vst v6;
	v5 =	vmul.f32 v13, v10;
	v6 =	vld [tilespmem:s20+$0x17E70]  }
0x2a7: {  	v7 =	vmul.f32 v7, v10;
	v13 =	vld [tilespmem:s20+$0x17E80];
	[tilespmem:s20+$0x18050] =	vst v3  }
0x2a8: {  	[tilespmem:s20+$0x17890] =	vst v12;
	v3 =	vmul.f32 v8, v10;
	v8 =	vld [tilespmem:s20+$0x17E90]  }
0x2a9: {  	[tilespmem:s20+$0x178C0] =	vst v9;
	v9 =	vmul.f32 v14, v10;
	v12 =	vld [tilespmem:s20+$0x17EA0]  }
0x2aa: {  	v14 =	vbroadcast v1, $0xC;
	[tilespmem:s20+$0x17E20] =	vst v5;
	v5 =	vmul.f32 v2, v10;
	v15 =	vld [tilespmem:s20+$0x17EB0]  }
0x2ab: {  	[tilespmem:s20+$0x17E50] =	vst v9;
	v6 =	vmul.f32 v6, v10;
	v9 =	vld [tilespmem:s20+$0x17EC0]  }
0x2ac: {  	[tilespmem:s20+$0x17E30] =	vst v7;
	v2 =	vmul.f32 v13, v14;
	v7 =	vld [tilespmem:s20+$0x17ED0]  }
0x2ad: {  	[tilespmem:s20+$0x17E40] =	vst v3;
	v3 =	vmul.f32 v8, v14;
	v8 =	vld [tilespmem:s20+$0x17EE0]  }
0x2ae: {  	[tilespmem:s20+$0x17E80] =	vst v2;
	v2 =	vmul.f32 v12, v14;
	v10 =	vld [tilespmem:s20+$0x17EF0]  }
0x2af: {  	[tilespmem:s20+$0x17E90] =	vst v3;
	v3 =	vld [tilespmem:s20+$0x17F00]  }
0x2b0: {  	[tilespmem:s20+$0x178D0] =	vst v11;
	v9 =	vmul.f32 v9, v14;
	v11 =	vld [tilespmem:s20+$0x17F10]  }
0x2b1: {  	[tilespmem:s20+$0x17E60] =	vst v5;
	v5 =	vmul.f32 v7, v14;
	v7 =	vld [tilespmem:s20+$0x17F20]  }
0x2b2: {  	[tilespmem:s20+$0x17EC0] =	vst v9;
	v8 =	vmul.f32 v8, v14;
	v9 =	vbroadcast v1, $0xD;
	v12 =	vld [tilespmem:s20+$0x17F30]  }
0x2b3: {  	[tilespmem:s20+$0x17ED0] =	vst v5;
	v5 =	vmul.f32 v10, v14;
	v10 =	vld [tilespmem:s20+$0x17F40]  }
0x2b4: {  	[tilespmem:s20+$0x17EE0] =	vst v8;
	v3 =	vmul.f32 v3, v9;
	v8 =	vld [tilespmem:s20+$0x17F50]  }
0x2b5: {  	[tilespmem:s20+$0x17EF0] =	vst v5;
	v5 =	vmul.f32 v11, v9;
	v11 =	vld [tilespmem:s20+$0x17F60]  }
0x2b6: {  	[tilespmem:s20+$0x17F00] =	vst v3;
	v3 =	vmul.f32 v7, v9;
	v7 =	vld [tilespmem:s20+$0x17F70]  }
0x2b7: {  	[tilespmem:s20+$0x17F10] =	vst v5;
	v5 =	vmul.f32 v12, v9;
	v12 =	vld [tilespmem:s20+$0x17F80]  }
0x2b8: {  	[tilespmem:s20+$0x17F20] =	vst v3;
	v3 =	vmul.f32 v10, v9;
	v10 =	vld [tilespmem:s20+$0x17F90]  }
0x2b9: {  	[tilespmem:s20+$0x17F30] =	vst v5;
	v5 =	vmul.f32 v8, v9;
	v8 =	vld [tilespmem:s20+$0x17FA0]  }
0x2ba: {  	v1 =	vbroadcast v1, $0xE;
	[tilespmem:s20+$0x17E70] =	vst v6;
	v6 =	vmul.f32 v11, v9;
	v11 =	vld [tilespmem:s20+$0x17FB0]  }
0x2bb: {  	[tilespmem:s20+$0x17F50] =	vst v5;
	v5 =	vmul.f32 v7, v9;
	v7 =	vld [tilespmem:s20+$0x17FC0]  }
0x2bc: {  	[tilespmem:s20+$0x17F60] =	vst v6;
	v6 =	vmul.f32 v12, v1;
	v9 =	vld [tilespmem:s20+$0x17FD0]  }
0x2bd: {  	[tilespmem:s20+$0x17F70] =	vst v5;
	v5 =	vmul.f32 v10, v1;
	v10 =	vld [tilespmem:s20+$0x17FE0]  }
0x2be: {  	[tilespmem:s20+$0x17F80] =	vst v6;
	v6 =	vmul.f32 v8, v1;
	v8 =	vld [tilespmem:s20+$0x17FF0]  }
0x2bf: {  	[tilespmem:s20+$0x17F90] =	vst v5;
	v5 =	vmul.f32 v11, v1;
	v11 =	vld [tilespmem:s20+$0x18000]  }
0x2c0: {  	[tilespmem:s20+$0x17FA0] =	vst v6;
	v6 =	vmul.f32 v7, v1;
	v7 =	vld [tilespmem:s20+$0x18010]  }
0x2c1: {  	[tilespmem:s20+$0x17FB0] =	vst v5;
	v5 =	vmul.f32 v9, v1;
	v9 =	vld [tilespmem:s20+$0x18020]  }
0x2c2: {  	[tilespmem:s20+$0x17FC0] =	vst v6;
	v6 =	vmul.f32 v10, v1;
	v10 =	vld [tilespmem:s20+$0x18030]  }
0x2c3: {  	[tilespmem:s20+$0x17F40] =	vst v3;
	v1 =	vmul.f32 v8, v1;
	v3 =	vld [tilespmem:s20+$0x18040]  }
0x2c4: {  	[tilespmem:s20+$0x17FE0] =	vst v6;
	v6 =	vmul.f32 v11, v4;
	v8 =	vld [tilespmem:s20+$0x18060]  }
0x2c5: {  	[tilespmem:s20+$0x17FF0] =	vst v1;
	v1 =	vmul.f32 v7, v4;
	v7 =	vld [tilespmem:s20+$0x18070]  }
0x2c6: {  	[tilespmem:s20+$0x18000] =	vst v6;
	v6 =	vmul.f32 v9, v4  }
0x2c7: {  	[tilespmem:s20+$0x18010] =	vst v1;
	v1 =	vmul.f32 v10, v4  }
0x2c8: {  	v9 =	vmul.f32 v15, v14;
	[tilespmem:s20+$0x18020] =	vst v6  }
0x2c9: {  	[tilespmem:s20+$0x18030] =	vst v1;
	v1 =	vmul.f32 v3, v4  }
.Ltmp2:
0x2ca: {  	[tilespmem:s20+$0x17EB0] =	vst v9;
	v3 =	vmul.f32 v7, v4;
	(pc) =	sbr.rel @p1 .LBB2_7-.Ltmp2, $4  }
0x2cb: {  	[tilespmem:s20+$0x18040] =	vst v1  }
0x2cc: {  	v1 =	vmul.f32 v8, v4;
	[tilespmem:s20+$0x18070] =	vst v3  }
0x2cd: {  	[tilespmem:s20+$0x17FD0] =	vst v5  }
0x2ce: {  	[tilespmem:s20+$0x18060] =	vst v1  }
0x2cf: {  	s19 =	sadd.s32 $0x1, s19  }
0x2d0: {  	p1 =	sne.s32 s19, $0x28  }
.Ltmp3:
0x2d1: {  	[tilespmem:s20+$0x17EA0] =	vst v2;
	(pc) =	sbr.rel @p1 .LBB2_4-.Ltmp3, $4  }
0x2d2: {  	[spmem:s2] =	stream.indirect.scatter.add.f32 [tilespmem:s25], [sflag:$0x3], $0x80, s0, s14, $0xb8;
	[tilespmem:$0x1BB80] =	vst v63  }
0x2d3: {  	_ =	swait.ge [sflag:s23], $0x4000  }
0x2d4: {  	[sflag:s23] =	ssyncset.done $0x0  }
0x2d5: {  	[sflag:s23] =	ssyncadd.s32 $0xFFFFC000  }
0x2d6: {  	s4 =	stileid.u32;
	[bflag:$0x0] =	sbarrier.arrive $0xFFFF  }
0x2d7: {  	s4 =	sshll.u32 s4, $0x6;
	s19 =	rddreg [dreg:$0x5]  }
0x2d8: {  	s13 =	rddreg [dreg:$0xe];
	s4 =	sor.u32 $0x1C03, s4;
	s8 =	sshrl.u32 s19, $0x3  }
0x2d9: {  	[hbm:s13], [sflag:s4] =	dma.local [spmem:s8], $0x2700  }
0x2da: {  	_ =	swait.ge [sflag:s23], $0x2700  }
0x2db: {  	[sflag:s23] =	ssyncset.done $0x0;
	s20 =	rddreg [dreg:$0xa]  }
0x2dc: {  	s13 =	rddreg [dreg:$0xf];
	[sflag:s23] =	ssyncadd.s32 $0xFFFFD900;
	s8 =	sshrl.u32 @!p0 s20, $0x3  }
0x2dd: {  	[hbm:s13], [sflag:s4] =	dma.local @!p0 [spmem:s8], $0x100  }
0x2de: {  	s4 =	simm.s32 @!p0 $0x3  }
0x2df: {  	_ =	swait.ge @!p0 [sflag:s4], $0x100  }
0x2e0: {  	s21 =	rddreg [dreg:$0x4]  }
0x2e1: {  	s31 =	rddreg [dreg:$0x10];
	s13 =	sadd.s32 $0x1, s21  }
0x2e2: {  	p1 =	sne.s32 s13, s31  }
.Ltmp4:
0x2e3: {  	_ = 	snop;
	(pc) =	sbr.rel @p1 .LBB2_1-.Ltmp4, $3  }
0x2e4: {  	_ =	sdelay $0x1  }
0x2e5: {  	[sflag:s4] =	ssyncset.done @!p0 $0x0  }
0x2e6: {  	[sflag:s4] =	ssyncadd.s32 @!p0 $0xFFFFFF00  }
0x2e7: {  	_ =	sfence.sel $0x180000  }
0x2e8: {  	[bflag:$0x0] =	sbarrier.arrive $0xFFFF  }
0x2e9: {  	_ =	strace $0x90000047  }
0x2ea: {  	s0 =	stileid.u32;
	[bflag:$0x2] =	sbarrier.arrive $0xFFFF  }
0x2eb: {  	p0 =	sne.s32 s0, $0x0;
	s0 =	rddreg [dreg:$0x3]  }
0x2ec: {  	s0 =	sadd.s32 @!p0 $0x100000, s0  }
0x2ed: {  	[sflag:s0] =	ssyncadd.tile.s32 @!p0 $0x1;
	_ =	shalt  }
.Lfunc_end2:
_tile_overlayer_lowered:
.L_overlay_start_2:
0x2ee: {  	(tag) =	ssettag $0x2  }
0x2ef: {  	s0 =	rddreg [dreg:$0x0];
	s2 =	stileid.u32  }
0x2f0: {  	s1 =	rddreg [dreg:$0x1];
	p0 =	sne.s32 s2, $0x0  }
0x2f1: {  	s3 =	rddreg [dreg:$0x2];
	[bflag:$0x3] =	sbarrier.arrive $0xFFFF;
	s2 =	simm.s32 @!p0 $0x1C03  }
0x2f2: {  	[timem:s3], [sflag:s2] =	dma.local @!p0 [hbm:s0], s1  }
0x2f3: {  	s0 =	simm.s32 @!p0 $0x3  }
0x2f4: {  	_ =	swait.ge @!p0 [sflag:s0], s1  }
0x2f5: {  	s1 =	ssub.s32 @!p0 $0x0, s1;
	[sflag:s0] =	ssyncset.done @!p0 $0x0  }
0x2f6: {  	[sflag:s0] =	ssyncadd.s32 @!p0 s1  }
0x2f7: {  	[bflag:$0x3] =	sbarrier.arrive $0xFFFF  }
0x2f8: {  	_ =	shalt  }

</sc_bundles>
